<compile_context>
chip_gen: v7x
topology: tpu7x:2x2x1
jax: 0.10.2.dev20260603
libtpu: 0.0.44.dev20260713+nightly
codegen_flags: <defaults>
</compile_context>

<pallas_src>
import functools

import jax
import jax.numpy as jnp
from jax import lax
from jax.experimental import pallas as pl
from jax.experimental.pallas import tpu as pltpu
from jax.experimental.pallas import tpu_sc as plsc

N = 50000
E = 800000
IN_DIM = 16
HID = 64
OUT = 3

NC = 2
NS = 16
NW = NC * NS
EPT = 25600
E_PAD = NW * EPT
L1_ROWS = 2 * N + 96
L2_ROWS = N + 48
ZROWS = 1564


def _edge_pass(acc_rows, gather_by_ik, ch, rw):
    rpt = acc_rows // NS
    nchunk = EPT // ch
    nvreg = ch // 16
    mesh = plsc.VectorSubcoreMesh(core_axis_name="c", subcore_axis_name="s")

    nbuf = 2
    buf_types = []
    for _ in range(nbuf):
        buf_types += [
            pltpu.VMEM((3, ch), jnp.int32),
            pltpu.VMEM((2 * ch,), jnp.int32),
            pltpu.VMEM((ch,), jnp.int32),
            pltpu.VMEM((ch,), jnp.int32),
            pltpu.VMEM((2 * ch,), jnp.float32),
            pltpu.VMEM((ch,), jnp.float32),
            pltpu.VMEM((ch, 16), jnp.float32)
            if rw == 16 else pltpu.VMEM((ch * rw,), jnp.float32),
            pltpu.VMEM((ch * rw,), jnp.int32)
            if rw != 16 else pltpu.VMEM((8,), jnp.int32),
            pltpu.VMEM((ch * rw,), jnp.int32)
            if rw != 16 else pltpu.VMEM((8,), jnp.int32),
            pltpu.SemaphoreType.DMA,
            pltpu.SemaphoreType.DMA,
            pltpu.SemaphoreType.DMA,
            pltpu.SemaphoreType.DMA,
        ]

    @functools.partial(
        pl.kernel,
        mesh=mesh,
        compiler_params=pltpu.CompilerParams(use_tc_tiling_on_sc=False),
        out_type=[
            jax.ShapeDtypeStruct((NC, acc_rows, 16), jnp.float32)
            if rw == 16 else
            jax.ShapeDtypeStruct((NC * acc_rows * rw,), jnp.float32),
            jax.ShapeDtypeStruct((NC * acc_rows,), jnp.float32),
        ],
        scratch_types=[
            pltpu.VMEM_SHARED((acc_rows, 16), jnp.float32)
            if rw == 16 else
            pltpu.VMEM_SHARED((acc_rows * rw,), jnp.float32),
            pltpu.VMEM_SHARED((acc_rows,), jnp.float32),
        ] + buf_types,
    )
    def kern(qkt, tab, e3, z2d, zfl, agg_out, den_out, agg_s, den_s, *bufs):
        names = ("ebuf", "ckb", "gidx", "sidx", "qkv", "ab", "rows",
                 "egidx", "eidx", "semE", "semQ", "semR", "semS")
        A = dict(zip(names, bufs[:len(names)]))
        B = dict(zip(names, bufs[len(names):]))
        c = lax.axis_index("c")
        s = lax.axis_index("s")
        wid = c * NS + s
        tbase = wid * EPT
        rbase = s * rpt
        gmax = 2 * N - 1

        def fire_idx(i, st):
            pltpu.async_copy(e3.at[:, pl.ds(tbase + i * ch, ch)],
                             st["ebuf"], st["semE"])

        def wait_idx(st):
            pltpu.make_async_copy(e3.at[:, pl.ds(tbase, ch)],
                                  st["ebuf"], st["semE"]).wait()

        def vix(st):
            ebuf, ckb, gidx, sidx = st["ebuf"], st["ckb"], st["gidx"], st["sidx"]
            def body(jv, cc):
                sl = pl.ds(jv * 16, 16)
                sr = ebuf[0, sl]
                d = ebuf[1, sl]
                t = ebuf[2, sl]
                iq = 2 * d + t
                ik = 2 * sr + t
                ckb[sl] = jnp.minimum(iq, gmax)
                ckb[pl.ds(ch + jv * 16, 16)] = 2 * N + ik
                if gather_by_ik:
                    gidx[sl] = ik
                    sidx[sl] = d
                else:
                    gidx[sl] = sr
                    sidx[sl] = iq
                if rw != 16:
                    eidx = st["eidx"]
                    egidx = st["egidx"]
                    iotav = lax.iota(jnp.int32, 16)
                    sub = iotav >> 2
                    lane = iotav & 3
                    for u in range(4):
                        sl4 = pl.ds(jv * 64 + u * 16, 16)
                        eidx[sl4] = jnp.take(d, sub + 4 * u) * rw + lane
                        egidx[sl4] = jnp.take(ik, sub + 4 * u) * rw + lane
                return cc
            lax.fori_loop(0, nvreg, body, 0)

        def row_gather_desc(st):
            if rw == 16:
                return pltpu.make_async_copy(tab.at[st["gidx"]], st["rows"],
                                             st["semR"])
            return pltpu.make_async_copy(tab.at[st["egidx"]], st["rows"],
                                         st["semR"])

        def fire_gathers(st):
            row_gather_desc(st).start()
            pltpu.async_copy(qkt.at[st["ckb"]], st["qkv"], st["semQ"])

        def scat_desc(st):
            if rw == 16:
                return pltpu.make_async_copy(
                    st["rows"], agg_s.at[st["sidx"]], st["semS"])
            return pltpu.make_async_copy(
                st["rows"], agg_s.at[st["eidx"]], st["semS"])

        def wait_scatter(st):
            scat_desc(st).wait()
            pltpu.make_async_copy(st["ab"], den_s.at[st["sidx"]],
                                  st["semS"]).wait()

        def compute_and_scatter(st):
            qkv, ab, rows = st["qkv"], st["ab"], st["rows"]
            pltpu.make_async_copy(qkt.at[st["ckb"]], qkv, st["semQ"]).wait()

            def av(jv, cc):
                sl = pl.ds(jv * 16, 16)
                l = qkv[sl] + qkv[pl.ds(ch + jv * 16, 16)]
                l = jnp.where(l >= 0.0, l, 0.2 * l)
                ab[sl] = jnp.exp(l)
                return cc
            lax.fori_loop(0, nvreg, av, 0)
            row_gather_desc(st).wait()

            if rw == 16:
                def scale(jv, cc):
                    a16 = ab[pl.ds(jv * 16, 16)]
                    for l in range(16):
                        rows[jv * 16 + l, :] = rows[jv * 16 + l, :] * a16[l]
                    return cc
            else:
                def scale(jv, cc):
                    a16 = ab[pl.ds(jv * 16, 16)]
                    iotav = lax.iota(jnp.int32, 16)
                    sub = iotav >> 2
                    for u in range(4):
                        sl4 = pl.ds(jv * 64 + u * 16, 16)
                        rows[sl4] = rows[sl4] * jnp.take(a16, sub + 4 * u)
                    return cc
            lax.fori_loop(0, nvreg, scale, 0)

            scat_desc(st).start(add=True)
            pltpu.async_copy(ab, den_s.at[st["sidx"]], st["semS"], add=True)

        if rw == 16:
            for j in range(rpt // ZROWS):
                pltpu.sync_copy(z2d,
                                agg_s.at[pl.ds(rbase + j * ZROWS, ZROWS)])
        else:
            pltpu.sync_copy(z2d, agg_s.at[pl.ds(rbase * rw, rpt * rw)])
        pltpu.sync_copy(zfl, den_s.at[pl.ds(rbase, rpt)])
        plsc.subcore_barrier()

        fire_idx(0, A)
        wait_idx(A)
        vix(A)
        fire_gathers(A)
        fire_idx(1, B)

        def body(big, carry):
            i0 = 2 * big
            wait_idx(B)

            @pl.when(big > 0)
            def _():
                wait_scatter(B)
            vix(B)
            fire_gathers(B)

            @pl.when(i0 + 2 < nchunk)
            def _():
                fire_idx(i0 + 2, A)
            compute_and_scatter(A)
            @pl.when(i0 + 2 < nchunk)
            def _():
                wait_idx(A)
                wait_scatter(A)
                vix(A)
                fire_gathers(A)
                fire_idx(i0 + 3, B)
            compute_and_scatter(B)
            return carry
        lax.fori_loop(0, nchunk // 2, body, 0)
        wait_scatter(A)
        wait_scatter(B)
        plsc.subcore_barrier()

        if rw == 16:
            sl = pl.ds(rbase, rpt)
            pltpu.sync_copy(agg_s.at[sl], agg_out.at[c, sl])
        else:
            pltpu.sync_copy(
                agg_s.at[pl.ds(rbase * rw, rpt * rw)],
                agg_out.at[pl.ds((c * acc_rows + rbase) * rw, rpt * rw)])
        dbase = c * acc_rows + rbase
        pltpu.sync_copy(den_s.at[pl.ds(rbase, rpt)],
                        den_out.at[pl.ds(dbase, rpt)])

    return kern


_edge_pass_l1 = _edge_pass(L1_ROWS, gather_by_ik=False, ch=400, rw=16)
_edge_pass_l2 = _edge_pass(L2_ROWS, gather_by_ik=True, ch=1280, rw=16)

_B = 2000
_GRID = N // _B


def _full(shape):
    return pl.BlockSpec(shape, lambda i: (0,) * len(shape))


def _pre_kernel(x_ref, w1_ref, q1_ref, k1_ref, sq_ref, sk_ref):
    aq = jnp.concatenate([(w1_ref[0] @ q1_ref[0])[:, None],
                          (w1_ref[1] @ q1_ref[0])[:, None]], axis=1)
    ak = jnp.concatenate([(w1_ref[0] @ k1_ref[0])[:, None],
                          (w1_ref[1] @ k1_ref[0])[:, None]], axis=1)
    sq_ref[...] = x_ref[...] @ aq
    sk_ref[...] = x_ref[...] @ ak


def _mid_kernel(agg_ref, den_ref, w1_ref, b1_ref, w2_ref, q2_ref, k2_ref,
                xt2_ref, sq2_ref, sk2_ref):
    a = agg_ref[0] + agg_ref[1]
    h = a[:, 0, :] @ w1_ref[0] + a[:, 1, :] @ w1_ref[1]
    d = jnp.sum(den_ref[...], axis=(0, 2))
    h = h / (d[:, None] + 1e-16) + b1_ref[0][None, :]
    xt0 = h @ w2_ref[0]
    xt1 = h @ w2_ref[1]
    z = jnp.zeros((_B, 1, 16 - OUT), jnp.float32)
    xt2_ref[...] = jnp.concatenate(
        [xt0[:, None, :], z, xt1[:, None, :], z], axis=-1).reshape(_B, 2, 16)
    aq2 = jnp.concatenate([(w2_ref[0] @ q2_ref[0])[:, None],
                           (w2_ref[1] @ q2_ref[0])[:, None]], axis=1)
    ak2 = jnp.concatenate([(w2_ref[0] @ k2_ref[0])[:, None],
                           (w2_ref[1] @ k2_ref[0])[:, None]], axis=1)
    sq2_ref[...] = h @ aq2
    sk2_ref[...] = h @ ak2


def _post_kernel(acc_ref, den_ref, b2_ref, out_ref):
    a = acc_ref[0] + acc_ref[1]
    d = jnp.sum(den_ref[...], axis=(0, 2))
    out_ref[...] = a[:, :OUT] / (d[:, None] + 1e-16) + b2_ref[0][None, :]


def kernel(feature, edge_index, edge_type, W1, q1, k1, b1, W2, q2, k2, b2):
    src = edge_index[0]
    dst = edge_index[1]
    npad = E_PAD - E
    src_p = jnp.concatenate([src, jnp.zeros((npad,), jnp.int32)])
    dst_p = jnp.concatenate([dst, jnp.full((npad,), N, jnp.int32)])
    et_p = jnp.concatenate([edge_type, jnp.zeros((npad,), jnp.int32)])

    q1r = q1.reshape(1, HID)
    k1r = k1.reshape(1, HID)
    b1r = b1.reshape(1, HID)
    q2r = q2.reshape(1, OUT)
    k2r = k2.reshape(1, OUT)
    b2r = b2.reshape(1, OUT)

    sq1, sk1 = pl.pallas_call(
        _pre_kernel,
        grid=(_GRID,),
        in_specs=[
            pl.BlockSpec((_B, IN_DIM), lambda i: (i, 0)),
            _full((2, IN_DIM, HID)),
            _full((1, HID)),
            _full((1, HID)),
        ],
        out_specs=[
            pl.BlockSpec((_B, 2), lambda i: (i, 0)),
            pl.BlockSpec((_B, 2), lambda i: (i, 0)),
        ],
        out_shape=[
            jax.ShapeDtypeStruct((N, 2), jnp.float32),
            jax.ShapeDtypeStruct((N, 2), jnp.float32),
        ],
    )(feature, W1, q1r, k1r)

    e3 = jnp.stack([src_p, dst_p, et_p])
    qk1 = jnp.concatenate([sq1.reshape(2 * N), sk1.reshape(2 * N)])
    z16 = jnp.zeros((ZROWS, 16), jnp.float32)
    zf1 = jnp.zeros((L1_ROWS // NS,), jnp.float32)
    zf2 = jnp.zeros((L2_ROWS // NS,), jnp.float32)
    agg1, den1 = _edge_pass_l1(qk1, feature, e3, z16, zf1)

    agg1n = agg1[:, :2 * N].reshape(2, N, 2, 16)
    den1n = den1.reshape(2, L1_ROWS)[:, :2 * N].reshape(2, N, 2)

    xt2p, sq2, sk2 = pl.pallas_call(
        _mid_kernel,
        grid=(_GRID,),
        in_specs=[
            pl.BlockSpec((2, _B, 2, 16), lambda i: (0, i, 0, 0)),
            pl.BlockSpec((2, _B, 2), lambda i: (0, i, 0)),
            _full((2, IN_DIM, HID)),
            _full((1, HID)),
            _full((2, HID, OUT)),
            _full((1, OUT)),
            _full((1, OUT)),
        ],
        out_specs=[
            pl.BlockSpec((_B, 2, 16), lambda i: (i, 0, 0)),
            pl.BlockSpec((_B, 2), lambda i: (i, 0)),
            pl.BlockSpec((_B, 2), lambda i: (i, 0)),
        ],
        out_shape=[
            jax.ShapeDtypeStruct((N, 2, 16), jnp.float32),
            jax.ShapeDtypeStruct((N, 2), jnp.float32),
            jax.ShapeDtypeStruct((N, 2), jnp.float32),
        ],
    )(agg1n, den1n, W1, b1r, W2, q2r, k2r)

    qk2 = jnp.concatenate([sq2.reshape(2 * N), sk2.reshape(2 * N)])
    acc2, den2 = _edge_pass_l2(qk2, xt2p.reshape(2 * N, 16), e3, z16, zf2)

    acc2n = acc2[:, :N]
    den2n = den2.reshape(2, L2_ROWS)[:, :N].reshape(2, N, 1)

    out = pl.pallas_call(
        _post_kernel,
        grid=(_GRID,),
        in_specs=[
            pl.BlockSpec((2, _B, 16), lambda i: (0, i, 0)),
            pl.BlockSpec((2, _B, 1), lambda i: (0, i, 0)),
            _full((1, OUT)),
        ],
        out_specs=pl.BlockSpec((_B, OUT), lambda i: (i, 0)),
        out_shape=jax.ShapeDtypeStruct((N, OUT), jnp.float32),
    )(acc2n, den2n, b2r)

    return out

# --- scband reference (transcript-rebuilt; emitter-appended) ---
"""Pipeline reference for scband-rgat-82497731822008 (READ-ONLY COPY).

The authoritative reference and input builder live on the scoring server;
editing this copy changes nothing except your own understanding.
"""

import jax, jax.numpy as jnp
import numpy as np

N = 50000
E = 800000
IN_DIM = 16
HID = 64
OUT = 3
R = 2


def setup_inputs(seed: int = 0) -> dict:
    key = jax.random.key(seed)
    ks = jax.random.split(key, 12)
    feature = jax.random.normal(ks[0], (N, IN_DIM), dtype=jnp.float32)
    edge_index = jax.random.randint(ks[1], (2, E), 0, N, dtype=jnp.int32)
    edge_type = jax.random.randint(ks[2], (E,), 0, R, dtype=jnp.int32)
    W1 = jax.random.normal(ks[3], (R, IN_DIM, HID), dtype=jnp.float32) * (1.0 / np.sqrt(IN_DIM))
    q1 = jax.random.normal(ks[4], (HID,), dtype=jnp.float32) * 0.1
    k1 = jax.random.normal(ks[5], (HID,), dtype=jnp.float32) * 0.1
    b1 = jnp.zeros((HID,), dtype=jnp.float32)
    W2 = jax.random.normal(ks[6], (R, HID, OUT), dtype=jnp.float32) * (1.0 / np.sqrt(HID))
    q2 = jax.random.normal(ks[7], (OUT,), dtype=jnp.float32) * 0.1
    k2 = jax.random.normal(ks[8], (OUT,), dtype=jnp.float32) * 0.1
    b2 = jnp.zeros((OUT,), dtype=jnp.float32)
    return {"feature": feature, "edge_index": edge_index, "edge_type": edge_type,
            "W1": W1, "q1": q1, "k1": k1, "b1": b1,
            "W2": W2, "q2": q2, "k2": k2, "b2": b2}


def _rgat_conv(x, edge_index, edge_type, W, q, k, b, n_nodes):
    # RGATConv (heads=1, dim=1, additive-self-attention, across-relation softmax)
    src = edge_index[0]
    dst = edge_index[1]
    # per-relation linear transform of all nodes: [R, N, out]
    xt = jnp.einsum('ni,rio->rno', x, W)
    # per-edge transformed source/target features (gather)
    out_j = xt[edge_type, src]  # [E, out]
    out_i = xt[edge_type, dst]  # [E, out]
    # additive attention logits
    alpha = jax.nn.leaky_relu(out_i @ q + out_j @ k, negative_slope=0.2)  # [E]
    # segment softmax over incoming edges of each dst node
    amax = jax.ops.segment_max(alpha, dst, num_segments=n_nodes)
    amax = jax.lax.stop_gradient(amax)
    alpha = jnp.exp(alpha - amax[dst])
    denom = jax.ops.segment_sum(alpha, dst, num_segments=n_nodes)
    alpha = alpha / (denom[dst] + 1e-16)
    # weighted message aggregation (scatter-add)
    msg = out_j * alpha[:, None]
    out = jax.ops.segment_sum(msg, dst, num_segments=n_nodes)
    return out + b


def reference(feature, edge_index, edge_type, W1, q1, k1, b1, W2, q2, k2, b2):
    # RGAT.forward: rgat1 -> dropout (identity in eval) -> rgat2
    h = _rgat_conv(feature, edge_index, edge_type, W1, q1, k1, b1, N)
    out = _rgat_conv(h, edge_index, edge_type, W2, q2, k2, b2, N)
    return out

if __name__ == "__main__":
    import jax
    _d = setup_inputs()
    print(jax.jit(kernel)(*tuple(_d.values())))

</pallas_src>

<mosaic_0001>
#map = affine_map<(d0, d1) -> (0)>
#map1 = affine_map<(d0, d1) -> (0, 0)>
#map2 = affine_map<(d0, d1) -> (0, 0, 0)>
module attributes {stable_mosaic.version = 14 : i64} {
  func.func @kern(%arg0: i32, %arg1: i32, %arg2: memref<200000xf32, #tpu.memory_space<hbm>>, %arg3: memref<50000x16xf32, #tpu.memory_space<hbm>>, %arg4: memref<3x819200xi32, #tpu.memory_space<hbm>>, %arg5: memref<1564x16xf32, #tpu.memory_space<hbm>>, %arg6: memref<6256xf32, #tpu.memory_space<hbm>>, %arg7: memref<2x100096x16xf32, #tpu.memory_space<hbm>>, %arg8: memref<200192xf32, #tpu.memory_space<hbm>>, %arg9: memref<100096x16xf32, #tpu.memory_space<vmem_shared>>, %arg10: memref<100096xf32, #tpu.memory_space<vmem_shared>>, %arg11: memref<3x400xi32, #tpu.memory_space<vmem>>, %arg12: memref<800xi32, #tpu.memory_space<vmem>>, %arg13: memref<400xi32, #tpu.memory_space<vmem>>, %arg14: memref<400xi32, #tpu.memory_space<vmem>>, %arg15: memref<800xf32, #tpu.memory_space<vmem>>, %arg16: memref<400xf32, #tpu.memory_space<vmem>>, %arg17: memref<400x16xf32, #tpu.memory_space<vmem>>, %arg18: memref<8xi32, #tpu.memory_space<vmem>>, %arg19: memref<8xi32, #tpu.memory_space<vmem>>, %arg20: memref<!tpu.dma_semaphore, #tpu.memory_space<semaphore_mem>>, %arg21: memref<!tpu.dma_semaphore, #tpu.memory_space<semaphore_mem>>, %arg22: memref<!tpu.dma_semaphore, #tpu.memory_space<semaphore_mem>>, %arg23: memref<!tpu.dma_semaphore, #tpu.memory_space<semaphore_mem>>, %arg24: memref<3x400xi32, #tpu.memory_space<vmem>>, %arg25: memref<800xi32, #tpu.memory_space<vmem>>, %arg26: memref<400xi32, #tpu.memory_space<vmem>>, %arg27: memref<400xi32, #tpu.memory_space<vmem>>, %arg28: memref<800xf32, #tpu.memory_space<vmem>>, %arg29: memref<400xf32, #tpu.memory_space<vmem>>, %arg30: memref<400x16xf32, #tpu.memory_space<vmem>>, %arg31: memref<8xi32, #tpu.memory_space<vmem>>, %arg32: memref<8xi32, #tpu.memory_space<vmem>>, %arg33: memref<!tpu.dma_semaphore, #tpu.memory_space<semaphore_mem>>, %arg34: memref<!tpu.dma_semaphore, #tpu.memory_space<semaphore_mem>>, %arg35: memref<!tpu.dma_semaphore, #tpu.memory_space<semaphore_mem>>, %arg36: memref<!tpu.dma_semaphore, #tpu.memory_space<semaphore_mem>>) attributes {dimension_semantics = [#tpu.dimension_semantics<core_parallel>, #tpu.dimension_semantics<subcore_parallel>], iteration_bounds = array<i64: 2, 16>, scalar_prefetch = 0 : i64, scratch_operands = 28 : i64, tpu.core_type = #tpu.core_type<sc_vector_subcore>, window_params = [{transform_indices = #map}, {transform_indices = #map1}, {transform_indices = #map1}, {transform_indices = #map1}, {transform_indices = #map}, {transform_indices = #map2}, {transform_indices = #map}]} {
    %mul3A = arith.constant 16 : i32
    %mul3A_0 = arith.muli %arg0, %mul3A : i32
    %add3A = arith.addi %mul3A_0, %arg1 : i32
    %mul3A_1 = arith.constant 25600 : i32
    %mul3A_2 = arith.muli %add3A, %mul3A_1 : i32
    %mul3A_3 = arith.constant 6256 : i32
    %mul3A_4 = arith.muli %arg1, %mul3A_3 : i32
    %add3A_5 = arith.constant 0 : i32
    %add3A_6 = arith.addi %mul3A_4, %add3A_5 : i32
    "tpu.region"() ({
      %run_scoped3A = tpu.sem_alloc : memref<!tpu.dma_semaphore, #tpu.memory_space<semaphore_mem>>
      %dma_start3A_57 = arith.constant 0 : i32
      %dma_start3A_58 = tpu.memref_slice %arg9[%add3A_6, %dma_start3A_57] : memref<100096x16xf32, #tpu.memory_space<vmem_shared>> -> memref<1564x16xf32, #tpu.memory_space<vmem_shared>>
      tpu.enqueue_dma source(%arg5 : memref<1564x16xf32, #tpu.memory_space<hbm>>) target(%dma_start3A_58 : memref<1564x16xf32, #tpu.memory_space<vmem_shared>>) target_semaphore(%run_scoped3A : memref<!tpu.dma_semaphore, #tpu.memory_space<semaphore_mem>>)
      %dma_wait3A_59 = arith.constant 0 : i32
      %dma_wait3A_60 = tpu.memref_slice %arg9[%add3A_6, %dma_wait3A_59] : memref<100096x16xf32, #tpu.memory_space<vmem_shared>> -> memref<1564x16xf32, #tpu.memory_space<vmem_shared>>
      tpu.wait_dma2 semaphore(%run_scoped3A : memref<!tpu.dma_semaphore, #tpu.memory_space<semaphore_mem>>) src(%arg5 : memref<1564x16xf32, #tpu.memory_space<hbm>>) dst(%dma_wait3A_60 : memref<1564x16xf32, #tpu.memory_space<vmem_shared>>)
      tpu.yield
    }) : () -> ()
    %add3A_7 = arith.constant 1564 : i32
    %add3A_8 = arith.addi %mul3A_4, %add3A_7 : i32
    "tpu.region"() ({
      %run_scoped3A = tpu.sem_alloc : memref<!tpu.dma_semaphore, #tpu.memory_space<semaphore_mem>>
      %dma_start3A_57 = arith.constant 0 : i32
      %dma_start3A_58 = tpu.memref_slice %arg9[%add3A_8, %dma_start3A_57] : memref<100096x16xf32, #tpu.memory_space<vmem_shared>> -> memref<1564x16xf32, #tpu.memory_space<vmem_shared>>
      tpu.enqueue_dma source(%arg5 : memref<1564x16xf32, #tpu.memory_space<hbm>>) target(%dma_start3A_58 : memref<1564x16xf32, #tpu.memory_space<vmem_shared>>) target_semaphore(%run_scoped3A : memref<!tpu.dma_semaphore, #tpu.memory_space<semaphore_mem>>)
      %dma_wait3A_59 = arith.constant 0 : i32
      %dma_wait3A_60 = tpu.memref_slice %arg9[%add3A_8, %dma_wait3A_59] : memref<100096x16xf32, #tpu.memory_space<vmem_shared>> -> memref<1564x16xf32, #tpu.memory_space<vmem_shared>>
      tpu.wait_dma2 semaphore(%run_scoped3A : memref<!tpu.dma_semaphore, #tpu.memory_space<semaphore_mem>>) src(%arg5 : memref<1564x16xf32, #tpu.memory_space<hbm>>) dst(%dma_wait3A_60 : memref<1564x16xf32, #tpu.memory_space<vmem_shared>>)
      tpu.yield
    }) : () -> ()
    %add3A_9 = arith.constant 3128 : i32
    %add3A_10 = arith.addi %mul3A_4, %add3A_9 : i32
    "tpu.region"() ({
      %run_scoped3A = tpu.sem_alloc : memref<!tpu.dma_semaphore, #tpu.memory_space<semaphore_mem>>
      %dma_start3A_57 = arith.constant 0 : i32
      %dma_start3A_58 = tpu.memref_slice %arg9[%add3A_10, %dma_start3A_57] : memref<100096x16xf32, #tpu.memory_space<vmem_shared>> -> memref<1564x16xf32, #tpu.memory_space<vmem_shared>>
      tpu.enqueue_dma source(%arg5 : memref<1564x16xf32, #tpu.memory_space<hbm>>) target(%dma_start3A_58 : memref<1564x16xf32, #tpu.memory_space<vmem_shared>>) target_semaphore(%run_scoped3A : memref<!tpu.dma_semaphore, #tpu.memory_space<semaphore_mem>>)
      %dma_wait3A_59 = arith.constant 0 : i32
      %dma_wait3A_60 = tpu.memref_slice %arg9[%add3A_10, %dma_wait3A_59] : memref<100096x16xf32, #tpu.memory_space<vmem_shared>> -> memref<1564x16xf32, #tpu.memory_space<vmem_shared>>
      tpu.wait_dma2 semaphore(%run_scoped3A : memref<!tpu.dma_semaphore, #tpu.memory_space<semaphore_mem>>) src(%arg5 : memref<1564x16xf32, #tpu.memory_space<hbm>>) dst(%dma_wait3A_60 : memref<1564x16xf32, #tpu.memory_space<vmem_shared>>)
      tpu.yield
    }) : () -> ()
    %add3A_11 = arith.constant 4692 : i32
    %add3A_12 = arith.addi %mul3A_4, %add3A_11 : i32
    "tpu.region"() ({
      %run_scoped3A = tpu.sem_alloc : memref<!tpu.dma_semaphore, #tpu.memory_space<semaphore_mem>>
      %dma_start3A_57 = arith.constant 0 : i32
      %dma_start3A_58 = tpu.memref_slice %arg9[%add3A_12, %dma_start3A_57] : memref<100096x16xf32, #tpu.memory_space<vmem_shared>> -> memref<1564x16xf32, #tpu.memory_space<vmem_shared>>
      tpu.enqueue_dma source(%arg5 : memref<1564x16xf32, #tpu.memory_space<hbm>>) target(%dma_start3A_58 : memref<1564x16xf32, #tpu.memory_space<vmem_shared>>) target_semaphore(%run_scoped3A : memref<!tpu.dma_semaphore, #tpu.memory_space<semaphore_mem>>)
      %dma_wait3A_59 = arith.constant 0 : i32
      %dma_wait3A_60 = tpu.memref_slice %arg9[%add3A_12, %dma_wait3A_59] : memref<100096x16xf32, #tpu.memory_space<vmem_shared>> -> memref<1564x16xf32, #tpu.memory_space<vmem_shared>>
      tpu.wait_dma2 semaphore(%run_scoped3A : memref<!tpu.dma_semaphore, #tpu.memory_space<semaphore_mem>>) src(%arg5 : memref<1564x16xf32, #tpu.memory_space<hbm>>) dst(%dma_wait3A_60 : memref<1564x16xf32, #tpu.memory_space<vmem_shared>>)
      tpu.yield
    }) : () -> ()
    "tpu.region"() ({
      %run_scoped3A = tpu.sem_alloc : memref<!tpu.dma_semaphore, #tpu.memory_space<semaphore_mem>>
      %dma_start3A_57 = tpu.memref_slice %arg10[%mul3A_4] : memref<100096xf32, #tpu.memory_space<vmem_shared>> -> memref<6256xf32, #tpu.memory_space<vmem_shared>>
      tpu.enqueue_dma source(%arg6 : memref<6256xf32, #tpu.memory_space<hbm>>) target(%dma_start3A_57 : memref<6256xf32, #tpu.memory_space<vmem_shared>>) target_semaphore(%run_scoped3A : memref<!tpu.dma_semaphore, #tpu.memory_space<semaphore_mem>>)
      %dma_wait3A_58 = tpu.memref_slice %arg10[%mul3A_4] : memref<100096xf32, #tpu.memory_space<vmem_shared>> -> memref<6256xf32, #tpu.memory_space<vmem_shared>>
      tpu.wait_dma2 semaphore(%run_scoped3A : memref<!tpu.dma_semaphore, #tpu.memory_space<semaphore_mem>>) src(%arg6 : memref<6256xf32, #tpu.memory_space<hbm>>) dst(%dma_wait3A_58 : memref<6256xf32, #tpu.memory_space<vmem_shared>>)
      tpu.yield
    }) : () -> ()
    %barrier3A = arith.constant 0 : index
    tpu.barrier barrier_id(%barrier3A)
    %add3A_13 = arith.constant 0 : i32
    %add3A_14 = arith.addi %mul3A_2, %add3A_13 : i32
    %dma_start3A = arith.constant 0 : i32
    %dma_start3A_15 = tpu.memref_slice %arg4[%dma_start3A, %add3A_14] : memref<3x819200xi32, #tpu.memory_space<hbm>> -> memref<3x400xi32, #tpu.memory_space<hbm>>
    %dma_start3A_16 = arith.constant 0 : i32
    %dma_start3A_17 = tpu.memref_slice %arg4[%dma_start3A_16, %add3A_14] : memref<3x819200xi32, #tpu.memory_space<hbm>> -> memref<3x400xi32, #tpu.memory_space<hbm>>
    tpu.enqueue_dma source(%dma_start3A_17 : memref<3x400xi32, #tpu.memory_space<hbm>>) target(%arg11 : memref<3x400xi32, #tpu.memory_space<vmem>>) target_semaphore(%arg20 : memref<!tpu.dma_semaphore, #tpu.memory_space<semaphore_mem>>)
    %dma_wait3A = arith.constant 0 : i32
    %dma_wait3A_18 = tpu.memref_slice %arg4[%dma_wait3A, %mul3A_2] : memref<3x819200xi32, #tpu.memory_space<hbm>> -> memref<3x400xi32, #tpu.memory_space<hbm>>
    %dma_wait3A_19 = arith.constant 0 : i32
    %dma_wait3A_20 = tpu.memref_slice %arg4[%dma_wait3A_19, %mul3A_2] : memref<3x819200xi32, #tpu.memory_space<hbm>> -> memref<3x400xi32, #tpu.memory_space<hbm>>
    tpu.wait_dma2 semaphore(%arg20 : memref<!tpu.dma_semaphore, #tpu.memory_space<semaphore_mem>>) src(%dma_wait3A_20 : memref<3x400xi32, #tpu.memory_space<hbm>>) dst(%arg11 : memref<3x400xi32, #tpu.memory_space<vmem>>)
    %scan3A = arith.constant 0 : i32
    %scan3A_21 = arith.constant 0 : i32
    %scan3A_22 = arith.constant 25 : i32
    %scan3A_23 = arith.addi %scan3A_21, %scan3A_22 : i32
    %scan3A_24 = arith.constant 1 : i32
    scf.for %scan3A_57 = %scan3A_21 to %scan3A_23 step %scan3A_24  : i32 {
      %mul3A_58 = arith.constant 16 : i32
      %mul3A_59 = arith.muli %scan3A_57, %mul3A_58 : i32
      %get3A = arith.constant 0 : i32
      %get3A_60 = arith.index_cast %get3A : i32 to index
      %get3A_61 = arith.index_cast %mul3A_59 : i32 to index
      %get3A_62 = tpu.vector_load %arg11[%get3A_60, %get3A_61] {strides = array<i32>} : memref<3x400xi32, #tpu.memory_space<vmem>>, vector<1x16xi32>,
      %get3A_63 = vector.shape_cast %get3A_62 : vector<1x16xi32> to vector<16xi32>
      %get3A_64 = arith.constant 1 : i32
      %get3A_65 = arith.index_cast %get3A_64 : i32 to index
      %get3A_66 = arith.index_cast %mul3A_59 : i32 to index
      %get3A_67 = tpu.vector_load %arg11[%get3A_65, %get3A_66] {strides = array<i32>} : memref<3x400xi32, #tpu.memory_space<vmem>>, vector<1x16xi32>,
      %get3A_68 = vector.shape_cast %get3A_67 : vector<1x16xi32> to vector<16xi32>
      %get3A_69 = arith.constant 2 : i32
      %get3A_70 = arith.index_cast %get3A_69 : i32 to index
      %get3A_71 = arith.index_cast %mul3A_59 : i32 to index
      %get3A_72 = tpu.vector_load %arg11[%get3A_70, %get3A_71] {strides = array<i32>} : memref<3x400xi32, #tpu.memory_space<vmem>>, vector<1x16xi32>,
      %get3A_73 = vector.shape_cast %get3A_72 : vector<1x16xi32> to vector<16xi32>
      %mul3A_74 = arith.constant 2 : i32
      %mul3A_75 = vector.broadcast %mul3A_74 : i32 to vector<16xi32>
      %mul3A_76 = arith.muli %mul3A_75, %get3A_68 : vector<16xi32>
      %add3A_77 = arith.addi %mul3A_76, %get3A_73 : vector<16xi32>
      %mul3A_78 = arith.constant 2 : i32
      %mul3A_79 = vector.broadcast %mul3A_78 : i32 to vector<16xi32>
      %mul3A_80 = arith.muli %mul3A_79, %get3A_63 : vector<16xi32>
      %add3A_81 = arith.addi %mul3A_80, %get3A_73 : vector<16xi32>
      %min3A = arith.constant 99999 : i32
      %min3A_82 = vector.broadcast %min3A : i32 to vector<16xi32>
      %min3A_83 = arith.minsi %add3A_77, %min3A_82 : vector<16xi32>
      %swap3A = arith.index_cast %mul3A_59 : i32 to index
      %swap3A_84 = tpu.vector_load %arg12[%swap3A] {strides = array<i32>} : memref<800xi32, #tpu.memory_space<vmem>>, vector<16xi32>,
      %swap3A_85 = vector.shape_cast %swap3A_84 : vector<16xi32> to vector<16xi32>
      %swap3A_86 = vector.shape_cast %min3A_83 : vector<16xi32> to vector<16xi32>
      tpu.vector_store %arg12[%swap3A], %swap3A_86 {strides = array<i32>} : memref<800xi32, #tpu.memory_space<vmem>>, vector<16xi32>,
      %add3A_87 = arith.constant 100000 : i32
      %add3A_88 = vector.broadcast %add3A_87 : i32 to vector<16xi32>
      %add3A_89 = arith.addi %add3A_88, %add3A_81 : vector<16xi32>
      %mul3A_90 = arith.constant 16 : i32
      %mul3A_91 = arith.muli %scan3A_57, %mul3A_90 : i32
      %add3A_92 = arith.constant 400 : i32
      %add3A_93 = arith.addi %add3A_92, %mul3A_91 : i32
      %swap3A_94 = arith.index_cast %add3A_93 : i32 to index
      %swap3A_95 = tpu.vector_load %arg12[%swap3A_94] {strides = array<i32>} : memref<800xi32, #tpu.memory_space<vmem>>, vector<16xi32>,
      %swap3A_96 = vector.shape_cast %swap3A_95 : vector<16xi32> to vector<16xi32>
      %swap3A_97 = vector.shape_cast %add3A_89 : vector<16xi32> to vector<16xi32>
      tpu.vector_store %arg12[%swap3A_94], %swap3A_97 {strides = array<i32>} : memref<800xi32, #tpu.memory_space<vmem>>, vector<16xi32>,
      %swap3A_98 = arith.index_cast %mul3A_59 : i32 to index
      %swap3A_99 = tpu.vector_load %arg13[%swap3A_98] {strides = array<i32>} : memref<400xi32, #tpu.memory_space<vmem>>, vector<16xi32>,
      %swap3A_100 = vector.shape_cast %swap3A_99 : vector<16xi32> to vector<16xi32>
      %swap3A_101 = vector.shape_cast %get3A_63 : vector<16xi32> to vector<16xi32>
      tpu.vector_store %arg13[%swap3A_98], %swap3A_101 {strides = array<i32>} : memref<400xi32, #tpu.memory_space<vmem>>, vector<16xi32>,
      %swap3A_102 = arith.index_cast %mul3A_59 : i32 to index
      %swap3A_103 = tpu.vector_load %arg14[%swap3A_102] {strides = array<i32>} : memref<400xi32, #tpu.memory_space<vmem>>, vector<16xi32>,
      %swap3A_104 = vector.shape_cast %swap3A_103 : vector<16xi32> to vector<16xi32>
      %swap3A_105 = vector.shape_cast %add3A_77 : vector<16xi32> to vector<16xi32>
      tpu.vector_store %arg14[%swap3A_102], %swap3A_105 {strides = array<i32>} : memref<400xi32, #tpu.memory_space<vmem>>, vector<16xi32>,
    }
    %scan3A_25 = arith.constant 25 : i32
    %dma_start3A_26 = arith.constant 0 : i32
    %dma_start3A_27 = arith.constant 0 : i32
    %dma_start3A_28 = tpu.memref_slice %arg3[%dma_start3A_26, %dma_start3A_27] : memref<50000x16xf32, #tpu.memory_space<hbm>> -> memref<50000x16xf32, #tpu.memory_space<hbm>>
    tpu.enqueue_indirect_dma source(%dma_start3A_28 : memref<50000x16xf32, #tpu.memory_space<hbm>>) target(%arg17 : memref<400x16xf32, #tpu.memory_space<vmem>>) offsets(%arg13 : memref<400xi32, #tpu.memory_space<vmem>>) semaphore(%arg22 : memref<!tpu.dma_semaphore, #tpu.memory_space<semaphore_mem>>)
    %dma_start3A_29 = arith.constant 0 : i32
    %dma_start3A_30 = tpu.memref_slice %arg2[%dma_start3A_29] : memref<200000xf32, #tpu.memory_space<hbm>> -> memref<200000xf32, #tpu.memory_space<hbm>>
    tpu.enqueue_indirect_dma source(%dma_start3A_30 : memref<200000xf32, #tpu.memory_space<hbm>>) target(%arg15 : memref<800xf32, #tpu.memory_space<vmem>>) offsets(%arg12 : memref<800xi32, #tpu.memory_space<vmem>>) semaphore(%arg21 : memref<!tpu.dma_semaphore, #tpu.memory_space<semaphore_mem>>)
    %add3A_31 = arith.constant 400 : i32
    %add3A_32 = arith.addi %mul3A_2, %add3A_31 : i32
    %dma_start3A_33 = arith.constant 0 : i32
    %dma_start3A_34 = tpu.memref_slice %arg4[%dma_start3A_33, %add3A_32] : memref<3x819200xi32, #tpu.memory_space<hbm>> -> memref<3x400xi32, #tpu.memory_space<hbm>>
    %dma_start3A_35 = arith.constant 0 : i32
    %dma_start3A_36 = tpu.memref_slice %arg4[%dma_start3A_35, %add3A_32] : memref<3x819200xi32, #tpu.memory_space<hbm>> -> memref<3x400xi32, #tpu.memory_space<hbm>>
    tpu.enqueue_dma source(%dma_start3A_36 : memref<3x400xi32, #tpu.memory_space<hbm>>) target(%arg24 : memref<3x400xi32, #tpu.memory_space<vmem>>) target_semaphore(%arg33 : memref<!tpu.dma_semaphore, #tpu.memory_space<semaphore_mem>>)
    %scan3A_37 = arith.constant 0 : i32
    %scan3A_38 = arith.constant 0 : i32
    %scan3A_39 = arith.constant 32 : i32
    %scan3A_40 = arith.addi %scan3A_38, %scan3A_39 : i32
    %scan3A_41 = arith.constant 1 : i32
    scf.for %scan3A_57 = %scan3A_38 to %scan3A_40 step %scan3A_41  : i32 {
      %mul3A_58 = arith.constant 2 : i32
      %mul3A_59 = arith.muli %mul3A_58, %scan3A_57 : i32
      %dma_wait3A_60 = arith.constant 0 : i32
      %dma_wait3A_61 = tpu.memref_slice %arg4[%dma_wait3A_60, %mul3A_2] : memref<3x819200xi32, #tpu.memory_space<hbm>> -> memref<3x400xi32, #tpu.memory_space<hbm>>
      %dma_wait3A_62 = arith.constant 0 : i32
      %dma_wait3A_63 = tpu.memref_slice %arg4[%dma_wait3A_62, %mul3A_2] : memref<3x819200xi32, #tpu.memory_space<hbm>> -> memref<3x400xi32, #tpu.memory_space<hbm>>
      tpu.wait_dma2 semaphore(%arg33 : memref<!tpu.dma_semaphore, #tpu.memory_space<semaphore_mem>>) src(%dma_wait3A_63 : memref<3x400xi32, #tpu.memory_space<hbm>>) dst(%arg24 : memref<3x400xi32, #tpu.memory_space<vmem>>)
      %gt3A = arith.constant 0 : i32
      %gt3A_64 = arith.cmpi sgt, %scan3A_57, %gt3A : i32
      %convert_element_type3A = arith.extui %gt3A_64 : i1 to i32
      %cond3A = arith.constant 0 : i32
      %cond3A_65 = arith.cmpi ne, %convert_element_type3A, %cond3A : i32
      scf.if %cond3A_65 {
        %dma_wait3A_134 = arith.constant 0 : i32
        %dma_wait3A_135 = arith.constant 0 : i32
        %dma_wait3A_136 = tpu.memref_slice %arg9[%dma_wait3A_134, %dma_wait3A_135] : memref<100096x16xf32, #tpu.memory_space<vmem_shared>> -> memref<100096x16xf32, #tpu.memory_space<vmem_shared>>
        tpu.wait_indirect_dma semaphore(%arg36 : memref<!tpu.dma_semaphore, #tpu.memory_space<semaphore_mem>>) src(%arg30 : memref<400x16xf32, #tpu.memory_space<vmem>>) dst(%dma_wait3A_136 : memref<100096x16xf32, #tpu.memory_space<vmem_shared>>)
        %dma_wait3A_137 = arith.constant 0 : i32
        %dma_wait3A_138 = tpu.memref_slice %arg10[%dma_wait3A_137] : memref<100096xf32, #tpu.memory_space<vmem_shared>> -> memref<100096xf32, #tpu.memory_space<vmem_shared>>
        tpu.wait_indirect_dma semaphore(%arg36 : memref<!tpu.dma_semaphore, #tpu.memory_space<semaphore_mem>>) src(%arg29 : memref<400xf32, #tpu.memory_space<vmem>>) dst(%dma_wait3A_138 : memref<100096xf32, #tpu.memory_space<vmem_shared>>)
      } else {
      }
      %scan3A_66 = arith.constant 0 : i32
      %scan3A_67 = arith.constant 0 : i32
      %scan3A_68 = arith.constant 25 : i32
      %scan3A_69 = arith.addi %scan3A_67, %scan3A_68 : i32
      %scan3A_70 = arith.constant 1 : i32
      scf.for %scan3A_134 = %scan3A_67 to %scan3A_69 step %scan3A_70  : i32 {
        %mul3A_135 = arith.constant 16 : i32
        %mul3A_136 = arith.muli %scan3A_134, %mul3A_135 : i32
        %get3A = arith.constant 0 : i32
        %get3A_137 = arith.index_cast %get3A : i32 to index
        %get3A_138 = arith.index_cast %mul3A_136 : i32 to index
        %get3A_139 = tpu.vector_load %arg24[%get3A_137, %get3A_138] {strides = array<i32>} : memref<3x400xi32, #tpu.memory_space<vmem>>, vector<1x16xi32>,
        %get3A_140 = vector.shape_cast %get3A_139 : vector<1x16xi32> to vector<16xi32>
        %get3A_141 = arith.constant 1 : i32
        %get3A_142 = arith.index_cast %get3A_141 : i32 to index
        %get3A_143 = arith.index_cast %mul3A_136 : i32 to index
        %get3A_144 = tpu.vector_load %arg24[%get3A_142, %get3A_143] {strides = array<i32>} : memref<3x400xi32, #tpu.memory_space<vmem>>, vector<1x16xi32>,
        %get3A_145 = vector.shape_cast %get3A_144 : vector<1x16xi32> to vector<16xi32>
        %get3A_146 = arith.constant 2 : i32
        %get3A_147 = arith.index_cast %get3A_146 : i32 to index
        %get3A_148 = arith.index_cast %mul3A_136 : i32 to index
        %get3A_149 = tpu.vector_load %arg24[%get3A_147, %get3A_148] {strides = array<i32>} : memref<3x400xi32, #tpu.memory_space<vmem>>, vector<1x16xi32>,
        %get3A_150 = vector.shape_cast %get3A_149 : vector<1x16xi32> to vector<16xi32>
        %mul3A_151 = arith.constant 2 : i32
        %mul3A_152 = vector.broadcast %mul3A_151 : i32 to vector<16xi32>
        %mul3A_153 = arith.muli %mul3A_152, %get3A_145 : vector<16xi32>
        %add3A_154 = arith.addi %mul3A_153, %get3A_150 : vector<16xi32>
        %mul3A_155 = arith.constant 2 : i32
        %mul3A_156 = vector.broadcast %mul3A_155 : i32 to vector<16xi32>
        %mul3A_157 = arith.muli %mul3A_156, %get3A_140 : vector<16xi32>
        %add3A_158 = arith.addi %mul3A_157, %get3A_150 : vector<16xi32>
        %min3A = arith.constant 99999 : i32
        %min3A_159 = vector.broadcast %min3A : i32 to vector<16xi32>
        %min3A_160 = arith.minsi %add3A_154, %min3A_159 : vector<16xi32>
        %swap3A = arith.index_cast %mul3A_136 : i32 to index
        %swap3A_161 = tpu.vector_load %arg25[%swap3A] {strides = array<i32>} : memref<800xi32, #tpu.memory_space<vmem>>, vector<16xi32>,
        %swap3A_162 = vector.shape_cast %swap3A_161 : vector<16xi32> to vector<16xi32>
        %swap3A_163 = vector.shape_cast %min3A_160 : vector<16xi32> to vector<16xi32>
        tpu.vector_store %arg25[%swap3A], %swap3A_163 {strides = array<i32>} : memref<800xi32, #tpu.memory_space<vmem>>, vector<16xi32>,
        %add3A_164 = arith.constant 100000 : i32
        %add3A_165 = vector.broadcast %add3A_164 : i32 to vector<16xi32>
        %add3A_166 = arith.addi %add3A_165, %add3A_158 : vector<16xi32>
        %mul3A_167 = arith.constant 16 : i32
        %mul3A_168 = arith.muli %scan3A_134, %mul3A_167 : i32
        %add3A_169 = arith.constant 400 : i32
        %add3A_170 = arith.addi %add3A_169, %mul3A_168 : i32
        %swap3A_171 = arith.index_cast %add3A_170 : i32 to index
        %swap3A_172 = tpu.vector_load %arg25[%swap3A_171] {strides = array<i32>} : memref<800xi32, #tpu.memory_space<vmem>>, vector<16xi32>,
        %swap3A_173 = vector.shape_cast %swap3A_172 : vector<16xi32> to vector<16xi32>
        %swap3A_174 = vector.shape_cast %add3A_166 : vector<16xi32> to vector<16xi32>
        tpu.vector_store %arg25[%swap3A_171], %swap3A_174 {strides = array<i32>} : memref<800xi32, #tpu.memory_space<vmem>>, vector<16xi32>,
        %swap3A_175 = arith.index_cast %mul3A_136 : i32 to index
        %swap3A_176 = tpu.vector_load %arg26[%swap3A_175] {strides = array<i32>} : memref<400xi32, #tpu.memory_space<vmem>>, vector<16xi32>,
        %swap3A_177 = vector.shape_cast %swap3A_176 : vector<16xi32> to vector<16xi32>
        %swap3A_178 = vector.shape_cast %get3A_140 : vector<16xi32> to vector<16xi32>
        tpu.vector_store %arg26[%swap3A_175], %swap3A_178 {strides = array<i32>} : memref<400xi32, #tpu.memory_space<vmem>>, vector<16xi32>,
        %swap3A_179 = arith.index_cast %mul3A_136 : i32 to index
        %swap3A_180 = tpu.vector_load %arg27[%swap3A_179] {strides = array<i32>} : memref<400xi32, #tpu.memory_space<vmem>>, vector<16xi32>,
        %swap3A_181 = vector.shape_cast %swap3A_180 : vector<16xi32> to vector<16xi32>
        %swap3A_182 = vector.shape_cast %add3A_154 : vector<16xi32> to vector<16xi32>
        tpu.vector_store %arg27[%swap3A_179], %swap3A_182 {strides = array<i32>} : memref<400xi32, #tpu.memory_space<vmem>>, vector<16xi32>,
      }
      %scan3A_71 = arith.constant 25 : i32
      %dma_start3A_72 = arith.constant 0 : i32
      %dma_start3A_73 = arith.constant 0 : i32
      %dma_start3A_74 = tpu.memref_slice %arg3[%dma_start3A_72, %dma_start3A_73] : memref<50000x16xf32, #tpu.memory_space<hbm>> -> memref<50000x16xf32, #tpu.memory_space<hbm>>
      tpu.enqueue_indirect_dma source(%dma_start3A_74 : memref<50000x16xf32, #tpu.memory_space<hbm>>) target(%arg30 : memref<400x16xf32, #tpu.memory_space<vmem>>) offsets(%arg26 : memref<400xi32, #tpu.memory_space<vmem>>) semaphore(%arg35 : memref<!tpu.dma_semaphore, #tpu.memory_space<semaphore_mem>>)
      %dma_start3A_75 = arith.constant 0 : i32
      %dma_start3A_76 = tpu.memref_slice %arg2[%dma_start3A_75] : memref<200000xf32, #tpu.memory_space<hbm>> -> memref<200000xf32, #tpu.memory_space<hbm>>
      tpu.enqueue_indirect_dma source(%dma_start3A_76 : memref<200000xf32, #tpu.memory_space<hbm>>) target(%arg28 : memref<800xf32, #tpu.memory_space<vmem>>) offsets(%arg25 : memref<800xi32, #tpu.memory_space<vmem>>) semaphore(%arg34 : memref<!tpu.dma_semaphore, #tpu.memory_space<semaphore_mem>>)
      %add3A_77 = arith.constant 2 : i32
      %add3A_78 = arith.addi %mul3A_59, %add3A_77 : i32
      %lt3A = arith.constant 64 : i32
      %lt3A_79 = arith.cmpi slt, %add3A_78, %lt3A : i32
      %convert_element_type3A_80 = arith.extui %lt3A_79 : i1 to i32
      %cond3A_81 = arith.constant 0 : i32
      %cond3A_82 = arith.cmpi ne, %convert_element_type3A_80, %cond3A_81 : i32
      scf.if %cond3A_82 {
        %add3A_134 = arith.constant 2 : i32
        %add3A_135 = arith.addi %mul3A_59, %add3A_134 : i32
        %mul3A_136 = arith.constant 400 : i32
        %mul3A_137 = arith.muli %add3A_135, %mul3A_136 : i32
        %add3A_138 = arith.addi %mul3A_2, %mul3A_137 : i32
        %dma_start3A_139 = arith.constant 0 : i32
        %dma_start3A_140 = tpu.memref_slice %arg4[%dma_start3A_139, %add3A_138] : memref<3x819200xi32, #tpu.memory_space<hbm>> -> memref<3x400xi32, #tpu.memory_space<hbm>>
        %dma_start3A_141 = arith.constant 0 : i32
        %dma_start3A_142 = tpu.memref_slice %arg4[%dma_start3A_141, %add3A_138] : memref<3x819200xi32, #tpu.memory_space<hbm>> -> memref<3x400xi32, #tpu.memory_space<hbm>>
        tpu.enqueue_dma source(%dma_start3A_142 : memref<3x400xi32, #tpu.memory_space<hbm>>) target(%arg11 : memref<3x400xi32, #tpu.memory_space<vmem>>) target_semaphore(%arg20 : memref<!tpu.dma_semaphore, #tpu.memory_space<semaphore_mem>>)
      } else {
      }
      %dma_wait3A_83 = arith.constant 0 : i32
      %dma_wait3A_84 = tpu.memref_slice %arg2[%dma_wait3A_83] : memref<200000xf32, #tpu.memory_space<hbm>> -> memref<200000xf32, #tpu.memory_space<hbm>>
      tpu.wait_indirect_dma semaphore(%arg21 : memref<!tpu.dma_semaphore, #tpu.memory_space<semaphore_mem>>) src(%dma_wait3A_84 : memref<200000xf32, #tpu.memory_space<hbm>>) dst(%arg15 : memref<800xf32, #tpu.memory_space<vmem>>)
      %scan3A_85 = arith.constant 0 : i32
      %scan3A_86 = arith.constant 0 : i32
      %scan3A_87 = arith.constant 25 : i32
      %scan3A_88 = arith.addi %scan3A_86, %scan3A_87 : i32
      %scan3A_89 = arith.constant 1 : i32
      scf.for %scan3A_134 = %scan3A_86 to %scan3A_88 step %scan3A_89  : i32 {
        %mul3A_135 = arith.constant 16 : i32
        %mul3A_136 = arith.muli %scan3A_134, %mul3A_135 : i32
        %get3A = arith.index_cast %mul3A_136 : i32 to index
        %get3A_137 = tpu.vector_load %arg15[%get3A] {strides = array<i32>} : memref<800xf32, #tpu.memory_space<vmem>>, vector<16xf32>,
        %get3A_138 = vector.shape_cast %get3A_137 : vector<16xf32> to vector<16xf32>
        %mul3A_139 = arith.constant 16 : i32
        %mul3A_140 = arith.muli %scan3A_134, %mul3A_139 : i32
        %add3A_141 = arith.constant 400 : i32
        %add3A_142 = arith.addi %add3A_141, %mul3A_140 : i32
        %get3A_143 = arith.index_cast %add3A_142 : i32 to index
        %get3A_144 = tpu.vector_load %arg15[%get3A_143] {strides = array<i32>} : memref<800xf32, #tpu.memory_space<vmem>>, vector<16xf32>,
        %get3A_145 = vector.shape_cast %get3A_144 : vector<16xf32> to vector<16xf32>
        %add3A_146 = arith.addf %get3A_138, %get3A_145 : vector<16xf32>
        %ge3A = arith.constant 0.000000e+00 : f32
        %ge3A_147 = vector.broadcast %ge3A : f32 to vector<16xf32>
        %ge3A_148 = arith.cmpf oge, %add3A_146, %ge3A_147 : vector<16xf32>
        %mul3A_149 = arith.constant 2.000000e-01 : f32
        %mul3A_150 = vector.broadcast %mul3A_149 : f32 to vector<16xf32>
        %mul3A_151 = arith.mulf %mul3A_150, %add3A_146 : vector<16xf32>
        %select_n3A = arith.select %ge3A_148, %add3A_146, %mul3A_151 : vector<16xi1>, vector<16xf32>
        %exp3A = math.exp %select_n3A : vector<16xf32>
        %swap3A = arith.index_cast %mul3A_136 : i32 to index
        %swap3A_152 = tpu.vector_load %arg16[%swap3A] {strides = array<i32>} : memref<400xf32, #tpu.memory_space<vmem>>, vector<16xf32>,
        %swap3A_153 = vector.shape_cast %swap3A_152 : vector<16xf32> to vector<16xf32>
        %swap3A_154 = vector.shape_cast %exp3A : vector<16xf32> to vector<16xf32>
        tpu.vector_store %arg16[%swap3A], %swap3A_154 {strides = array<i32>} : memref<400xf32, #tpu.memory_space<vmem>>, vector<16xf32>,
      }
      %scan3A_90 = arith.constant 25 : i32
      %dma_wait3A_91 = arith.constant 0 : i32
      %dma_wait3A_92 = arith.constant 0 : i32
      %dma_wait3A_93 = tpu.memref_slice %arg3[%dma_wait3A_91, %dma_wait3A_92] : memref<50000x16xf32, #tpu.memory_space<hbm>> -> memref<50000x16xf32, #tpu.memory_space<hbm>>
      tpu.wait_indirect_dma semaphore(%arg22 : memref<!tpu.dma_semaphore, #tpu.memory_space<semaphore_mem>>) src(%dma_wait3A_93 : memref<50000x16xf32, #tpu.memory_space<hbm>>) dst(%arg17 : memref<400x16xf32, #tpu.memory_space<vmem>>)
      %scan3A_94 = arith.constant 0 : i32
      %scan3A_95 = arith.constant 0 : i32
      %scan3A_96 = arith.constant 25 : i32
      %scan3A_97 = arith.addi %scan3A_95, %scan3A_96 : i32
      %scan3A_98 = arith.constant 1 : i32
      scf.for %scan3A_134 = %scan3A_95 to %scan3A_97 step %scan3A_98  : i32 {
        %mul3A_135 = arith.constant 16 : i32
        %mul3A_136 = arith.muli %scan3A_134, %mul3A_135 : i32
        %get3A = arith.index_cast %mul3A_136 : i32 to index
        %get3A_137 = tpu.vector_load %arg16[%get3A] {strides = array<i32>} : memref<400xf32, #tpu.memory_space<vmem>>, vector<16xf32>,
        %get3A_138 = vector.shape_cast %get3A_137 : vector<16xf32> to vector<16xf32>
        %mul3A_139 = arith.constant 16 : i32
        %mul3A_140 = arith.muli %scan3A_134, %mul3A_139 : i32
        %add3A_141 = arith.constant 0 : i32
        %add3A_142 = arith.addi %mul3A_140, %add3A_141 : i32
        %get3A_143 = arith.index_cast %add3A_142 : i32 to index
        %get3A_144 = arith.constant 0 : index
        %get3A_145 = tpu.vector_load %arg17[%get3A_143, %get3A_144] {strides = array<i32>} : memref<400x16xf32, #tpu.memory_space<vmem>>, vector<1x16xf32>,
        %get3A_146 = vector.shape_cast %get3A_145 : vector<1x16xf32> to vector<16xf32>
        %slice3A = vector.extract_strided_slice %get3A_138 {offsets = [0], sizes = [1], strides = [1]} : vector<16xf32> to vector<1xf32>
        %squeeze3A = vector.extract %slice3A[0] : f32 from vector<1xf32>
        %mul3A_147 = vector.broadcast %squeeze3A : f32 to vector<16xf32>
        %mul3A_148 = arith.mulf %get3A_146, %mul3A_147 : vector<16xf32>
        %mul3A_149 = arith.constant 16 : i32
        %mul3A_150 = arith.muli %scan3A_134, %mul3A_149 : i32
        %add3A_151 = arith.constant 0 : i32
        %add3A_152 = arith.addi %mul3A_150, %add3A_151 : i32
        %swap3A = arith.index_cast %add3A_152 : i32 to index
        %swap3A_153 = arith.constant 0 : index
        %swap3A_154 = tpu.vector_load %arg17[%swap3A, %swap3A_153] {strides = array<i32>} : memref<400x16xf32, #tpu.memory_space<vmem>>, vector<1x16xf32>,
        %swap3A_155 = vector.shape_cast %swap3A_154 : vector<1x16xf32> to vector<16xf32>
        %swap3A_156 = vector.shape_cast %mul3A_148 : vector<16xf32> to vector<1x16xf32>
        tpu.vector_store %arg17[%swap3A, %swap3A_153], %swap3A_156 {strides = array<i32>} : memref<400x16xf32, #tpu.memory_space<vmem>>, vector<1x16xf32>,
        %mul3A_157 = arith.constant 16 : i32
        %mul3A_158 = arith.muli %scan3A_134, %mul3A_157 : i32
        %add3A_159 = arith.constant 1 : i32
        %add3A_160 = arith.addi %mul3A_158, %add3A_159 : i32
        %get3A_161 = arith.index_cast %add3A_160 : i32 to index
        %get3A_162 = arith.constant 0 : index
        %get3A_163 = tpu.vector_load %arg17[%get3A_161, %get3A_162] {strides = array<i32>} : memref<400x16xf32, #tpu.memory_space<vmem>>, vector<1x16xf32>,
        %get3A_164 = vector.shape_cast %get3A_163 : vector<1x16xf32> to vector<16xf32>
        %slice3A_165 = vector.extract_strided_slice %get3A_138 {offsets = [1], sizes = [1], strides = [1]} : vector<16xf32> to vector<1xf32>
        %squeeze3A_166 = vector.extract %slice3A_165[0] : f32 from vector<1xf32>
        %mul3A_167 = vector.broadcast %squeeze3A_166 : f32 to vector<16xf32>
        %mul3A_168 = arith.mulf %get3A_164, %mul3A_167 : vector<16xf32>
        %mul3A_169 = arith.constant 16 : i32
        %mul3A_170 = arith.muli %scan3A_134, %mul3A_169 : i32
        %add3A_171 = arith.constant 1 : i32
        %add3A_172 = arith.addi %mul3A_170, %add3A_171 : i32
        %swap3A_173 = arith.index_cast %add3A_172 : i32 to index
        %swap3A_174 = arith.constant 0 : index
        %swap3A_175 = tpu.vector_load %arg17[%swap3A_173, %swap3A_174] {strides = array<i32>} : memref<400x16xf32, #tpu.memory_space<vmem>>, vector<1x16xf32>,
        %swap3A_176 = vector.shape_cast %swap3A_175 : vector<1x16xf32> to vector<16xf32>
        %swap3A_177 = vector.shape_cast %mul3A_168 : vector<16xf32> to vector<1x16xf32>
        tpu.vector_store %arg17[%swap3A_173, %swap3A_174], %swap3A_177 {strides = array<i32>} : memref<400x16xf32, #tpu.memory_space<vmem>>, vector<1x16xf32>,
        %mul3A_178 = arith.constant 16 : i32
        %mul3A_179 = arith.muli %scan3A_134, %mul3A_178 : i32
        %add3A_180 = arith.constant 2 : i32
        %add3A_181 = arith.addi %mul3A_179, %add3A_180 : i32
        %get3A_182 = arith.index_cast %add3A_181 : i32 to index
        %get3A_183 = arith.constant 0 : index
        %get3A_184 = tpu.vector_load %arg17[%get3A_182, %get3A_183] {strides = array<i32>} : memref<400x16xf32, #tpu.memory_space<vmem>>, vector<1x16xf32>,
        %get3A_185 = vector.shape_cast %get3A_184 : vector<1x16xf32> to vector<16xf32>
        %slice3A_186 = vector.extract_strided_slice %get3A_138 {offsets = [2], sizes = [1], strides = [1]} : vector<16xf32> to vector<1xf32>
        %squeeze3A_187 = vector.extract %slice3A_186[0] : f32 from vector<1xf32>
        %mul3A_188 = vector.broadcast %squeeze3A_187 : f32 to vector<16xf32>
        %mul3A_189 = arith.mulf %get3A_185, %mul3A_188 : vector<16xf32>
        %mul3A_190 = arith.constant 16 : i32
        %mul3A_191 = arith.muli %scan3A_134, %mul3A_190 : i32
        %add3A_192 = arith.constant 2 : i32
        %add3A_193 = arith.addi %mul3A_191, %add3A_192 : i32
        %swap3A_194 = arith.index_cast %add3A_193 : i32 to index
        %swap3A_195 = arith.constant 0 : index
        %swap3A_196 = tpu.vector_load %arg17[%swap3A_194, %swap3A_195] {strides = array<i32>} : memref<400x16xf32, #tpu.memory_space<vmem>>, vector<1x16xf32>,
        %swap3A_197 = vector.shape_cast %swap3A_196 : vector<1x16xf32> to vector<16xf32>
        %swap3A_198 = vector.shape_cast %mul3A_189 : vector<16xf32> to vector<1x16xf32>
        tpu.vector_store %arg17[%swap3A_194, %swap3A_195], %swap3A_198 {strides = array<i32>} : memref<400x16xf32, #tpu.memory_space<vmem>>, vector<1x16xf32>,
        %mul3A_199 = arith.constant 16 : i32
        %mul3A_200 = arith.muli %scan3A_134, %mul3A_199 : i32
        %add3A_201 = arith.constant 3 : i32
        %add3A_202 = arith.addi %mul3A_200, %add3A_201 : i32
        %get3A_203 = arith.index_cast %add3A_202 : i32 to index
        %get3A_204 = arith.constant 0 : index
        %get3A_205 = tpu.vector_load %arg17[%get3A_203, %get3A_204] {strides = array<i32>} : memref<400x16xf32, #tpu.memory_space<vmem>>, vector<1x16xf32>,
        %get3A_206 = vector.shape_cast %get3A_205 : vector<1x16xf32> to vector<16xf32>
        %slice3A_207 = vector.extract_strided_slice %get3A_138 {offsets = [3], sizes = [1], strides = [1]} : vector<16xf32> to vector<1xf32>
        %squeeze3A_208 = vector.extract %slice3A_207[0] : f32 from vector<1xf32>
        %mul3A_209 = vector.broadcast %squeeze3A_208 : f32 to vector<16xf32>
        %mul3A_210 = arith.mulf %get3A_206, %mul3A_209 : vector<16xf32>
        %mul3A_211 = arith.constant 16 : i32
        %mul3A_212 = arith.muli %scan3A_134, %mul3A_211 : i32
        %add3A_213 = arith.constant 3 : i32
        %add3A_214 = arith.addi %mul3A_212, %add3A_213 : i32
        %swap3A_215 = arith.index_cast %add3A_214 : i32 to index
        %swap3A_216 = arith.constant 0 : index
        %swap3A_217 = tpu.vector_load %arg17[%swap3A_215, %swap3A_216] {strides = array<i32>} : memref<400x16xf32, #tpu.memory_space<vmem>>, vector<1x16xf32>,
        %swap3A_218 = vector.shape_cast %swap3A_217 : vector<1x16xf32> to vector<16xf32>
        %swap3A_219 = vector.shape_cast %mul3A_210 : vector<16xf32> to vector<1x16xf32>
        tpu.vector_store %arg17[%swap3A_215, %swap3A_216], %swap3A_219 {strides = array<i32>} : memref<400x16xf32, #tpu.memory_space<vmem>>, vector<1x16xf32>,
        %mul3A_220 = arith.constant 16 : i32
        %mul3A_221 = arith.muli %scan3A_134, %mul3A_220 : i32
        %add3A_222 = arith.constant 4 : i32
        %add3A_223 = arith.addi %mul3A_221, %add3A_222 : i32
        %get3A_224 = arith.index_cast %add3A_223 : i32 to index
        %get3A_225 = arith.constant 0 : index
        %get3A_226 = tpu.vector_load %arg17[%get3A_224, %get3A_225] {strides = array<i32>} : memref<400x16xf32, #tpu.memory_space<vmem>>, vector<1x16xf32>,
        %get3A_227 = vector.shape_cast %get3A_226 : vector<1x16xf32> to vector<16xf32>
        %slice3A_228 = vector.extract_strided_slice %get3A_138 {offsets = [4], sizes = [1], strides = [1]} : vector<16xf32> to vector<1xf32>
        %squeeze3A_229 = vector.extract %slice3A_228[0] : f32 from vector<1xf32>
        %mul3A_230 = vector.broadcast %squeeze3A_229 : f32 to vector<16xf32>
        %mul3A_231 = arith.mulf %get3A_227, %mul3A_230 : vector<16xf32>
        %mul3A_232 = arith.constant 16 : i32
        %mul3A_233 = arith.muli %scan3A_134, %mul3A_232 : i32
        %add3A_234 = arith.constant 4 : i32
        %add3A_235 = arith.addi %mul3A_233, %add3A_234 : i32
        %swap3A_236 = arith.index_cast %add3A_235 : i32 to index
        %swap3A_237 = arith.constant 0 : index
        %swap3A_238 = tpu.vector_load %arg17[%swap3A_236, %swap3A_237] {strides = array<i32>} : memref<400x16xf32, #tpu.memory_space<vmem>>, vector<1x16xf32>,
        %swap3A_239 = vector.shape_cast %swap3A_238 : vector<1x16xf32> to vector<16xf32>
        %swap3A_240 = vector.shape_cast %mul3A_231 : vector<16xf32> to vector<1x16xf32>
        tpu.vector_store %arg17[%swap3A_236, %swap3A_237], %swap3A_240 {strides = array<i32>} : memref<400x16xf32, #tpu.memory_space<vmem>>, vector<1x16xf32>,
        %mul3A_241 = arith.constant 16 : i32
        %mul3A_242 = arith.muli %scan3A_134, %mul3A_241 : i32
        %add3A_243 = arith.constant 5 : i32
        %add3A_244 = arith.addi %mul3A_242, %add3A_243 : i32
        %get3A_245 = arith.index_cast %add3A_244 : i32 to index
        %get3A_246 = arith.constant 0 : index
        %get3A_247 = tpu.vector_load %arg17[%get3A_245, %get3A_246] {strides = array<i32>} : memref<400x16xf32, #tpu.memory_space<vmem>>, vector<1x16xf32>,
        %get3A_248 = vector.shape_cast %get3A_247 : vector<1x16xf32> to vector<16xf32>
        %slice3A_249 = vector.extract_strided_slice %get3A_138 {offsets = [5], sizes = [1], strides = [1]} : vector<16xf32> to vector<1xf32>
        %squeeze3A_250 = vector.extract %slice3A_249[0] : f32 from vector<1xf32>
        %mul3A_251 = vector.broadcast %squeeze3A_250 : f32 to vector<16xf32>
        %mul3A_252 = arith.mulf %get3A_248, %mul3A_251 : vector<16xf32>
        %mul3A_253 = arith.constant 16 : i32
        %mul3A_254 = arith.muli %scan3A_134, %mul3A_253 : i32
        %add3A_255 = arith.constant 5 : i32
        %add3A_256 = arith.addi %mul3A_254, %add3A_255 : i32
        %swap3A_257 = arith.index_cast %add3A_256 : i32 to index
        %swap3A_258 = arith.constant 0 : index
        %swap3A_259 = tpu.vector_load %arg17[%swap3A_257, %swap3A_258] {strides = array<i32>} : memref<400x16xf32, #tpu.memory_space<vmem>>, vector<1x16xf32>,
        %swap3A_260 = vector.shape_cast %swap3A_259 : vector<1x16xf32> to vector<16xf32>
        %swap3A_261 = vector.shape_cast %mul3A_252 : vector<16xf32> to vector<1x16xf32>
        tpu.vector_store %arg17[%swap3A_257, %swap3A_258], %swap3A_261 {strides = array<i32>} : memref<400x16xf32, #tpu.memory_space<vmem>>, vector<1x16xf32>,
        %mul3A_262 = arith.constant 16 : i32
        %mul3A_263 = arith.muli %scan3A_134, %mul3A_262 : i32
        %add3A_264 = arith.constant 6 : i32
        %add3A_265 = arith.addi %mul3A_263, %add3A_264 : i32
        %get3A_266 = arith.index_cast %add3A_265 : i32 to index
        %get3A_267 = arith.constant 0 : index
        %get3A_268 = tpu.vector_load %arg17[%get3A_266, %get3A_267] {strides = array<i32>} : memref<400x16xf32, #tpu.memory_space<vmem>>, vector<1x16xf32>,
        %get3A_269 = vector.shape_cast %get3A_268 : vector<1x16xf32> to vector<16xf32>
        %slice3A_270 = vector.extract_strided_slice %get3A_138 {offsets = [6], sizes = [1], strides = [1]} : vector<16xf32> to vector<1xf32>
        %squeeze3A_271 = vector.extract %slice3A_270[0] : f32 from vector<1xf32>
        %mul3A_272 = vector.broadcast %squeeze3A_271 : f32 to vector<16xf32>
        %mul3A_273 = arith.mulf %get3A_269, %mul3A_272 : vector<16xf32>
        %mul3A_274 = arith.constant 16 : i32
        %mul3A_275 = arith.muli %scan3A_134, %mul3A_274 : i32
        %add3A_276 = arith.constant 6 : i32
        %add3A_277 = arith.addi %mul3A_275, %add3A_276 : i32
        %swap3A_278 = arith.index_cast %add3A_277 : i32 to index
        %swap3A_279 = arith.constant 0 : index
        %swap3A_280 = tpu.vector_load %arg17[%swap3A_278, %swap3A_279] {strides = array<i32>} : memref<400x16xf32, #tpu.memory_space<vmem>>, vector<1x16xf32>,
        %swap3A_281 = vector.shape_cast %swap3A_280 : vector<1x16xf32> to vector<16xf32>
        %swap3A_282 = vector.shape_cast %mul3A_273 : vector<16xf32> to vector<1x16xf32>
        tpu.vector_store %arg17[%swap3A_278, %swap3A_279], %swap3A_282 {strides = array<i32>} : memref<400x16xf32, #tpu.memory_space<vmem>>, vector<1x16xf32>,
        %mul3A_283 = arith.constant 16 : i32
        %mul3A_284 = arith.muli %scan3A_134, %mul3A_283 : i32
        %add3A_285 = arith.constant 7 : i32
        %add3A_286 = arith.addi %mul3A_284, %add3A_285 : i32
        %get3A_287 = arith.index_cast %add3A_286 : i32 to index
        %get3A_288 = arith.constant 0 : index
        %get3A_289 = tpu.vector_load %arg17[%get3A_287, %get3A_288] {strides = array<i32>} : memref<400x16xf32, #tpu.memory_space<vmem>>, vector<1x16xf32>,
        %get3A_290 = vector.shape_cast %get3A_289 : vector<1x16xf32> to vector<16xf32>
        %slice3A_291 = vector.extract_strided_slice %get3A_138 {offsets = [7], sizes = [1], strides = [1]} : vector<16xf32> to vector<1xf32>
        %squeeze3A_292 = vector.extract %slice3A_291[0] : f32 from vector<1xf32>
        %mul3A_293 = vector.broadcast %squeeze3A_292 : f32 to vector<16xf32>
        %mul3A_294 = arith.mulf %get3A_290, %mul3A_293 : vector<16xf32>
        %mul3A_295 = arith.constant 16 : i32
        %mul3A_296 = arith.muli %scan3A_134, %mul3A_295 : i32
        %add3A_297 = arith.constant 7 : i32
        %add3A_298 = arith.addi %mul3A_296, %add3A_297 : i32
        %swap3A_299 = arith.index_cast %add3A_298 : i32 to index
        %swap3A_300 = arith.constant 0 : index
        %swap3A_301 = tpu.vector_load %arg17[%swap3A_299, %swap3A_300] {strides = array<i32>} : memref<400x16xf32, #tpu.memory_space<vmem>>, vector<1x16xf32>,
        %swap3A_302 = vector.shape_cast %swap3A_301 : vector<1x16xf32> to vector<16xf32>
        %swap3A_303 = vector.shape_cast %mul3A_294 : vector<16xf32> to vector<1x16xf32>
        tpu.vector_store %arg17[%swap3A_299, %swap3A_300], %swap3A_303 {strides = array<i32>} : memref<400x16xf32, #tpu.memory_space<vmem>>, vector<1x16xf32>,
        %mul3A_304 = arith.constant 16 : i32
        %mul3A_305 = arith.muli %scan3A_134, %mul3A_304 : i32
        %add3A_306 = arith.constant 8 : i32
        %add3A_307 = arith.addi %mul3A_305, %add3A_306 : i32
        %get3A_308 = arith.index_cast %add3A_307 : i32 to index
        %get3A_309 = arith.constant 0 : index
        %get3A_310 = tpu.vector_load %arg17[%get3A_308, %get3A_309] {strides = array<i32>} : memref<400x16xf32, #tpu.memory_space<vmem>>, vector<1x16xf32>,
        %get3A_311 = vector.shape_cast %get3A_310 : vector<1x16xf32> to vector<16xf32>
        %slice3A_312 = vector.extract_strided_slice %get3A_138 {offsets = [8], sizes = [1], strides = [1]} : vector<16xf32> to vector<1xf32>
        %squeeze3A_313 = vector.extract %slice3A_312[0] : f32 from vector<1xf32>
        %mul3A_314 = vector.broadcast %squeeze3A_313 : f32 to vector<16xf32>
        %mul3A_315 = arith.mulf %get3A_311, %mul3A_314 : vector<16xf32>
        %mul3A_316 = arith.constant 16 : i32
        %mul3A_317 = arith.muli %scan3A_134, %mul3A_316 : i32
        %add3A_318 = arith.constant 8 : i32
        %add3A_319 = arith.addi %mul3A_317, %add3A_318 : i32
        %swap3A_320 = arith.index_cast %add3A_319 : i32 to index
        %swap3A_321 = arith.constant 0 : index
        %swap3A_322 = tpu.vector_load %arg17[%swap3A_320, %swap3A_321] {strides = array<i32>} : memref<400x16xf32, #tpu.memory_space<vmem>>, vector<1x16xf32>,
        %swap3A_323 = vector.shape_cast %swap3A_322 : vector<1x16xf32> to vector<16xf32>
        %swap3A_324 = vector.shape_cast %mul3A_315 : vector<16xf32> to vector<1x16xf32>
        tpu.vector_store %arg17[%swap3A_320, %swap3A_321], %swap3A_324 {strides = array<i32>} : memref<400x16xf32, #tpu.memory_space<vmem>>, vector<1x16xf32>,
        %mul3A_325 = arith.constant 16 : i32
        %mul3A_326 = arith.muli %scan3A_134, %mul3A_325 : i32
        %add3A_327 = arith.constant 9 : i32
        %add3A_328 = arith.addi %mul3A_326, %add3A_327 : i32
        %get3A_329 = arith.index_cast %add3A_328 : i32 to index
        %get3A_330 = arith.constant 0 : index
        %get3A_331 = tpu.vector_load %arg17[%get3A_329, %get3A_330] {strides = array<i32>} : memref<400x16xf32, #tpu.memory_space<vmem>>, vector<1x16xf32>,
        %get3A_332 = vector.shape_cast %get3A_331 : vector<1x16xf32> to vector<16xf32>
        %slice3A_333 = vector.extract_strided_slice %get3A_138 {offsets = [9], sizes = [1], strides = [1]} : vector<16xf32> to vector<1xf32>
        %squeeze3A_334 = vector.extract %slice3A_333[0] : f32 from vector<1xf32>
        %mul3A_335 = vector.broadcast %squeeze3A_334 : f32 to vector<16xf32>
        %mul3A_336 = arith.mulf %get3A_332, %mul3A_335 : vector<16xf32>
        %mul3A_337 = arith.constant 16 : i32
        %mul3A_338 = arith.muli %scan3A_134, %mul3A_337 : i32
        %add3A_339 = arith.constant 9 : i32
        %add3A_340 = arith.addi %mul3A_338, %add3A_339 : i32
        %swap3A_341 = arith.index_cast %add3A_340 : i32 to index
        %swap3A_342 = arith.constant 0 : index
        %swap3A_343 = tpu.vector_load %arg17[%swap3A_341, %swap3A_342] {strides = array<i32>} : memref<400x16xf32, #tpu.memory_space<vmem>>, vector<1x16xf32>,
        %swap3A_344 = vector.shape_cast %swap3A_343 : vector<1x16xf32> to vector<16xf32>
        %swap3A_345 = vector.shape_cast %mul3A_336 : vector<16xf32> to vector<1x16xf32>
        tpu.vector_store %arg17[%swap3A_341, %swap3A_342], %swap3A_345 {strides = array<i32>} : memref<400x16xf32, #tpu.memory_space<vmem>>, vector<1x16xf32>,
        %mul3A_346 = arith.constant 16 : i32
        %mul3A_347 = arith.muli %scan3A_134, %mul3A_346 : i32
        %add3A_348 = arith.constant 10 : i32
        %add3A_349 = arith.addi %mul3A_347, %add3A_348 : i32
        %get3A_350 = arith.index_cast %add3A_349 : i32 to index
        %get3A_351 = arith.constant 0 : index
        %get3A_352 = tpu.vector_load %arg17[%get3A_350, %get3A_351] {strides = array<i32>} : memref<400x16xf32, #tpu.memory_space<vmem>>, vector<1x16xf32>,
        %get3A_353 = vector.shape_cast %get3A_352 : vector<1x16xf32> to vector<16xf32>
        %slice3A_354 = vector.extract_strided_slice %get3A_138 {offsets = [10], sizes = [1], strides = [1]} : vector<16xf32> to vector<1xf32>
        %squeeze3A_355 = vector.extract %slice3A_354[0] : f32 from vector<1xf32>
        %mul3A_356 = vector.broadcast %squeeze3A_355 : f32 to vector<16xf32>
        %mul3A_357 = arith.mulf %get3A_353, %mul3A_356 : vector<16xf32>
        %mul3A_358 = arith.constant 16 : i32
        %mul3A_359 = arith.muli %scan3A_134, %mul3A_358 : i32
        %add3A_360 = arith.constant 10 : i32
        %add3A_361 = arith.addi %mul3A_359, %add3A_360 : i32
        %swap3A_362 = arith.index_cast %add3A_361 : i32 to index
        %swap3A_363 = arith.constant 0 : index
        %swap3A_364 = tpu.vector_load %arg17[%swap3A_362, %swap3A_363] {strides = array<i32>} : memref<400x16xf32, #tpu.memory_space<vmem>>, vector<1x16xf32>,
        %swap3A_365 = vector.shape_cast %swap3A_364 : vector<1x16xf32> to vector<16xf32>
        %swap3A_366 = vector.shape_cast %mul3A_357 : vector<16xf32> to vector<1x16xf32>
        tpu.vector_store %arg17[%swap3A_362, %swap3A_363], %swap3A_366 {strides = array<i32>} : memref<400x16xf32, #tpu.memory_space<vmem>>, vector<1x16xf32>,
        %mul3A_367 = arith.constant 16 : i32
        %mul3A_368 = arith.muli %scan3A_134, %mul3A_367 : i32
        %add3A_369 = arith.constant 11 : i32
        %add3A_370 = arith.addi %mul3A_368, %add3A_369 : i32
        %get3A_371 = arith.index_cast %add3A_370 : i32 to index
        %get3A_372 = arith.constant 0 : index
        %get3A_373 = tpu.vector_load %arg17[%get3A_371, %get3A_372] {strides = array<i32>} : memref<400x16xf32, #tpu.memory_space<vmem>>, vector<1x16xf32>,
        %get3A_374 = vector.shape_cast %get3A_373 : vector<1x16xf32> to vector<16xf32>
        %slice3A_375 = vector.extract_strided_slice %get3A_138 {offsets = [11], sizes = [1], strides = [1]} : vector<16xf32> to vector<1xf32>
        %squeeze3A_376 = vector.extract %slice3A_375[0] : f32 from vector<1xf32>
        %mul3A_377 = vector.broadcast %squeeze3A_376 : f32 to vector<16xf32>
        %mul3A_378 = arith.mulf %get3A_374, %mul3A_377 : vector<16xf32>
        %mul3A_379 = arith.constant 16 : i32
        %mul3A_380 = arith.muli %scan3A_134, %mul3A_379 : i32
        %add3A_381 = arith.constant 11 : i32
        %add3A_382 = arith.addi %mul3A_380, %add3A_381 : i32
        %swap3A_383 = arith.index_cast %add3A_382 : i32 to index
        %swap3A_384 = arith.constant 0 : index
        %swap3A_385 = tpu.vector_load %arg17[%swap3A_383, %swap3A_384] {strides = array<i32>} : memref<400x16xf32, #tpu.memory_space<vmem>>, vector<1x16xf32>,
        %swap3A_386 = vector.shape_cast %swap3A_385 : vector<1x16xf32> to vector<16xf32>
        %swap3A_387 = vector.shape_cast %mul3A_378 : vector<16xf32> to vector<1x16xf32>
        tpu.vector_store %arg17[%swap3A_383, %swap3A_384], %swap3A_387 {strides = array<i32>} : memref<400x16xf32, #tpu.memory_space<vmem>>, vector<1x16xf32>,
        %mul3A_388 = arith.constant 16 : i32
        %mul3A_389 = arith.muli %scan3A_134, %mul3A_388 : i32
        %add3A_390 = arith.constant 12 : i32
        %add3A_391 = arith.addi %mul3A_389, %add3A_390 : i32
        %get3A_392 = arith.index_cast %add3A_391 : i32 to index
        %get3A_393 = arith.constant 0 : index
        %get3A_394 = tpu.vector_load %arg17[%get3A_392, %get3A_393] {strides = array<i32>} : memref<400x16xf32, #tpu.memory_space<vmem>>, vector<1x16xf32>,
        %get3A_395 = vector.shape_cast %get3A_394 : vector<1x16xf32> to vector<16xf32>
        %slice3A_396 = vector.extract_strided_slice %get3A_138 {offsets = [12], sizes = [1], strides = [1]} : vector<16xf32> to vector<1xf32>
        %squeeze3A_397 = vector.extract %slice3A_396[0] : f32 from vector<1xf32>
        %mul3A_398 = vector.broadcast %squeeze3A_397 : f32 to vector<16xf32>
        %mul3A_399 = arith.mulf %get3A_395, %mul3A_398 : vector<16xf32>
        %mul3A_400 = arith.constant 16 : i32
        %mul3A_401 = arith.muli %scan3A_134, %mul3A_400 : i32
        %add3A_402 = arith.constant 12 : i32
        %add3A_403 = arith.addi %mul3A_401, %add3A_402 : i32
        %swap3A_404 = arith.index_cast %add3A_403 : i32 to index
        %swap3A_405 = arith.constant 0 : index
        %swap3A_406 = tpu.vector_load %arg17[%swap3A_404, %swap3A_405] {strides = array<i32>} : memref<400x16xf32, #tpu.memory_space<vmem>>, vector<1x16xf32>,
        %swap3A_407 = vector.shape_cast %swap3A_406 : vector<1x16xf32> to vector<16xf32>
        %swap3A_408 = vector.shape_cast %mul3A_399 : vector<16xf32> to vector<1x16xf32>
        tpu.vector_store %arg17[%swap3A_404, %swap3A_405], %swap3A_408 {strides = array<i32>} : memref<400x16xf32, #tpu.memory_space<vmem>>, vector<1x16xf32>,
        %mul3A_409 = arith.constant 16 : i32
        %mul3A_410 = arith.muli %scan3A_134, %mul3A_409 : i32
        %add3A_411 = arith.constant 13 : i32
        %add3A_412 = arith.addi %mul3A_410, %add3A_411 : i32
        %get3A_413 = arith.index_cast %add3A_412 : i32 to index
        %get3A_414 = arith.constant 0 : index
        %get3A_415 = tpu.vector_load %arg17[%get3A_413, %get3A_414] {strides = array<i32>} : memref<400x16xf32, #tpu.memory_space<vmem>>, vector<1x16xf32>,
        %get3A_416 = vector.shape_cast %get3A_415 : vector<1x16xf32> to vector<16xf32>
        %slice3A_417 = vector.extract_strided_slice %get3A_138 {offsets = [13], sizes = [1], strides = [1]} : vector<16xf32> to vector<1xf32>
        %squeeze3A_418 = vector.extract %slice3A_417[0] : f32 from vector<1xf32>
        %mul3A_419 = vector.broadcast %squeeze3A_418 : f32 to vector<16xf32>
        %mul3A_420 = arith.mulf %get3A_416, %mul3A_419 : vector<16xf32>
        %mul3A_421 = arith.constant 16 : i32
        %mul3A_422 = arith.muli %scan3A_134, %mul3A_421 : i32
        %add3A_423 = arith.constant 13 : i32
        %add3A_424 = arith.addi %mul3A_422, %add3A_423 : i32
        %swap3A_425 = arith.index_cast %add3A_424 : i32 to index
        %swap3A_426 = arith.constant 0 : index
        %swap3A_427 = tpu.vector_load %arg17[%swap3A_425, %swap3A_426] {strides = array<i32>} : memref<400x16xf32, #tpu.memory_space<vmem>>, vector<1x16xf32>,
        %swap3A_428 = vector.shape_cast %swap3A_427 : vector<1x16xf32> to vector<16xf32>
        %swap3A_429 = vector.shape_cast %mul3A_420 : vector<16xf32> to vector<1x16xf32>
        tpu.vector_store %arg17[%swap3A_425, %swap3A_426], %swap3A_429 {strides = array<i32>} : memref<400x16xf32, #tpu.memory_space<vmem>>, vector<1x16xf32>,
        %mul3A_430 = arith.constant 16 : i32
        %mul3A_431 = arith.muli %scan3A_134, %mul3A_430 : i32
        %add3A_432 = arith.constant 14 : i32
        %add3A_433 = arith.addi %mul3A_431, %add3A_432 : i32
        %get3A_434 = arith.index_cast %add3A_433 : i32 to index
        %get3A_435 = arith.constant 0 : index
        %get3A_436 = tpu.vector_load %arg17[%get3A_434, %get3A_435] {strides = array<i32>} : memref<400x16xf32, #tpu.memory_space<vmem>>, vector<1x16xf32>,
        %get3A_437 = vector.shape_cast %get3A_436 : vector<1x16xf32> to vector<16xf32>
        %slice3A_438 = vector.extract_strided_slice %get3A_138 {offsets = [14], sizes = [1], strides = [1]} : vector<16xf32> to vector<1xf32>
        %squeeze3A_439 = vector.extract %slice3A_438[0] : f32 from vector<1xf32>
        %mul3A_440 = vector.broadcast %squeeze3A_439 : f32 to vector<16xf32>
        %mul3A_441 = arith.mulf %get3A_437, %mul3A_440 : vector<16xf32>
        %mul3A_442 = arith.constant 16 : i32
        %mul3A_443 = arith.muli %scan3A_134, %mul3A_442 : i32
        %add3A_444 = arith.constant 14 : i32
        %add3A_445 = arith.addi %mul3A_443, %add3A_444 : i32
        %swap3A_446 = arith.index_cast %add3A_445 : i32 to index
        %swap3A_447 = arith.constant 0 : index
        %swap3A_448 = tpu.vector_load %arg17[%swap3A_446, %swap3A_447] {strides = array<i32>} : memref<400x16xf32, #tpu.memory_space<vmem>>, vector<1x16xf32>,
        %swap3A_449 = vector.shape_cast %swap3A_448 : vector<1x16xf32> to vector<16xf32>
        %swap3A_450 = vector.shape_cast %mul3A_441 : vector<16xf32> to vector<1x16xf32>
        tpu.vector_store %arg17[%swap3A_446, %swap3A_447], %swap3A_450 {strides = array<i32>} : memref<400x16xf32, #tpu.memory_space<vmem>>, vector<1x16xf32>,
        %mul3A_451 = arith.constant 16 : i32
        %mul3A_452 = arith.muli %scan3A_134, %mul3A_451 : i32
        %add3A_453 = arith.constant 15 : i32
        %add3A_454 = arith.addi %mul3A_452, %add3A_453 : i32
        %get3A_455 = arith.index_cast %add3A_454 : i32 to index
        %get3A_456 = arith.constant 0 : index
        %get3A_457 = tpu.vector_load %arg17[%get3A_455, %get3A_456] {strides = array<i32>} : memref<400x16xf32, #tpu.memory_space<vmem>>, vector<1x16xf32>,
        %get3A_458 = vector.shape_cast %get3A_457 : vector<1x16xf32> to vector<16xf32>
        %slice3A_459 = vector.extract_strided_slice %get3A_138 {offsets = [15], sizes = [1], strides = [1]} : vector<16xf32> to vector<1xf32>
        %squeeze3A_460 = vector.extract %slice3A_459[0] : f32 from vector<1xf32>
        %mul3A_461 = vector.broadcast %squeeze3A_460 : f32 to vector<16xf32>
        %mul3A_462 = arith.mulf %get3A_458, %mul3A_461 : vector<16xf32>
        %mul3A_463 = arith.constant 16 : i32
        %mul3A_464 = arith.muli %scan3A_134, %mul3A_463 : i32
        %add3A_465 = arith.constant 15 : i32
        %add3A_466 = arith.addi %mul3A_464, %add3A_465 : i32
        %swap3A_467 = arith.index_cast %add3A_466 : i32 to index
        %swap3A_468 = arith.constant 0 : index
        %swap3A_469 = tpu.vector_load %arg17[%swap3A_467, %swap3A_468] {strides = array<i32>} : memref<400x16xf32, #tpu.memory_space<vmem>>, vector<1x16xf32>,
        %swap3A_470 = vector.shape_cast %swap3A_469 : vector<1x16xf32> to vector<16xf32>
        %swap3A_471 = vector.shape_cast %mul3A_462 : vector<16xf32> to vector<1x16xf32>
        tpu.vector_store %arg17[%swap3A_467, %swap3A_468], %swap3A_471 {strides = array<i32>} : memref<400x16xf32, #tpu.memory_space<vmem>>, vector<1x16xf32>,
      }
      %scan3A_99 = arith.constant 25 : i32
      %dma_start3A_100 = arith.constant 0 : i32
      %dma_start3A_101 = arith.constant 0 : i32
      %dma_start3A_102 = tpu.memref_slice %arg9[%dma_start3A_100, %dma_start3A_101] : memref<100096x16xf32, #tpu.memory_space<vmem_shared>> -> memref<100096x16xf32, #tpu.memory_space<vmem_shared>>
      tpu.enqueue_indirect_dma source(%arg17 : memref<400x16xf32, #tpu.memory_space<vmem>>) target(%dma_start3A_102 : memref<100096x16xf32, #tpu.memory_space<vmem_shared>>) offsets(%arg14 : memref<400xi32, #tpu.memory_space<vmem>>) semaphore(%arg23 : memref<!tpu.dma_semaphore, #tpu.memory_space<semaphore_mem>>) {add = true}
      %dma_start3A_103 = arith.constant 0 : i32
      %dma_start3A_104 = tpu.memref_slice %arg10[%dma_start3A_103] : memref<100096xf32, #tpu.memory_space<vmem_shared>> -> memref<100096xf32, #tpu.memory_space<vmem_shared>>
      tpu.enqueue_indirect_dma source(%arg16 : memref<400xf32, #tpu.memory_space<vmem>>) target(%dma_start3A_104 : memref<100096xf32, #tpu.memory_space<vmem_shared>>) offsets(%arg14 : memref<400xi32, #tpu.memory_space<vmem>>) semaphore(%arg23 : memref<!tpu.dma_semaphore, #tpu.memory_space<semaphore_mem>>) {add = true}
      %add3A_105 = arith.constant 2 : i32
      %add3A_106 = arith.addi %mul3A_59, %add3A_105 : i32
      %lt3A_107 = arith.constant 64 : i32
      %lt3A_108 = arith.cmpi slt, %add3A_106, %lt3A_107 : i32
      %convert_element_type3A_109 = arith.extui %lt3A_108 : i1 to i32
      %cond3A_110 = arith.constant 0 : i32
      %cond3A_111 = arith.cmpi ne, %convert_element_type3A_109, %cond3A_110 : i32
      scf.if %cond3A_111 {
        %dma_wait3A_134 = arith.constant 0 : i32
        %dma_wait3A_135 = tpu.memref_slice %arg4[%dma_wait3A_134, %mul3A_2] : memref<3x819200xi32, #tpu.memory_space<hbm>> -> memref<3x400xi32, #tpu.memory_space<hbm>>
        %dma_wait3A_136 = arith.constant 0 : i32
        %dma_wait3A_137 = tpu.memref_slice %arg4[%dma_wait3A_136, %mul3A_2] : memref<3x819200xi32, #tpu.memory_space<hbm>> -> memref<3x400xi32, #tpu.memory_space<hbm>>
        tpu.wait_dma2 semaphore(%arg20 : memref<!tpu.dma_semaphore, #tpu.memory_space<semaphore_mem>>) src(%dma_wait3A_137 : memref<3x400xi32, #tpu.memory_space<hbm>>) dst(%arg11 : memref<3x400xi32, #tpu.memory_space<vmem>>)
        %dma_wait3A_138 = arith.constant 0 : i32
        %dma_wait3A_139 = arith.constant 0 : i32
        %dma_wait3A_140 = tpu.memref_slice %arg9[%dma_wait3A_138, %dma_wait3A_139] : memref<100096x16xf32, #tpu.memory_space<vmem_shared>> -> memref<100096x16xf32, #tpu.memory_space<vmem_shared>>
        tpu.wait_indirect_dma semaphore(%arg23 : memref<!tpu.dma_semaphore, #tpu.memory_space<semaphore_mem>>) src(%arg17 : memref<400x16xf32, #tpu.memory_space<vmem>>) dst(%dma_wait3A_140 : memref<100096x16xf32, #tpu.memory_space<vmem_shared>>)
        %dma_wait3A_141 = arith.constant 0 : i32
        %dma_wait3A_142 = tpu.memref_slice %arg10[%dma_wait3A_141] : memref<100096xf32, #tpu.memory_space<vmem_shared>> -> memref<100096xf32, #tpu.memory_space<vmem_shared>>
        tpu.wait_indirect_dma semaphore(%arg23 : memref<!tpu.dma_semaphore, #tpu.memory_space<semaphore_mem>>) src(%arg16 : memref<400xf32, #tpu.memory_space<vmem>>) dst(%dma_wait3A_142 : memref<100096xf32, #tpu.memory_space<vmem_shared>>)
        %scan3A_143 = arith.constant 0 : i32
        %scan3A_144 = arith.constant 0 : i32
        %scan3A_145 = arith.constant 25 : i32
        %scan3A_146 = arith.addi %scan3A_144, %scan3A_145 : i32
        %scan3A_147 = arith.constant 1 : i32
        scf.for %scan3A_163 = %scan3A_144 to %scan3A_146 step %scan3A_147  : i32 {
          %mul3A_164 = arith.constant 16 : i32
          %mul3A_165 = arith.muli %scan3A_163, %mul3A_164 : i32
          %get3A = arith.constant 0 : i32
          %get3A_166 = arith.index_cast %get3A : i32 to index
          %get3A_167 = arith.index_cast %mul3A_165 : i32 to index
          %get3A_168 = tpu.vector_load %arg11[%get3A_166, %get3A_167] {strides = array<i32>} : memref<3x400xi32, #tpu.memory_space<vmem>>, vector<1x16xi32>,
          %get3A_169 = vector.shape_cast %get3A_168 : vector<1x16xi32> to vector<16xi32>
          %get3A_170 = arith.constant 1 : i32
          %get3A_171 = arith.index_cast %get3A_170 : i32 to index
          %get3A_172 = arith.index_cast %mul3A_165 : i32 to index
          %get3A_173 = tpu.vector_load %arg11[%get3A_171, %get3A_172] {strides = array<i32>} : memref<3x400xi32, #tpu.memory_space<vmem>>, vector<1x16xi32>,
          %get3A_174 = vector.shape_cast %get3A_173 : vector<1x16xi32> to vector<16xi32>
          %get3A_175 = arith.constant 2 : i32
          %get3A_176 = arith.index_cast %get3A_175 : i32 to index
          %get3A_177 = arith.index_cast %mul3A_165 : i32 to index
          %get3A_178 = tpu.vector_load %arg11[%get3A_176, %get3A_177] {strides = array<i32>} : memref<3x400xi32, #tpu.memory_space<vmem>>, vector<1x16xi32>,
          %get3A_179 = vector.shape_cast %get3A_178 : vector<1x16xi32> to vector<16xi32>
          %mul3A_180 = arith.constant 2 : i32
          %mul3A_181 = vector.broadcast %mul3A_180 : i32 to vector<16xi32>
          %mul3A_182 = arith.muli %mul3A_181, %get3A_174 : vector<16xi32>
          %add3A_183 = arith.addi %mul3A_182, %get3A_179 : vector<16xi32>
          %mul3A_184 = arith.constant 2 : i32
          %mul3A_185 = vector.broadcast %mul3A_184 : i32 to vector<16xi32>
          %mul3A_186 = arith.muli %mul3A_185, %get3A_169 : vector<16xi32>
          %add3A_187 = arith.addi %mul3A_186, %get3A_179 : vector<16xi32>
          %min3A = arith.constant 99999 : i32
          %min3A_188 = vector.broadcast %min3A : i32 to vector<16xi32>
          %min3A_189 = arith.minsi %add3A_183, %min3A_188 : vector<16xi32>
          %swap3A = arith.index_cast %mul3A_165 : i32 to index
          %swap3A_190 = tpu.vector_load %arg12[%swap3A] {strides = array<i32>} : memref<800xi32, #tpu.memory_space<vmem>>, vector<16xi32>,
          %swap3A_191 = vector.shape_cast %swap3A_190 : vector<16xi32> to vector<16xi32>
          %swap3A_192 = vector.shape_cast %min3A_189 : vector<16xi32> to vector<16xi32>
          tpu.vector_store %arg12[%swap3A], %swap3A_192 {strides = array<i32>} : memref<800xi32, #tpu.memory_space<vmem>>, vector<16xi32>,
          %add3A_193 = arith.constant 100000 : i32
          %add3A_194 = vector.broadcast %add3A_193 : i32 to vector<16xi32>
          %add3A_195 = arith.addi %add3A_194, %add3A_187 : vector<16xi32>
          %mul3A_196 = arith.constant 16 : i32
          %mul3A_197 = arith.muli %scan3A_163, %mul3A_196 : i32
          %add3A_198 = arith.constant 400 : i32
          %add3A_199 = arith.addi %add3A_198, %mul3A_197 : i32
          %swap3A_200 = arith.index_cast %add3A_199 : i32 to index
          %swap3A_201 = tpu.vector_load %arg12[%swap3A_200] {strides = array<i32>} : memref<800xi32, #tpu.memory_space<vmem>>, vector<16xi32>,
          %swap3A_202 = vector.shape_cast %swap3A_201 : vector<16xi32> to vector<16xi32>
          %swap3A_203 = vector.shape_cast %add3A_195 : vector<16xi32> to vector<16xi32>
          tpu.vector_store %arg12[%swap3A_200], %swap3A_203 {strides = array<i32>} : memref<800xi32, #tpu.memory_space<vmem>>, vector<16xi32>,
          %swap3A_204 = arith.index_cast %mul3A_165 : i32 to index
          %swap3A_205 = tpu.vector_load %arg13[%swap3A_204] {strides = array<i32>} : memref<400xi32, #tpu.memory_space<vmem>>, vector<16xi32>,
          %swap3A_206 = vector.shape_cast %swap3A_205 : vector<16xi32> to vector<16xi32>
          %swap3A_207 = vector.shape_cast %get3A_169 : vector<16xi32> to vector<16xi32>
          tpu.vector_store %arg13[%swap3A_204], %swap3A_207 {strides = array<i32>} : memref<400xi32, #tpu.memory_space<vmem>>, vector<16xi32>,
          %swap3A_208 = arith.index_cast %mul3A_165 : i32 to index
          %swap3A_209 = tpu.vector_load %arg14[%swap3A_208] {strides = array<i32>} : memref<400xi32, #tpu.memory_space<vmem>>, vector<16xi32>,
          %swap3A_210 = vector.shape_cast %swap3A_209 : vector<16xi32> to vector<16xi32>
          %swap3A_211 = vector.shape_cast %add3A_183 : vector<16xi32> to vector<16xi32>
          tpu.vector_store %arg14[%swap3A_208], %swap3A_211 {strides = array<i32>} : memref<400xi32, #tpu.memory_space<vmem>>, vector<16xi32>,
        }
        %scan3A_148 = arith.constant 25 : i32
        %dma_start3A_149 = arith.constant 0 : i32
        %dma_start3A_150 = arith.constant 0 : i32
        %dma_start3A_151 = tpu.memref_slice %arg3[%dma_start3A_149, %dma_start3A_150] : memref<50000x16xf32, #tpu.memory_space<hbm>> -> memref<50000x16xf32, #tpu.memory_space<hbm>>
        tpu.enqueue_indirect_dma source(%dma_start3A_151 : memref<50000x16xf32, #tpu.memory_space<hbm>>) target(%arg17 : memref<400x16xf32, #tpu.memory_space<vmem>>) offsets(%arg13 : memref<400xi32, #tpu.memory_space<vmem>>) semaphore(%arg22 : memref<!tpu.dma_semaphore, #tpu.memory_space<semaphore_mem>>)
        %dma_start3A_152 = arith.constant 0 : i32
        %dma_start3A_153 = tpu.memref_slice %arg2[%dma_start3A_152] : memref<200000xf32, #tpu.memory_space<hbm>> -> memref<200000xf32, #tpu.memory_space<hbm>>
        tpu.enqueue_indirect_dma source(%dma_start3A_153 : memref<200000xf32, #tpu.memory_space<hbm>>) target(%arg15 : memref<800xf32, #tpu.memory_space<vmem>>) offsets(%arg12 : memref<800xi32, #tpu.memory_space<vmem>>) semaphore(%arg21 : memref<!tpu.dma_semaphore, #tpu.memory_space<semaphore_mem>>)
        %add3A_154 = arith.constant 3 : i32
        %add3A_155 = arith.addi %mul3A_59, %add3A_154 : i32
        %mul3A_156 = arith.constant 400 : i32
        %mul3A_157 = arith.muli %add3A_155, %mul3A_156 : i32
        %add3A_158 = arith.addi %mul3A_2, %mul3A_157 : i32
        %dma_start3A_159 = arith.constant 0 : i32
        %dma_start3A_160 = tpu.memref_slice %arg4[%dma_start3A_159, %add3A_158] : memref<3x819200xi32, #tpu.memory_space<hbm>> -> memref<3x400xi32, #tpu.memory_space<hbm>>
        %dma_start3A_161 = arith.constant 0 : i32
        %dma_start3A_162 = tpu.memref_slice %arg4[%dma_start3A_161, %add3A_158] : memref<3x819200xi32, #tpu.memory_space<hbm>> -> memref<3x400xi32, #tpu.memory_space<hbm>>
        tpu.enqueue_dma source(%dma_start3A_162 : memref<3x400xi32, #tpu.memory_space<hbm>>) target(%arg24 : memref<3x400xi32, #tpu.memory_space<vmem>>) target_semaphore(%arg33 : memref<!tpu.dma_semaphore, #tpu.memory_space<semaphore_mem>>)
      } else {
      }
      %dma_wait3A_112 = arith.constant 0 : i32
      %dma_wait3A_113 = tpu.memref_slice %arg2[%dma_wait3A_112] : memref<200000xf32, #tpu.memory_space<hbm>> -> memref<200000xf32, #tpu.memory_space<hbm>>
      tpu.wait_indirect_dma semaphore(%arg34 : memref<!tpu.dma_semaphore, #tpu.memory_space<semaphore_mem>>) src(%dma_wait3A_113 : memref<200000xf32, #tpu.memory_space<hbm>>) dst(%arg28 : memref<800xf32, #tpu.memory_space<vmem>>)
      %scan3A_114 = arith.constant 0 : i32
      %scan3A_115 = arith.constant 0 : i32
      %scan3A_116 = arith.constant 25 : i32
      %scan3A_117 = arith.addi %scan3A_115, %scan3A_116 : i32
      %scan3A_118 = arith.constant 1 : i32
      scf.for %scan3A_134 = %scan3A_115 to %scan3A_117 step %scan3A_118  : i32 {
        %mul3A_135 = arith.constant 16 : i32
        %mul3A_136 = arith.muli %scan3A_134, %mul3A_135 : i32
        %get3A = arith.index_cast %mul3A_136 : i32 to index
        %get3A_137 = tpu.vector_load %arg28[%get3A] {strides = array<i32>} : memref<800xf32, #tpu.memory_space<vmem>>, vector<16xf32>,
        %get3A_138 = vector.shape_cast %get3A_137 : vector<16xf32> to vector<16xf32>
        %mul3A_139 = arith.constant 16 : i32
        %mul3A_140 = arith.muli %scan3A_134, %mul3A_139 : i32
        %add3A_141 = arith.constant 400 : i32
        %add3A_142 = arith.addi %add3A_141, %mul3A_140 : i32
        %get3A_143 = arith.index_cast %add3A_142 : i32 to index
        %get3A_144 = tpu.vector_load %arg28[%get3A_143] {strides = array<i32>} : memref<800xf32, #tpu.memory_space<vmem>>, vector<16xf32>,
        %get3A_145 = vector.shape_cast %get3A_144 : vector<16xf32> to vector<16xf32>
        %add3A_146 = arith.addf %get3A_138, %get3A_145 : vector<16xf32>
        %ge3A = arith.constant 0.000000e+00 : f32
        %ge3A_147 = vector.broadcast %ge3A : f32 to vector<16xf32>
        %ge3A_148 = arith.cmpf oge, %add3A_146, %ge3A_147 : vector<16xf32>
        %mul3A_149 = arith.constant 2.000000e-01 : f32
        %mul3A_150 = vector.broadcast %mul3A_149 : f32 to vector<16xf32>
        %mul3A_151 = arith.mulf %mul3A_150, %add3A_146 : vector<16xf32>
        %select_n3A = arith.select %ge3A_148, %add3A_146, %mul3A_151 : vector<16xi1>, vector<16xf32>
        %exp3A = math.exp %select_n3A : vector<16xf32>
        %swap3A = arith.index_cast %mul3A_136 : i32 to index
        %swap3A_152 = tpu.vector_load %arg29[%swap3A] {strides = array<i32>} : memref<400xf32, #tpu.memory_space<vmem>>, vector<16xf32>,
        %swap3A_153 = vector.shape_cast %swap3A_152 : vector<16xf32> to vector<16xf32>
        %swap3A_154 = vector.shape_cast %exp3A : vector<16xf32> to vector<16xf32>
        tpu.vector_store %arg29[%swap3A], %swap3A_154 {strides = array<i32>} : memref<400xf32, #tpu.memory_space<vmem>>, vector<16xf32>,
      }
      %scan3A_119 = arith.constant 25 : i32
      %dma_wait3A_120 = arith.constant 0 : i32
      %dma_wait3A_121 = arith.constant 0 : i32
      %dma_wait3A_122 = tpu.memref_slice %arg3[%dma_wait3A_120, %dma_wait3A_121] : memref<50000x16xf32, #tpu.memory_space<hbm>> -> memref<50000x16xf32, #tpu.memory_space<hbm>>
      tpu.wait_indirect_dma semaphore(%arg35 : memref<!tpu.dma_semaphore, #tpu.memory_space<semaphore_mem>>) src(%dma_wait3A_122 : memref<50000x16xf32, #tpu.memory_space<hbm>>) dst(%arg30 : memref<400x16xf32, #tpu.memory_space<vmem>>)
      %scan3A_123 = arith.constant 0 : i32
      %scan3A_124 = arith.constant 0 : i32
      %scan3A_125 = arith.constant 25 : i32
      %scan3A_126 = arith.addi %scan3A_124, %scan3A_125 : i32
      %scan3A_127 = arith.constant 1 : i32
      scf.for %scan3A_134 = %scan3A_124 to %scan3A_126 step %scan3A_127  : i32 {
        %mul3A_135 = arith.constant 16 : i32
        %mul3A_136 = arith.muli %scan3A_134, %mul3A_135 : i32
        %get3A = arith.index_cast %mul3A_136 : i32 to index
        %get3A_137 = tpu.vector_load %arg29[%get3A] {strides = array<i32>} : memref<400xf32, #tpu.memory_space<vmem>>, vector<16xf32>,
        %get3A_138 = vector.shape_cast %get3A_137 : vector<16xf32> to vector<16xf32>
        %mul3A_139 = arith.constant 16 : i32
        %mul3A_140 = arith.muli %scan3A_134, %mul3A_139 : i32
        %add3A_141 = arith.constant 0 : i32
        %add3A_142 = arith.addi %mul3A_140, %add3A_141 : i32
        %get3A_143 = arith.index_cast %add3A_142 : i32 to index
        %get3A_144 = arith.constant 0 : index
        %get3A_145 = tpu.vector_load %arg30[%get3A_143, %get3A_144] {strides = array<i32>} : memref<400x16xf32, #tpu.memory_space<vmem>>, vector<1x16xf32>,
        %get3A_146 = vector.shape_cast %get3A_145 : vector<1x16xf32> to vector<16xf32>
        %slice3A = vector.extract_strided_slice %get3A_138 {offsets = [0], sizes = [1], strides = [1]} : vector<16xf32> to vector<1xf32>
        %squeeze3A = vector.extract %slice3A[0] : f32 from vector<1xf32>
        %mul3A_147 = vector.broadcast %squeeze3A : f32 to vector<16xf32>
        %mul3A_148 = arith.mulf %get3A_146, %mul3A_147 : vector<16xf32>
        %mul3A_149 = arith.constant 16 : i32
        %mul3A_150 = arith.muli %scan3A_134, %mul3A_149 : i32
        %add3A_151 = arith.constant 0 : i32
        %add3A_152 = arith.addi %mul3A_150, %add3A_151 : i32
        %swap3A = arith.index_cast %add3A_152 : i32 to index
        %swap3A_153 = arith.constant 0 : index
        %swap3A_154 = tpu.vector_load %arg30[%swap3A, %swap3A_153] {strides = array<i32>} : memref<400x16xf32, #tpu.memory_space<vmem>>, vector<1x16xf32>,
        %swap3A_155 = vector.shape_cast %swap3A_154 : vector<1x16xf32> to vector<16xf32>
        %swap3A_156 = vector.shape_cast %mul3A_148 : vector<16xf32> to vector<1x16xf32>
        tpu.vector_store %arg30[%swap3A, %swap3A_153], %swap3A_156 {strides = array<i32>} : memref<400x16xf32, #tpu.memory_space<vmem>>, vector<1x16xf32>,
        %mul3A_157 = arith.constant 16 : i32
        %mul3A_158 = arith.muli %scan3A_134, %mul3A_157 : i32
        %add3A_159 = arith.constant 1 : i32
        %add3A_160 = arith.addi %mul3A_158, %add3A_159 : i32
        %get3A_161 = arith.index_cast %add3A_160 : i32 to index
        %get3A_162 = arith.constant 0 : index
        %get3A_163 = tpu.vector_load %arg30[%get3A_161, %get3A_162] {strides = array<i32>} : memref<400x16xf32, #tpu.memory_space<vmem>>, vector<1x16xf32>,
        %get3A_164 = vector.shape_cast %get3A_163 : vector<1x16xf32> to vector<16xf32>
        %slice3A_165 = vector.extract_strided_slice %get3A_138 {offsets = [1], sizes = [1], strides = [1]} : vector<16xf32> to vector<1xf32>
        %squeeze3A_166 = vector.extract %slice3A_165[0] : f32 from vector<1xf32>
        %mul3A_167 = vector.broadcast %squeeze3A_166 : f32 to vector<16xf32>
        %mul3A_168 = arith.mulf %get3A_164, %mul3A_167 : vector<16xf32>
        %mul3A_169 = arith.constant 16 : i32
        %mul3A_170 = arith.muli %scan3A_134, %mul3A_169 : i32
        %add3A_171 = arith.constant 1 : i32
        %add3A_172 = arith.addi %mul3A_170, %add3A_171 : i32
        %swap3A_173 = arith.index_cast %add3A_172 : i32 to index
        %swap3A_174 = arith.constant 0 : index
        %swap3A_175 = tpu.vector_load %arg30[%swap3A_173, %swap3A_174] {strides = array<i32>} : memref<400x16xf32, #tpu.memory_space<vmem>>, vector<1x16xf32>,
        %swap3A_176 = vector.shape_cast %swap3A_175 : vector<1x16xf32> to vector<16xf32>
        %swap3A_177 = vector.shape_cast %mul3A_168 : vector<16xf32> to vector<1x16xf32>
        tpu.vector_store %arg30[%swap3A_173, %swap3A_174], %swap3A_177 {strides = array<i32>} : memref<400x16xf32, #tpu.memory_space<vmem>>, vector<1x16xf32>,
        %mul3A_178 = arith.constant 16 : i32
        %mul3A_179 = arith.muli %scan3A_134, %mul3A_178 : i32
        %add3A_180 = arith.constant 2 : i32
        %add3A_181 = arith.addi %mul3A_179, %add3A_180 : i32
        %get3A_182 = arith.index_cast %add3A_181 : i32 to index
        %get3A_183 = arith.constant 0 : index
        %get3A_184 = tpu.vector_load %arg30[%get3A_182, %get3A_183] {strides = array<i32>} : memref<400x16xf32, #tpu.memory_space<vmem>>, vector<1x16xf32>,
        %get3A_185 = vector.shape_cast %get3A_184 : vector<1x16xf32> to vector<16xf32>
        %slice3A_186 = vector.extract_strided_slice %get3A_138 {offsets = [2], sizes = [1], strides = [1]} : vector<16xf32> to vector<1xf32>
        %squeeze3A_187 = vector.extract %slice3A_186[0] : f32 from vector<1xf32>
        %mul3A_188 = vector.broadcast %squeeze3A_187 : f32 to vector<16xf32>
        %mul3A_189 = arith.mulf %get3A_185, %mul3A_188 : vector<16xf32>
        %mul3A_190 = arith.constant 16 : i32
        %mul3A_191 = arith.muli %scan3A_134, %mul3A_190 : i32
        %add3A_192 = arith.constant 2 : i32
        %add3A_193 = arith.addi %mul3A_191, %add3A_192 : i32
        %swap3A_194 = arith.index_cast %add3A_193 : i32 to index
        %swap3A_195 = arith.constant 0 : index
        %swap3A_196 = tpu.vector_load %arg30[%swap3A_194, %swap3A_195] {strides = array<i32>} : memref<400x16xf32, #tpu.memory_space<vmem>>, vector<1x16xf32>,
        %swap3A_197 = vector.shape_cast %swap3A_196 : vector<1x16xf32> to vector<16xf32>
        %swap3A_198 = vector.shape_cast %mul3A_189 : vector<16xf32> to vector<1x16xf32>
        tpu.vector_store %arg30[%swap3A_194, %swap3A_195], %swap3A_198 {strides = array<i32>} : memref<400x16xf32, #tpu.memory_space<vmem>>, vector<1x16xf32>,
        %mul3A_199 = arith.constant 16 : i32
        %mul3A_200 = arith.muli %scan3A_134, %mul3A_199 : i32
        %add3A_201 = arith.constant 3 : i32
        %add3A_202 = arith.addi %mul3A_200, %add3A_201 : i32
        %get3A_203 = arith.index_cast %add3A_202 : i32 to index
        %get3A_204 = arith.constant 0 : index
        %get3A_205 = tpu.vector_load %arg30[%get3A_203, %get3A_204] {strides = array<i32>} : memref<400x16xf32, #tpu.memory_space<vmem>>, vector<1x16xf32>,
        %get3A_206 = vector.shape_cast %get3A_205 : vector<1x16xf32> to vector<16xf32>
        %slice3A_207 = vector.extract_strided_slice %get3A_138 {offsets = [3], sizes = [1], strides = [1]} : vector<16xf32> to vector<1xf32>
        %squeeze3A_208 = vector.extract %slice3A_207[0] : f32 from vector<1xf32>
        %mul3A_209 = vector.broadcast %squeeze3A_208 : f32 to vector<16xf32>
        %mul3A_210 = arith.mulf %get3A_206, %mul3A_209 : vector<16xf32>
        %mul3A_211 = arith.constant 16 : i32
        %mul3A_212 = arith.muli %scan3A_134, %mul3A_211 : i32
        %add3A_213 = arith.constant 3 : i32
        %add3A_214 = arith.addi %mul3A_212, %add3A_213 : i32
        %swap3A_215 = arith.index_cast %add3A_214 : i32 to index
        %swap3A_216 = arith.constant 0 : index
        %swap3A_217 = tpu.vector_load %arg30[%swap3A_215, %swap3A_216] {strides = array<i32>} : memref<400x16xf32, #tpu.memory_space<vmem>>, vector<1x16xf32>,
        %swap3A_218 = vector.shape_cast %swap3A_217 : vector<1x16xf32> to vector<16xf32>
        %swap3A_219 = vector.shape_cast %mul3A_210 : vector<16xf32> to vector<1x16xf32>
        tpu.vector_store %arg30[%swap3A_215, %swap3A_216], %swap3A_219 {strides = array<i32>} : memref<400x16xf32, #tpu.memory_space<vmem>>, vector<1x16xf32>,
        %mul3A_220 = arith.constant 16 : i32
        %mul3A_221 = arith.muli %scan3A_134, %mul3A_220 : i32
        %add3A_222 = arith.constant 4 : i32
        %add3A_223 = arith.addi %mul3A_221, %add3A_222 : i32
        %get3A_224 = arith.index_cast %add3A_223 : i32 to index
        %get3A_225 = arith.constant 0 : index
        %get3A_226 = tpu.vector_load %arg30[%get3A_224, %get3A_225] {strides = array<i32>} : memref<400x16xf32, #tpu.memory_space<vmem>>, vector<1x16xf32>,
        %get3A_227 = vector.shape_cast %get3A_226 : vector<1x16xf32> to vector<16xf32>
        %slice3A_228 = vector.extract_strided_slice %get3A_138 {offsets = [4], sizes = [1], strides = [1]} : vector<16xf32> to vector<1xf32>
        %squeeze3A_229 = vector.extract %slice3A_228[0] : f32 from vector<1xf32>
        %mul3A_230 = vector.broadcast %squeeze3A_229 : f32 to vector<16xf32>
        %mul3A_231 = arith.mulf %get3A_227, %mul3A_230 : vector<16xf32>
        %mul3A_232 = arith.constant 16 : i32
        %mul3A_233 = arith.muli %scan3A_134, %mul3A_232 : i32
        %add3A_234 = arith.constant 4 : i32
        %add3A_235 = arith.addi %mul3A_233, %add3A_234 : i32
        %swap3A_236 = arith.index_cast %add3A_235 : i32 to index
        %swap3A_237 = arith.constant 0 : index
        %swap3A_238 = tpu.vector_load %arg30[%swap3A_236, %swap3A_237] {strides = array<i32>} : memref<400x16xf32, #tpu.memory_space<vmem>>, vector<1x16xf32>,
        %swap3A_239 = vector.shape_cast %swap3A_238 : vector<1x16xf32> to vector<16xf32>
        %swap3A_240 = vector.shape_cast %mul3A_231 : vector<16xf32> to vector<1x16xf32>
        tpu.vector_store %arg30[%swap3A_236, %swap3A_237], %swap3A_240 {strides = array<i32>} : memref<400x16xf32, #tpu.memory_space<vmem>>, vector<1x16xf32>,
        %mul3A_241 = arith.constant 16 : i32
        %mul3A_242 = arith.muli %scan3A_134, %mul3A_241 : i32
        %add3A_243 = arith.constant 5 : i32
        %add3A_244 = arith.addi %mul3A_242, %add3A_243 : i32
        %get3A_245 = arith.index_cast %add3A_244 : i32 to index
        %get3A_246 = arith.constant 0 : index
        %get3A_247 = tpu.vector_load %arg30[%get3A_245, %get3A_246] {strides = array<i32>} : memref<400x16xf32, #tpu.memory_space<vmem>>, vector<1x16xf32>,
        %get3A_248 = vector.shape_cast %get3A_247 : vector<1x16xf32> to vector<16xf32>
        %slice3A_249 = vector.extract_strided_slice %get3A_138 {offsets = [5], sizes = [1], strides = [1]} : vector<16xf32> to vector<1xf32>
        %squeeze3A_250 = vector.extract %slice3A_249[0] : f32 from vector<1xf32>
        %mul3A_251 = vector.broadcast %squeeze3A_250 : f32 to vector<16xf32>
        %mul3A_252 = arith.mulf %get3A_248, %mul3A_251 : vector<16xf32>
        %mul3A_253 = arith.constant 16 : i32
        %mul3A_254 = arith.muli %scan3A_134, %mul3A_253 : i32
        %add3A_255 = arith.constant 5 : i32
        %add3A_256 = arith.addi %mul3A_254, %add3A_255 : i32
        %swap3A_257 = arith.index_cast %add3A_256 : i32 to index
        %swap3A_258 = arith.constant 0 : index
        %swap3A_259 = tpu.vector_load %arg30[%swap3A_257, %swap3A_258] {strides = array<i32>} : memref<400x16xf32, #tpu.memory_space<vmem>>, vector<1x16xf32>,
        %swap3A_260 = vector.shape_cast %swap3A_259 : vector<1x16xf32> to vector<16xf32>
        %swap3A_261 = vector.shape_cast %mul3A_252 : vector<16xf32> to vector<1x16xf32>
        tpu.vector_store %arg30[%swap3A_257, %swap3A_258], %swap3A_261 {strides = array<i32>} : memref<400x16xf32, #tpu.memory_space<vmem>>, vector<1x16xf32>,
        %mul3A_262 = arith.constant 16 : i32
        %mul3A_263 = arith.muli %scan3A_134, %mul3A_262 : i32
        %add3A_264 = arith.constant 6 : i32
        %add3A_265 = arith.addi %mul3A_263, %add3A_264 : i32
        %get3A_266 = arith.index_cast %add3A_265 : i32 to index
        %get3A_267 = arith.constant 0 : index
        %get3A_268 = tpu.vector_load %arg30[%get3A_266, %get3A_267] {strides = array<i32>} : memref<400x16xf32, #tpu.memory_space<vmem>>, vector<1x16xf32>,
        %get3A_269 = vector.shape_cast %get3A_268 : vector<1x16xf32> to vector<16xf32>
        %slice3A_270 = vector.extract_strided_slice %get3A_138 {offsets = [6], sizes = [1], strides = [1]} : vector<16xf32> to vector<1xf32>
        %squeeze3A_271 = vector.extract %slice3A_270[0] : f32 from vector<1xf32>
        %mul3A_272 = vector.broadcast %squeeze3A_271 : f32 to vector<16xf32>
        %mul3A_273 = arith.mulf %get3A_269, %mul3A_272 : vector<16xf32>
        %mul3A_274 = arith.constant 16 : i32
        %mul3A_275 = arith.muli %scan3A_134, %mul3A_274 : i32
        %add3A_276 = arith.constant 6 : i32
        %add3A_277 = arith.addi %mul3A_275, %add3A_276 : i32
        %swap3A_278 = arith.index_cast %add3A_277 : i32 to index
        %swap3A_279 = arith.constant 0 : index
        %swap3A_280 = tpu.vector_load %arg30[%swap3A_278, %swap3A_279] {strides = array<i32>} : memref<400x16xf32, #tpu.memory_space<vmem>>, vector<1x16xf32>,
        %swap3A_281 = vector.shape_cast %swap3A_280 : vector<1x16xf32> to vector<16xf32>
        %swap3A_282 = vector.shape_cast %mul3A_273 : vector<16xf32> to vector<1x16xf32>
        tpu.vector_store %arg30[%swap3A_278, %swap3A_279], %swap3A_282 {strides = array<i32>} : memref<400x16xf32, #tpu.memory_space<vmem>>, vector<1x16xf32>,
        %mul3A_283 = arith.constant 16 : i32
        %mul3A_284 = arith.muli %scan3A_134, %mul3A_283 : i32
        %add3A_285 = arith.constant 7 : i32
        %add3A_286 = arith.addi %mul3A_284, %add3A_285 : i32
        %get3A_287 = arith.index_cast %add3A_286 : i32 to index
        %get3A_288 = arith.constant 0 : index
        %get3A_289 = tpu.vector_load %arg30[%get3A_287, %get3A_288] {strides = array<i32>} : memref<400x16xf32, #tpu.memory_space<vmem>>, vector<1x16xf32>,
        %get3A_290 = vector.shape_cast %get3A_289 : vector<1x16xf32> to vector<16xf32>
        %slice3A_291 = vector.extract_strided_slice %get3A_138 {offsets = [7], sizes = [1], strides = [1]} : vector<16xf32> to vector<1xf32>
        %squeeze3A_292 = vector.extract %slice3A_291[0] : f32 from vector<1xf32>
        %mul3A_293 = vector.broadcast %squeeze3A_292 : f32 to vector<16xf32>
        %mul3A_294 = arith.mulf %get3A_290, %mul3A_293 : vector<16xf32>
        %mul3A_295 = arith.constant 16 : i32
        %mul3A_296 = arith.muli %scan3A_134, %mul3A_295 : i32
        %add3A_297 = arith.constant 7 : i32
        %add3A_298 = arith.addi %mul3A_296, %add3A_297 : i32
        %swap3A_299 = arith.index_cast %add3A_298 : i32 to index
        %swap3A_300 = arith.constant 0 : index
        %swap3A_301 = tpu.vector_load %arg30[%swap3A_299, %swap3A_300] {strides = array<i32>} : memref<400x16xf32, #tpu.memory_space<vmem>>, vector<1x16xf32>,
        %swap3A_302 = vector.shape_cast %swap3A_301 : vector<1x16xf32> to vector<16xf32>
        %swap3A_303 = vector.shape_cast %mul3A_294 : vector<16xf32> to vector<1x16xf32>
        tpu.vector_store %arg30[%swap3A_299, %swap3A_300], %swap3A_303 {strides = array<i32>} : memref<400x16xf32, #tpu.memory_space<vmem>>, vector<1x16xf32>,
        %mul3A_304 = arith.constant 16 : i32
        %mul3A_305 = arith.muli %scan3A_134, %mul3A_304 : i32
        %add3A_306 = arith.constant 8 : i32
        %add3A_307 = arith.addi %mul3A_305, %add3A_306 : i32
        %get3A_308 = arith.index_cast %add3A_307 : i32 to index
        %get3A_309 = arith.constant 0 : index
        %get3A_310 = tpu.vector_load %arg30[%get3A_308, %get3A_309] {strides = array<i32>} : memref<400x16xf32, #tpu.memory_space<vmem>>, vector<1x16xf32>,
        %get3A_311 = vector.shape_cast %get3A_310 : vector<1x16xf32> to vector<16xf32>
        %slice3A_312 = vector.extract_strided_slice %get3A_138 {offsets = [8], sizes = [1], strides = [1]} : vector<16xf32> to vector<1xf32>
        %squeeze3A_313 = vector.extract %slice3A_312[0] : f32 from vector<1xf32>
        %mul3A_314 = vector.broadcast %squeeze3A_313 : f32 to vector<16xf32>
        %mul3A_315 = arith.mulf %get3A_311, %mul3A_314 : vector<16xf32>
        %mul3A_316 = arith.constant 16 : i32
        %mul3A_317 = arith.muli %scan3A_134, %mul3A_316 : i32
        %add3A_318 = arith.constant 8 : i32
        %add3A_319 = arith.addi %mul3A_317, %add3A_318 : i32
        %swap3A_320 = arith.index_cast %add3A_319 : i32 to index
        %swap3A_321 = arith.constant 0 : index
        %swap3A_322 = tpu.vector_load %arg30[%swap3A_320, %swap3A_321] {strides = array<i32>} : memref<400x16xf32, #tpu.memory_space<vmem>>, vector<1x16xf32>,
        %swap3A_323 = vector.shape_cast %swap3A_322 : vector<1x16xf32> to vector<16xf32>
        %swap3A_324 = vector.shape_cast %mul3A_315 : vector<16xf32> to vector<1x16xf32>
        tpu.vector_store %arg30[%swap3A_320, %swap3A_321], %swap3A_324 {strides = array<i32>} : memref<400x16xf32, #tpu.memory_space<vmem>>, vector<1x16xf32>,
        %mul3A_325 = arith.constant 16 : i32
        %mul3A_326 = arith.muli %scan3A_134, %mul3A_325 : i32
        %add3A_327 = arith.constant 9 : i32
        %add3A_328 = arith.addi %mul3A_326, %add3A_327 : i32
        %get3A_329 = arith.index_cast %add3A_328 : i32 to index
        %get3A_330 = arith.constant 0 : index
        %get3A_331 = tpu.vector_load %arg30[%get3A_329, %get3A_330] {strides = array<i32>} : memref<400x16xf32, #tpu.memory_space<vmem>>, vector<1x16xf32>,
        %get3A_332 = vector.shape_cast %get3A_331 : vector<1x16xf32> to vector<16xf32>
        %slice3A_333 = vector.extract_strided_slice %get3A_138 {offsets = [9], sizes = [1], strides = [1]} : vector<16xf32> to vector<1xf32>
        %squeeze3A_334 = vector.extract %slice3A_333[0] : f32 from vector<1xf32>
        %mul3A_335 = vector.broadcast %squeeze3A_334 : f32 to vector<16xf32>
        %mul3A_336 = arith.mulf %get3A_332, %mul3A_335 : vector<16xf32>
        %mul3A_337 = arith.constant 16 : i32
        %mul3A_338 = arith.muli %scan3A_134, %mul3A_337 : i32
        %add3A_339 = arith.constant 9 : i32
        %add3A_340 = arith.addi %mul3A_338, %add3A_339 : i32
        %swap3A_341 = arith.index_cast %add3A_340 : i32 to index
        %swap3A_342 = arith.constant 0 : index
        %swap3A_343 = tpu.vector_load %arg30[%swap3A_341, %swap3A_342] {strides = array<i32>} : memref<400x16xf32, #tpu.memory_space<vmem>>, vector<1x16xf32>,
        %swap3A_344 = vector.shape_cast %swap3A_343 : vector<1x16xf32> to vector<16xf32>
        %swap3A_345 = vector.shape_cast %mul3A_336 : vector<16xf32> to vector<1x16xf32>
        tpu.vector_store %arg30[%swap3A_341, %swap3A_342], %swap3A_345 {strides = array<i32>} : memref<400x16xf32, #tpu.memory_space<vmem>>, vector<1x16xf32>,
        %mul3A_346 = arith.constant 16 : i32
        %mul3A_347 = arith.muli %scan3A_134, %mul3A_346 : i32
        %add3A_348 = arith.constant 10 : i32
        %add3A_349 = arith.addi %mul3A_347, %add3A_348 : i32
        %get3A_350 = arith.index_cast %add3A_349 : i32 to index
        %get3A_351 = arith.constant 0 : index
        %get3A_352 = tpu.vector_load %arg30[%get3A_350, %get3A_351] {strides = array<i32>} : memref<400x16xf32, #tpu.memory_space<vmem>>, vector<1x16xf32>,
        %get3A_353 = vector.shape_cast %get3A_352 : vector<1x16xf32> to vector<16xf32>
        %slice3A_354 = vector.extract_strided_slice %get3A_138 {offsets = [10], sizes = [1], strides = [1]} : vector<16xf32> to vector<1xf32>
        %squeeze3A_355 = vector.extract %slice3A_354[0] : f32 from vector<1xf32>
        %mul3A_356 = vector.broadcast %squeeze3A_355 : f32 to vector<16xf32>
        %mul3A_357 = arith.mulf %get3A_353, %mul3A_356 : vector<16xf32>
        %mul3A_358 = arith.constant 16 : i32
        %mul3A_359 = arith.muli %scan3A_134, %mul3A_358 : i32
        %add3A_360 = arith.constant 10 : i32
        %add3A_361 = arith.addi %mul3A_359, %add3A_360 : i32
        %swap3A_362 = arith.index_cast %add3A_361 : i32 to index
        %swap3A_363 = arith.constant 0 : index
        %swap3A_364 = tpu.vector_load %arg30[%swap3A_362, %swap3A_363] {strides = array<i32>} : memref<400x16xf32, #tpu.memory_space<vmem>>, vector<1x16xf32>,
        %swap3A_365 = vector.shape_cast %swap3A_364 : vector<1x16xf32> to vector<16xf32>
        %swap3A_366 = vector.shape_cast %mul3A_357 : vector<16xf32> to vector<1x16xf32>
        tpu.vector_store %arg30[%swap3A_362, %swap3A_363], %swap3A_366 {strides = array<i32>} : memref<400x16xf32, #tpu.memory_space<vmem>>, vector<1x16xf32>,
        %mul3A_367 = arith.constant 16 : i32
        %mul3A_368 = arith.muli %scan3A_134, %mul3A_367 : i32
        %add3A_369 = arith.constant 11 : i32
        %add3A_370 = arith.addi %mul3A_368, %add3A_369 : i32
        %get3A_371 = arith.index_cast %add3A_370 : i32 to index
        %get3A_372 = arith.constant 0 : index
        %get3A_373 = tpu.vector_load %arg30[%get3A_371, %get3A_372] {strides = array<i32>} : memref<400x16xf32, #tpu.memory_space<vmem>>, vector<1x16xf32>,
        %get3A_374 = vector.shape_cast %get3A_373 : vector<1x16xf32> to vector<16xf32>
        %slice3A_375 = vector.extract_strided_slice %get3A_138 {offsets = [11], sizes = [1], strides = [1]} : vector<16xf32> to vector<1xf32>
        %squeeze3A_376 = vector.extract %slice3A_375[0] : f32 from vector<1xf32>
        %mul3A_377 = vector.broadcast %squeeze3A_376 : f32 to vector<16xf32>
        %mul3A_378 = arith.mulf %get3A_374, %mul3A_377 : vector<16xf32>
        %mul3A_379 = arith.constant 16 : i32
        %mul3A_380 = arith.muli %scan3A_134, %mul3A_379 : i32
        %add3A_381 = arith.constant 11 : i32
        %add3A_382 = arith.addi %mul3A_380, %add3A_381 : i32
        %swap3A_383 = arith.index_cast %add3A_382 : i32 to index
        %swap3A_384 = arith.constant 0 : index
        %swap3A_385 = tpu.vector_load %arg30[%swap3A_383, %swap3A_384] {strides = array<i32>} : memref<400x16xf32, #tpu.memory_space<vmem>>, vector<1x16xf32>,
        %swap3A_386 = vector.shape_cast %swap3A_385 : vector<1x16xf32> to vector<16xf32>
        %swap3A_387 = vector.shape_cast %mul3A_378 : vector<16xf32> to vector<1x16xf32>
        tpu.vector_store %arg30[%swap3A_383, %swap3A_384], %swap3A_387 {strides = array<i32>} : memref<400x16xf32, #tpu.memory_space<vmem>>, vector<1x16xf32>,
        %mul3A_388 = arith.constant 16 : i32
        %mul3A_389 = arith.muli %scan3A_134, %mul3A_388 : i32
        %add3A_390 = arith.constant 12 : i32
        %add3A_391 = arith.addi %mul3A_389, %add3A_390 : i32
        %get3A_392 = arith.index_cast %add3A_391 : i32 to index
        %get3A_393 = arith.constant 0 : index
        %get3A_394 = tpu.vector_load %arg30[%get3A_392, %get3A_393] {strides = array<i32>} : memref<400x16xf32, #tpu.memory_space<vmem>>, vector<1x16xf32>,
        %get3A_395 = vector.shape_cast %get3A_394 : vector<1x16xf32> to vector<16xf32>
        %slice3A_396 = vector.extract_strided_slice %get3A_138 {offsets = [12], sizes = [1], strides = [1]} : vector<16xf32> to vector<1xf32>
        %squeeze3A_397 = vector.extract %slice3A_396[0] : f32 from vector<1xf32>
        %mul3A_398 = vector.broadcast %squeeze3A_397 : f32 to vector<16xf32>
        %mul3A_399 = arith.mulf %get3A_395, %mul3A_398 : vector<16xf32>
        %mul3A_400 = arith.constant 16 : i32
        %mul3A_401 = arith.muli %scan3A_134, %mul3A_400 : i32
        %add3A_402 = arith.constant 12 : i32
        %add3A_403 = arith.addi %mul3A_401, %add3A_402 : i32
        %swap3A_404 = arith.index_cast %add3A_403 : i32 to index
        %swap3A_405 = arith.constant 0 : index
        %swap3A_406 = tpu.vector_load %arg30[%swap3A_404, %swap3A_405] {strides = array<i32>} : memref<400x16xf32, #tpu.memory_space<vmem>>, vector<1x16xf32>,
        %swap3A_407 = vector.shape_cast %swap3A_406 : vector<1x16xf32> to vector<16xf32>
        %swap3A_408 = vector.shape_cast %mul3A_399 : vector<16xf32> to vector<1x16xf32>
        tpu.vector_store %arg30[%swap3A_404, %swap3A_405], %swap3A_408 {strides = array<i32>} : memref<400x16xf32, #tpu.memory_space<vmem>>, vector<1x16xf32>,
        %mul3A_409 = arith.constant 16 : i32
        %mul3A_410 = arith.muli %scan3A_134, %mul3A_409 : i32
        %add3A_411 = arith.constant 13 : i32
        %add3A_412 = arith.addi %mul3A_410, %add3A_411 : i32
        %get3A_413 = arith.index_cast %add3A_412 : i32 to index
        %get3A_414 = arith.constant 0 : index
        %get3A_415 = tpu.vector_load %arg30[%get3A_413, %get3A_414] {strides = array<i32>} : memref<400x16xf32, #tpu.memory_space<vmem>>, vector<1x16xf32>,
        %get3A_416 = vector.shape_cast %get3A_415 : vector<1x16xf32> to vector<16xf32>
        %slice3A_417 = vector.extract_strided_slice %get3A_138 {offsets = [13], sizes = [1], strides = [1]} : vector<16xf32> to vector<1xf32>
        %squeeze3A_418 = vector.extract %slice3A_417[0] : f32 from vector<1xf32>
        %mul3A_419 = vector.broadcast %squeeze3A_418 : f32 to vector<16xf32>
        %mul3A_420 = arith.mulf %get3A_416, %mul3A_419 : vector<16xf32>
        %mul3A_421 = arith.constant 16 : i32
        %mul3A_422 = arith.muli %scan3A_134, %mul3A_421 : i32
        %add3A_423 = arith.constant 13 : i32
        %add3A_424 = arith.addi %mul3A_422, %add3A_423 : i32
        %swap3A_425 = arith.index_cast %add3A_424 : i32 to index
        %swap3A_426 = arith.constant 0 : index
        %swap3A_427 = tpu.vector_load %arg30[%swap3A_425, %swap3A_426] {strides = array<i32>} : memref<400x16xf32, #tpu.memory_space<vmem>>, vector<1x16xf32>,
        %swap3A_428 = vector.shape_cast %swap3A_427 : vector<1x16xf32> to vector<16xf32>
        %swap3A_429 = vector.shape_cast %mul3A_420 : vector<16xf32> to vector<1x16xf32>
        tpu.vector_store %arg30[%swap3A_425, %swap3A_426], %swap3A_429 {strides = array<i32>} : memref<400x16xf32, #tpu.memory_space<vmem>>, vector<1x16xf32>,
        %mul3A_430 = arith.constant 16 : i32
        %mul3A_431 = arith.muli %scan3A_134, %mul3A_430 : i32
        %add3A_432 = arith.constant 14 : i32
        %add3A_433 = arith.addi %mul3A_431, %add3A_432 : i32
        %get3A_434 = arith.index_cast %add3A_433 : i32 to index
        %get3A_435 = arith.constant 0 : index
        %get3A_436 = tpu.vector_load %arg30[%get3A_434, %get3A_435] {strides = array<i32>} : memref<400x16xf32, #tpu.memory_space<vmem>>, vector<1x16xf32>,
        %get3A_437 = vector.shape_cast %get3A_436 : vector<1x16xf32> to vector<16xf32>
        %slice3A_438 = vector.extract_strided_slice %get3A_138 {offsets = [14], sizes = [1], strides = [1]} : vector<16xf32> to vector<1xf32>
        %squeeze3A_439 = vector.extract %slice3A_438[0] : f32 from vector<1xf32>
        %mul3A_440 = vector.broadcast %squeeze3A_439 : f32 to vector<16xf32>
        %mul3A_441 = arith.mulf %get3A_437, %mul3A_440 : vector<16xf32>
        %mul3A_442 = arith.constant 16 : i32
        %mul3A_443 = arith.muli %scan3A_134, %mul3A_442 : i32
        %add3A_444 = arith.constant 14 : i32
        %add3A_445 = arith.addi %mul3A_443, %add3A_444 : i32
        %swap3A_446 = arith.index_cast %add3A_445 : i32 to index
        %swap3A_447 = arith.constant 0 : index
        %swap3A_448 = tpu.vector_load %arg30[%swap3A_446, %swap3A_447] {strides = array<i32>} : memref<400x16xf32, #tpu.memory_space<vmem>>, vector<1x16xf32>,
        %swap3A_449 = vector.shape_cast %swap3A_448 : vector<1x16xf32> to vector<16xf32>
        %swap3A_450 = vector.shape_cast %mul3A_441 : vector<16xf32> to vector<1x16xf32>
        tpu.vector_store %arg30[%swap3A_446, %swap3A_447], %swap3A_450 {strides = array<i32>} : memref<400x16xf32, #tpu.memory_space<vmem>>, vector<1x16xf32>,
        %mul3A_451 = arith.constant 16 : i32
        %mul3A_452 = arith.muli %scan3A_134, %mul3A_451 : i32
        %add3A_453 = arith.constant 15 : i32
        %add3A_454 = arith.addi %mul3A_452, %add3A_453 : i32
        %get3A_455 = arith.index_cast %add3A_454 : i32 to index
        %get3A_456 = arith.constant 0 : index
        %get3A_457 = tpu.vector_load %arg30[%get3A_455, %get3A_456] {strides = array<i32>} : memref<400x16xf32, #tpu.memory_space<vmem>>, vector<1x16xf32>,
        %get3A_458 = vector.shape_cast %get3A_457 : vector<1x16xf32> to vector<16xf32>
        %slice3A_459 = vector.extract_strided_slice %get3A_138 {offsets = [15], sizes = [1], strides = [1]} : vector<16xf32> to vector<1xf32>
        %squeeze3A_460 = vector.extract %slice3A_459[0] : f32 from vector<1xf32>
        %mul3A_461 = vector.broadcast %squeeze3A_460 : f32 to vector<16xf32>
        %mul3A_462 = arith.mulf %get3A_458, %mul3A_461 : vector<16xf32>
        %mul3A_463 = arith.constant 16 : i32
        %mul3A_464 = arith.muli %scan3A_134, %mul3A_463 : i32
        %add3A_465 = arith.constant 15 : i32
        %add3A_466 = arith.addi %mul3A_464, %add3A_465 : i32
        %swap3A_467 = arith.index_cast %add3A_466 : i32 to index
        %swap3A_468 = arith.constant 0 : index
        %swap3A_469 = tpu.vector_load %arg30[%swap3A_467, %swap3A_468] {strides = array<i32>} : memref<400x16xf32, #tpu.memory_space<vmem>>, vector<1x16xf32>,
        %swap3A_470 = vector.shape_cast %swap3A_469 : vector<1x16xf32> to vector<16xf32>
        %swap3A_471 = vector.shape_cast %mul3A_462 : vector<16xf32> to vector<1x16xf32>
        tpu.vector_store %arg30[%swap3A_467, %swap3A_468], %swap3A_471 {strides = array<i32>} : memref<400x16xf32, #tpu.memory_space<vmem>>, vector<1x16xf32>,
      }
      %scan3A_128 = arith.constant 25 : i32
      %dma_start3A_129 = arith.constant 0 : i32
      %dma_start3A_130 = arith.constant 0 : i32
      %dma_start3A_131 = tpu.memref_slice %arg9[%dma_start3A_129, %dma_start3A_130] : memref<100096x16xf32, #tpu.memory_space<vmem_shared>> -> memref<100096x16xf32, #tpu.memory_space<vmem_shared>>
      tpu.enqueue_indirect_dma source(%arg30 : memref<400x16xf32, #tpu.memory_space<vmem>>) target(%dma_start3A_131 : memref<100096x16xf32, #tpu.memory_space<vmem_shared>>) offsets(%arg27 : memref<400xi32, #tpu.memory_space<vmem>>) semaphore(%arg36 : memref<!tpu.dma_semaphore, #tpu.memory_space<semaphore_mem>>) {add = true}
      %dma_start3A_132 = arith.constant 0 : i32
      %dma_start3A_133 = tpu.memref_slice %arg10[%dma_start3A_132] : memref<100096xf32, #tpu.memory_space<vmem_shared>> -> memref<100096xf32, #tpu.memory_space<vmem_shared>>
      tpu.enqueue_indirect_dma source(%arg29 : memref<400xf32, #tpu.memory_space<vmem>>) target(%dma_start3A_133 : memref<100096xf32, #tpu.memory_space<vmem_shared>>) offsets(%arg27 : memref<400xi32, #tpu.memory_space<vmem>>) semaphore(%arg36 : memref<!tpu.dma_semaphore, #tpu.memory_space<semaphore_mem>>) {add = true}
    }
    %scan3A_42 = arith.constant 32 : i32
    %dma_wait3A_43 = arith.constant 0 : i32
    %dma_wait3A_44 = arith.constant 0 : i32
    %dma_wait3A_45 = tpu.memref_slice %arg9[%dma_wait3A_43, %dma_wait3A_44] : memref<100096x16xf32, #tpu.memory_space<vmem_shared>> -> memref<100096x16xf32, #tpu.memory_space<vmem_shared>>
    tpu.wait_indirect_dma semaphore(%arg23 : memref<!tpu.dma_semaphore, #tpu.memory_space<semaphore_mem>>) src(%arg17 : memref<400x16xf32, #tpu.memory_space<vmem>>) dst(%dma_wait3A_45 : memref<100096x16xf32, #tpu.memory_space<vmem_shared>>)
    %dma_wait3A_46 = arith.constant 0 : i32
    %dma_wait3A_47 = tpu.memref_slice %arg10[%dma_wait3A_46] : memref<100096xf32, #tpu.memory_space<vmem_shared>> -> memref<100096xf32, #tpu.memory_space<vmem_shared>>
    tpu.wait_indirect_dma semaphore(%arg23 : memref<!tpu.dma_semaphore, #tpu.memory_space<semaphore_mem>>) src(%arg16 : memref<400xf32, #tpu.memory_space<vmem>>) dst(%dma_wait3A_47 : memref<100096xf32, #tpu.memory_space<vmem_shared>>)
    %dma_wait3A_48 = arith.constant 0 : i32
    %dma_wait3A_49 = arith.constant 0 : i32
    %dma_wait3A_50 = tpu.memref_slice %arg9[%dma_wait3A_48, %dma_wait3A_49] : memref<100096x16xf32, #tpu.memory_space<vmem_shared>> -> memref<100096x16xf32, #tpu.memory_space<vmem_shared>>
    tpu.wait_indirect_dma semaphore(%arg36 : memref<!tpu.dma_semaphore, #tpu.memory_space<semaphore_mem>>) src(%arg30 : memref<400x16xf32, #tpu.memory_space<vmem>>) dst(%dma_wait3A_50 : memref<100096x16xf32, #tpu.memory_space<vmem_shared>>)
    %dma_wait3A_51 = arith.constant 0 : i32
    %dma_wait3A_52 = tpu.memref_slice %arg10[%dma_wait3A_51] : memref<100096xf32, #tpu.memory_space<vmem_shared>> -> memref<100096xf32, #tpu.memory_space<vmem_shared>>
    tpu.wait_indirect_dma semaphore(%arg36 : memref<!tpu.dma_semaphore, #tpu.memory_space<semaphore_mem>>) src(%arg29 : memref<400xf32, #tpu.memory_space<vmem>>) dst(%dma_wait3A_52 : memref<100096xf32, #tpu.memory_space<vmem_shared>>)
    %barrier3A_53 = arith.constant 0 : index
    tpu.barrier barrier_id(%barrier3A_53)
    "tpu.region"() ({
      %run_scoped3A = tpu.sem_alloc : memref<!tpu.dma_semaphore, #tpu.memory_space<semaphore_mem>>
      %dma_start3A_57 = arith.constant 0 : i32
      %dma_start3A_58 = tpu.memref_slice %arg7[%arg0, %mul3A_4, %dma_start3A_57] : memref<2x100096x16xf32, #tpu.memory_space<hbm>> -> memref<1x6256x16xf32, #tpu.memory_space<hbm>>
      %dma_start3A_59 = tpu.memref_squeeze %dma_start3A_58 : memref<1x6256x16xf32, #tpu.memory_space<hbm>> -> memref<6256x16xf32, #tpu.memory_space<hbm>>
      %dma_start3A_60 = arith.constant 0 : i32
      %dma_start3A_61 = tpu.memref_slice %arg9[%mul3A_4, %dma_start3A_60] : memref<100096x16xf32, #tpu.memory_space<vmem_shared>> -> memref<6256x16xf32, #tpu.memory_space<vmem_shared>>
      tpu.enqueue_dma source(%dma_start3A_61 : memref<6256x16xf32, #tpu.memory_space<vmem_shared>>) target(%dma_start3A_59 : memref<6256x16xf32, #tpu.memory_space<hbm>>) target_semaphore(%run_scoped3A : memref<!tpu.dma_semaphore, #tpu.memory_space<semaphore_mem>>)
      %dma_wait3A_62 = arith.constant 0 : i32
      %dma_wait3A_63 = tpu.memref_slice %arg7[%arg0, %mul3A_4, %dma_wait3A_62] : memref<2x100096x16xf32, #tpu.memory_space<hbm>> -> memref<1x6256x16xf32, #tpu.memory_space<hbm>>
      %dma_wait3A_64 = tpu.memref_squeeze %dma_wait3A_63 : memref<1x6256x16xf32, #tpu.memory_space<hbm>> -> memref<6256x16xf32, #tpu.memory_space<hbm>>
      %dma_wait3A_65 = arith.constant 0 : i32
      %dma_wait3A_66 = tpu.memref_slice %arg9[%mul3A_4, %dma_wait3A_65] : memref<100096x16xf32, #tpu.memory_space<vmem_shared>> -> memref<6256x16xf32, #tpu.memory_space<vmem_shared>>
      tpu.wait_dma2 semaphore(%run_scoped3A : memref<!tpu.dma_semaphore, #tpu.memory_space<semaphore_mem>>) src(%dma_wait3A_66 : memref<6256x16xf32, #tpu.memory_space<vmem_shared>>) dst(%dma_wait3A_64 : memref<6256x16xf32, #tpu.memory_space<hbm>>)
      tpu.yield
    }) : () -> ()
    %mul3A_54 = arith.constant 100096 : i32
    %mul3A_55 = arith.muli %arg0, %mul3A_54 : i32
    %add3A_56 = arith.addi %mul3A_55, %mul3A_4 : i32
    "tpu.region"() ({
      %run_scoped3A = tpu.sem_alloc : memref<!tpu.dma_semaphore, #tpu.memory_space<semaphore_mem>>
      %dma_start3A_57 = tpu.memref_slice %arg8[%add3A_56] : memref<200192xf32, #tpu.memory_space<hbm>> -> memref<6256xf32, #tpu.memory_space<hbm>>
      %dma_start3A_58 = tpu.memref_slice %arg10[%mul3A_4] : memref<100096xf32, #tpu.memory_space<vmem_shared>> -> memref<6256xf32, #tpu.memory_space<vmem_shared>>
      tpu.enqueue_dma source(%dma_start3A_58 : memref<6256xf32, #tpu.memory_space<vmem_shared>>) target(%dma_start3A_57 : memref<6256xf32, #tpu.memory_space<hbm>>) target_semaphore(%run_scoped3A : memref<!tpu.dma_semaphore, #tpu.memory_space<semaphore_mem>>)
      %dma_wait3A_59 = tpu.memref_slice %arg8[%add3A_56] : memref<200192xf32, #tpu.memory_space<hbm>> -> memref<6256xf32, #tpu.memory_space<hbm>>
      %dma_wait3A_60 = tpu.memref_slice %arg10[%mul3A_4] : memref<100096xf32, #tpu.memory_space<vmem_shared>> -> memref<6256xf32, #tpu.memory_space<vmem_shared>>
      tpu.wait_dma2 semaphore(%run_scoped3A : memref<!tpu.dma_semaphore, #tpu.memory_space<semaphore_mem>>) src(%dma_wait3A_60 : memref<6256xf32, #tpu.memory_space<vmem_shared>>) dst(%dma_wait3A_59 : memref<6256xf32, #tpu.memory_space<hbm>>)
      tpu.yield
    }) : () -> ()
    return
  }
}

#map = affine_map<(d0, d1) -> (0)>
#map1 = affine_map<(d0, d1) -> (0, 0)>
#map2 = affine_map<(d0, d1) -> (0, 0, 0)>
module attributes {stable_mosaic.version = 14 : i64} {
  func.func @kern(%arg0: i32, %arg1: i32, %arg2: memref<200000xf32, #tpu.memory_space<hbm>>, %arg3: memref<100000x16xf32, #tpu.memory_space<hbm>>, %arg4: memref<3x819200xi32, #tpu.memory_space<hbm>>, %arg5: memref<1564x16xf32, #tpu.memory_space<hbm>>, %arg6: memref<3128xf32, #tpu.memory_space<hbm>>, %arg7: memref<2x50048x16xf32, #tpu.memory_space<hbm>>, %arg8: memref<100096xf32, #tpu.memory_space<hbm>>, %arg9: memref<50048x16xf32, #tpu.memory_space<vmem_shared>>, %arg10: memref<50048xf32, #tpu.memory_space<vmem_shared>>, %arg11: memref<3x1280xi32, #tpu.memory_space<vmem>>, %arg12: memref<2560xi32, #tpu.memory_space<vmem>>, %arg13: memref<1280xi32, #tpu.memory_space<vmem>>, %arg14: memref<1280xi32, #tpu.memory_space<vmem>>, %arg15: memref<2560xf32, #tpu.memory_space<vmem>>, %arg16: memref<1280xf32, #tpu.memory_space<vmem>>, %arg17: memref<1280x16xf32, #tpu.memory_space<vmem>>, %arg18: memref<8xi32, #tpu.memory_space<vmem>>, %arg19: memref<8xi32, #tpu.memory_space<vmem>>, %arg20: memref<!tpu.dma_semaphore, #tpu.memory_space<semaphore_mem>>, %arg21: memref<!tpu.dma_semaphore, #tpu.memory_space<semaphore_mem>>, %arg22: memref<!tpu.dma_semaphore, #tpu.memory_space<semaphore_mem>>, %arg23: memref<!tpu.dma_semaphore, #tpu.memory_space<semaphore_mem>>, %arg24: memref<3x1280xi32, #tpu.memory_space<vmem>>, %arg25: memref<2560xi32, #tpu.memory_space<vmem>>, %arg26: memref<1280xi32, #tpu.memory_space<vmem>>, %arg27: memref<1280xi32, #tpu.memory_space<vmem>>, %arg28: memref<2560xf32, #tpu.memory_space<vmem>>, %arg29: memref<1280xf32, #tpu.memory_space<vmem>>, %arg30: memref<1280x16xf32, #tpu.memory_space<vmem>>, %arg31: memref<8xi32, #tpu.memory_space<vmem>>, %arg32: memref<8xi32, #tpu.memory_space<vmem>>, %arg33: memref<!tpu.dma_semaphore, #tpu.memory_space<semaphore_mem>>, %arg34: memref<!tpu.dma_semaphore, #tpu.memory_space<semaphore_mem>>, %arg35: memref<!tpu.dma_semaphore, #tpu.memory_space<semaphore_mem>>, %arg36: memref<!tpu.dma_semaphore, #tpu.memory_space<semaphore_mem>>) attributes {dimension_semantics = [#tpu.dimension_semantics<core_parallel>, #tpu.dimension_semantics<subcore_parallel>], iteration_bounds = array<i64: 2, 16>, scalar_prefetch = 0 : i64, scratch_operands = 28 : i64, tpu.core_type = #tpu.core_type<sc_vector_subcore>, window_params = [{transform_indices = #map}, {transform_indices = #map1}, {transform_indices = #map1}, {transform_indices = #map1}, {transform_indices = #map}, {transform_indices = #map2}, {transform_indices = #map}]} {
    %mul3A = arith.constant 16 : i32
    %mul3A_0 = arith.muli %arg0, %mul3A : i32
    %add3A = arith.addi %mul3A_0, %arg1 : i32
    %mul3A_1 = arith.constant 25600 : i32
    %mul3A_2 = arith.muli %add3A, %mul3A_1 : i32
    %mul3A_3 = arith.constant 3128 : i32
    %mul3A_4 = arith.muli %arg1, %mul3A_3 : i32
    %add3A_5 = arith.constant 0 : i32
    %add3A_6 = arith.addi %mul3A_4, %add3A_5 : i32
    "tpu.region"() ({
      %run_scoped3A = tpu.sem_alloc : memref<!tpu.dma_semaphore, #tpu.memory_space<semaphore_mem>>
      %dma_start3A_53 = arith.constant 0 : i32
      %dma_start3A_54 = tpu.memref_slice %arg9[%add3A_6, %dma_start3A_53] : memref<50048x16xf32, #tpu.memory_space<vmem_shared>> -> memref<1564x16xf32, #tpu.memory_space<vmem_shared>>
      tpu.enqueue_dma source(%arg5 : memref<1564x16xf32, #tpu.memory_space<hbm>>) target(%dma_start3A_54 : memref<1564x16xf32, #tpu.memory_space<vmem_shared>>) target_semaphore(%run_scoped3A : memref<!tpu.dma_semaphore, #tpu.memory_space<semaphore_mem>>)
      %dma_wait3A_55 = arith.constant 0 : i32
      %dma_wait3A_56 = tpu.memref_slice %arg9[%add3A_6, %dma_wait3A_55] : memref<50048x16xf32, #tpu.memory_space<vmem_shared>> -> memref<1564x16xf32, #tpu.memory_space<vmem_shared>>
      tpu.wait_dma2 semaphore(%run_scoped3A : memref<!tpu.dma_semaphore, #tpu.memory_space<semaphore_mem>>) src(%arg5 : memref<1564x16xf32, #tpu.memory_space<hbm>>) dst(%dma_wait3A_56 : memref<1564x16xf32, #tpu.memory_space<vmem_shared>>)
      tpu.yield
    }) : () -> ()
    %add3A_7 = arith.constant 1564 : i32
    %add3A_8 = arith.addi %mul3A_4, %add3A_7 : i32
    "tpu.region"() ({
      %run_scoped3A = tpu.sem_alloc : memref<!tpu.dma_semaphore, #tpu.memory_space<semaphore_mem>>
      %dma_start3A_53 = arith.constant 0 : i32
      %dma_start3A_54 = tpu.memref_slice %arg9[%add3A_8, %dma_start3A_53] : memref<50048x16xf32, #tpu.memory_space<vmem_shared>> -> memref<1564x16xf32, #tpu.memory_space<vmem_shared>>
      tpu.enqueue_dma source(%arg5 : memref<1564x16xf32, #tpu.memory_space<hbm>>) target(%dma_start3A_54 : memref<1564x16xf32, #tpu.memory_space<vmem_shared>>) target_semaphore(%run_scoped3A : memref<!tpu.dma_semaphore, #tpu.memory_space<semaphore_mem>>)
      %dma_wait3A_55 = arith.constant 0 : i32
      %dma_wait3A_56 = tpu.memref_slice %arg9[%add3A_8, %dma_wait3A_55] : memref<50048x16xf32, #tpu.memory_space<vmem_shared>> -> memref<1564x16xf32, #tpu.memory_space<vmem_shared>>
      tpu.wait_dma2 semaphore(%run_scoped3A : memref<!tpu.dma_semaphore, #tpu.memory_space<semaphore_mem>>) src(%arg5 : memref<1564x16xf32, #tpu.memory_space<hbm>>) dst(%dma_wait3A_56 : memref<1564x16xf32, #tpu.memory_space<vmem_shared>>)
      tpu.yield
    }) : () -> ()
    "tpu.region"() ({
      %run_scoped3A = tpu.sem_alloc : memref<!tpu.dma_semaphore, #tpu.memory_space<semaphore_mem>>
      %dma_start3A_53 = tpu.memref_slice %arg10[%mul3A_4] : memref<50048xf32, #tpu.memory_space<vmem_shared>> -> memref<3128xf32, #tpu.memory_space<vmem_shared>>
      tpu.enqueue_dma source(%arg6 : memref<3128xf32, #tpu.memory_space<hbm>>) target(%dma_start3A_53 : memref<3128xf32, #tpu.memory_space<vmem_shared>>) target_semaphore(%run_scoped3A : memref<!tpu.dma_semaphore, #tpu.memory_space<semaphore_mem>>)
      %dma_wait3A_54 = tpu.memref_slice %arg10[%mul3A_4] : memref<50048xf32, #tpu.memory_space<vmem_shared>> -> memref<3128xf32, #tpu.memory_space<vmem_shared>>
      tpu.wait_dma2 semaphore(%run_scoped3A : memref<!tpu.dma_semaphore, #tpu.memory_space<semaphore_mem>>) src(%arg6 : memref<3128xf32, #tpu.memory_space<hbm>>) dst(%dma_wait3A_54 : memref<3128xf32, #tpu.memory_space<vmem_shared>>)
      tpu.yield
    }) : () -> ()
    %barrier3A = arith.constant 0 : index
    tpu.barrier barrier_id(%barrier3A)
    %add3A_9 = arith.constant 0 : i32
    %add3A_10 = arith.addi %mul3A_2, %add3A_9 : i32
    %dma_start3A = arith.constant 0 : i32
    %dma_start3A_11 = tpu.memref_slice %arg4[%dma_start3A, %add3A_10] : memref<3x819200xi32, #tpu.memory_space<hbm>> -> memref<3x1280xi32, #tpu.memory_space<hbm>>
    %dma_start3A_12 = arith.constant 0 : i32
    %dma_start3A_13 = tpu.memref_slice %arg4[%dma_start3A_12, %add3A_10] : memref<3x819200xi32, #tpu.memory_space<hbm>> -> memref<3x1280xi32, #tpu.memory_space<hbm>>
    tpu.enqueue_dma source(%dma_start3A_13 : memref<3x1280xi32, #tpu.memory_space<hbm>>) target(%arg11 : memref<3x1280xi32, #tpu.memory_space<vmem>>) target_semaphore(%arg20 : memref<!tpu.dma_semaphore, #tpu.memory_space<semaphore_mem>>)
    %dma_wait3A = arith.constant 0 : i32
    %dma_wait3A_14 = tpu.memref_slice %arg4[%dma_wait3A, %mul3A_2] : memref<3x819200xi32, #tpu.memory_space<hbm>> -> memref<3x1280xi32, #tpu.memory_space<hbm>>
    %dma_wait3A_15 = arith.constant 0 : i32
    %dma_wait3A_16 = tpu.memref_slice %arg4[%dma_wait3A_15, %mul3A_2] : memref<3x819200xi32, #tpu.memory_space<hbm>> -> memref<3x1280xi32, #tpu.memory_space<hbm>>
    tpu.wait_dma2 semaphore(%arg20 : memref<!tpu.dma_semaphore, #tpu.memory_space<semaphore_mem>>) src(%dma_wait3A_16 : memref<3x1280xi32, #tpu.memory_space<hbm>>) dst(%arg11 : memref<3x1280xi32, #tpu.memory_space<vmem>>)
    %scan3A = arith.constant 0 : i32
    %scan3A_17 = arith.constant 0 : i32
    %scan3A_18 = arith.constant 80 : i32
    %scan3A_19 = arith.addi %scan3A_17, %scan3A_18 : i32
    %scan3A_20 = arith.constant 1 : i32
    scf.for %scan3A_53 = %scan3A_17 to %scan3A_19 step %scan3A_20  : i32 {
      %mul3A_54 = arith.constant 16 : i32
      %mul3A_55 = arith.muli %scan3A_53, %mul3A_54 : i32
      %get3A = arith.constant 0 : i32
      %get3A_56 = arith.index_cast %get3A : i32 to index
      %get3A_57 = arith.index_cast %mul3A_55 : i32 to index
      %get3A_58 = tpu.vector_load %arg11[%get3A_56, %get3A_57] {strides = array<i32>} : memref<3x1280xi32, #tpu.memory_space<vmem>>, vector<1x16xi32>,
      %get3A_59 = vector.shape_cast %get3A_58 : vector<1x16xi32> to vector<16xi32>
      %get3A_60 = arith.constant 1 : i32
      %get3A_61 = arith.index_cast %get3A_60 : i32 to index
      %get3A_62 = arith.index_cast %mul3A_55 : i32 to index
      %get3A_63 = tpu.vector_load %arg11[%get3A_61, %get3A_62] {strides = array<i32>} : memref<3x1280xi32, #tpu.memory_space<vmem>>, vector<1x16xi32>,
      %get3A_64 = vector.shape_cast %get3A_63 : vector<1x16xi32> to vector<16xi32>
      %get3A_65 = arith.constant 2 : i32
      %get3A_66 = arith.index_cast %get3A_65 : i32 to index
      %get3A_67 = arith.index_cast %mul3A_55 : i32 to index
      %get3A_68 = tpu.vector_load %arg11[%get3A_66, %get3A_67] {strides = array<i32>} : memref<3x1280xi32, #tpu.memory_space<vmem>>, vector<1x16xi32>,
      %get3A_69 = vector.shape_cast %get3A_68 : vector<1x16xi32> to vector<16xi32>
      %mul3A_70 = arith.constant 2 : i32
      %mul3A_71 = vector.broadcast %mul3A_70 : i32 to vector<16xi32>
      %mul3A_72 = arith.muli %mul3A_71, %get3A_64 : vector<16xi32>
      %add3A_73 = arith.addi %mul3A_72, %get3A_69 : vector<16xi32>
      %mul3A_74 = arith.constant 2 : i32
      %mul3A_75 = vector.broadcast %mul3A_74 : i32 to vector<16xi32>
      %mul3A_76 = arith.muli %mul3A_75, %get3A_59 : vector<16xi32>
      %add3A_77 = arith.addi %mul3A_76, %get3A_69 : vector<16xi32>
      %min3A = arith.constant 99999 : i32
      %min3A_78 = vector.broadcast %min3A : i32 to vector<16xi32>
      %min3A_79 = arith.minsi %add3A_73, %min3A_78 : vector<16xi32>
      %swap3A = arith.index_cast %mul3A_55 : i32 to index
      %swap3A_80 = tpu.vector_load %arg12[%swap3A] {strides = array<i32>} : memref<2560xi32, #tpu.memory_space<vmem>>, vector<16xi32>,
      %swap3A_81 = vector.shape_cast %swap3A_80 : vector<16xi32> to vector<16xi32>
      %swap3A_82 = vector.shape_cast %min3A_79 : vector<16xi32> to vector<16xi32>
      tpu.vector_store %arg12[%swap3A], %swap3A_82 {strides = array<i32>} : memref<2560xi32, #tpu.memory_space<vmem>>, vector<16xi32>,
      %add3A_83 = arith.constant 100000 : i32
      %add3A_84 = vector.broadcast %add3A_83 : i32 to vector<16xi32>
      %add3A_85 = arith.addi %add3A_84, %add3A_77 : vector<16xi32>
      %mul3A_86 = arith.constant 16 : i32
      %mul3A_87 = arith.muli %scan3A_53, %mul3A_86 : i32
      %add3A_88 = arith.constant 1280 : i32
      %add3A_89 = arith.addi %add3A_88, %mul3A_87 : i32
      %swap3A_90 = arith.index_cast %add3A_89 : i32 to index
      %swap3A_91 = tpu.vector_load %arg12[%swap3A_90] {strides = array<i32>} : memref<2560xi32, #tpu.memory_space<vmem>>, vector<16xi32>,
      %swap3A_92 = vector.shape_cast %swap3A_91 : vector<16xi32> to vector<16xi32>
      %swap3A_93 = vector.shape_cast %add3A_85 : vector<16xi32> to vector<16xi32>
      tpu.vector_store %arg12[%swap3A_90], %swap3A_93 {strides = array<i32>} : memref<2560xi32, #tpu.memory_space<vmem>>, vector<16xi32>,
      %swap3A_94 = arith.index_cast %mul3A_55 : i32 to index
      %swap3A_95 = tpu.vector_load %arg13[%swap3A_94] {strides = array<i32>} : memref<1280xi32, #tpu.memory_space<vmem>>, vector<16xi32>,
      %swap3A_96 = vector.shape_cast %swap3A_95 : vector<16xi32> to vector<16xi32>
      %swap3A_97 = vector.shape_cast %add3A_77 : vector<16xi32> to vector<16xi32>
      tpu.vector_store %arg13[%swap3A_94], %swap3A_97 {strides = array<i32>} : memref<1280xi32, #tpu.memory_space<vmem>>, vector<16xi32>,
      %swap3A_98 = arith.index_cast %mul3A_55 : i32 to index
      %swap3A_99 = tpu.vector_load %arg14[%swap3A_98] {strides = array<i32>} : memref<1280xi32, #tpu.memory_space<vmem>>, vector<16xi32>,
      %swap3A_100 = vector.shape_cast %swap3A_99 : vector<16xi32> to vector<16xi32>
      %swap3A_101 = vector.shape_cast %get3A_64 : vector<16xi32> to vector<16xi32>
      tpu.vector_store %arg14[%swap3A_98], %swap3A_101 {strides = array<i32>} : memref<1280xi32, #tpu.memory_space<vmem>>, vector<16xi32>,
    }
    %scan3A_21 = arith.constant 80 : i32
    %dma_start3A_22 = arith.constant 0 : i32
    %dma_start3A_23 = arith.constant 0 : i32
    %dma_start3A_24 = tpu.memref_slice %arg3[%dma_start3A_22, %dma_start3A_23] : memref<100000x16xf32, #tpu.memory_space<hbm>> -> memref<100000x16xf32, #tpu.memory_space<hbm>>
    tpu.enqueue_indirect_dma source(%dma_start3A_24 : memref<100000x16xf32, #tpu.memory_space<hbm>>) target(%arg17 : memref<1280x16xf32, #tpu.memory_space<vmem>>) offsets(%arg13 : memref<1280xi32, #tpu.memory_space<vmem>>) semaphore(%arg22 : memref<!tpu.dma_semaphore, #tpu.memory_space<semaphore_mem>>)
    %dma_start3A_25 = arith.constant 0 : i32
    %dma_start3A_26 = tpu.memref_slice %arg2[%dma_start3A_25] : memref<200000xf32, #tpu.memory_space<hbm>> -> memref<200000xf32, #tpu.memory_space<hbm>>
    tpu.enqueue_indirect_dma source(%dma_start3A_26 : memref<200000xf32, #tpu.memory_space<hbm>>) target(%arg15 : memref<2560xf32, #tpu.memory_space<vmem>>) offsets(%arg12 : memref<2560xi32, #tpu.memory_space<vmem>>) semaphore(%arg21 : memref<!tpu.dma_semaphore, #tpu.memory_space<semaphore_mem>>)
    %add3A_27 = arith.constant 1280 : i32
    %add3A_28 = arith.addi %mul3A_2, %add3A_27 : i32
    %dma_start3A_29 = arith.constant 0 : i32
    %dma_start3A_30 = tpu.memref_slice %arg4[%dma_start3A_29, %add3A_28] : memref<3x819200xi32, #tpu.memory_space<hbm>> -> memref<3x1280xi32, #tpu.memory_space<hbm>>
    %dma_start3A_31 = arith.constant 0 : i32
    %dma_start3A_32 = tpu.memref_slice %arg4[%dma_start3A_31, %add3A_28] : memref<3x819200xi32, #tpu.memory_space<hbm>> -> memref<3x1280xi32, #tpu.memory_space<hbm>>
    tpu.enqueue_dma source(%dma_start3A_32 : memref<3x1280xi32, #tpu.memory_space<hbm>>) target(%arg24 : memref<3x1280xi32, #tpu.memory_space<vmem>>) target_semaphore(%arg33 : memref<!tpu.dma_semaphore, #tpu.memory_space<semaphore_mem>>)
    %scan3A_33 = arith.constant 0 : i32
    %scan3A_34 = arith.constant 0 : i32
    %scan3A_35 = arith.constant 10 : i32
    %scan3A_36 = arith.addi %scan3A_34, %scan3A_35 : i32
    %scan3A_37 = arith.constant 1 : i32
    scf.for %scan3A_53 = %scan3A_34 to %scan3A_36 step %scan3A_37  : i32 {
      %mul3A_54 = arith.constant 2 : i32
      %mul3A_55 = arith.muli %mul3A_54, %scan3A_53 : i32
      %dma_wait3A_56 = arith.constant 0 : i32
      %dma_wait3A_57 = tpu.memref_slice %arg4[%dma_wait3A_56, %mul3A_2] : memref<3x819200xi32, #tpu.memory_space<hbm>> -> memref<3x1280xi32, #tpu.memory_space<hbm>>
      %dma_wait3A_58 = arith.constant 0 : i32
      %dma_wait3A_59 = tpu.memref_slice %arg4[%dma_wait3A_58, %mul3A_2] : memref<3x819200xi32, #tpu.memory_space<hbm>> -> memref<3x1280xi32, #tpu.memory_space<hbm>>
      tpu.wait_dma2 semaphore(%arg33 : memref<!tpu.dma_semaphore, #tpu.memory_space<semaphore_mem>>) src(%dma_wait3A_59 : memref<3x1280xi32, #tpu.memory_space<hbm>>) dst(%arg24 : memref<3x1280xi32, #tpu.memory_space<vmem>>)
      %gt3A = arith.constant 0 : i32
      %gt3A_60 = arith.cmpi sgt, %scan3A_53, %gt3A : i32
      %convert_element_type3A = arith.extui %gt3A_60 : i1 to i32
      %cond3A = arith.constant 0 : i32
      %cond3A_61 = arith.cmpi ne, %convert_element_type3A, %cond3A : i32
      scf.if %cond3A_61 {
        %dma_wait3A_130 = arith.constant 0 : i32
        %dma_wait3A_131 = arith.constant 0 : i32
        %dma_wait3A_132 = tpu.memref_slice %arg9[%dma_wait3A_130, %dma_wait3A_131] : memref<50048x16xf32, #tpu.memory_space<vmem_shared>> -> memref<50048x16xf32, #tpu.memory_space<vmem_shared>>
        tpu.wait_indirect_dma semaphore(%arg36 : memref<!tpu.dma_semaphore, #tpu.memory_space<semaphore_mem>>) src(%arg30 : memref<1280x16xf32, #tpu.memory_space<vmem>>) dst(%dma_wait3A_132 : memref<50048x16xf32, #tpu.memory_space<vmem_shared>>)
        %dma_wait3A_133 = arith.constant 0 : i32
        %dma_wait3A_134 = tpu.memref_slice %arg10[%dma_wait3A_133] : memref<50048xf32, #tpu.memory_space<vmem_shared>> -> memref<50048xf32, #tpu.memory_space<vmem_shared>>
        tpu.wait_indirect_dma semaphore(%arg36 : memref<!tpu.dma_semaphore, #tpu.memory_space<semaphore_mem>>) src(%arg29 : memref<1280xf32, #tpu.memory_space<vmem>>) dst(%dma_wait3A_134 : memref<50048xf32, #tpu.memory_space<vmem_shared>>)
      } else {
      }
      %scan3A_62 = arith.constant 0 : i32
      %scan3A_63 = arith.constant 0 : i32
      %scan3A_64 = arith.constant 80 : i32
      %scan3A_65 = arith.addi %scan3A_63, %scan3A_64 : i32
      %scan3A_66 = arith.constant 1 : i32
      scf.for %scan3A_130 = %scan3A_63 to %scan3A_65 step %scan3A_66  : i32 {
        %mul3A_131 = arith.constant 16 : i32
        %mul3A_132 = arith.muli %scan3A_130, %mul3A_131 : i32
        %get3A = arith.constant 0 : i32
        %get3A_133 = arith.index_cast %get3A : i32 to index
        %get3A_134 = arith.index_cast %mul3A_132 : i32 to index
        %get3A_135 = tpu.vector_load %arg24[%get3A_133, %get3A_134] {strides = array<i32>} : memref<3x1280xi32, #tpu.memory_space<vmem>>, vector<1x16xi32>,
        %get3A_136 = vector.shape_cast %get3A_135 : vector<1x16xi32> to vector<16xi32>
        %get3A_137 = arith.constant 1 : i32
        %get3A_138 = arith.index_cast %get3A_137 : i32 to index
        %get3A_139 = arith.index_cast %mul3A_132 : i32 to index
        %get3A_140 = tpu.vector_load %arg24[%get3A_138, %get3A_139] {strides = array<i32>} : memref<3x1280xi32, #tpu.memory_space<vmem>>, vector<1x16xi32>,
        %get3A_141 = vector.shape_cast %get3A_140 : vector<1x16xi32> to vector<16xi32>
        %get3A_142 = arith.constant 2 : i32
        %get3A_143 = arith.index_cast %get3A_142 : i32 to index
        %get3A_144 = arith.index_cast %mul3A_132 : i32 to index
        %get3A_145 = tpu.vector_load %arg24[%get3A_143, %get3A_144] {strides = array<i32>} : memref<3x1280xi32, #tpu.memory_space<vmem>>, vector<1x16xi32>,
        %get3A_146 = vector.shape_cast %get3A_145 : vector<1x16xi32> to vector<16xi32>
        %mul3A_147 = arith.constant 2 : i32
        %mul3A_148 = vector.broadcast %mul3A_147 : i32 to vector<16xi32>
        %mul3A_149 = arith.muli %mul3A_148, %get3A_141 : vector<16xi32>
        %add3A_150 = arith.addi %mul3A_149, %get3A_146 : vector<16xi32>
        %mul3A_151 = arith.constant 2 : i32
        %mul3A_152 = vector.broadcast %mul3A_151 : i32 to vector<16xi32>
        %mul3A_153 = arith.muli %mul3A_152, %get3A_136 : vector<16xi32>
        %add3A_154 = arith.addi %mul3A_153, %get3A_146 : vector<16xi32>
        %min3A = arith.constant 99999 : i32
        %min3A_155 = vector.broadcast %min3A : i32 to vector<16xi32>
        %min3A_156 = arith.minsi %add3A_150, %min3A_155 : vector<16xi32>
        %swap3A = arith.index_cast %mul3A_132 : i32 to index
        %swap3A_157 = tpu.vector_load %arg25[%swap3A] {strides = array<i32>} : memref<2560xi32, #tpu.memory_space<vmem>>, vector<16xi32>,
        %swap3A_158 = vector.shape_cast %swap3A_157 : vector<16xi32> to vector<16xi32>
        %swap3A_159 = vector.shape_cast %min3A_156 : vector<16xi32> to vector<16xi32>
        tpu.vector_store %arg25[%swap3A], %swap3A_159 {strides = array<i32>} : memref<2560xi32, #tpu.memory_space<vmem>>, vector<16xi32>,
        %add3A_160 = arith.constant 100000 : i32
        %add3A_161 = vector.broadcast %add3A_160 : i32 to vector<16xi32>
        %add3A_162 = arith.addi %add3A_161, %add3A_154 : vector<16xi32>
        %mul3A_163 = arith.constant 16 : i32
        %mul3A_164 = arith.muli %scan3A_130, %mul3A_163 : i32
        %add3A_165 = arith.constant 1280 : i32
        %add3A_166 = arith.addi %add3A_165, %mul3A_164 : i32
        %swap3A_167 = arith.index_cast %add3A_166 : i32 to index
        %swap3A_168 = tpu.vector_load %arg25[%swap3A_167] {strides = array<i32>} : memref<2560xi32, #tpu.memory_space<vmem>>, vector<16xi32>,
        %swap3A_169 = vector.shape_cast %swap3A_168 : vector<16xi32> to vector<16xi32>
        %swap3A_170 = vector.shape_cast %add3A_162 : vector<16xi32> to vector<16xi32>
        tpu.vector_store %arg25[%swap3A_167], %swap3A_170 {strides = array<i32>} : memref<2560xi32, #tpu.memory_space<vmem>>, vector<16xi32>,
        %swap3A_171 = arith.index_cast %mul3A_132 : i32 to index
        %swap3A_172 = tpu.vector_load %arg26[%swap3A_171] {strides = array<i32>} : memref<1280xi32, #tpu.memory_space<vmem>>, vector<16xi32>,
        %swap3A_173 = vector.shape_cast %swap3A_172 : vector<16xi32> to vector<16xi32>
        %swap3A_174 = vector.shape_cast %add3A_154 : vector<16xi32> to vector<16xi32>
        tpu.vector_store %arg26[%swap3A_171], %swap3A_174 {strides = array<i32>} : memref<1280xi32, #tpu.memory_space<vmem>>, vector<16xi32>,
        %swap3A_175 = arith.index_cast %mul3A_132 : i32 to index
        %swap3A_176 = tpu.vector_load %arg27[%swap3A_175] {strides = array<i32>} : memref<1280xi32, #tpu.memory_space<vmem>>, vector<16xi32>,
        %swap3A_177 = vector.shape_cast %swap3A_176 : vector<16xi32> to vector<16xi32>
        %swap3A_178 = vector.shape_cast %get3A_141 : vector<16xi32> to vector<16xi32>
        tpu.vector_store %arg27[%swap3A_175], %swap3A_178 {strides = array<i32>} : memref<1280xi32, #tpu.memory_space<vmem>>, vector<16xi32>,
      }
      %scan3A_67 = arith.constant 80 : i32
      %dma_start3A_68 = arith.constant 0 : i32
      %dma_start3A_69 = arith.constant 0 : i32
      %dma_start3A_70 = tpu.memref_slice %arg3[%dma_start3A_68, %dma_start3A_69] : memref<100000x16xf32, #tpu.memory_space<hbm>> -> memref<100000x16xf32, #tpu.memory_space<hbm>>
      tpu.enqueue_indirect_dma source(%dma_start3A_70 : memref<100000x16xf32, #tpu.memory_space<hbm>>) target(%arg30 : memref<1280x16xf32, #tpu.memory_space<vmem>>) offsets(%arg26 : memref<1280xi32, #tpu.memory_space<vmem>>) semaphore(%arg35 : memref<!tpu.dma_semaphore, #tpu.memory_space<semaphore_mem>>)
      %dma_start3A_71 = arith.constant 0 : i32
      %dma_start3A_72 = tpu.memref_slice %arg2[%dma_start3A_71] : memref<200000xf32, #tpu.memory_space<hbm>> -> memref<200000xf32, #tpu.memory_space<hbm>>
      tpu.enqueue_indirect_dma source(%dma_start3A_72 : memref<200000xf32, #tpu.memory_space<hbm>>) target(%arg28 : memref<2560xf32, #tpu.memory_space<vmem>>) offsets(%arg25 : memref<2560xi32, #tpu.memory_space<vmem>>) semaphore(%arg34 : memref<!tpu.dma_semaphore, #tpu.memory_space<semaphore_mem>>)
      %add3A_73 = arith.constant 2 : i32
      %add3A_74 = arith.addi %mul3A_55, %add3A_73 : i32
      %lt3A = arith.constant 20 : i32
      %lt3A_75 = arith.cmpi slt, %add3A_74, %lt3A : i32
      %convert_element_type3A_76 = arith.extui %lt3A_75 : i1 to i32
      %cond3A_77 = arith.constant 0 : i32
      %cond3A_78 = arith.cmpi ne, %convert_element_type3A_76, %cond3A_77 : i32
      scf.if %cond3A_78 {
        %add3A_130 = arith.constant 2 : i32
        %add3A_131 = arith.addi %mul3A_55, %add3A_130 : i32
        %mul3A_132 = arith.constant 1280 : i32
        %mul3A_133 = arith.muli %add3A_131, %mul3A_132 : i32
        %add3A_134 = arith.addi %mul3A_2, %mul3A_133 : i32
        %dma_start3A_135 = arith.constant 0 : i32
        %dma_start3A_136 = tpu.memref_slice %arg4[%dma_start3A_135, %add3A_134] : memref<3x819200xi32, #tpu.memory_space<hbm>> -> memref<3x1280xi32, #tpu.memory_space<hbm>>
        %dma_start3A_137 = arith.constant 0 : i32
        %dma_start3A_138 = tpu.memref_slice %arg4[%dma_start3A_137, %add3A_134] : memref<3x819200xi32, #tpu.memory_space<hbm>> -> memref<3x1280xi32, #tpu.memory_space<hbm>>
        tpu.enqueue_dma source(%dma_start3A_138 : memref<3x1280xi32, #tpu.memory_space<hbm>>) target(%arg11 : memref<3x1280xi32, #tpu.memory_space<vmem>>) target_semaphore(%arg20 : memref<!tpu.dma_semaphore, #tpu.memory_space<semaphore_mem>>)
      } else {
      }
      %dma_wait3A_79 = arith.constant 0 : i32
      %dma_wait3A_80 = tpu.memref_slice %arg2[%dma_wait3A_79] : memref<200000xf32, #tpu.memory_space<hbm>> -> memref<200000xf32, #tpu.memory_space<hbm>>
      tpu.wait_indirect_dma semaphore(%arg21 : memref<!tpu.dma_semaphore, #tpu.memory_space<semaphore_mem>>) src(%dma_wait3A_80 : memref<200000xf32, #tpu.memory_space<hbm>>) dst(%arg15 : memref<2560xf32, #tpu.memory_space<vmem>>)
      %scan3A_81 = arith.constant 0 : i32
      %scan3A_82 = arith.constant 0 : i32
      %scan3A_83 = arith.constant 80 : i32
      %scan3A_84 = arith.addi %scan3A_82, %scan3A_83 : i32
      %scan3A_85 = arith.constant 1 : i32
      scf.for %scan3A_130 = %scan3A_82 to %scan3A_84 step %scan3A_85  : i32 {
        %mul3A_131 = arith.constant 16 : i32
        %mul3A_132 = arith.muli %scan3A_130, %mul3A_131 : i32
        %get3A = arith.index_cast %mul3A_132 : i32 to index
        %get3A_133 = tpu.vector_load %arg15[%get3A] {strides = array<i32>} : memref<2560xf32, #tpu.memory_space<vmem>>, vector<16xf32>,
        %get3A_134 = vector.shape_cast %get3A_133 : vector<16xf32> to vector<16xf32>
        %mul3A_135 = arith.constant 16 : i32
        %mul3A_136 = arith.muli %scan3A_130, %mul3A_135 : i32
        %add3A_137 = arith.constant 1280 : i32
        %add3A_138 = arith.addi %add3A_137, %mul3A_136 : i32
        %get3A_139 = arith.index_cast %add3A_138 : i32 to index
        %get3A_140 = tpu.vector_load %arg15[%get3A_139] {strides = array<i32>} : memref<2560xf32, #tpu.memory_space<vmem>>, vector<16xf32>,
        %get3A_141 = vector.shape_cast %get3A_140 : vector<16xf32> to vector<16xf32>
        %add3A_142 = arith.addf %get3A_134, %get3A_141 : vector<16xf32>
        %ge3A = arith.constant 0.000000e+00 : f32
        %ge3A_143 = vector.broadcast %ge3A : f32 to vector<16xf32>
        %ge3A_144 = arith.cmpf oge, %add3A_142, %ge3A_143 : vector<16xf32>
        %mul3A_145 = arith.constant 2.000000e-01 : f32
        %mul3A_146 = vector.broadcast %mul3A_145 : f32 to vector<16xf32>
        %mul3A_147 = arith.mulf %mul3A_146, %add3A_142 : vector<16xf32>
        %select_n3A = arith.select %ge3A_144, %add3A_142, %mul3A_147 : vector<16xi1>, vector<16xf32>
        %exp3A = math.exp %select_n3A : vector<16xf32>
        %swap3A = arith.index_cast %mul3A_132 : i32 to index
        %swap3A_148 = tpu.vector_load %arg16[%swap3A] {strides = array<i32>} : memref<1280xf32, #tpu.memory_space<vmem>>, vector<16xf32>,
        %swap3A_149 = vector.shape_cast %swap3A_148 : vector<16xf32> to vector<16xf32>
        %swap3A_150 = vector.shape_cast %exp3A : vector<16xf32> to vector<16xf32>
        tpu.vector_store %arg16[%swap3A], %swap3A_150 {strides = array<i32>} : memref<1280xf32, #tpu.memory_space<vmem>>, vector<16xf32>,
      }
      %scan3A_86 = arith.constant 80 : i32
      %dma_wait3A_87 = arith.constant 0 : i32
      %dma_wait3A_88 = arith.constant 0 : i32
      %dma_wait3A_89 = tpu.memref_slice %arg3[%dma_wait3A_87, %dma_wait3A_88] : memref<100000x16xf32, #tpu.memory_space<hbm>> -> memref<100000x16xf32, #tpu.memory_space<hbm>>
      tpu.wait_indirect_dma semaphore(%arg22 : memref<!tpu.dma_semaphore, #tpu.memory_space<semaphore_mem>>) src(%dma_wait3A_89 : memref<100000x16xf32, #tpu.memory_space<hbm>>) dst(%arg17 : memref<1280x16xf32, #tpu.memory_space<vmem>>)
      %scan3A_90 = arith.constant 0 : i32
      %scan3A_91 = arith.constant 0 : i32
      %scan3A_92 = arith.constant 80 : i32
      %scan3A_93 = arith.addi %scan3A_91, %scan3A_92 : i32
      %scan3A_94 = arith.constant 1 : i32
      scf.for %scan3A_130 = %scan3A_91 to %scan3A_93 step %scan3A_94  : i32 {
        %mul3A_131 = arith.constant 16 : i32
        %mul3A_132 = arith.muli %scan3A_130, %mul3A_131 : i32
        %get3A = arith.index_cast %mul3A_132 : i32 to index
        %get3A_133 = tpu.vector_load %arg16[%get3A] {strides = array<i32>} : memref<1280xf32, #tpu.memory_space<vmem>>, vector<16xf32>,
        %get3A_134 = vector.shape_cast %get3A_133 : vector<16xf32> to vector<16xf32>
        %mul3A_135 = arith.constant 16 : i32
        %mul3A_136 = arith.muli %scan3A_130, %mul3A_135 : i32
        %add3A_137 = arith.constant 0 : i32
        %add3A_138 = arith.addi %mul3A_136, %add3A_137 : i32
        %get3A_139 = arith.index_cast %add3A_138 : i32 to index
        %get3A_140 = arith.constant 0 : index
        %get3A_141 = tpu.vector_load %arg17[%get3A_139, %get3A_140] {strides = array<i32>} : memref<1280x16xf32, #tpu.memory_space<vmem>>, vector<1x16xf32>,
        %get3A_142 = vector.shape_cast %get3A_141 : vector<1x16xf32> to vector<16xf32>
        %slice3A = vector.extract_strided_slice %get3A_134 {offsets = [0], sizes = [1], strides = [1]} : vector<16xf32> to vector<1xf32>
        %squeeze3A = vector.extract %slice3A[0] : f32 from vector<1xf32>
        %mul3A_143 = vector.broadcast %squeeze3A : f32 to vector<16xf32>
        %mul3A_144 = arith.mulf %get3A_142, %mul3A_143 : vector<16xf32>
        %mul3A_145 = arith.constant 16 : i32
        %mul3A_146 = arith.muli %scan3A_130, %mul3A_145 : i32
        %add3A_147 = arith.constant 0 : i32
        %add3A_148 = arith.addi %mul3A_146, %add3A_147 : i32
        %swap3A = arith.index_cast %add3A_148 : i32 to index
        %swap3A_149 = arith.constant 0 : index
        %swap3A_150 = tpu.vector_load %arg17[%swap3A, %swap3A_149] {strides = array<i32>} : memref<1280x16xf32, #tpu.memory_space<vmem>>, vector<1x16xf32>,
        %swap3A_151 = vector.shape_cast %swap3A_150 : vector<1x16xf32> to vector<16xf32>
        %swap3A_152 = vector.shape_cast %mul3A_144 : vector<16xf32> to vector<1x16xf32>
        tpu.vector_store %arg17[%swap3A, %swap3A_149], %swap3A_152 {strides = array<i32>} : memref<1280x16xf32, #tpu.memory_space<vmem>>, vector<1x16xf32>,
        %mul3A_153 = arith.constant 16 : i32
        %mul3A_154 = arith.muli %scan3A_130, %mul3A_153 : i32
        %add3A_155 = arith.constant 1 : i32
        %add3A_156 = arith.addi %mul3A_154, %add3A_155 : i32
        %get3A_157 = arith.index_cast %add3A_156 : i32 to index
        %get3A_158 = arith.constant 0 : index
        %get3A_159 = tpu.vector_load %arg17[%get3A_157, %get3A_158] {strides = array<i32>} : memref<1280x16xf32, #tpu.memory_space<vmem>>, vector<1x16xf32>,
        %get3A_160 = vector.shape_cast %get3A_159 : vector<1x16xf32> to vector<16xf32>
        %slice3A_161 = vector.extract_strided_slice %get3A_134 {offsets = [1], sizes = [1], strides = [1]} : vector<16xf32> to vector<1xf32>
        %squeeze3A_162 = vector.extract %slice3A_161[0] : f32 from vector<1xf32>
        %mul3A_163 = vector.broadcast %squeeze3A_162 : f32 to vector<16xf32>
        %mul3A_164 = arith.mulf %get3A_160, %mul3A_163 : vector<16xf32>
        %mul3A_165 = arith.constant 16 : i32
        %mul3A_166 = arith.muli %scan3A_130, %mul3A_165 : i32
        %add3A_167 = arith.constant 1 : i32
        %add3A_168 = arith.addi %mul3A_166, %add3A_167 : i32
        %swap3A_169 = arith.index_cast %add3A_168 : i32 to index
        %swap3A_170 = arith.constant 0 : index
        %swap3A_171 = tpu.vector_load %arg17[%swap3A_169, %swap3A_170] {strides = array<i32>} : memref<1280x16xf32, #tpu.memory_space<vmem>>, vector<1x16xf32>,
        %swap3A_172 = vector.shape_cast %swap3A_171 : vector<1x16xf32> to vector<16xf32>
        %swap3A_173 = vector.shape_cast %mul3A_164 : vector<16xf32> to vector<1x16xf32>
        tpu.vector_store %arg17[%swap3A_169, %swap3A_170], %swap3A_173 {strides = array<i32>} : memref<1280x16xf32, #tpu.memory_space<vmem>>, vector<1x16xf32>,
        %mul3A_174 = arith.constant 16 : i32
        %mul3A_175 = arith.muli %scan3A_130, %mul3A_174 : i32
        %add3A_176 = arith.constant 2 : i32
        %add3A_177 = arith.addi %mul3A_175, %add3A_176 : i32
        %get3A_178 = arith.index_cast %add3A_177 : i32 to index
        %get3A_179 = arith.constant 0 : index
        %get3A_180 = tpu.vector_load %arg17[%get3A_178, %get3A_179] {strides = array<i32>} : memref<1280x16xf32, #tpu.memory_space<vmem>>, vector<1x16xf32>,
        %get3A_181 = vector.shape_cast %get3A_180 : vector<1x16xf32> to vector<16xf32>
        %slice3A_182 = vector.extract_strided_slice %get3A_134 {offsets = [2], sizes = [1], strides = [1]} : vector<16xf32> to vector<1xf32>
        %squeeze3A_183 = vector.extract %slice3A_182[0] : f32 from vector<1xf32>
        %mul3A_184 = vector.broadcast %squeeze3A_183 : f32 to vector<16xf32>
        %mul3A_185 = arith.mulf %get3A_181, %mul3A_184 : vector<16xf32>
        %mul3A_186 = arith.constant 16 : i32
        %mul3A_187 = arith.muli %scan3A_130, %mul3A_186 : i32
        %add3A_188 = arith.constant 2 : i32
        %add3A_189 = arith.addi %mul3A_187, %add3A_188 : i32
        %swap3A_190 = arith.index_cast %add3A_189 : i32 to index
        %swap3A_191 = arith.constant 0 : index
        %swap3A_192 = tpu.vector_load %arg17[%swap3A_190, %swap3A_191] {strides = array<i32>} : memref<1280x16xf32, #tpu.memory_space<vmem>>, vector<1x16xf32>,
        %swap3A_193 = vector.shape_cast %swap3A_192 : vector<1x16xf32> to vector<16xf32>
        %swap3A_194 = vector.shape_cast %mul3A_185 : vector<16xf32> to vector<1x16xf32>
        tpu.vector_store %arg17[%swap3A_190, %swap3A_191], %swap3A_194 {strides = array<i32>} : memref<1280x16xf32, #tpu.memory_space<vmem>>, vector<1x16xf32>,
        %mul3A_195 = arith.constant 16 : i32
        %mul3A_196 = arith.muli %scan3A_130, %mul3A_195 : i32
        %add3A_197 = arith.constant 3 : i32
        %add3A_198 = arith.addi %mul3A_196, %add3A_197 : i32
        %get3A_199 = arith.index_cast %add3A_198 : i32 to index
        %get3A_200 = arith.constant 0 : index
        %get3A_201 = tpu.vector_load %arg17[%get3A_199, %get3A_200] {strides = array<i32>} : memref<1280x16xf32, #tpu.memory_space<vmem>>, vector<1x16xf32>,
        %get3A_202 = vector.shape_cast %get3A_201 : vector<1x16xf32> to vector<16xf32>
        %slice3A_203 = vector.extract_strided_slice %get3A_134 {offsets = [3], sizes = [1], strides = [1]} : vector<16xf32> to vector<1xf32>
        %squeeze3A_204 = vector.extract %slice3A_203[0] : f32 from vector<1xf32>
        %mul3A_205 = vector.broadcast %squeeze3A_204 : f32 to vector<16xf32>
        %mul3A_206 = arith.mulf %get3A_202, %mul3A_205 : vector<16xf32>
        %mul3A_207 = arith.constant 16 : i32
        %mul3A_208 = arith.muli %scan3A_130, %mul3A_207 : i32
        %add3A_209 = arith.constant 3 : i32
        %add3A_210 = arith.addi %mul3A_208, %add3A_209 : i32
        %swap3A_211 = arith.index_cast %add3A_210 : i32 to index
        %swap3A_212 = arith.constant 0 : index
        %swap3A_213 = tpu.vector_load %arg17[%swap3A_211, %swap3A_212] {strides = array<i32>} : memref<1280x16xf32, #tpu.memory_space<vmem>>, vector<1x16xf32>,
        %swap3A_214 = vector.shape_cast %swap3A_213 : vector<1x16xf32> to vector<16xf32>
        %swap3A_215 = vector.shape_cast %mul3A_206 : vector<16xf32> to vector<1x16xf32>
        tpu.vector_store %arg17[%swap3A_211, %swap3A_212], %swap3A_215 {strides = array<i32>} : memref<1280x16xf32, #tpu.memory_space<vmem>>, vector<1x16xf32>,
        %mul3A_216 = arith.constant 16 : i32
        %mul3A_217 = arith.muli %scan3A_130, %mul3A_216 : i32
        %add3A_218 = arith.constant 4 : i32
        %add3A_219 = arith.addi %mul3A_217, %add3A_218 : i32
        %get3A_220 = arith.index_cast %add3A_219 : i32 to index
        %get3A_221 = arith.constant 0 : index
        %get3A_222 = tpu.vector_load %arg17[%get3A_220, %get3A_221] {strides = array<i32>} : memref<1280x16xf32, #tpu.memory_space<vmem>>, vector<1x16xf32>,
        %get3A_223 = vector.shape_cast %get3A_222 : vector<1x16xf32> to vector<16xf32>
        %slice3A_224 = vector.extract_strided_slice %get3A_134 {offsets = [4], sizes = [1], strides = [1]} : vector<16xf32> to vector<1xf32>
        %squeeze3A_225 = vector.extract %slice3A_224[0] : f32 from vector<1xf32>
        %mul3A_226 = vector.broadcast %squeeze3A_225 : f32 to vector<16xf32>
        %mul3A_227 = arith.mulf %get3A_223, %mul3A_226 : vector<16xf32>
        %mul3A_228 = arith.constant 16 : i32
        %mul3A_229 = arith.muli %scan3A_130, %mul3A_228 : i32
        %add3A_230 = arith.constant 4 : i32
        %add3A_231 = arith.addi %mul3A_229, %add3A_230 : i32
        %swap3A_232 = arith.index_cast %add3A_231 : i32 to index
        %swap3A_233 = arith.constant 0 : index
        %swap3A_234 = tpu.vector_load %arg17[%swap3A_232, %swap3A_233] {strides = array<i32>} : memref<1280x16xf32, #tpu.memory_space<vmem>>, vector<1x16xf32>,
        %swap3A_235 = vector.shape_cast %swap3A_234 : vector<1x16xf32> to vector<16xf32>
        %swap3A_236 = vector.shape_cast %mul3A_227 : vector<16xf32> to vector<1x16xf32>
        tpu.vector_store %arg17[%swap3A_232, %swap3A_233], %swap3A_236 {strides = array<i32>} : memref<1280x16xf32, #tpu.memory_space<vmem>>, vector<1x16xf32>,
        %mul3A_237 = arith.constant 16 : i32
        %mul3A_238 = arith.muli %scan3A_130, %mul3A_237 : i32
        %add3A_239 = arith.constant 5 : i32
        %add3A_240 = arith.addi %mul3A_238, %add3A_239 : i32
        %get3A_241 = arith.index_cast %add3A_240 : i32 to index
        %get3A_242 = arith.constant 0 : index
        %get3A_243 = tpu.vector_load %arg17[%get3A_241, %get3A_242] {strides = array<i32>} : memref<1280x16xf32, #tpu.memory_space<vmem>>, vector<1x16xf32>,
        %get3A_244 = vector.shape_cast %get3A_243 : vector<1x16xf32> to vector<16xf32>
        %slice3A_245 = vector.extract_strided_slice %get3A_134 {offsets = [5], sizes = [1], strides = [1]} : vector<16xf32> to vector<1xf32>
        %squeeze3A_246 = vector.extract %slice3A_245[0] : f32 from vector<1xf32>
        %mul3A_247 = vector.broadcast %squeeze3A_246 : f32 to vector<16xf32>
        %mul3A_248 = arith.mulf %get3A_244, %mul3A_247 : vector<16xf32>
        %mul3A_249 = arith.constant 16 : i32
        %mul3A_250 = arith.muli %scan3A_130, %mul3A_249 : i32
        %add3A_251 = arith.constant 5 : i32
        %add3A_252 = arith.addi %mul3A_250, %add3A_251 : i32
        %swap3A_253 = arith.index_cast %add3A_252 : i32 to index
        %swap3A_254 = arith.constant 0 : index
        %swap3A_255 = tpu.vector_load %arg17[%swap3A_253, %swap3A_254] {strides = array<i32>} : memref<1280x16xf32, #tpu.memory_space<vmem>>, vector<1x16xf32>,
        %swap3A_256 = vector.shape_cast %swap3A_255 : vector<1x16xf32> to vector<16xf32>
        %swap3A_257 = vector.shape_cast %mul3A_248 : vector<16xf32> to vector<1x16xf32>
        tpu.vector_store %arg17[%swap3A_253, %swap3A_254], %swap3A_257 {strides = array<i32>} : memref<1280x16xf32, #tpu.memory_space<vmem>>, vector<1x16xf32>,
        %mul3A_258 = arith.constant 16 : i32
        %mul3A_259 = arith.muli %scan3A_130, %mul3A_258 : i32
        %add3A_260 = arith.constant 6 : i32
        %add3A_261 = arith.addi %mul3A_259, %add3A_260 : i32
        %get3A_262 = arith.index_cast %add3A_261 : i32 to index
        %get3A_263 = arith.constant 0 : index
        %get3A_264 = tpu.vector_load %arg17[%get3A_262, %get3A_263] {strides = array<i32>} : memref<1280x16xf32, #tpu.memory_space<vmem>>, vector<1x16xf32>,
        %get3A_265 = vector.shape_cast %get3A_264 : vector<1x16xf32> to vector<16xf32>
        %slice3A_266 = vector.extract_strided_slice %get3A_134 {offsets = [6], sizes = [1], strides = [1]} : vector<16xf32> to vector<1xf32>
        %squeeze3A_267 = vector.extract %slice3A_266[0] : f32 from vector<1xf32>
        %mul3A_268 = vector.broadcast %squeeze3A_267 : f32 to vector<16xf32>
        %mul3A_269 = arith.mulf %get3A_265, %mul3A_268 : vector<16xf32>
        %mul3A_270 = arith.constant 16 : i32
        %mul3A_271 = arith.muli %scan3A_130, %mul3A_270 : i32
        %add3A_272 = arith.constant 6 : i32
        %add3A_273 = arith.addi %mul3A_271, %add3A_272 : i32
        %swap3A_274 = arith.index_cast %add3A_273 : i32 to index
        %swap3A_275 = arith.constant 0 : index
        %swap3A_276 = tpu.vector_load %arg17[%swap3A_274, %swap3A_275] {strides = array<i32>} : memref<1280x16xf32, #tpu.memory_space<vmem>>, vector<1x16xf32>,
        %swap3A_277 = vector.shape_cast %swap3A_276 : vector<1x16xf32> to vector<16xf32>
        %swap3A_278 = vector.shape_cast %mul3A_269 : vector<16xf32> to vector<1x16xf32>
        tpu.vector_store %arg17[%swap3A_274, %swap3A_275], %swap3A_278 {strides = array<i32>} : memref<1280x16xf32, #tpu.memory_space<vmem>>, vector<1x16xf32>,
        %mul3A_279 = arith.constant 16 : i32
        %mul3A_280 = arith.muli %scan3A_130, %mul3A_279 : i32
        %add3A_281 = arith.constant 7 : i32
        %add3A_282 = arith.addi %mul3A_280, %add3A_281 : i32
        %get3A_283 = arith.index_cast %add3A_282 : i32 to index
        %get3A_284 = arith.constant 0 : index
        %get3A_285 = tpu.vector_load %arg17[%get3A_283, %get3A_284] {strides = array<i32>} : memref<1280x16xf32, #tpu.memory_space<vmem>>, vector<1x16xf32>,
        %get3A_286 = vector.shape_cast %get3A_285 : vector<1x16xf32> to vector<16xf32>
        %slice3A_287 = vector.extract_strided_slice %get3A_134 {offsets = [7], sizes = [1], strides = [1]} : vector<16xf32> to vector<1xf32>
        %squeeze3A_288 = vector.extract %slice3A_287[0] : f32 from vector<1xf32>
        %mul3A_289 = vector.broadcast %squeeze3A_288 : f32 to vector<16xf32>
        %mul3A_290 = arith.mulf %get3A_286, %mul3A_289 : vector<16xf32>
        %mul3A_291 = arith.constant 16 : i32
        %mul3A_292 = arith.muli %scan3A_130, %mul3A_291 : i32
        %add3A_293 = arith.constant 7 : i32
        %add3A_294 = arith.addi %mul3A_292, %add3A_293 : i32
        %swap3A_295 = arith.index_cast %add3A_294 : i32 to index
        %swap3A_296 = arith.constant 0 : index
        %swap3A_297 = tpu.vector_load %arg17[%swap3A_295, %swap3A_296] {strides = array<i32>} : memref<1280x16xf32, #tpu.memory_space<vmem>>, vector<1x16xf32>,
        %swap3A_298 = vector.shape_cast %swap3A_297 : vector<1x16xf32> to vector<16xf32>
        %swap3A_299 = vector.shape_cast %mul3A_290 : vector<16xf32> to vector<1x16xf32>
        tpu.vector_store %arg17[%swap3A_295, %swap3A_296], %swap3A_299 {strides = array<i32>} : memref<1280x16xf32, #tpu.memory_space<vmem>>, vector<1x16xf32>,
        %mul3A_300 = arith.constant 16 : i32
        %mul3A_301 = arith.muli %scan3A_130, %mul3A_300 : i32
        %add3A_302 = arith.constant 8 : i32
        %add3A_303 = arith.addi %mul3A_301, %add3A_302 : i32
        %get3A_304 = arith.index_cast %add3A_303 : i32 to index
        %get3A_305 = arith.constant 0 : index
        %get3A_306 = tpu.vector_load %arg17[%get3A_304, %get3A_305] {strides = array<i32>} : memref<1280x16xf32, #tpu.memory_space<vmem>>, vector<1x16xf32>,
        %get3A_307 = vector.shape_cast %get3A_306 : vector<1x16xf32> to vector<16xf32>
        %slice3A_308 = vector.extract_strided_slice %get3A_134 {offsets = [8], sizes = [1], strides = [1]} : vector<16xf32> to vector<1xf32>
        %squeeze3A_309 = vector.extract %slice3A_308[0] : f32 from vector<1xf32>
        %mul3A_310 = vector.broadcast %squeeze3A_309 : f32 to vector<16xf32>
        %mul3A_311 = arith.mulf %get3A_307, %mul3A_310 : vector<16xf32>
        %mul3A_312 = arith.constant 16 : i32
        %mul3A_313 = arith.muli %scan3A_130, %mul3A_312 : i32
        %add3A_314 = arith.constant 8 : i32
        %add3A_315 = arith.addi %mul3A_313, %add3A_314 : i32
        %swap3A_316 = arith.index_cast %add3A_315 : i32 to index
        %swap3A_317 = arith.constant 0 : index
        %swap3A_318 = tpu.vector_load %arg17[%swap3A_316, %swap3A_317] {strides = array<i32>} : memref<1280x16xf32, #tpu.memory_space<vmem>>, vector<1x16xf32>,
        %swap3A_319 = vector.shape_cast %swap3A_318 : vector<1x16xf32> to vector<16xf32>
        %swap3A_320 = vector.shape_cast %mul3A_311 : vector<16xf32> to vector<1x16xf32>
        tpu.vector_store %arg17[%swap3A_316, %swap3A_317], %swap3A_320 {strides = array<i32>} : memref<1280x16xf32, #tpu.memory_space<vmem>>, vector<1x16xf32>,
        %mul3A_321 = arith.constant 16 : i32
        %mul3A_322 = arith.muli %scan3A_130, %mul3A_321 : i32
        %add3A_323 = arith.constant 9 : i32
        %add3A_324 = arith.addi %mul3A_322, %add3A_323 : i32
        %get3A_325 = arith.index_cast %add3A_324 : i32 to index
        %get3A_326 = arith.constant 0 : index
        %get3A_327 = tpu.vector_load %arg17[%get3A_325, %get3A_326] {strides = array<i32>} : memref<1280x16xf32, #tpu.memory_space<vmem>>, vector<1x16xf32>,
        %get3A_328 = vector.shape_cast %get3A_327 : vector<1x16xf32> to vector<16xf32>
        %slice3A_329 = vector.extract_strided_slice %get3A_134 {offsets = [9], sizes = [1], strides = [1]} : vector<16xf32> to vector<1xf32>
        %squeeze3A_330 = vector.extract %slice3A_329[0] : f32 from vector<1xf32>
        %mul3A_331 = vector.broadcast %squeeze3A_330 : f32 to vector<16xf32>
        %mul3A_332 = arith.mulf %get3A_328, %mul3A_331 : vector<16xf32>
        %mul3A_333 = arith.constant 16 : i32
        %mul3A_334 = arith.muli %scan3A_130, %mul3A_333 : i32
        %add3A_335 = arith.constant 9 : i32
        %add3A_336 = arith.addi %mul3A_334, %add3A_335 : i32
        %swap3A_337 = arith.index_cast %add3A_336 : i32 to index
        %swap3A_338 = arith.constant 0 : index
        %swap3A_339 = tpu.vector_load %arg17[%swap3A_337, %swap3A_338] {strides = array<i32>} : memref<1280x16xf32, #tpu.memory_space<vmem>>, vector<1x16xf32>,
        %swap3A_340 = vector.shape_cast %swap3A_339 : vector<1x16xf32> to vector<16xf32>
        %swap3A_341 = vector.shape_cast %mul3A_332 : vector<16xf32> to vector<1x16xf32>
        tpu.vector_store %arg17[%swap3A_337, %swap3A_338], %swap3A_341 {strides = array<i32>} : memref<1280x16xf32, #tpu.memory_space<vmem>>, vector<1x16xf32>,
        %mul3A_342 = arith.constant 16 : i32
        %mul3A_343 = arith.muli %scan3A_130, %mul3A_342 : i32
        %add3A_344 = arith.constant 10 : i32
        %add3A_345 = arith.addi %mul3A_343, %add3A_344 : i32
        %get3A_346 = arith.index_cast %add3A_345 : i32 to index
        %get3A_347 = arith.constant 0 : index
        %get3A_348 = tpu.vector_load %arg17[%get3A_346, %get3A_347] {strides = array<i32>} : memref<1280x16xf32, #tpu.memory_space<vmem>>, vector<1x16xf32>,
        %get3A_349 = vector.shape_cast %get3A_348 : vector<1x16xf32> to vector<16xf32>
        %slice3A_350 = vector.extract_strided_slice %get3A_134 {offsets = [10], sizes = [1], strides = [1]} : vector<16xf32> to vector<1xf32>
        %squeeze3A_351 = vector.extract %slice3A_350[0] : f32 from vector<1xf32>
        %mul3A_352 = vector.broadcast %squeeze3A_351 : f32 to vector<16xf32>
        %mul3A_353 = arith.mulf %get3A_349, %mul3A_352 : vector<16xf32>
        %mul3A_354 = arith.constant 16 : i32
        %mul3A_355 = arith.muli %scan3A_130, %mul3A_354 : i32
        %add3A_356 = arith.constant 10 : i32
        %add3A_357 = arith.addi %mul3A_355, %add3A_356 : i32
        %swap3A_358 = arith.index_cast %add3A_357 : i32 to index
        %swap3A_359 = arith.constant 0 : index
        %swap3A_360 = tpu.vector_load %arg17[%swap3A_358, %swap3A_359] {strides = array<i32>} : memref<1280x16xf32, #tpu.memory_space<vmem>>, vector<1x16xf32>,
        %swap3A_361 = vector.shape_cast %swap3A_360 : vector<1x16xf32> to vector<16xf32>
        %swap3A_362 = vector.shape_cast %mul3A_353 : vector<16xf32> to vector<1x16xf32>
        tpu.vector_store %arg17[%swap3A_358, %swap3A_359], %swap3A_362 {strides = array<i32>} : memref<1280x16xf32, #tpu.memory_space<vmem>>, vector<1x16xf32>,
        %mul3A_363 = arith.constant 16 : i32
        %mul3A_364 = arith.muli %scan3A_130, %mul3A_363 : i32
        %add3A_365 = arith.constant 11 : i32
        %add3A_366 = arith.addi %mul3A_364, %add3A_365 : i32
        %get3A_367 = arith.index_cast %add3A_366 : i32 to index
        %get3A_368 = arith.constant 0 : index
        %get3A_369 = tpu.vector_load %arg17[%get3A_367, %get3A_368] {strides = array<i32>} : memref<1280x16xf32, #tpu.memory_space<vmem>>, vector<1x16xf32>,
        %get3A_370 = vector.shape_cast %get3A_369 : vector<1x16xf32> to vector<16xf32>
        %slice3A_371 = vector.extract_strided_slice %get3A_134 {offsets = [11], sizes = [1], strides = [1]} : vector<16xf32> to vector<1xf32>
        %squeeze3A_372 = vector.extract %slice3A_371[0] : f32 from vector<1xf32>
        %mul3A_373 = vector.broadcast %squeeze3A_372 : f32 to vector<16xf32>
        %mul3A_374 = arith.mulf %get3A_370, %mul3A_373 : vector<16xf32>
        %mul3A_375 = arith.constant 16 : i32
        %mul3A_376 = arith.muli %scan3A_130, %mul3A_375 : i32
        %add3A_377 = arith.constant 11 : i32
        %add3A_378 = arith.addi %mul3A_376, %add3A_377 : i32
        %swap3A_379 = arith.index_cast %add3A_378 : i32 to index
        %swap3A_380 = arith.constant 0 : index
        %swap3A_381 = tpu.vector_load %arg17[%swap3A_379, %swap3A_380] {strides = array<i32>} : memref<1280x16xf32, #tpu.memory_space<vmem>>, vector<1x16xf32>,
        %swap3A_382 = vector.shape_cast %swap3A_381 : vector<1x16xf32> to vector<16xf32>
        %swap3A_383 = vector.shape_cast %mul3A_374 : vector<16xf32> to vector<1x16xf32>
        tpu.vector_store %arg17[%swap3A_379, %swap3A_380], %swap3A_383 {strides = array<i32>} : memref<1280x16xf32, #tpu.memory_space<vmem>>, vector<1x16xf32>,
        %mul3A_384 = arith.constant 16 : i32
        %mul3A_385 = arith.muli %scan3A_130, %mul3A_384 : i32
        %add3A_386 = arith.constant 12 : i32
        %add3A_387 = arith.addi %mul3A_385, %add3A_386 : i32
        %get3A_388 = arith.index_cast %add3A_387 : i32 to index
        %get3A_389 = arith.constant 0 : index
        %get3A_390 = tpu.vector_load %arg17[%get3A_388, %get3A_389] {strides = array<i32>} : memref<1280x16xf32, #tpu.memory_space<vmem>>, vector<1x16xf32>,
        %get3A_391 = vector.shape_cast %get3A_390 : vector<1x16xf32> to vector<16xf32>
        %slice3A_392 = vector.extract_strided_slice %get3A_134 {offsets = [12], sizes = [1], strides = [1]} : vector<16xf32> to vector<1xf32>
        %squeeze3A_393 = vector.extract %slice3A_392[0] : f32 from vector<1xf32>
        %mul3A_394 = vector.broadcast %squeeze3A_393 : f32 to vector<16xf32>
        %mul3A_395 = arith.mulf %get3A_391, %mul3A_394 : vector<16xf32>
        %mul3A_396 = arith.constant 16 : i32
        %mul3A_397 = arith.muli %scan3A_130, %mul3A_396 : i32
        %add3A_398 = arith.constant 12 : i32
        %add3A_399 = arith.addi %mul3A_397, %add3A_398 : i32
        %swap3A_400 = arith.index_cast %add3A_399 : i32 to index
        %swap3A_401 = arith.constant 0 : index
        %swap3A_402 = tpu.vector_load %arg17[%swap3A_400, %swap3A_401] {strides = array<i32>} : memref<1280x16xf32, #tpu.memory_space<vmem>>, vector<1x16xf32>,
        %swap3A_403 = vector.shape_cast %swap3A_402 : vector<1x16xf32> to vector<16xf32>
        %swap3A_404 = vector.shape_cast %mul3A_395 : vector<16xf32> to vector<1x16xf32>
        tpu.vector_store %arg17[%swap3A_400, %swap3A_401], %swap3A_404 {strides = array<i32>} : memref<1280x16xf32, #tpu.memory_space<vmem>>, vector<1x16xf32>,
        %mul3A_405 = arith.constant 16 : i32
        %mul3A_406 = arith.muli %scan3A_130, %mul3A_405 : i32
        %add3A_407 = arith.constant 13 : i32
        %add3A_408 = arith.addi %mul3A_406, %add3A_407 : i32
        %get3A_409 = arith.index_cast %add3A_408 : i32 to index
        %get3A_410 = arith.constant 0 : index
        %get3A_411 = tpu.vector_load %arg17[%get3A_409, %get3A_410] {strides = array<i32>} : memref<1280x16xf32, #tpu.memory_space<vmem>>, vector<1x16xf32>,
        %get3A_412 = vector.shape_cast %get3A_411 : vector<1x16xf32> to vector<16xf32>
        %slice3A_413 = vector.extract_strided_slice %get3A_134 {offsets = [13], sizes = [1], strides = [1]} : vector<16xf32> to vector<1xf32>
        %squeeze3A_414 = vector.extract %slice3A_413[0] : f32 from vector<1xf32>
        %mul3A_415 = vector.broadcast %squeeze3A_414 : f32 to vector<16xf32>
        %mul3A_416 = arith.mulf %get3A_412, %mul3A_415 : vector<16xf32>
        %mul3A_417 = arith.constant 16 : i32
        %mul3A_418 = arith.muli %scan3A_130, %mul3A_417 : i32
        %add3A_419 = arith.constant 13 : i32
        %add3A_420 = arith.addi %mul3A_418, %add3A_419 : i32
        %swap3A_421 = arith.index_cast %add3A_420 : i32 to index
        %swap3A_422 = arith.constant 0 : index
        %swap3A_423 = tpu.vector_load %arg17[%swap3A_421, %swap3A_422] {strides = array<i32>} : memref<1280x16xf32, #tpu.memory_space<vmem>>, vector<1x16xf32>,
        %swap3A_424 = vector.shape_cast %swap3A_423 : vector<1x16xf32> to vector<16xf32>
        %swap3A_425 = vector.shape_cast %mul3A_416 : vector<16xf32> to vector<1x16xf32>
        tpu.vector_store %arg17[%swap3A_421, %swap3A_422], %swap3A_425 {strides = array<i32>} : memref<1280x16xf32, #tpu.memory_space<vmem>>, vector<1x16xf32>,
        %mul3A_426 = arith.constant 16 : i32
        %mul3A_427 = arith.muli %scan3A_130, %mul3A_426 : i32
        %add3A_428 = arith.constant 14 : i32
        %add3A_429 = arith.addi %mul3A_427, %add3A_428 : i32
        %get3A_430 = arith.index_cast %add3A_429 : i32 to index
        %get3A_431 = arith.constant 0 : index
        %get3A_432 = tpu.vector_load %arg17[%get3A_430, %get3A_431] {strides = array<i32>} : memref<1280x16xf32, #tpu.memory_space<vmem>>, vector<1x16xf32>,
        %get3A_433 = vector.shape_cast %get3A_432 : vector<1x16xf32> to vector<16xf32>
        %slice3A_434 = vector.extract_strided_slice %get3A_134 {offsets = [14], sizes = [1], strides = [1]} : vector<16xf32> to vector<1xf32>
        %squeeze3A_435 = vector.extract %slice3A_434[0] : f32 from vector<1xf32>
        %mul3A_436 = vector.broadcast %squeeze3A_435 : f32 to vector<16xf32>
        %mul3A_437 = arith.mulf %get3A_433, %mul3A_436 : vector<16xf32>
        %mul3A_438 = arith.constant 16 : i32
        %mul3A_439 = arith.muli %scan3A_130, %mul3A_438 : i32
        %add3A_440 = arith.constant 14 : i32
        %add3A_441 = arith.addi %mul3A_439, %add3A_440 : i32
        %swap3A_442 = arith.index_cast %add3A_441 : i32 to index
        %swap3A_443 = arith.constant 0 : index
        %swap3A_444 = tpu.vector_load %arg17[%swap3A_442, %swap3A_443] {strides = array<i32>} : memref<1280x16xf32, #tpu.memory_space<vmem>>, vector<1x16xf32>,
        %swap3A_445 = vector.shape_cast %swap3A_444 : vector<1x16xf32> to vector<16xf32>
        %swap3A_446 = vector.shape_cast %mul3A_437 : vector<16xf32> to vector<1x16xf32>
        tpu.vector_store %arg17[%swap3A_442, %swap3A_443], %swap3A_446 {strides = array<i32>} : memref<1280x16xf32, #tpu.memory_space<vmem>>, vector<1x16xf32>,
        %mul3A_447 = arith.constant 16 : i32
        %mul3A_448 = arith.muli %scan3A_130, %mul3A_447 : i32
        %add3A_449 = arith.constant 15 : i32
        %add3A_450 = arith.addi %mul3A_448, %add3A_449 : i32
        %get3A_451 = arith.index_cast %add3A_450 : i32 to index
        %get3A_452 = arith.constant 0 : index
        %get3A_453 = tpu.vector_load %arg17[%get3A_451, %get3A_452] {strides = array<i32>} : memref<1280x16xf32, #tpu.memory_space<vmem>>, vector<1x16xf32>,
        %get3A_454 = vector.shape_cast %get3A_453 : vector<1x16xf32> to vector<16xf32>
        %slice3A_455 = vector.extract_strided_slice %get3A_134 {offsets = [15], sizes = [1], strides = [1]} : vector<16xf32> to vector<1xf32>
        %squeeze3A_456 = vector.extract %slice3A_455[0] : f32 from vector<1xf32>
        %mul3A_457 = vector.broadcast %squeeze3A_456 : f32 to vector<16xf32>
        %mul3A_458 = arith.mulf %get3A_454, %mul3A_457 : vector<16xf32>
        %mul3A_459 = arith.constant 16 : i32
        %mul3A_460 = arith.muli %scan3A_130, %mul3A_459 : i32
        %add3A_461 = arith.constant 15 : i32
        %add3A_462 = arith.addi %mul3A_460, %add3A_461 : i32
        %swap3A_463 = arith.index_cast %add3A_462 : i32 to index
        %swap3A_464 = arith.constant 0 : index
        %swap3A_465 = tpu.vector_load %arg17[%swap3A_463, %swap3A_464] {strides = array<i32>} : memref<1280x16xf32, #tpu.memory_space<vmem>>, vector<1x16xf32>,
        %swap3A_466 = vector.shape_cast %swap3A_465 : vector<1x16xf32> to vector<16xf32>
        %swap3A_467 = vector.shape_cast %mul3A_458 : vector<16xf32> to vector<1x16xf32>
        tpu.vector_store %arg17[%swap3A_463, %swap3A_464], %swap3A_467 {strides = array<i32>} : memref<1280x16xf32, #tpu.memory_space<vmem>>, vector<1x16xf32>,
      }
      %scan3A_95 = arith.constant 80 : i32
      %dma_start3A_96 = arith.constant 0 : i32
      %dma_start3A_97 = arith.constant 0 : i32
      %dma_start3A_98 = tpu.memref_slice %arg9[%dma_start3A_96, %dma_start3A_97] : memref<50048x16xf32, #tpu.memory_space<vmem_shared>> -> memref<50048x16xf32, #tpu.memory_space<vmem_shared>>
      tpu.enqueue_indirect_dma source(%arg17 : memref<1280x16xf32, #tpu.memory_space<vmem>>) target(%dma_start3A_98 : memref<50048x16xf32, #tpu.memory_space<vmem_shared>>) offsets(%arg14 : memref<1280xi32, #tpu.memory_space<vmem>>) semaphore(%arg23 : memref<!tpu.dma_semaphore, #tpu.memory_space<semaphore_mem>>) {add = true}
      %dma_start3A_99 = arith.constant 0 : i32
      %dma_start3A_100 = tpu.memref_slice %arg10[%dma_start3A_99] : memref<50048xf32, #tpu.memory_space<vmem_shared>> -> memref<50048xf32, #tpu.memory_space<vmem_shared>>
      tpu.enqueue_indirect_dma source(%arg16 : memref<1280xf32, #tpu.memory_space<vmem>>) target(%dma_start3A_100 : memref<50048xf32, #tpu.memory_space<vmem_shared>>) offsets(%arg14 : memref<1280xi32, #tpu.memory_space<vmem>>) semaphore(%arg23 : memref<!tpu.dma_semaphore, #tpu.memory_space<semaphore_mem>>) {add = true}
      %add3A_101 = arith.constant 2 : i32
      %add3A_102 = arith.addi %mul3A_55, %add3A_101 : i32
      %lt3A_103 = arith.constant 20 : i32
      %lt3A_104 = arith.cmpi slt, %add3A_102, %lt3A_103 : i32
      %convert_element_type3A_105 = arith.extui %lt3A_104 : i1 to i32
      %cond3A_106 = arith.constant 0 : i32
      %cond3A_107 = arith.cmpi ne, %convert_element_type3A_105, %cond3A_106 : i32
      scf.if %cond3A_107 {
        %dma_wait3A_130 = arith.constant 0 : i32
        %dma_wait3A_131 = tpu.memref_slice %arg4[%dma_wait3A_130, %mul3A_2] : memref<3x819200xi32, #tpu.memory_space<hbm>> -> memref<3x1280xi32, #tpu.memory_space<hbm>>
        %dma_wait3A_132 = arith.constant 0 : i32
        %dma_wait3A_133 = tpu.memref_slice %arg4[%dma_wait3A_132, %mul3A_2] : memref<3x819200xi32, #tpu.memory_space<hbm>> -> memref<3x1280xi32, #tpu.memory_space<hbm>>
        tpu.wait_dma2 semaphore(%arg20 : memref<!tpu.dma_semaphore, #tpu.memory_space<semaphore_mem>>) src(%dma_wait3A_133 : memref<3x1280xi32, #tpu.memory_space<hbm>>) dst(%arg11 : memref<3x1280xi32, #tpu.memory_space<vmem>>)
        %dma_wait3A_134 = arith.constant 0 : i32
        %dma_wait3A_135 = arith.constant 0 : i32
        %dma_wait3A_136 = tpu.memref_slice %arg9[%dma_wait3A_134, %dma_wait3A_135] : memref<50048x16xf32, #tpu.memory_space<vmem_shared>> -> memref<50048x16xf32, #tpu.memory_space<vmem_shared>>
        tpu.wait_indirect_dma semaphore(%arg23 : memref<!tpu.dma_semaphore, #tpu.memory_space<semaphore_mem>>) src(%arg17 : memref<1280x16xf32, #tpu.memory_space<vmem>>) dst(%dma_wait3A_136 : memref<50048x16xf32, #tpu.memory_space<vmem_shared>>)
        %dma_wait3A_137 = arith.constant 0 : i32
        %dma_wait3A_138 = tpu.memref_slice %arg10[%dma_wait3A_137] : memref<50048xf32, #tpu.memory_space<vmem_shared>> -> memref<50048xf32, #tpu.memory_space<vmem_shared>>
        tpu.wait_indirect_dma semaphore(%arg23 : memref<!tpu.dma_semaphore, #tpu.memory_space<semaphore_mem>>) src(%arg16 : memref<1280xf32, #tpu.memory_space<vmem>>) dst(%dma_wait3A_138 : memref<50048xf32, #tpu.memory_space<vmem_shared>>)
        %scan3A_139 = arith.constant 0 : i32
        %scan3A_140 = arith.constant 0 : i32
        %scan3A_141 = arith.constant 80 : i32
        %scan3A_142 = arith.addi %scan3A_140, %scan3A_141 : i32
        %scan3A_143 = arith.constant 1 : i32
        scf.for %scan3A_159 = %scan3A_140 to %scan3A_142 step %scan3A_143  : i32 {
          %mul3A_160 = arith.constant 16 : i32
          %mul3A_161 = arith.muli %scan3A_159, %mul3A_160 : i32
          %get3A = arith.constant 0 : i32
          %get3A_162 = arith.index_cast %get3A : i32 to index
          %get3A_163 = arith.index_cast %mul3A_161 : i32 to index
          %get3A_164 = tpu.vector_load %arg11[%get3A_162, %get3A_163] {strides = array<i32>} : memref<3x1280xi32, #tpu.memory_space<vmem>>, vector<1x16xi32>,
          %get3A_165 = vector.shape_cast %get3A_164 : vector<1x16xi32> to vector<16xi32>
          %get3A_166 = arith.constant 1 : i32
          %get3A_167 = arith.index_cast %get3A_166 : i32 to index
          %get3A_168 = arith.index_cast %mul3A_161 : i32 to index
          %get3A_169 = tpu.vector_load %arg11[%get3A_167, %get3A_168] {strides = array<i32>} : memref<3x1280xi32, #tpu.memory_space<vmem>>, vector<1x16xi32>,
          %get3A_170 = vector.shape_cast %get3A_169 : vector<1x16xi32> to vector<16xi32>
          %get3A_171 = arith.constant 2 : i32
          %get3A_172 = arith.index_cast %get3A_171 : i32 to index
          %get3A_173 = arith.index_cast %mul3A_161 : i32 to index
          %get3A_174 = tpu.vector_load %arg11[%get3A_172, %get3A_173] {strides = array<i32>} : memref<3x1280xi32, #tpu.memory_space<vmem>>, vector<1x16xi32>,
          %get3A_175 = vector.shape_cast %get3A_174 : vector<1x16xi32> to vector<16xi32>
          %mul3A_176 = arith.constant 2 : i32
          %mul3A_177 = vector.broadcast %mul3A_176 : i32 to vector<16xi32>
          %mul3A_178 = arith.muli %mul3A_177, %get3A_170 : vector<16xi32>
          %add3A_179 = arith.addi %mul3A_178, %get3A_175 : vector<16xi32>
          %mul3A_180 = arith.constant 2 : i32
          %mul3A_181 = vector.broadcast %mul3A_180 : i32 to vector<16xi32>
          %mul3A_182 = arith.muli %mul3A_181, %get3A_165 : vector<16xi32>
          %add3A_183 = arith.addi %mul3A_182, %get3A_175 : vector<16xi32>
          %min3A = arith.constant 99999 : i32
          %min3A_184 = vector.broadcast %min3A : i32 to vector<16xi32>
          %min3A_185 = arith.minsi %add3A_179, %min3A_184 : vector<16xi32>
          %swap3A = arith.index_cast %mul3A_161 : i32 to index
          %swap3A_186 = tpu.vector_load %arg12[%swap3A] {strides = array<i32>} : memref<2560xi32, #tpu.memory_space<vmem>>, vector<16xi32>,
          %swap3A_187 = vector.shape_cast %swap3A_186 : vector<16xi32> to vector<16xi32>
          %swap3A_188 = vector.shape_cast %min3A_185 : vector<16xi32> to vector<16xi32>
          tpu.vector_store %arg12[%swap3A], %swap3A_188 {strides = array<i32>} : memref<2560xi32, #tpu.memory_space<vmem>>, vector<16xi32>,
          %add3A_189 = arith.constant 100000 : i32
          %add3A_190 = vector.broadcast %add3A_189 : i32 to vector<16xi32>
          %add3A_191 = arith.addi %add3A_190, %add3A_183 : vector<16xi32>
          %mul3A_192 = arith.constant 16 : i32
          %mul3A_193 = arith.muli %scan3A_159, %mul3A_192 : i32
          %add3A_194 = arith.constant 1280 : i32
          %add3A_195 = arith.addi %add3A_194, %mul3A_193 : i32
          %swap3A_196 = arith.index_cast %add3A_195 : i32 to index
          %swap3A_197 = tpu.vector_load %arg12[%swap3A_196] {strides = array<i32>} : memref<2560xi32, #tpu.memory_space<vmem>>, vector<16xi32>,
          %swap3A_198 = vector.shape_cast %swap3A_197 : vector<16xi32> to vector<16xi32>
          %swap3A_199 = vector.shape_cast %add3A_191 : vector<16xi32> to vector<16xi32>
          tpu.vector_store %arg12[%swap3A_196], %swap3A_199 {strides = array<i32>} : memref<2560xi32, #tpu.memory_space<vmem>>, vector<16xi32>,
          %swap3A_200 = arith.index_cast %mul3A_161 : i32 to index
          %swap3A_201 = tpu.vector_load %arg13[%swap3A_200] {strides = array<i32>} : memref<1280xi32, #tpu.memory_space<vmem>>, vector<16xi32>,
          %swap3A_202 = vector.shape_cast %swap3A_201 : vector<16xi32> to vector<16xi32>
          %swap3A_203 = vector.shape_cast %add3A_183 : vector<16xi32> to vector<16xi32>
          tpu.vector_store %arg13[%swap3A_200], %swap3A_203 {strides = array<i32>} : memref<1280xi32, #tpu.memory_space<vmem>>, vector<16xi32>,
          %swap3A_204 = arith.index_cast %mul3A_161 : i32 to index
          %swap3A_205 = tpu.vector_load %arg14[%swap3A_204] {strides = array<i32>} : memref<1280xi32, #tpu.memory_space<vmem>>, vector<16xi32>,
          %swap3A_206 = vector.shape_cast %swap3A_205 : vector<16xi32> to vector<16xi32>
          %swap3A_207 = vector.shape_cast %get3A_170 : vector<16xi32> to vector<16xi32>
          tpu.vector_store %arg14[%swap3A_204], %swap3A_207 {strides = array<i32>} : memref<1280xi32, #tpu.memory_space<vmem>>, vector<16xi32>,
        }
        %scan3A_144 = arith.constant 80 : i32
        %dma_start3A_145 = arith.constant 0 : i32
        %dma_start3A_146 = arith.constant 0 : i32
        %dma_start3A_147 = tpu.memref_slice %arg3[%dma_start3A_145, %dma_start3A_146] : memref<100000x16xf32, #tpu.memory_space<hbm>> -> memref<100000x16xf32, #tpu.memory_space<hbm>>
        tpu.enqueue_indirect_dma source(%dma_start3A_147 : memref<100000x16xf32, #tpu.memory_space<hbm>>) target(%arg17 : memref<1280x16xf32, #tpu.memory_space<vmem>>) offsets(%arg13 : memref<1280xi32, #tpu.memory_space<vmem>>) semaphore(%arg22 : memref<!tpu.dma_semaphore, #tpu.memory_space<semaphore_mem>>)
        %dma_start3A_148 = arith.constant 0 : i32
        %dma_start3A_149 = tpu.memref_slice %arg2[%dma_start3A_148] : memref<200000xf32, #tpu.memory_space<hbm>> -> memref<200000xf32, #tpu.memory_space<hbm>>
        tpu.enqueue_indirect_dma source(%dma_start3A_149 : memref<200000xf32, #tpu.memory_space<hbm>>) target(%arg15 : memref<2560xf32, #tpu.memory_space<vmem>>) offsets(%arg12 : memref<2560xi32, #tpu.memory_space<vmem>>) semaphore(%arg21 : memref<!tpu.dma_semaphore, #tpu.memory_space<semaphore_mem>>)
        %add3A_150 = arith.constant 3 : i32
        %add3A_151 = arith.addi %mul3A_55, %add3A_150 : i32
        %mul3A_152 = arith.constant 1280 : i32
        %mul3A_153 = arith.muli %add3A_151, %mul3A_152 : i32
        %add3A_154 = arith.addi %mul3A_2, %mul3A_153 : i32
        %dma_start3A_155 = arith.constant 0 : i32
        %dma_start3A_156 = tpu.memref_slice %arg4[%dma_start3A_155, %add3A_154] : memref<3x819200xi32, #tpu.memory_space<hbm>> -> memref<3x1280xi32, #tpu.memory_space<hbm>>
        %dma_start3A_157 = arith.constant 0 : i32
        %dma_start3A_158 = tpu.memref_slice %arg4[%dma_start3A_157, %add3A_154] : memref<3x819200xi32, #tpu.memory_space<hbm>> -> memref<3x1280xi32, #tpu.memory_space<hbm>>
        tpu.enqueue_dma source(%dma_start3A_158 : memref<3x1280xi32, #tpu.memory_space<hbm>>) target(%arg24 : memref<3x1280xi32, #tpu.memory_space<vmem>>) target_semaphore(%arg33 : memref<!tpu.dma_semaphore, #tpu.memory_space<semaphore_mem>>)
      } else {
      }
      %dma_wait3A_108 = arith.constant 0 : i32
      %dma_wait3A_109 = tpu.memref_slice %arg2[%dma_wait3A_108] : memref<200000xf32, #tpu.memory_space<hbm>> -> memref<200000xf32, #tpu.memory_space<hbm>>
      tpu.wait_indirect_dma semaphore(%arg34 : memref<!tpu.dma_semaphore, #tpu.memory_space<semaphore_mem>>) src(%dma_wait3A_109 : memref<200000xf32, #tpu.memory_space<hbm>>) dst(%arg28 : memref<2560xf32, #tpu.memory_space<vmem>>)
      %scan3A_110 = arith.constant 0 : i32
      %scan3A_111 = arith.constant 0 : i32
      %scan3A_112 = arith.constant 80 : i32
      %scan3A_113 = arith.addi %scan3A_111, %scan3A_112 : i32
      %scan3A_114 = arith.constant 1 : i32
      scf.for %scan3A_130 = %scan3A_111 to %scan3A_113 step %scan3A_114  : i32 {
        %mul3A_131 = arith.constant 16 : i32
        %mul3A_132 = arith.muli %scan3A_130, %mul3A_131 : i32
        %get3A = arith.index_cast %mul3A_132 : i32 to index
        %get3A_133 = tpu.vector_load %arg28[%get3A] {strides = array<i32>} : memref<2560xf32, #tpu.memory_space<vmem>>, vector<16xf32>,
        %get3A_134 = vector.shape_cast %get3A_133 : vector<16xf32> to vector<16xf32>
        %mul3A_135 = arith.constant 16 : i32
        %mul3A_136 = arith.muli %scan3A_130, %mul3A_135 : i32
        %add3A_137 = arith.constant 1280 : i32
        %add3A_138 = arith.addi %add3A_137, %mul3A_136 : i32
        %get3A_139 = arith.index_cast %add3A_138 : i32 to index
        %get3A_140 = tpu.vector_load %arg28[%get3A_139] {strides = array<i32>} : memref<2560xf32, #tpu.memory_space<vmem>>, vector<16xf32>,
        %get3A_141 = vector.shape_cast %get3A_140 : vector<16xf32> to vector<16xf32>
        %add3A_142 = arith.addf %get3A_134, %get3A_141 : vector<16xf32>
        %ge3A = arith.constant 0.000000e+00 : f32
        %ge3A_143 = vector.broadcast %ge3A : f32 to vector<16xf32>
        %ge3A_144 = arith.cmpf oge, %add3A_142, %ge3A_143 : vector<16xf32>
        %mul3A_145 = arith.constant 2.000000e-01 : f32
        %mul3A_146 = vector.broadcast %mul3A_145 : f32 to vector<16xf32>
        %mul3A_147 = arith.mulf %mul3A_146, %add3A_142 : vector<16xf32>
        %select_n3A = arith.select %ge3A_144, %add3A_142, %mul3A_147 : vector<16xi1>, vector<16xf32>
        %exp3A = math.exp %select_n3A : vector<16xf32>
        %swap3A = arith.index_cast %mul3A_132 : i32 to index
        %swap3A_148 = tpu.vector_load %arg29[%swap3A] {strides = array<i32>} : memref<1280xf32, #tpu.memory_space<vmem>>, vector<16xf32>,
        %swap3A_149 = vector.shape_cast %swap3A_148 : vector<16xf32> to vector<16xf32>
        %swap3A_150 = vector.shape_cast %exp3A : vector<16xf32> to vector<16xf32>
        tpu.vector_store %arg29[%swap3A], %swap3A_150 {strides = array<i32>} : memref<1280xf32, #tpu.memory_space<vmem>>, vector<16xf32>,
      }
      %scan3A_115 = arith.constant 80 : i32
      %dma_wait3A_116 = arith.constant 0 : i32
      %dma_wait3A_117 = arith.constant 0 : i32
      %dma_wait3A_118 = tpu.memref_slice %arg3[%dma_wait3A_116, %dma_wait3A_117] : memref<100000x16xf32, #tpu.memory_space<hbm>> -> memref<100000x16xf32, #tpu.memory_space<hbm>>
      tpu.wait_indirect_dma semaphore(%arg35 : memref<!tpu.dma_semaphore, #tpu.memory_space<semaphore_mem>>) src(%dma_wait3A_118 : memref<100000x16xf32, #tpu.memory_space<hbm>>) dst(%arg30 : memref<1280x16xf32, #tpu.memory_space<vmem>>)
      %scan3A_119 = arith.constant 0 : i32
      %scan3A_120 = arith.constant 0 : i32
      %scan3A_121 = arith.constant 80 : i32
      %scan3A_122 = arith.addi %scan3A_120, %scan3A_121 : i32
      %scan3A_123 = arith.constant 1 : i32
      scf.for %scan3A_130 = %scan3A_120 to %scan3A_122 step %scan3A_123  : i32 {
        %mul3A_131 = arith.constant 16 : i32
        %mul3A_132 = arith.muli %scan3A_130, %mul3A_131 : i32
        %get3A = arith.index_cast %mul3A_132 : i32 to index
        %get3A_133 = tpu.vector_load %arg29[%get3A] {strides = array<i32>} : memref<1280xf32, #tpu.memory_space<vmem>>, vector<16xf32>,
        %get3A_134 = vector.shape_cast %get3A_133 : vector<16xf32> to vector<16xf32>
        %mul3A_135 = arith.constant 16 : i32
        %mul3A_136 = arith.muli %scan3A_130, %mul3A_135 : i32
        %add3A_137 = arith.constant 0 : i32
        %add3A_138 = arith.addi %mul3A_136, %add3A_137 : i32
        %get3A_139 = arith.index_cast %add3A_138 : i32 to index
        %get3A_140 = arith.constant 0 : index
        %get3A_141 = tpu.vector_load %arg30[%get3A_139, %get3A_140] {strides = array<i32>} : memref<1280x16xf32, #tpu.memory_space<vmem>>, vector<1x16xf32>,
        %get3A_142 = vector.shape_cast %get3A_141 : vector<1x16xf32> to vector<16xf32>
        %slice3A = vector.extract_strided_slice %get3A_134 {offsets = [0], sizes = [1], strides = [1]} : vector<16xf32> to vector<1xf32>
        %squeeze3A = vector.extract %slice3A[0] : f32 from vector<1xf32>
        %mul3A_143 = vector.broadcast %squeeze3A : f32 to vector<16xf32>
        %mul3A_144 = arith.mulf %get3A_142, %mul3A_143 : vector<16xf32>
        %mul3A_145 = arith.constant 16 : i32
        %mul3A_146 = arith.muli %scan3A_130, %mul3A_145 : i32
        %add3A_147 = arith.constant 0 : i32
        %add3A_148 = arith.addi %mul3A_146, %add3A_147 : i32
        %swap3A = arith.index_cast %add3A_148 : i32 to index
        %swap3A_149 = arith.constant 0 : index
        %swap3A_150 = tpu.vector_load %arg30[%swap3A, %swap3A_149] {strides = array<i32>} : memref<1280x16xf32, #tpu.memory_space<vmem>>, vector<1x16xf32>,
        %swap3A_151 = vector.shape_cast %swap3A_150 : vector<1x16xf32> to vector<16xf32>
        %swap3A_152 = vector.shape_cast %mul3A_144 : vector<16xf32> to vector<1x16xf32>
        tpu.vector_store %arg30[%swap3A, %swap3A_149], %swap3A_152 {strides = array<i32>} : memref<1280x16xf32, #tpu.memory_space<vmem>>, vector<1x16xf32>,
        %mul3A_153 = arith.constant 16 : i32
        %mul3A_154 = arith.muli %scan3A_130, %mul3A_153 : i32
        %add3A_155 = arith.constant 1 : i32
        %add3A_156 = arith.addi %mul3A_154, %add3A_155 : i32
        %get3A_157 = arith.index_cast %add3A_156 : i32 to index
        %get3A_158 = arith.constant 0 : index
        %get3A_159 = tpu.vector_load %arg30[%get3A_157, %get3A_158] {strides = array<i32>} : memref<1280x16xf32, #tpu.memory_space<vmem>>, vector<1x16xf32>,
        %get3A_160 = vector.shape_cast %get3A_159 : vector<1x16xf32> to vector<16xf32>
        %slice3A_161 = vector.extract_strided_slice %get3A_134 {offsets = [1], sizes = [1], strides = [1]} : vector<16xf32> to vector<1xf32>
        %squeeze3A_162 = vector.extract %slice3A_161[0] : f32 from vector<1xf32>
        %mul3A_163 = vector.broadcast %squeeze3A_162 : f32 to vector<16xf32>
        %mul3A_164 = arith.mulf %get3A_160, %mul3A_163 : vector<16xf32>
        %mul3A_165 = arith.constant 16 : i32
        %mul3A_166 = arith.muli %scan3A_130, %mul3A_165 : i32
        %add3A_167 = arith.constant 1 : i32
        %add3A_168 = arith.addi %mul3A_166, %add3A_167 : i32
        %swap3A_169 = arith.index_cast %add3A_168 : i32 to index
        %swap3A_170 = arith.constant 0 : index
        %swap3A_171 = tpu.vector_load %arg30[%swap3A_169, %swap3A_170] {strides = array<i32>} : memref<1280x16xf32, #tpu.memory_space<vmem>>, vector<1x16xf32>,
        %swap3A_172 = vector.shape_cast %swap3A_171 : vector<1x16xf32> to vector<16xf32>
        %swap3A_173 = vector.shape_cast %mul3A_164 : vector<16xf32> to vector<1x16xf32>
        tpu.vector_store %arg30[%swap3A_169, %swap3A_170], %swap3A_173 {strides = array<i32>} : memref<1280x16xf32, #tpu.memory_space<vmem>>, vector<1x16xf32>,
        %mul3A_174 = arith.constant 16 : i32
        %mul3A_175 = arith.muli %scan3A_130, %mul3A_174 : i32
        %add3A_176 = arith.constant 2 : i32
        %add3A_177 = arith.addi %mul3A_175, %add3A_176 : i32
        %get3A_178 = arith.index_cast %add3A_177 : i32 to index
        %get3A_179 = arith.constant 0 : index
        %get3A_180 = tpu.vector_load %arg30[%get3A_178, %get3A_179] {strides = array<i32>} : memref<1280x16xf32, #tpu.memory_space<vmem>>, vector<1x16xf32>,
        %get3A_181 = vector.shape_cast %get3A_180 : vector<1x16xf32> to vector<16xf32>
        %slice3A_182 = vector.extract_strided_slice %get3A_134 {offsets = [2], sizes = [1], strides = [1]} : vector<16xf32> to vector<1xf32>
        %squeeze3A_183 = vector.extract %slice3A_182[0] : f32 from vector<1xf32>
        %mul3A_184 = vector.broadcast %squeeze3A_183 : f32 to vector<16xf32>
        %mul3A_185 = arith.mulf %get3A_181, %mul3A_184 : vector<16xf32>
        %mul3A_186 = arith.constant 16 : i32
        %mul3A_187 = arith.muli %scan3A_130, %mul3A_186 : i32
        %add3A_188 = arith.constant 2 : i32
        %add3A_189 = arith.addi %mul3A_187, %add3A_188 : i32
        %swap3A_190 = arith.index_cast %add3A_189 : i32 to index
        %swap3A_191 = arith.constant 0 : index
        %swap3A_192 = tpu.vector_load %arg30[%swap3A_190, %swap3A_191] {strides = array<i32>} : memref<1280x16xf32, #tpu.memory_space<vmem>>, vector<1x16xf32>,
        %swap3A_193 = vector.shape_cast %swap3A_192 : vector<1x16xf32> to vector<16xf32>
        %swap3A_194 = vector.shape_cast %mul3A_185 : vector<16xf32> to vector<1x16xf32>
        tpu.vector_store %arg30[%swap3A_190, %swap3A_191], %swap3A_194 {strides = array<i32>} : memref<1280x16xf32, #tpu.memory_space<vmem>>, vector<1x16xf32>,
        %mul3A_195 = arith.constant 16 : i32
        %mul3A_196 = arith.muli %scan3A_130, %mul3A_195 : i32
        %add3A_197 = arith.constant 3 : i32
        %add3A_198 = arith.addi %mul3A_196, %add3A_197 : i32
        %get3A_199 = arith.index_cast %add3A_198 : i32 to index
        %get3A_200 = arith.constant 0 : index
        %get3A_201 = tpu.vector_load %arg30[%get3A_199, %get3A_200] {strides = array<i32>} : memref<1280x16xf32, #tpu.memory_space<vmem>>, vector<1x16xf32>,
        %get3A_202 = vector.shape_cast %get3A_201 : vector<1x16xf32> to vector<16xf32>
        %slice3A_203 = vector.extract_strided_slice %get3A_134 {offsets = [3], sizes = [1], strides = [1]} : vector<16xf32> to vector<1xf32>
        %squeeze3A_204 = vector.extract %slice3A_203[0] : f32 from vector<1xf32>
        %mul3A_205 = vector.broadcast %squeeze3A_204 : f32 to vector<16xf32>
        %mul3A_206 = arith.mulf %get3A_202, %mul3A_205 : vector<16xf32>
        %mul3A_207 = arith.constant 16 : i32
        %mul3A_208 = arith.muli %scan3A_130, %mul3A_207 : i32
        %add3A_209 = arith.constant 3 : i32
        %add3A_210 = arith.addi %mul3A_208, %add3A_209 : i32
        %swap3A_211 = arith.index_cast %add3A_210 : i32 to index
        %swap3A_212 = arith.constant 0 : index
        %swap3A_213 = tpu.vector_load %arg30[%swap3A_211, %swap3A_212] {strides = array<i32>} : memref<1280x16xf32, #tpu.memory_space<vmem>>, vector<1x16xf32>,
        %swap3A_214 = vector.shape_cast %swap3A_213 : vector<1x16xf32> to vector<16xf32>
        %swap3A_215 = vector.shape_cast %mul3A_206 : vector<16xf32> to vector<1x16xf32>
        tpu.vector_store %arg30[%swap3A_211, %swap3A_212], %swap3A_215 {strides = array<i32>} : memref<1280x16xf32, #tpu.memory_space<vmem>>, vector<1x16xf32>,
        %mul3A_216 = arith.constant 16 : i32
        %mul3A_217 = arith.muli %scan3A_130, %mul3A_216 : i32
        %add3A_218 = arith.constant 4 : i32
        %add3A_219 = arith.addi %mul3A_217, %add3A_218 : i32
        %get3A_220 = arith.index_cast %add3A_219 : i32 to index
        %get3A_221 = arith.constant 0 : index
        %get3A_222 = tpu.vector_load %arg30[%get3A_220, %get3A_221] {strides = array<i32>} : memref<1280x16xf32, #tpu.memory_space<vmem>>, vector<1x16xf32>,
        %get3A_223 = vector.shape_cast %get3A_222 : vector<1x16xf32> to vector<16xf32>
        %slice3A_224 = vector.extract_strided_slice %get3A_134 {offsets = [4], sizes = [1], strides = [1]} : vector<16xf32> to vector<1xf32>
        %squeeze3A_225 = vector.extract %slice3A_224[0] : f32 from vector<1xf32>
        %mul3A_226 = vector.broadcast %squeeze3A_225 : f32 to vector<16xf32>
        %mul3A_227 = arith.mulf %get3A_223, %mul3A_226 : vector<16xf32>
        %mul3A_228 = arith.constant 16 : i32
        %mul3A_229 = arith.muli %scan3A_130, %mul3A_228 : i32
        %add3A_230 = arith.constant 4 : i32
        %add3A_231 = arith.addi %mul3A_229, %add3A_230 : i32
        %swap3A_232 = arith.index_cast %add3A_231 : i32 to index
        %swap3A_233 = arith.constant 0 : index
        %swap3A_234 = tpu.vector_load %arg30[%swap3A_232, %swap3A_233] {strides = array<i32>} : memref<1280x16xf32, #tpu.memory_space<vmem>>, vector<1x16xf32>,
        %swap3A_235 = vector.shape_cast %swap3A_234 : vector<1x16xf32> to vector<16xf32>
        %swap3A_236 = vector.shape_cast %mul3A_227 : vector<16xf32> to vector<1x16xf32>
        tpu.vector_store %arg30[%swap3A_232, %swap3A_233], %swap3A_236 {strides = array<i32>} : memref<1280x16xf32, #tpu.memory_space<vmem>>, vector<1x16xf32>,
        %mul3A_237 = arith.constant 16 : i32
        %mul3A_238 = arith.muli %scan3A_130, %mul3A_237 : i32
        %add3A_239 = arith.constant 5 : i32
        %add3A_240 = arith.addi %mul3A_238, %add3A_239 : i32
        %get3A_241 = arith.index_cast %add3A_240 : i32 to index
        %get3A_242 = arith.constant 0 : index
        %get3A_243 = tpu.vector_load %arg30[%get3A_241, %get3A_242] {strides = array<i32>} : memref<1280x16xf32, #tpu.memory_space<vmem>>, vector<1x16xf32>,
        %get3A_244 = vector.shape_cast %get3A_243 : vector<1x16xf32> to vector<16xf32>
        %slice3A_245 = vector.extract_strided_slice %get3A_134 {offsets = [5], sizes = [1], strides = [1]} : vector<16xf32> to vector<1xf32>
        %squeeze3A_246 = vector.extract %slice3A_245[0] : f32 from vector<1xf32>
        %mul3A_247 = vector.broadcast %squeeze3A_246 : f32 to vector<16xf32>
        %mul3A_248 = arith.mulf %get3A_244, %mul3A_247 : vector<16xf32>
        %mul3A_249 = arith.constant 16 : i32
        %mul3A_250 = arith.muli %scan3A_130, %mul3A_249 : i32
        %add3A_251 = arith.constant 5 : i32
        %add3A_252 = arith.addi %mul3A_250, %add3A_251 : i32
        %swap3A_253 = arith.index_cast %add3A_252 : i32 to index
        %swap3A_254 = arith.constant 0 : index
        %swap3A_255 = tpu.vector_load %arg30[%swap3A_253, %swap3A_254] {strides = array<i32>} : memref<1280x16xf32, #tpu.memory_space<vmem>>, vector<1x16xf32>,
        %swap3A_256 = vector.shape_cast %swap3A_255 : vector<1x16xf32> to vector<16xf32>
        %swap3A_257 = vector.shape_cast %mul3A_248 : vector<16xf32> to vector<1x16xf32>
        tpu.vector_store %arg30[%swap3A_253, %swap3A_254], %swap3A_257 {strides = array<i32>} : memref<1280x16xf32, #tpu.memory_space<vmem>>, vector<1x16xf32>,
        %mul3A_258 = arith.constant 16 : i32
        %mul3A_259 = arith.muli %scan3A_130, %mul3A_258 : i32
        %add3A_260 = arith.constant 6 : i32
        %add3A_261 = arith.addi %mul3A_259, %add3A_260 : i32
        %get3A_262 = arith.index_cast %add3A_261 : i32 to index
        %get3A_263 = arith.constant 0 : index
        %get3A_264 = tpu.vector_load %arg30[%get3A_262, %get3A_263] {strides = array<i32>} : memref<1280x16xf32, #tpu.memory_space<vmem>>, vector<1x16xf32>,
        %get3A_265 = vector.shape_cast %get3A_264 : vector<1x16xf32> to vector<16xf32>
        %slice3A_266 = vector.extract_strided_slice %get3A_134 {offsets = [6], sizes = [1], strides = [1]} : vector<16xf32> to vector<1xf32>
        %squeeze3A_267 = vector.extract %slice3A_266[0] : f32 from vector<1xf32>
        %mul3A_268 = vector.broadcast %squeeze3A_267 : f32 to vector<16xf32>
        %mul3A_269 = arith.mulf %get3A_265, %mul3A_268 : vector<16xf32>
        %mul3A_270 = arith.constant 16 : i32
        %mul3A_271 = arith.muli %scan3A_130, %mul3A_270 : i32
        %add3A_272 = arith.constant 6 : i32
        %add3A_273 = arith.addi %mul3A_271, %add3A_272 : i32
        %swap3A_274 = arith.index_cast %add3A_273 : i32 to index
        %swap3A_275 = arith.constant 0 : index
        %swap3A_276 = tpu.vector_load %arg30[%swap3A_274, %swap3A_275] {strides = array<i32>} : memref<1280x16xf32, #tpu.memory_space<vmem>>, vector<1x16xf32>,
        %swap3A_277 = vector.shape_cast %swap3A_276 : vector<1x16xf32> to vector<16xf32>
        %swap3A_278 = vector.shape_cast %mul3A_269 : vector<16xf32> to vector<1x16xf32>
        tpu.vector_store %arg30[%swap3A_274, %swap3A_275], %swap3A_278 {strides = array<i32>} : memref<1280x16xf32, #tpu.memory_space<vmem>>, vector<1x16xf32>,
        %mul3A_279 = arith.constant 16 : i32
        %mul3A_280 = arith.muli %scan3A_130, %mul3A_279 : i32
        %add3A_281 = arith.constant 7 : i32
        %add3A_282 = arith.addi %mul3A_280, %add3A_281 : i32
        %get3A_283 = arith.index_cast %add3A_282 : i32 to index
        %get3A_284 = arith.constant 0 : index
        %get3A_285 = tpu.vector_load %arg30[%get3A_283, %get3A_284] {strides = array<i32>} : memref<1280x16xf32, #tpu.memory_space<vmem>>, vector<1x16xf32>,
        %get3A_286 = vector.shape_cast %get3A_285 : vector<1x16xf32> to vector<16xf32>
        %slice3A_287 = vector.extract_strided_slice %get3A_134 {offsets = [7], sizes = [1], strides = [1]} : vector<16xf32> to vector<1xf32>
        %squeeze3A_288 = vector.extract %slice3A_287[0] : f32 from vector<1xf32>
        %mul3A_289 = vector.broadcast %squeeze3A_288 : f32 to vector<16xf32>
        %mul3A_290 = arith.mulf %get3A_286, %mul3A_289 : vector<16xf32>
        %mul3A_291 = arith.constant 16 : i32
        %mul3A_292 = arith.muli %scan3A_130, %mul3A_291 : i32
        %add3A_293 = arith.constant 7 : i32
        %add3A_294 = arith.addi %mul3A_292, %add3A_293 : i32
        %swap3A_295 = arith.index_cast %add3A_294 : i32 to index
        %swap3A_296 = arith.constant 0 : index
        %swap3A_297 = tpu.vector_load %arg30[%swap3A_295, %swap3A_296] {strides = array<i32>} : memref<1280x16xf32, #tpu.memory_space<vmem>>, vector<1x16xf32>,
        %swap3A_298 = vector.shape_cast %swap3A_297 : vector<1x16xf32> to vector<16xf32>
        %swap3A_299 = vector.shape_cast %mul3A_290 : vector<16xf32> to vector<1x16xf32>
        tpu.vector_store %arg30[%swap3A_295, %swap3A_296], %swap3A_299 {strides = array<i32>} : memref<1280x16xf32, #tpu.memory_space<vmem>>, vector<1x16xf32>,
        %mul3A_300 = arith.constant 16 : i32
        %mul3A_301 = arith.muli %scan3A_130, %mul3A_300 : i32
        %add3A_302 = arith.constant 8 : i32
        %add3A_303 = arith.addi %mul3A_301, %add3A_302 : i32
        %get3A_304 = arith.index_cast %add3A_303 : i32 to index
        %get3A_305 = arith.constant 0 : index
        %get3A_306 = tpu.vector_load %arg30[%get3A_304, %get3A_305] {strides = array<i32>} : memref<1280x16xf32, #tpu.memory_space<vmem>>, vector<1x16xf32>,
        %get3A_307 = vector.shape_cast %get3A_306 : vector<1x16xf32> to vector<16xf32>
        %slice3A_308 = vector.extract_strided_slice %get3A_134 {offsets = [8], sizes = [1], strides = [1]} : vector<16xf32> to vector<1xf32>
        %squeeze3A_309 = vector.extract %slice3A_308[0] : f32 from vector<1xf32>
        %mul3A_310 = vector.broadcast %squeeze3A_309 : f32 to vector<16xf32>
        %mul3A_311 = arith.mulf %get3A_307, %mul3A_310 : vector<16xf32>
        %mul3A_312 = arith.constant 16 : i32
        %mul3A_313 = arith.muli %scan3A_130, %mul3A_312 : i32
        %add3A_314 = arith.constant 8 : i32
        %add3A_315 = arith.addi %mul3A_313, %add3A_314 : i32
        %swap3A_316 = arith.index_cast %add3A_315 : i32 to index
        %swap3A_317 = arith.constant 0 : index
        %swap3A_318 = tpu.vector_load %arg30[%swap3A_316, %swap3A_317] {strides = array<i32>} : memref<1280x16xf32, #tpu.memory_space<vmem>>, vector<1x16xf32>,
        %swap3A_319 = vector.shape_cast %swap3A_318 : vector<1x16xf32> to vector<16xf32>
        %swap3A_320 = vector.shape_cast %mul3A_311 : vector<16xf32> to vector<1x16xf32>
        tpu.vector_store %arg30[%swap3A_316, %swap3A_317], %swap3A_320 {strides = array<i32>} : memref<1280x16xf32, #tpu.memory_space<vmem>>, vector<1x16xf32>,
        %mul3A_321 = arith.constant 16 : i32
        %mul3A_322 = arith.muli %scan3A_130, %mul3A_321 : i32
        %add3A_323 = arith.constant 9 : i32
        %add3A_324 = arith.addi %mul3A_322, %add3A_323 : i32
        %get3A_325 = arith.index_cast %add3A_324 : i32 to index
        %get3A_326 = arith.constant 0 : index
        %get3A_327 = tpu.vector_load %arg30[%get3A_325, %get3A_326] {strides = array<i32>} : memref<1280x16xf32, #tpu.memory_space<vmem>>, vector<1x16xf32>,
        %get3A_328 = vector.shape_cast %get3A_327 : vector<1x16xf32> to vector<16xf32>
        %slice3A_329 = vector.extract_strided_slice %get3A_134 {offsets = [9], sizes = [1], strides = [1]} : vector<16xf32> to vector<1xf32>
        %squeeze3A_330 = vector.extract %slice3A_329[0] : f32 from vector<1xf32>
        %mul3A_331 = vector.broadcast %squeeze3A_330 : f32 to vector<16xf32>
        %mul3A_332 = arith.mulf %get3A_328, %mul3A_331 : vector<16xf32>
        %mul3A_333 = arith.constant 16 : i32
        %mul3A_334 = arith.muli %scan3A_130, %mul3A_333 : i32
        %add3A_335 = arith.constant 9 : i32
        %add3A_336 = arith.addi %mul3A_334, %add3A_335 : i32
        %swap3A_337 = arith.index_cast %add3A_336 : i32 to index
        %swap3A_338 = arith.constant 0 : index
        %swap3A_339 = tpu.vector_load %arg30[%swap3A_337, %swap3A_338] {strides = array<i32>} : memref<1280x16xf32, #tpu.memory_space<vmem>>, vector<1x16xf32>,
        %swap3A_340 = vector.shape_cast %swap3A_339 : vector<1x16xf32> to vector<16xf32>
        %swap3A_341 = vector.shape_cast %mul3A_332 : vector<16xf32> to vector<1x16xf32>
        tpu.vector_store %arg30[%swap3A_337, %swap3A_338], %swap3A_341 {strides = array<i32>} : memref<1280x16xf32, #tpu.memory_space<vmem>>, vector<1x16xf32>,
        %mul3A_342 = arith.constant 16 : i32
        %mul3A_343 = arith.muli %scan3A_130, %mul3A_342 : i32
        %add3A_344 = arith.constant 10 : i32
        %add3A_345 = arith.addi %mul3A_343, %add3A_344 : i32
        %get3A_346 = arith.index_cast %add3A_345 : i32 to index
        %get3A_347 = arith.constant 0 : index
        %get3A_348 = tpu.vector_load %arg30[%get3A_346, %get3A_347] {strides = array<i32>} : memref<1280x16xf32, #tpu.memory_space<vmem>>, vector<1x16xf32>,
        %get3A_349 = vector.shape_cast %get3A_348 : vector<1x16xf32> to vector<16xf32>
        %slice3A_350 = vector.extract_strided_slice %get3A_134 {offsets = [10], sizes = [1], strides = [1]} : vector<16xf32> to vector<1xf32>
        %squeeze3A_351 = vector.extract %slice3A_350[0] : f32 from vector<1xf32>
        %mul3A_352 = vector.broadcast %squeeze3A_351 : f32 to vector<16xf32>
        %mul3A_353 = arith.mulf %get3A_349, %mul3A_352 : vector<16xf32>
        %mul3A_354 = arith.constant 16 : i32
        %mul3A_355 = arith.muli %scan3A_130, %mul3A_354 : i32
        %add3A_356 = arith.constant 10 : i32
        %add3A_357 = arith.addi %mul3A_355, %add3A_356 : i32
        %swap3A_358 = arith.index_cast %add3A_357 : i32 to index
        %swap3A_359 = arith.constant 0 : index
        %swap3A_360 = tpu.vector_load %arg30[%swap3A_358, %swap3A_359] {strides = array<i32>} : memref<1280x16xf32, #tpu.memory_space<vmem>>, vector<1x16xf32>,
        %swap3A_361 = vector.shape_cast %swap3A_360 : vector<1x16xf32> to vector<16xf32>
        %swap3A_362 = vector.shape_cast %mul3A_353 : vector<16xf32> to vector<1x16xf32>
        tpu.vector_store %arg30[%swap3A_358, %swap3A_359], %swap3A_362 {strides = array<i32>} : memref<1280x16xf32, #tpu.memory_space<vmem>>, vector<1x16xf32>,
        %mul3A_363 = arith.constant 16 : i32
        %mul3A_364 = arith.muli %scan3A_130, %mul3A_363 : i32
        %add3A_365 = arith.constant 11 : i32
        %add3A_366 = arith.addi %mul3A_364, %add3A_365 : i32
        %get3A_367 = arith.index_cast %add3A_366 : i32 to index
        %get3A_368 = arith.constant 0 : index
        %get3A_369 = tpu.vector_load %arg30[%get3A_367, %get3A_368] {strides = array<i32>} : memref<1280x16xf32, #tpu.memory_space<vmem>>, vector<1x16xf32>,
        %get3A_370 = vector.shape_cast %get3A_369 : vector<1x16xf32> to vector<16xf32>
        %slice3A_371 = vector.extract_strided_slice %get3A_134 {offsets = [11], sizes = [1], strides = [1]} : vector<16xf32> to vector<1xf32>
        %squeeze3A_372 = vector.extract %slice3A_371[0] : f32 from vector<1xf32>
        %mul3A_373 = vector.broadcast %squeeze3A_372 : f32 to vector<16xf32>
        %mul3A_374 = arith.mulf %get3A_370, %mul3A_373 : vector<16xf32>
        %mul3A_375 = arith.constant 16 : i32
        %mul3A_376 = arith.muli %scan3A_130, %mul3A_375 : i32
        %add3A_377 = arith.constant 11 : i32
        %add3A_378 = arith.addi %mul3A_376, %add3A_377 : i32
        %swap3A_379 = arith.index_cast %add3A_378 : i32 to index
        %swap3A_380 = arith.constant 0 : index
        %swap3A_381 = tpu.vector_load %arg30[%swap3A_379, %swap3A_380] {strides = array<i32>} : memref<1280x16xf32, #tpu.memory_space<vmem>>, vector<1x16xf32>,
        %swap3A_382 = vector.shape_cast %swap3A_381 : vector<1x16xf32> to vector<16xf32>
        %swap3A_383 = vector.shape_cast %mul3A_374 : vector<16xf32> to vector<1x16xf32>
        tpu.vector_store %arg30[%swap3A_379, %swap3A_380], %swap3A_383 {strides = array<i32>} : memref<1280x16xf32, #tpu.memory_space<vmem>>, vector<1x16xf32>,
        %mul3A_384 = arith.constant 16 : i32
        %mul3A_385 = arith.muli %scan3A_130, %mul3A_384 : i32
        %add3A_386 = arith.constant 12 : i32
        %add3A_387 = arith.addi %mul3A_385, %add3A_386 : i32
        %get3A_388 = arith.index_cast %add3A_387 : i32 to index
        %get3A_389 = arith.constant 0 : index
        %get3A_390 = tpu.vector_load %arg30[%get3A_388, %get3A_389] {strides = array<i32>} : memref<1280x16xf32, #tpu.memory_space<vmem>>, vector<1x16xf32>,
        %get3A_391 = vector.shape_cast %get3A_390 : vector<1x16xf32> to vector<16xf32>
        %slice3A_392 = vector.extract_strided_slice %get3A_134 {offsets = [12], sizes = [1], strides = [1]} : vector<16xf32> to vector<1xf32>
        %squeeze3A_393 = vector.extract %slice3A_392[0] : f32 from vector<1xf32>
        %mul3A_394 = vector.broadcast %squeeze3A_393 : f32 to vector<16xf32>
        %mul3A_395 = arith.mulf %get3A_391, %mul3A_394 : vector<16xf32>
        %mul3A_396 = arith.constant 16 : i32
        %mul3A_397 = arith.muli %scan3A_130, %mul3A_396 : i32
        %add3A_398 = arith.constant 12 : i32
        %add3A_399 = arith.addi %mul3A_397, %add3A_398 : i32
        %swap3A_400 = arith.index_cast %add3A_399 : i32 to index
        %swap3A_401 = arith.constant 0 : index
        %swap3A_402 = tpu.vector_load %arg30[%swap3A_400, %swap3A_401] {strides = array<i32>} : memref<1280x16xf32, #tpu.memory_space<vmem>>, vector<1x16xf32>,
        %swap3A_403 = vector.shape_cast %swap3A_402 : vector<1x16xf32> to vector<16xf32>
        %swap3A_404 = vector.shape_cast %mul3A_395 : vector<16xf32> to vector<1x16xf32>
        tpu.vector_store %arg30[%swap3A_400, %swap3A_401], %swap3A_404 {strides = array<i32>} : memref<1280x16xf32, #tpu.memory_space<vmem>>, vector<1x16xf32>,
        %mul3A_405 = arith.constant 16 : i32
        %mul3A_406 = arith.muli %scan3A_130, %mul3A_405 : i32
        %add3A_407 = arith.constant 13 : i32
        %add3A_408 = arith.addi %mul3A_406, %add3A_407 : i32
        %get3A_409 = arith.index_cast %add3A_408 : i32 to index
        %get3A_410 = arith.constant 0 : index
        %get3A_411 = tpu.vector_load %arg30[%get3A_409, %get3A_410] {strides = array<i32>} : memref<1280x16xf32, #tpu.memory_space<vmem>>, vector<1x16xf32>,
        %get3A_412 = vector.shape_cast %get3A_411 : vector<1x16xf32> to vector<16xf32>
        %slice3A_413 = vector.extract_strided_slice %get3A_134 {offsets = [13], sizes = [1], strides = [1]} : vector<16xf32> to vector<1xf32>
        %squeeze3A_414 = vector.extract %slice3A_413[0] : f32 from vector<1xf32>
        %mul3A_415 = vector.broadcast %squeeze3A_414 : f32 to vector<16xf32>
        %mul3A_416 = arith.mulf %get3A_412, %mul3A_415 : vector<16xf32>
        %mul3A_417 = arith.constant 16 : i32
        %mul3A_418 = arith.muli %scan3A_130, %mul3A_417 : i32
        %add3A_419 = arith.constant 13 : i32
        %add3A_420 = arith.addi %mul3A_418, %add3A_419 : i32
        %swap3A_421 = arith.index_cast %add3A_420 : i32 to index
        %swap3A_422 = arith.constant 0 : index
        %swap3A_423 = tpu.vector_load %arg30[%swap3A_421, %swap3A_422] {strides = array<i32>} : memref<1280x16xf32, #tpu.memory_space<vmem>>, vector<1x16xf32>,
        %swap3A_424 = vector.shape_cast %swap3A_423 : vector<1x16xf32> to vector<16xf32>
        %swap3A_425 = vector.shape_cast %mul3A_416 : vector<16xf32> to vector<1x16xf32>
        tpu.vector_store %arg30[%swap3A_421, %swap3A_422], %swap3A_425 {strides = array<i32>} : memref<1280x16xf32, #tpu.memory_space<vmem>>, vector<1x16xf32>,
        %mul3A_426 = arith.constant 16 : i32
        %mul3A_427 = arith.muli %scan3A_130, %mul3A_426 : i32
        %add3A_428 = arith.constant 14 : i32
        %add3A_429 = arith.addi %mul3A_427, %add3A_428 : i32
        %get3A_430 = arith.index_cast %add3A_429 : i32 to index
        %get3A_431 = arith.constant 0 : index
        %get3A_432 = tpu.vector_load %arg30[%get3A_430, %get3A_431] {strides = array<i32>} : memref<1280x16xf32, #tpu.memory_space<vmem>>, vector<1x16xf32>,
        %get3A_433 = vector.shape_cast %get3A_432 : vector<1x16xf32> to vector<16xf32>
        %slice3A_434 = vector.extract_strided_slice %get3A_134 {offsets = [14], sizes = [1], strides = [1]} : vector<16xf32> to vector<1xf32>
        %squeeze3A_435 = vector.extract %slice3A_434[0] : f32 from vector<1xf32>
        %mul3A_436 = vector.broadcast %squeeze3A_435 : f32 to vector<16xf32>
        %mul3A_437 = arith.mulf %get3A_433, %mul3A_436 : vector<16xf32>
        %mul3A_438 = arith.constant 16 : i32
        %mul3A_439 = arith.muli %scan3A_130, %mul3A_438 : i32
        %add3A_440 = arith.constant 14 : i32
        %add3A_441 = arith.addi %mul3A_439, %add3A_440 : i32
        %swap3A_442 = arith.index_cast %add3A_441 : i32 to index
        %swap3A_443 = arith.constant 0 : index
        %swap3A_444 = tpu.vector_load %arg30[%swap3A_442, %swap3A_443] {strides = array<i32>} : memref<1280x16xf32, #tpu.memory_space<vmem>>, vector<1x16xf32>,
        %swap3A_445 = vector.shape_cast %swap3A_444 : vector<1x16xf32> to vector<16xf32>
        %swap3A_446 = vector.shape_cast %mul3A_437 : vector<16xf32> to vector<1x16xf32>
        tpu.vector_store %arg30[%swap3A_442, %swap3A_443], %swap3A_446 {strides = array<i32>} : memref<1280x16xf32, #tpu.memory_space<vmem>>, vector<1x16xf32>,
        %mul3A_447 = arith.constant 16 : i32
        %mul3A_448 = arith.muli %scan3A_130, %mul3A_447 : i32
        %add3A_449 = arith.constant 15 : i32
        %add3A_450 = arith.addi %mul3A_448, %add3A_449 : i32
        %get3A_451 = arith.index_cast %add3A_450 : i32 to index
        %get3A_452 = arith.constant 0 : index
        %get3A_453 = tpu.vector_load %arg30[%get3A_451, %get3A_452] {strides = array<i32>} : memref<1280x16xf32, #tpu.memory_space<vmem>>, vector<1x16xf32>,
        %get3A_454 = vector.shape_cast %get3A_453 : vector<1x16xf32> to vector<16xf32>
        %slice3A_455 = vector.extract_strided_slice %get3A_134 {offsets = [15], sizes = [1], strides = [1]} : vector<16xf32> to vector<1xf32>
        %squeeze3A_456 = vector.extract %slice3A_455[0] : f32 from vector<1xf32>
        %mul3A_457 = vector.broadcast %squeeze3A_456 : f32 to vector<16xf32>
        %mul3A_458 = arith.mulf %get3A_454, %mul3A_457 : vector<16xf32>
        %mul3A_459 = arith.constant 16 : i32
        %mul3A_460 = arith.muli %scan3A_130, %mul3A_459 : i32
        %add3A_461 = arith.constant 15 : i32
        %add3A_462 = arith.addi %mul3A_460, %add3A_461 : i32
        %swap3A_463 = arith.index_cast %add3A_462 : i32 to index
        %swap3A_464 = arith.constant 0 : index
        %swap3A_465 = tpu.vector_load %arg30[%swap3A_463, %swap3A_464] {strides = array<i32>} : memref<1280x16xf32, #tpu.memory_space<vmem>>, vector<1x16xf32>,
        %swap3A_466 = vector.shape_cast %swap3A_465 : vector<1x16xf32> to vector<16xf32>
        %swap3A_467 = vector.shape_cast %mul3A_458 : vector<16xf32> to vector<1x16xf32>
        tpu.vector_store %arg30[%swap3A_463, %swap3A_464], %swap3A_467 {strides = array<i32>} : memref<1280x16xf32, #tpu.memory_space<vmem>>, vector<1x16xf32>,
      }
      %scan3A_124 = arith.constant 80 : i32
      %dma_start3A_125 = arith.constant 0 : i32
      %dma_start3A_126 = arith.constant 0 : i32
      %dma_start3A_127 = tpu.memref_slice %arg9[%dma_start3A_125, %dma_start3A_126] : memref<50048x16xf32, #tpu.memory_space<vmem_shared>> -> memref<50048x16xf32, #tpu.memory_space<vmem_shared>>
      tpu.enqueue_indirect_dma source(%arg30 : memref<1280x16xf32, #tpu.memory_space<vmem>>) target(%dma_start3A_127 : memref<50048x16xf32, #tpu.memory_space<vmem_shared>>) offsets(%arg27 : memref<1280xi32, #tpu.memory_space<vmem>>) semaphore(%arg36 : memref<!tpu.dma_semaphore, #tpu.memory_space<semaphore_mem>>) {add = true}
      %dma_start3A_128 = arith.constant 0 : i32
      %dma_start3A_129 = tpu.memref_slice %arg10[%dma_start3A_128] : memref<50048xf32, #tpu.memory_space<vmem_shared>> -> memref<50048xf32, #tpu.memory_space<vmem_shared>>
      tpu.enqueue_indirect_dma source(%arg29 : memref<1280xf32, #tpu.memory_space<vmem>>) target(%dma_start3A_129 : memref<50048xf32, #tpu.memory_space<vmem_shared>>) offsets(%arg27 : memref<1280xi32, #tpu.memory_space<vmem>>) semaphore(%arg36 : memref<!tpu.dma_semaphore, #tpu.memory_space<semaphore_mem>>) {add = true}
    }
    %scan3A_38 = arith.constant 10 : i32
    %dma_wait3A_39 = arith.constant 0 : i32
    %dma_wait3A_40 = arith.constant 0 : i32
    %dma_wait3A_41 = tpu.memref_slice %arg9[%dma_wait3A_39, %dma_wait3A_40] : memref<50048x16xf32, #tpu.memory_space<vmem_shared>> -> memref<50048x16xf32, #tpu.memory_space<vmem_shared>>
    tpu.wait_indirect_dma semaphore(%arg23 : memref<!tpu.dma_semaphore, #tpu.memory_space<semaphore_mem>>) src(%arg17 : memref<1280x16xf32, #tpu.memory_space<vmem>>) dst(%dma_wait3A_41 : memref<50048x16xf32, #tpu.memory_space<vmem_shared>>)
    %dma_wait3A_42 = arith.constant 0 : i32
    %dma_wait3A_43 = tpu.memref_slice %arg10[%dma_wait3A_42] : memref<50048xf32, #tpu.memory_space<vmem_shared>> -> memref<50048xf32, #tpu.memory_space<vmem_shared>>
    tpu.wait_indirect_dma semaphore(%arg23 : memref<!tpu.dma_semaphore, #tpu.memory_space<semaphore_mem>>) src(%arg16 : memref<1280xf32, #tpu.memory_space<vmem>>) dst(%dma_wait3A_43 : memref<50048xf32, #tpu.memory_space<vmem_shared>>)
    %dma_wait3A_44 = arith.constant 0 : i32
    %dma_wait3A_45 = arith.constant 0 : i32
    %dma_wait3A_46 = tpu.memref_slice %arg9[%dma_wait3A_44, %dma_wait3A_45] : memref<50048x16xf32, #tpu.memory_space<vmem_shared>> -> memref<50048x16xf32, #tpu.memory_space<vmem_shared>>
    tpu.wait_indirect_dma semaphore(%arg36 : memref<!tpu.dma_semaphore, #tpu.memory_space<semaphore_mem>>) src(%arg30 : memref<1280x16xf32, #tpu.memory_space<vmem>>) dst(%dma_wait3A_46 : memref<50048x16xf32, #tpu.memory_space<vmem_shared>>)
    %dma_wait3A_47 = arith.constant 0 : i32
    %dma_wait3A_48 = tpu.memref_slice %arg10[%dma_wait3A_47] : memref<50048xf32, #tpu.memory_space<vmem_shared>> -> memref<50048xf32, #tpu.memory_space<vmem_shared>>
    tpu.wait_indirect_dma semaphore(%arg36 : memref<!tpu.dma_semaphore, #tpu.memory_space<semaphore_mem>>) src(%arg29 : memref<1280xf32, #tpu.memory_space<vmem>>) dst(%dma_wait3A_48 : memref<50048xf32, #tpu.memory_space<vmem_shared>>)
    %barrier3A_49 = arith.constant 0 : index
    tpu.barrier barrier_id(%barrier3A_49)
    "tpu.region"() ({
      %run_scoped3A = tpu.sem_alloc : memref<!tpu.dma_semaphore, #tpu.memory_space<semaphore_mem>>
      %dma_start3A_53 = arith.constant 0 : i32
      %dma_start3A_54 = tpu.memref_slice %arg7[%arg0, %mul3A_4, %dma_start3A_53] : memref<2x50048x16xf32, #tpu.memory_space<hbm>> -> memref<1x3128x16xf32, #tpu.memory_space<hbm>>
      %dma_start3A_55 = tpu.memref_squeeze %dma_start3A_54 : memref<1x3128x16xf32, #tpu.memory_space<hbm>> -> memref<3128x16xf32, #tpu.memory_space<hbm>>
      %dma_start3A_56 = arith.constant 0 : i32
      %dma_start3A_57 = tpu.memref_slice %arg9[%mul3A_4, %dma_start3A_56] : memref<50048x16xf32, #tpu.memory_space<vmem_shared>> -> memref<3128x16xf32, #tpu.memory_space<vmem_shared>>
      tpu.enqueue_dma source(%dma_start3A_57 : memref<3128x16xf32, #tpu.memory_space<vmem_shared>>) target(%dma_start3A_55 : memref<3128x16xf32, #tpu.memory_space<hbm>>) target_semaphore(%run_scoped3A : memref<!tpu.dma_semaphore, #tpu.memory_space<semaphore_mem>>)
      %dma_wait3A_58 = arith.constant 0 : i32
      %dma_wait3A_59 = tpu.memref_slice %arg7[%arg0, %mul3A_4, %dma_wait3A_58] : memref<2x50048x16xf32, #tpu.memory_space<hbm>> -> memref<1x3128x16xf32, #tpu.memory_space<hbm>>
      %dma_wait3A_60 = tpu.memref_squeeze %dma_wait3A_59 : memref<1x3128x16xf32, #tpu.memory_space<hbm>> -> memref<3128x16xf32, #tpu.memory_space<hbm>>
      %dma_wait3A_61 = arith.constant 0 : i32
      %dma_wait3A_62 = tpu.memref_slice %arg9[%mul3A_4, %dma_wait3A_61] : memref<50048x16xf32, #tpu.memory_space<vmem_shared>> -> memref<3128x16xf32, #tpu.memory_space<vmem_shared>>
      tpu.wait_dma2 semaphore(%run_scoped3A : memref<!tpu.dma_semaphore, #tpu.memory_space<semaphore_mem>>) src(%dma_wait3A_62 : memref<3128x16xf32, #tpu.memory_space<vmem_shared>>) dst(%dma_wait3A_60 : memref<3128x16xf32, #tpu.memory_space<hbm>>)
      tpu.yield
    }) : () -> ()
    %mul3A_50 = arith.constant 50048 : i32
    %mul3A_51 = arith.muli %arg0, %mul3A_50 : i32
    %add3A_52 = arith.addi %mul3A_51, %mul3A_4 : i32
    "tpu.region"() ({
      %run_scoped3A = tpu.sem_alloc : memref<!tpu.dma_semaphore, #tpu.memory_space<semaphore_mem>>
      %dma_start3A_53 = tpu.memref_slice %arg8[%add3A_52] : memref<100096xf32, #tpu.memory_space<hbm>> -> memref<3128xf32, #tpu.memory_space<hbm>>
      %dma_start3A_54 = tpu.memref_slice %arg10[%mul3A_4] : memref<50048xf32, #tpu.memory_space<vmem_shared>> -> memref<3128xf32, #tpu.memory_space<vmem_shared>>
      tpu.enqueue_dma source(%dma_start3A_54 : memref<3128xf32, #tpu.memory_space<vmem_shared>>) target(%dma_start3A_53 : memref<3128xf32, #tpu.memory_space<hbm>>) target_semaphore(%run_scoped3A : memref<!tpu.dma_semaphore, #tpu.memory_space<semaphore_mem>>)
      %dma_wait3A_55 = tpu.memref_slice %arg8[%add3A_52] : memref<100096xf32, #tpu.memory_space<hbm>> -> memref<3128xf32, #tpu.memory_space<hbm>>
      %dma_wait3A_56 = tpu.memref_slice %arg10[%mul3A_4] : memref<50048xf32, #tpu.memory_space<vmem_shared>> -> memref<3128xf32, #tpu.memory_space<vmem_shared>>
      tpu.wait_dma2 semaphore(%run_scoped3A : memref<!tpu.dma_semaphore, #tpu.memory_space<semaphore_mem>>) src(%dma_wait3A_56 : memref<3128xf32, #tpu.memory_space<vmem_shared>>) dst(%dma_wait3A_55 : memref<3128xf32, #tpu.memory_space<hbm>>)
      tpu.yield
    }) : () -> ()
    return
  }
}

module attributes {stable_mosaic.version = 14 : i64} {
  func.func @_pre_kernel(%arg0: i32, %arg1: memref<2000x16xf32, #tpu.memory_space<vmem>>, %arg2: memref<2x16x64xf32, #tpu.memory_space<vmem>>, %arg3: memref<1x64xf32, #tpu.memory_space<vmem>>, %arg4: memref<1x64xf32, #tpu.memory_space<vmem>>, %arg5: memref<2000x2xf32, #tpu.memory_space<vmem>>, %arg6: memref<2000x2xf32, #tpu.memory_space<vmem>>) attributes {dimension_semantics = [#tpu.dimension_semantics<arbitrary>], iteration_bounds = array<i64: 25>, scalar_prefetch = 0 : i64, scratch_operands = 0 : i64, tpu.core_type = #tpu.core_type<tc>, window_params = [{transform_indices = @transform_0, window_bounds = array<i64: 2000, 16>}, {pipeline_mode = #tpu.pipeline_mode<synchronous>, transform_indices = @transform_1, window_bounds = array<i64: 2, 16, 64>}, {pipeline_mode = #tpu.pipeline_mode<synchronous>, transform_indices = @transform_2, window_bounds = array<i64: 1, 64>}, {pipeline_mode = #tpu.pipeline_mode<synchronous>, transform_indices = @transform_3, window_bounds = array<i64: 1, 64>}, {transform_indices = @transform_4, window_bounds = array<i64: 2000, 2>}, {transform_indices = @transform_5, window_bounds = array<i64: 2000, 2>}]} {
    %get3A = arith.constant 0 : index
    %get3A_0 = arith.constant 0 : index
    %get3A_1 = arith.constant 0 : index
    %get3A_2 = vector.load %arg2[%get3A, %get3A_0, %get3A_1] : memref<2x16x64xf32, #tpu.memory_space<vmem>>, vector<1x16x64xf32>
    %get3A_3 = vector.shape_cast %get3A_2 : vector<1x16x64xf32> to vector<16x64xf32>
    %get3A_4 = arith.constant 0 : index
    %get3A_5 = arith.constant 0 : index
    %get3A_6 = vector.load %arg3[%get3A_4, %get3A_5] : memref<1x64xf32, #tpu.memory_space<vmem>>, vector<1x64xf32>
    %get3A_7 = vector.shape_cast %get3A_6 : vector<1x64xf32> to vector<64xf32>
    %dot_general3A = arith.constant dense<0.000000e+00> : vector<16xf32>
    %dot_general3A_8 = tpu.matmul %get3A_3, %get3A_7, %dot_general3A {dimension_numbers = #tpu.dot_dimension_numbers<[1], [0], [0], [], [0, 0], [], []>, transpose_lhs_hint = false} : vector<16x64xf32>, vector<64xf32>, vector<16xf32> -> vector<16xf32>
    %broadcast_in_dim3A = vector.shape_cast %dot_general3A_8 : vector<16xf32> to vector<16x1xf32>
    %get3A_9 = arith.constant 1 : index
    %get3A_10 = arith.constant 0 : index
    %get3A_11 = arith.constant 0 : index
    %get3A_12 = vector.load %arg2[%get3A_9, %get3A_10, %get3A_11] : memref<2x16x64xf32, #tpu.memory_space<vmem>>, vector<1x16x64xf32>
    %get3A_13 = vector.shape_cast %get3A_12 : vector<1x16x64xf32> to vector<16x64xf32>
    %get3A_14 = arith.constant 0 : index
    %get3A_15 = arith.constant 0 : index
    %get3A_16 = vector.load %arg3[%get3A_14, %get3A_15] : memref<1x64xf32, #tpu.memory_space<vmem>>, vector<1x64xf32>
    %get3A_17 = vector.shape_cast %get3A_16 : vector<1x64xf32> to vector<64xf32>
    %dot_general3A_18 = arith.constant dense<0.000000e+00> : vector<16xf32>
    %dot_general3A_19 = tpu.matmul %get3A_13, %get3A_17, %dot_general3A_18 {dimension_numbers = #tpu.dot_dimension_numbers<[1], [0], [0], [], [0, 0], [], []>, transpose_lhs_hint = false} : vector<16x64xf32>, vector<64xf32>, vector<16xf32> -> vector<16xf32>
    %broadcast_in_dim3A_20 = vector.shape_cast %dot_general3A_19 : vector<16xf32> to vector<16x1xf32>
    %concatenate3A = tpu.concatenate %broadcast_in_dim3A, %broadcast_in_dim3A_20 in 1 : vector<16x1xf32>, vector<16x1xf32> -> vector<16x2xf32>
    %get3A_21 = arith.constant 0 : index
    %get3A_22 = arith.constant 0 : index
    %get3A_23 = arith.constant 0 : index
    %get3A_24 = vector.load %arg2[%get3A_21, %get3A_22, %get3A_23] : memref<2x16x64xf32, #tpu.memory_space<vmem>>, vector<1x16x64xf32>
    %get3A_25 = vector.shape_cast %get3A_24 : vector<1x16x64xf32> to vector<16x64xf32>
    %get3A_26 = arith.constant 0 : index
    %get3A_27 = arith.constant 0 : index
    %get3A_28 = vector.load %arg4[%get3A_26, %get3A_27] : memref<1x64xf32, #tpu.memory_space<vmem>>, vector<1x64xf32>
    %get3A_29 = vector.shape_cast %get3A_28 : vector<1x64xf32> to vector<64xf32>
    %dot_general3A_30 = arith.constant dense<0.000000e+00> : vector<16xf32>
    %dot_general3A_31 = tpu.matmul %get3A_25, %get3A_29, %dot_general3A_30 {dimension_numbers = #tpu.dot_dimension_numbers<[1], [0], [0], [], [0, 0], [], []>, transpose_lhs_hint = false} : vector<16x64xf32>, vector<64xf32>, vector<16xf32> -> vector<16xf32>
    %broadcast_in_dim3A_32 = vector.shape_cast %dot_general3A_31 : vector<16xf32> to vector<16x1xf32>
    %get3A_33 = arith.constant 1 : index
    %get3A_34 = arith.constant 0 : index
    %get3A_35 = arith.constant 0 : index
    %get3A_36 = vector.load %arg2[%get3A_33, %get3A_34, %get3A_35] : memref<2x16x64xf32, #tpu.memory_space<vmem>>, vector<1x16x64xf32>
    %get3A_37 = vector.shape_cast %get3A_36 : vector<1x16x64xf32> to vector<16x64xf32>
    %get3A_38 = arith.constant 0 : index
    %get3A_39 = arith.constant 0 : index
    %get3A_40 = vector.load %arg4[%get3A_38, %get3A_39] : memref<1x64xf32, #tpu.memory_space<vmem>>, vector<1x64xf32>
    %get3A_41 = vector.shape_cast %get3A_40 : vector<1x64xf32> to vector<64xf32>
    %dot_general3A_42 = arith.constant dense<0.000000e+00> : vector<16xf32>
    %dot_general3A_43 = tpu.matmul %get3A_37, %get3A_41, %dot_general3A_42 {dimension_numbers = #tpu.dot_dimension_numbers<[1], [0], [0], [], [0, 0], [], []>, transpose_lhs_hint = false} : vector<16x64xf32>, vector<64xf32>, vector<16xf32> -> vector<16xf32>
    %broadcast_in_dim3A_44 = vector.shape_cast %dot_general3A_43 : vector<16xf32> to vector<16x1xf32>
    %concatenate3A_45 = tpu.concatenate %broadcast_in_dim3A_32, %broadcast_in_dim3A_44 in 1 : vector<16x1xf32>, vector<16x1xf32> -> vector<16x2xf32>
    %get3A_46 = arith.constant 0 : index
    %get3A_47 = arith.constant 0 : index
    %get3A_48 = vector.load %arg1[%get3A_46, %get3A_47] : memref<2000x16xf32, #tpu.memory_space<vmem>>, vector<2000x16xf32>
    %dot_general3A_49 = arith.constant dense<0.000000e+00> : vector<2000x2xf32>
    %dot_general3A_50 = tpu.matmul %get3A_48, %concatenate3A, %dot_general3A_49 {dimension_numbers = #tpu.dot_dimension_numbers<[1], [0], [0], [1], [0, 0, 1, 1], [], []>, transpose_lhs_hint = false} : vector<2000x16xf32>, vector<16x2xf32>, vector<2000x2xf32> -> vector<2000x2xf32>
    %swap3A = arith.constant 0 : index
    %swap3A_51 = arith.constant 0 : index
    %swap3A_52 = vector.load %arg5[%swap3A, %swap3A_51] : memref<2000x2xf32, #tpu.memory_space<vmem>>, vector<2000x2xf32>
    tpu.vector_store %arg5[%swap3A, %swap3A_51], %dot_general3A_50 {strides = array<i32>} : memref<2000x2xf32, #tpu.memory_space<vmem>>, vector<2000x2xf32>,
    %get3A_53 = arith.constant 0 : index
    %get3A_54 = arith.constant 0 : index
    %get3A_55 = vector.load %arg1[%get3A_53, %get3A_54] : memref<2000x16xf32, #tpu.memory_space<vmem>>, vector<2000x16xf32>
    %dot_general3A_56 = arith.constant dense<0.000000e+00> : vector<2000x2xf32>
    %dot_general3A_57 = tpu.matmul %get3A_55, %concatenate3A_45, %dot_general3A_56 {dimension_numbers = #tpu.dot_dimension_numbers<[1], [0], [0], [1], [0, 0, 1, 1], [], []>, transpose_lhs_hint = false} : vector<2000x16xf32>, vector<16x2xf32>, vector<2000x2xf32> -> vector<2000x2xf32>
    %swap3A_58 = arith.constant 0 : index
    %swap3A_59 = arith.constant 0 : index
    %swap3A_60 = vector.load %arg6[%swap3A_58, %swap3A_59] : memref<2000x2xf32, #tpu.memory_space<vmem>>, vector<2000x2xf32>
    tpu.vector_store %arg6[%swap3A_58, %swap3A_59], %dot_general3A_57 {strides = array<i32>} : memref<2000x2xf32, #tpu.memory_space<vmem>>, vector<2000x2xf32>,
    return
  }
  func.func @transform_0(%arg0: i32) -> (i32, i32) {
    %c0_i32 = arith.constant 0 : i32
    %c0_i32_0 = arith.constant 0 : i32
    return %arg0, %c0_i32 : i32, i32
  }
  func.func @transform_1(%arg0: i32) -> (i32, i32, i32) {
    %c0_i32 = arith.constant 0 : i32
    %c0_i32_0 = arith.constant 0 : i32
    %c0_i32_1 = arith.constant 0 : i32
    %c0_i32_2 = arith.constant 0 : i32
    return %c0_i32, %c0_i32_0, %c0_i32_1 : i32, i32, i32
  }
  func.func @transform_2(%arg0: i32) -> (i32, i32) {
    %c0_i32 = arith.constant 0 : i32
    %c0_i32_0 = arith.constant 0 : i32
    %c0_i32_1 = arith.constant 0 : i32
    return %c0_i32, %c0_i32_0 : i32, i32
  }
  func.func @transform_3(%arg0: i32) -> (i32, i32) {
    %c0_i32 = arith.constant 0 : i32
    %c0_i32_0 = arith.constant 0 : i32
    %c0_i32_1 = arith.constant 0 : i32
    return %c0_i32, %c0_i32_0 : i32, i32
  }
  func.func @transform_4(%arg0: i32) -> (i32, i32) {
    %c0_i32 = arith.constant 0 : i32
    %c0_i32_0 = arith.constant 0 : i32
    return %arg0, %c0_i32 : i32, i32
  }
  func.func @transform_5(%arg0: i32) -> (i32, i32) {
    %c0_i32 = arith.constant 0 : i32
    %c0_i32_0 = arith.constant 0 : i32
    return %arg0, %c0_i32 : i32, i32
  }
}

module attributes {stable_mosaic.version = 14 : i64} {
  func.func @_mid_kernel(%arg0: i32, %arg1: memref<2x2000x2x16xf32, #tpu.memory_space<vmem>>, %arg2: memref<2x2000x2xf32, #tpu.memory_space<vmem>>, %arg3: memref<2x16x64xf32, #tpu.memory_space<vmem>>, %arg4: memref<1x64xf32, #tpu.memory_space<vmem>>, %arg5: memref<2x64x3xf32, #tpu.memory_space<vmem>>, %arg6: memref<1x3xf32, #tpu.memory_space<vmem>>, %arg7: memref<1x3xf32, #tpu.memory_space<vmem>>, %arg8: memref<2000x2x16xf32, #tpu.memory_space<vmem>>, %arg9: memref<2000x2xf32, #tpu.memory_space<vmem>>, %arg10: memref<2000x2xf32, #tpu.memory_space<vmem>>) attributes {dimension_semantics = [#tpu.dimension_semantics<arbitrary>], iteration_bounds = array<i64: 25>, scalar_prefetch = 0 : i64, scratch_operands = 0 : i64, tpu.core_type = #tpu.core_type<tc>, window_params = [{transform_indices = @transform_0, window_bounds = array<i64: 2, 2000, 2, 16>}, {transform_indices = @transform_1, window_bounds = array<i64: 2, 2000, 2>}, {pipeline_mode = #tpu.pipeline_mode<synchronous>, transform_indices = @transform_2, window_bounds = array<i64: 2, 16, 64>}, {pipeline_mode = #tpu.pipeline_mode<synchronous>, transform_indices = @transform_3, window_bounds = array<i64: 1, 64>}, {pipeline_mode = #tpu.pipeline_mode<synchronous>, transform_indices = @transform_4, window_bounds = array<i64: 2, 64, 3>}, {pipeline_mode = #tpu.pipeline_mode<synchronous>, transform_indices = @transform_5, window_bounds = array<i64: 1, 3>}, {pipeline_mode = #tpu.pipeline_mode<synchronous>, transform_indices = @transform_6, window_bounds = array<i64: 1, 3>}, {transform_indices = @transform_7, window_bounds = array<i64: 2000, 2, 16>}, {transform_indices = @transform_8, window_bounds = array<i64: 2000, 2>}, {transform_indices = @transform_9, window_bounds = array<i64: 2000, 2>}]} {
    %get3A = arith.constant 0 : index
    %get3A_0 = arith.constant 0 : index
    %get3A_1 = arith.constant 0 : index
    %get3A_2 = arith.constant 0 : index
    %get3A_3 = vector.load %arg1[%get3A, %get3A_0, %get3A_1, %get3A_2] : memref<2x2000x2x16xf32, #tpu.memory_space<vmem>>, vector<1x2000x2x16xf32>
    %get3A_4 = vector.shape_cast %get3A_3 : vector<1x2000x2x16xf32> to vector<2000x2x16xf32>
    %get3A_5 = arith.constant 1 : index
    %get3A_6 = arith.constant 0 : index
    %get3A_7 = arith.constant 0 : index
    %get3A_8 = arith.constant 0 : index
    %get3A_9 = vector.load %arg1[%get3A_5, %get3A_6, %get3A_7, %get3A_8] : memref<2x2000x2x16xf32, #tpu.memory_space<vmem>>, vector<1x2000x2x16xf32>
    %get3A_10 = vector.shape_cast %get3A_9 : vector<1x2000x2x16xf32> to vector<2000x2x16xf32>
    %add3A = arith.addf %get3A_4, %get3A_10 : vector<2000x2x16xf32>
    %slice3A = vector.extract_strided_slice %add3A {offsets = [0, 0, 0], sizes = [2000, 1, 16], strides = [1, 1, 1]} : vector<2000x2x16xf32> to vector<2000x1x16xf32>
    %squeeze3A = vector.shape_cast %slice3A : vector<2000x1x16xf32> to vector<2000x16xf32>
    %get3A_11 = arith.constant 0 : index
    %get3A_12 = arith.constant 0 : index
    %get3A_13 = arith.constant 0 : index
    %get3A_14 = vector.load %arg3[%get3A_11, %get3A_12, %get3A_13] : memref<2x16x64xf32, #tpu.memory_space<vmem>>, vector<1x16x64xf32>
    %get3A_15 = vector.shape_cast %get3A_14 : vector<1x16x64xf32> to vector<16x64xf32>
    %dot_general3A = arith.constant dense<0.000000e+00> : vector<2000x64xf32>
    %dot_general3A_16 = tpu.matmul %squeeze3A, %get3A_15, %dot_general3A {dimension_numbers = #tpu.dot_dimension_numbers<[1], [0], [0], [1], [0, 0, 1, 1], [], []>, transpose_lhs_hint = false} : vector<2000x16xf32>, vector<16x64xf32>, vector<2000x64xf32> -> vector<2000x64xf32>
    %slice3A_17 = vector.extract_strided_slice %add3A {offsets = [0, 1, 0], sizes = [2000, 1, 16], strides = [1, 1, 1]} : vector<2000x2x16xf32> to vector<2000x1x16xf32>
    %squeeze3A_18 = vector.shape_cast %slice3A_17 : vector<2000x1x16xf32> to vector<2000x16xf32>
    %get3A_19 = arith.constant 1 : index
    %get3A_20 = arith.constant 0 : index
    %get3A_21 = arith.constant 0 : index
    %get3A_22 = vector.load %arg3[%get3A_19, %get3A_20, %get3A_21] : memref<2x16x64xf32, #tpu.memory_space<vmem>>, vector<1x16x64xf32>
    %get3A_23 = vector.shape_cast %get3A_22 : vector<1x16x64xf32> to vector<16x64xf32>
    %dot_general3A_24 = arith.constant dense<0.000000e+00> : vector<2000x64xf32>
    %dot_general3A_25 = tpu.matmul %squeeze3A_18, %get3A_23, %dot_general3A_24 {dimension_numbers = #tpu.dot_dimension_numbers<[1], [0], [0], [1], [0, 0, 1, 1], [], []>, transpose_lhs_hint = false} : vector<2000x16xf32>, vector<16x64xf32>, vector<2000x64xf32> -> vector<2000x64xf32>
    %add3A_26 = arith.addf %dot_general3A_16, %dot_general3A_25 : vector<2000x64xf32>
    %get3A_27 = arith.constant 0 : index
    %get3A_28 = arith.constant 0 : index
    %get3A_29 = arith.constant 0 : index
    %get3A_30 = vector.load %arg2[%get3A_27, %get3A_28, %get3A_29] : memref<2x2000x2xf32, #tpu.memory_space<vmem>>, vector<2x2000x2xf32>
    %reduce_sum3A = arith.constant dense<0.000000e+00> : vector<2000xf32>
    %reduce_sum3A_31 = vector.multi_reduction <add>, %get3A_30, %reduce_sum3A [0, 2] : vector<2x2000x2xf32> to vector<2000xf32>
    %broadcast_in_dim3A = vector.shape_cast %reduce_sum3A_31 : vector<2000xf32> to vector<2000x1xf32>
    %add3A_32 = arith.constant 1.000000e-16 : f32
    %add3A_33 = vector.broadcast %add3A_32 : f32 to vector<2000x1xf32>
    %add3A_34 = arith.addf %broadcast_in_dim3A, %add3A_33 : vector<2000x1xf32>
    %div3A = vector.broadcast %add3A_34 : vector<2000x1xf32> to vector<2000x64xf32>
    %div3A_35 = arith.divf %add3A_26, %div3A : vector<2000x64xf32>
    %get3A_36 = arith.constant 0 : index
    %get3A_37 = arith.constant 0 : index
    %get3A_38 = vector.load %arg4[%get3A_36, %get3A_37] : memref<1x64xf32, #tpu.memory_space<vmem>>, vector<1x64xf32>
    %get3A_39 = vector.shape_cast %get3A_38 : vector<1x64xf32> to vector<64xf32>
    %broadcast_in_dim3A_40 = vector.shape_cast %get3A_39 : vector<64xf32> to vector<1x64xf32>
    %add3A_41 = vector.broadcast %broadcast_in_dim3A_40 : vector<1x64xf32> to vector<2000x64xf32>
    %add3A_42 = arith.addf %div3A_35, %add3A_41 : vector<2000x64xf32>
    %get3A_43 = arith.constant 0 : index
    %get3A_44 = arith.constant 0 : index
    %get3A_45 = arith.constant 0 : index
    %get3A_46 = vector.load %arg5[%get3A_43, %get3A_44, %get3A_45] : memref<2x64x3xf32, #tpu.memory_space<vmem>>, vector<1x64x3xf32>
    %get3A_47 = vector.shape_cast %get3A_46 : vector<1x64x3xf32> to vector<64x3xf32>
    %dot_general3A_48 = arith.constant dense<0.000000e+00> : vector<2000x3xf32>
    %dot_general3A_49 = tpu.matmul %add3A_42, %get3A_47, %dot_general3A_48 {dimension_numbers = #tpu.dot_dimension_numbers<[1], [0], [0], [1], [0, 0, 1, 1], [], []>, transpose_lhs_hint = false} : vector<2000x64xf32>, vector<64x3xf32>, vector<2000x3xf32> -> vector<2000x3xf32>
    %get3A_50 = arith.constant 1 : index
    %get3A_51 = arith.constant 0 : index
    %get3A_52 = arith.constant 0 : index
    %get3A_53 = vector.load %arg5[%get3A_50, %get3A_51, %get3A_52] : memref<2x64x3xf32, #tpu.memory_space<vmem>>, vector<1x64x3xf32>
    %get3A_54 = vector.shape_cast %get3A_53 : vector<1x64x3xf32> to vector<64x3xf32>
    %dot_general3A_55 = arith.constant dense<0.000000e+00> : vector<2000x3xf32>
    %dot_general3A_56 = tpu.matmul %add3A_42, %get3A_54, %dot_general3A_55 {dimension_numbers = #tpu.dot_dimension_numbers<[1], [0], [0], [1], [0, 0, 1, 1], [], []>, transpose_lhs_hint = false} : vector<2000x64xf32>, vector<64x3xf32>, vector<2000x3xf32> -> vector<2000x3xf32>
    %broadcast_in_dim3A_57 = arith.constant 0.000000e+00 : f32
    %broadcast_in_dim3A_58 = vector.broadcast %broadcast_in_dim3A_57 : f32 to vector<2000x1x13xf32>
    %broadcast_in_dim3A_59 = vector.shape_cast %dot_general3A_49 : vector<2000x3xf32> to vector<2000x1x3xf32>
    %broadcast_in_dim3A_60 = vector.shape_cast %dot_general3A_56 : vector<2000x3xf32> to vector<2000x1x3xf32>
    %concatenate3A = tpu.concatenate %broadcast_in_dim3A_59, %broadcast_in_dim3A_58, %broadcast_in_dim3A_60, %broadcast_in_dim3A_58 in 2 : vector<2000x1x3xf32>, vector<2000x1x13xf32>, vector<2000x1x3xf32>, vector<2000x1x13xf32> -> vector<2000x1x32xf32>
    %reshape3A = vector.shape_cast %concatenate3A : vector<2000x1x32xf32> to vector<2000x2x16xf32>
    %swap3A = arith.constant 0 : index
    %swap3A_61 = arith.constant 0 : index
    %swap3A_62 = arith.constant 0 : index
    %swap3A_63 = vector.load %arg8[%swap3A, %swap3A_61, %swap3A_62] : memref<2000x2x16xf32, #tpu.memory_space<vmem>>, vector<2000x2x16xf32>
    tpu.vector_store %arg8[%swap3A, %swap3A_61, %swap3A_62], %reshape3A {strides = array<i32>} : memref<2000x2x16xf32, #tpu.memory_space<vmem>>, vector<2000x2x16xf32>,
    %get3A_64 = arith.constant 0 : index
    %get3A_65 = arith.constant 0 : index
    %get3A_66 = arith.constant 0 : index
    %get3A_67 = vector.load %arg5[%get3A_64, %get3A_65, %get3A_66] : memref<2x64x3xf32, #tpu.memory_space<vmem>>, vector<1x64x3xf32>
    %get3A_68 = vector.shape_cast %get3A_67 : vector<1x64x3xf32> to vector<64x3xf32>
    %get3A_69 = arith.constant 0 : index
    %get3A_70 = arith.constant 0 : index
    %get3A_71 = vector.load %arg6[%get3A_69, %get3A_70] : memref<1x3xf32, #tpu.memory_space<vmem>>, vector<1x3xf32>
    %get3A_72 = vector.shape_cast %get3A_71 : vector<1x3xf32> to vector<3xf32>
    %dot_general3A_73 = arith.constant dense<0.000000e+00> : vector<64xf32>
    %dot_general3A_74 = tpu.matmul %get3A_68, %get3A_72, %dot_general3A_73 {dimension_numbers = #tpu.dot_dimension_numbers<[1], [0], [0], [], [0, 0], [], []>, transpose_lhs_hint = false} : vector<64x3xf32>, vector<3xf32>, vector<64xf32> -> vector<64xf32>
    %broadcast_in_dim3A_75 = vector.shape_cast %dot_general3A_74 : vector<64xf32> to vector<64x1xf32>
    %get3A_76 = arith.constant 1 : index
    %get3A_77 = arith.constant 0 : index
    %get3A_78 = arith.constant 0 : index
    %get3A_79 = vector.load %arg5[%get3A_76, %get3A_77, %get3A_78] : memref<2x64x3xf32, #tpu.memory_space<vmem>>, vector<1x64x3xf32>
    %get3A_80 = vector.shape_cast %get3A_79 : vector<1x64x3xf32> to vector<64x3xf32>
    %get3A_81 = arith.constant 0 : index
    %get3A_82 = arith.constant 0 : index
    %get3A_83 = vector.load %arg6[%get3A_81, %get3A_82] : memref<1x3xf32, #tpu.memory_space<vmem>>, vector<1x3xf32>
    %get3A_84 = vector.shape_cast %get3A_83 : vector<1x3xf32> to vector<3xf32>
    %dot_general3A_85 = arith.constant dense<0.000000e+00> : vector<64xf32>
    %dot_general3A_86 = tpu.matmul %get3A_80, %get3A_84, %dot_general3A_85 {dimension_numbers = #tpu.dot_dimension_numbers<[1], [0], [0], [], [0, 0], [], []>, transpose_lhs_hint = false} : vector<64x3xf32>, vector<3xf32>, vector<64xf32> -> vector<64xf32>
    %broadcast_in_dim3A_87 = vector.shape_cast %dot_general3A_86 : vector<64xf32> to vector<64x1xf32>
    %concatenate3A_88 = tpu.concatenate %broadcast_in_dim3A_75, %broadcast_in_dim3A_87 in 1 : vector<64x1xf32>, vector<64x1xf32> -> vector<64x2xf32>
    %get3A_89 = arith.constant 0 : index
    %get3A_90 = arith.constant 0 : index
    %get3A_91 = arith.constant 0 : index
    %get3A_92 = vector.load %arg5[%get3A_89, %get3A_90, %get3A_91] : memref<2x64x3xf32, #tpu.memory_space<vmem>>, vector<1x64x3xf32>
    %get3A_93 = vector.shape_cast %get3A_92 : vector<1x64x3xf32> to vector<64x3xf32>
    %get3A_94 = arith.constant 0 : index
    %get3A_95 = arith.constant 0 : index
    %get3A_96 = vector.load %arg7[%get3A_94, %get3A_95] : memref<1x3xf32, #tpu.memory_space<vmem>>, vector<1x3xf32>
    %get3A_97 = vector.shape_cast %get3A_96 : vector<1x3xf32> to vector<3xf32>
    %dot_general3A_98 = arith.constant dense<0.000000e+00> : vector<64xf32>
    %dot_general3A_99 = tpu.matmul %get3A_93, %get3A_97, %dot_general3A_98 {dimension_numbers = #tpu.dot_dimension_numbers<[1], [0], [0], [], [0, 0], [], []>, transpose_lhs_hint = false} : vector<64x3xf32>, vector<3xf32>, vector<64xf32> -> vector<64xf32>
    %broadcast_in_dim3A_100 = vector.shape_cast %dot_general3A_99 : vector<64xf32> to vector<64x1xf32>
    %get3A_101 = arith.constant 1 : index
    %get3A_102 = arith.constant 0 : index
    %get3A_103 = arith.constant 0 : index
    %get3A_104 = vector.load %arg5[%get3A_101, %get3A_102, %get3A_103] : memref<2x64x3xf32, #tpu.memory_space<vmem>>, vector<1x64x3xf32>
    %get3A_105 = vector.shape_cast %get3A_104 : vector<1x64x3xf32> to vector<64x3xf32>
    %get3A_106 = arith.constant 0 : index
    %get3A_107 = arith.constant 0 : index
    %get3A_108 = vector.load %arg7[%get3A_106, %get3A_107] : memref<1x3xf32, #tpu.memory_space<vmem>>, vector<1x3xf32>
    %get3A_109 = vector.shape_cast %get3A_108 : vector<1x3xf32> to vector<3xf32>
    %dot_general3A_110 = arith.constant dense<0.000000e+00> : vector<64xf32>
    %dot_general3A_111 = tpu.matmul %get3A_105, %get3A_109, %dot_general3A_110 {dimension_numbers = #tpu.dot_dimension_numbers<[1], [0], [0], [], [0, 0], [], []>, transpose_lhs_hint = false} : vector<64x3xf32>, vector<3xf32>, vector<64xf32> -> vector<64xf32>
    %broadcast_in_dim3A_112 = vector.shape_cast %dot_general3A_111 : vector<64xf32> to vector<64x1xf32>
    %concatenate3A_113 = tpu.concatenate %broadcast_in_dim3A_100, %broadcast_in_dim3A_112 in 1 : vector<64x1xf32>, vector<64x1xf32> -> vector<64x2xf32>
    %dot_general3A_114 = arith.constant dense<0.000000e+00> : vector<2000x2xf32>
    %dot_general3A_115 = tpu.matmul %add3A_42, %concatenate3A_88, %dot_general3A_114 {dimension_numbers = #tpu.dot_dimension_numbers<[1], [0], [0], [1], [0, 0, 1, 1], [], []>, transpose_lhs_hint = false} : vector<2000x64xf32>, vector<64x2xf32>, vector<2000x2xf32> -> vector<2000x2xf32>
    %swap3A_116 = arith.constant 0 : index
    %swap3A_117 = arith.constant 0 : index
    %swap3A_118 = vector.load %arg9[%swap3A_116, %swap3A_117] : memref<2000x2xf32, #tpu.memory_space<vmem>>, vector<2000x2xf32>
    tpu.vector_store %arg9[%swap3A_116, %swap3A_117], %dot_general3A_115 {strides = array<i32>} : memref<2000x2xf32, #tpu.memory_space<vmem>>, vector<2000x2xf32>,
    %dot_general3A_119 = arith.constant dense<0.000000e+00> : vector<2000x2xf32>
    %dot_general3A_120 = tpu.matmul %add3A_42, %concatenate3A_113, %dot_general3A_119 {dimension_numbers = #tpu.dot_dimension_numbers<[1], [0], [0], [1], [0, 0, 1, 1], [], []>, transpose_lhs_hint = false} : vector<2000x64xf32>, vector<64x2xf32>, vector<2000x2xf32> -> vector<2000x2xf32>
    %swap3A_121 = arith.constant 0 : index
    %swap3A_122 = arith.constant 0 : index
    %swap3A_123 = vector.load %arg10[%swap3A_121, %swap3A_122] : memref<2000x2xf32, #tpu.memory_space<vmem>>, vector<2000x2xf32>
    tpu.vector_store %arg10[%swap3A_121, %swap3A_122], %dot_general3A_120 {strides = array<i32>} : memref<2000x2xf32, #tpu.memory_space<vmem>>, vector<2000x2xf32>,
    return
  }
  func.func @transform_0(%arg0: i32) -> (i32, i32, i32, i32) {
    %c0_i32 = arith.constant 0 : i32
    %c0_i32_0 = arith.constant 0 : i32
    %c0_i32_1 = arith.constant 0 : i32
    %c0_i32_2 = arith.constant 0 : i32
    return %c0_i32, %arg0, %c0_i32_0, %c0_i32_1 : i32, i32, i32, i32
  }
  func.func @transform_1(%arg0: i32) -> (i32, i32, i32) {
    %c0_i32 = arith.constant 0 : i32
    %c0_i32_0 = arith.constant 0 : i32
    %c0_i32_1 = arith.constant 0 : i32
    return %c0_i32, %arg0, %c0_i32_0 : i32, i32, i32
  }
  func.func @transform_2(%arg0: i32) -> (i32, i32, i32) {
    %c0_i32 = arith.constant 0 : i32
    %c0_i32_0 = arith.constant 0 : i32
    %c0_i32_1 = arith.constant 0 : i32
    %c0_i32_2 = arith.constant 0 : i32
    return %c0_i32, %c0_i32_0, %c0_i32_1 : i32, i32, i32
  }
  func.func @transform_3(%arg0: i32) -> (i32, i32) {
    %c0_i32 = arith.constant 0 : i32
    %c0_i32_0 = arith.constant 0 : i32
    %c0_i32_1 = arith.constant 0 : i32
    return %c0_i32, %c0_i32_0 : i32, i32
  }
  func.func @transform_4(%arg0: i32) -> (i32, i32, i32) {
    %c0_i32 = arith.constant 0 : i32
    %c0_i32_0 = arith.constant 0 : i32
    %c0_i32_1 = arith.constant 0 : i32
    %c0_i32_2 = arith.constant 0 : i32
    return %c0_i32, %c0_i32_0, %c0_i32_1 : i32, i32, i32
  }
  func.func @transform_5(%arg0: i32) -> (i32, i32) {
    %c0_i32 = arith.constant 0 : i32
    %c0_i32_0 = arith.constant 0 : i32
    %c0_i32_1 = arith.constant 0 : i32
    return %c0_i32, %c0_i32_0 : i32, i32
  }
  func.func @transform_6(%arg0: i32) -> (i32, i32) {
    %c0_i32 = arith.constant 0 : i32
    %c0_i32_0 = arith.constant 0 : i32
    %c0_i32_1 = arith.constant 0 : i32
    return %c0_i32, %c0_i32_0 : i32, i32
  }
  func.func @transform_7(%arg0: i32) -> (i32, i32, i32) {
    %c0_i32 = arith.constant 0 : i32
    %c0_i32_0 = arith.constant 0 : i32
    %c0_i32_1 = arith.constant 0 : i32
    return %arg0, %c0_i32, %c0_i32_0 : i32, i32, i32
  }
  func.func @transform_8(%arg0: i32) -> (i32, i32) {
    %c0_i32 = arith.constant 0 : i32
    %c0_i32_0 = arith.constant 0 : i32
    return %arg0, %c0_i32 : i32, i32
  }
  func.func @transform_9(%arg0: i32) -> (i32, i32) {
    %c0_i32 = arith.constant 0 : i32
    %c0_i32_0 = arith.constant 0 : i32
    return %arg0, %c0_i32 : i32, i32
  }
}

module attributes {stable_mosaic.version = 14 : i64} {
  func.func @_post_kernel(%arg0: i32, %arg1: memref<2x2000x16xf32, #tpu.memory_space<vmem>>, %arg2: memref<2x2000x1xf32, #tpu.memory_space<vmem>>, %arg3: memref<1x3xf32, #tpu.memory_space<vmem>>, %arg4: memref<2000x3xf32, #tpu.memory_space<vmem>>) attributes {dimension_semantics = [#tpu.dimension_semantics<arbitrary>], iteration_bounds = array<i64: 25>, scalar_prefetch = 0 : i64, scratch_operands = 0 : i64, tpu.core_type = #tpu.core_type<tc>, window_params = [{transform_indices = @transform_0, window_bounds = array<i64: 2, 2000, 16>}, {transform_indices = @transform_1, window_bounds = array<i64: 2, 2000, 1>}, {pipeline_mode = #tpu.pipeline_mode<synchronous>, transform_indices = @transform_2, window_bounds = array<i64: 1, 3>}, {transform_indices = @transform_3, window_bounds = array<i64: 2000, 3>}]} {
    %get3A = arith.constant 0 : index
    %get3A_0 = arith.constant 0 : index
    %get3A_1 = arith.constant 0 : index
    %get3A_2 = vector.load %arg1[%get3A, %get3A_0, %get3A_1] : memref<2x2000x16xf32, #tpu.memory_space<vmem>>, vector<1x2000x16xf32>
    %get3A_3 = vector.shape_cast %get3A_2 : vector<1x2000x16xf32> to vector<2000x16xf32>
    %get3A_4 = arith.constant 1 : index
    %get3A_5 = arith.constant 0 : index
    %get3A_6 = arith.constant 0 : index
    %get3A_7 = vector.load %arg1[%get3A_4, %get3A_5, %get3A_6] : memref<2x2000x16xf32, #tpu.memory_space<vmem>>, vector<1x2000x16xf32>
    %get3A_8 = vector.shape_cast %get3A_7 : vector<1x2000x16xf32> to vector<2000x16xf32>
    %add3A = arith.addf %get3A_3, %get3A_8 : vector<2000x16xf32>
    %get3A_9 = arith.constant 0 : index
    %get3A_10 = arith.constant 0 : index
    %get3A_11 = arith.constant 0 : index
    %get3A_12 = vector.load %arg2[%get3A_9, %get3A_10, %get3A_11] : memref<2x2000x1xf32, #tpu.memory_space<vmem>>, vector<2x2000x1xf32>
    %reduce_sum3A = arith.constant dense<0.000000e+00> : vector<2000xf32>
    %reduce_sum3A_13 = vector.multi_reduction <add>, %get3A_12, %reduce_sum3A [0, 2] : vector<2x2000x1xf32> to vector<2000xf32>
    %slice3A = vector.extract_strided_slice %add3A {offsets = [0, 0], sizes = [2000, 3], strides = [1, 1]} : vector<2000x16xf32> to vector<2000x3xf32>
    %broadcast_in_dim3A = vector.shape_cast %reduce_sum3A_13 : vector<2000xf32> to vector<2000x1xf32>
    %add3A_14 = arith.constant 1.000000e-16 : f32
    %add3A_15 = vector.broadcast %add3A_14 : f32 to vector<2000x1xf32>
    %add3A_16 = arith.addf %broadcast_in_dim3A, %add3A_15 : vector<2000x1xf32>
    %div3A = vector.broadcast %add3A_16 : vector<2000x1xf32> to vector<2000x3xf32>
    %div3A_17 = arith.divf %slice3A, %div3A : vector<2000x3xf32>
    %get3A_18 = arith.constant 0 : index
    %get3A_19 = arith.constant 0 : index
    %get3A_20 = vector.load %arg3[%get3A_18, %get3A_19] : memref<1x3xf32, #tpu.memory_space<vmem>>, vector<1x3xf32>
    %get3A_21 = vector.shape_cast %get3A_20 : vector<1x3xf32> to vector<3xf32>
    %broadcast_in_dim3A_22 = vector.shape_cast %get3A_21 : vector<3xf32> to vector<1x3xf32>
    %add3A_23 = vector.broadcast %broadcast_in_dim3A_22 : vector<1x3xf32> to vector<2000x3xf32>
    %add3A_24 = arith.addf %div3A_17, %add3A_23 : vector<2000x3xf32>
    %swap3A = arith.constant 0 : index
    %swap3A_25 = arith.constant 0 : index
    %swap3A_26 = vector.load %arg4[%swap3A, %swap3A_25] : memref<2000x3xf32, #tpu.memory_space<vmem>>, vector<2000x3xf32>
    tpu.vector_store %arg4[%swap3A, %swap3A_25], %add3A_24 {strides = array<i32>} : memref<2000x3xf32, #tpu.memory_space<vmem>>, vector<2000x3xf32>,
    return
  }
  func.func @transform_0(%arg0: i32) -> (i32, i32, i32) {
    %c0_i32 = arith.constant 0 : i32
    %c0_i32_0 = arith.constant 0 : i32
    %c0_i32_1 = arith.constant 0 : i32
    return %c0_i32, %arg0, %c0_i32_0 : i32, i32, i32
  }
  func.func @transform_1(%arg0: i32) -> (i32, i32, i32) {
    %c0_i32 = arith.constant 0 : i32
    %c0_i32_0 = arith.constant 0 : i32
    %c0_i32_1 = arith.constant 0 : i32
    return %c0_i32, %arg0, %c0_i32_0 : i32, i32, i32
  }
  func.func @transform_2(%arg0: i32) -> (i32, i32) {
    %c0_i32 = arith.constant 0 : i32
    %c0_i32_0 = arith.constant 0 : i32
    %c0_i32_1 = arith.constant 0 : i32
    return %c0_i32, %c0_i32_0 : i32, i32
  }
  func.func @transform_3(%arg0: i32) -> (i32, i32) {
    %c0_i32 = arith.constant 0 : i32
    %c0_i32_0 = arith.constant 0 : i32
    return %arg0, %c0_i32 : i32, i32
  }
}

</mosaic_0001>

<sc_bundles>
// kernel: kernel.10.cloned.1.call-start
scs
__scs_entry_jumppad:
0x0: {  	(pc) =	sbr.rel $0x88, $3  }
0x1: {  	(tag) =	ssettag $0x0;
	lr =	simm.s32 $0x1  }
0x2: {  	[smem:$0x3F96] =	sst lr;
	_ =	strace $0xD0000000  }
0x3: {  	_ = 	snop  }
0x4: {  	_ = 	snop  }
0x5: {  	_ = 	snop  }
0x6: {  	_ = 	snop  }
0x7: {  	_ = 	snop  }
__scs_overlays_trampoline_lowered:
0x8: {  	[smem:$0x3FA5] =	sst s0  }
0x9: {  	[smem:$0x3FA6] =	sst s1  }
0xa: {  	[smem:$0x3FA7] =	sst s2  }
0xb: {  	[smem:$0x3FA8] =	sst s3  }
0xc: {  	[smem:$0x3FA9] =	sst s4  }
0xd: {  	[smem:$0x3FAA] =	sst s5  }
0xe: {  	[smem:$0x3FAB] =	sst s6  }
0xf: {  	[smem:$0x3FAC] =	sst s7  }
0x10: {  	[smem:$0x3FAD] =	sst s8  }
0x11: {  	[smem:$0x3FAE] =	sst s9;
	s0 =	simm.s32 @!p0 $0x0  }
0x12: {  	s1 =	sld [smem:$0x3F94];
	s0 =	simm.s32 @p0 $0x1  }
0x13: {  	[smem:$0x3FAF] =	sst s0;
	s0 =	simm.s32 @!p1 $0x0  }
0x14: {  	s2 =	sld [smem:$0x3F93];
	s0 =	simm.s32 @p1 $0x1  }
0x15: {  	[smem:$0x3FB0] =	sst s0;
	s0 =	simm.s32 @!p2 $0x0  }
0x16: {  	s3 =	sld [smem:$0x3FDB];
	s0 =	simm.s32 @p2 $0x1  }
0x17: {  	s4 =	simm.s32 $0x1BF5;
	[smem:$0x3FB2] =	sst s0  }
0x18: {  	s0 =	sld [smem:$0x3F95];
	_ =	swait.ge [sflag:s4], $0x0  }
0x19: {  	s7 =	sld [smem:$0x3F96]  }
0x1a: {  	s8 =	sadd.s32 $0xFFFFE003, lr  }
0x1b: {  	s9 =	sadd.s32 $0xFFFFFEF7, lr;
	s5 =	simm.s32 $0xFFFFFFFF;
	p2 =	slt.u32 s8, $0xFFFFF086  }
0x1c: {  	p1 =	slt.u32 s9, $0xF7A;
	s5 =	simm.s32 @!p2 $0x0  }
0x1d: {  	s5 =	simm.s32 @p1 $0x1;
	p0 =	seq.s32 s7, s2  }
0x1e: {  	s7 =	smul.u32 @!p0 $0xF7A, s2;
	p2 =	seq.s32 @!p0 s5, $0x0  }
0x1f: {  	s9 =	smul.u32 $0xF7A, s1;
	s8 =	simm.s32 @!p0 $0x1BF5;
	p2 =	por !p2, p0  }
0x20: {  	[sflag:s8] =	ssyncset.s32 @!p0 $0xFFFFF086;
	s6 =	sadd.s32 @!p0 s3, s7;
	s7 =	simm.s32 @!p0 $0x108  }
0x21: {  	s3 =	sadd.s32 s3, s9;
	s6 =	sadd.s32 @!p0 $0x88, s6;
	s7 =	simm.s32 @p2 $0x1082  }
0x22: {  	[simem:s7], [sflag:s8] =	dma.local @!p0 [hbm:s6], $0xF7A  }
0x23: {  	s9 =	sor.u32 $0xD0000000, s2;
	s6 =	simm.s32 $0x108;
	_ =	swait.ge @!p0 [sflag:s8], $0x0  }
0x24: {  	s3 =	sadd.s32 $0x88, s3;
	s6 =	simm.s32 @!p1 $0x1082;
	[sflag:s4] =	ssyncset.s32 $0xFFFFF086  }
0x25: {  	[simem:s6], [sflag:s4] =	dma.local [hbm:s3], $0xF7A  }
0x26: {  	[smem:$0x3F96] =	sst s1;
	(tag) =	ssettag s2;
	_ =	strace s9  }
0x27: {  	s1 =	sld [smem:$0x3FA6]  }
0x28: {  	s2 =	sld [smem:$0x3FA7]  }
0x29: {  	s4 =	sld [smem:$0x3FA9]  }
0x2a: {  	p0 =	seq.s32 s5, $0x0;
	s5 =	sld [smem:$0x3FAA]  }
0x2b: {  	s6 =	sld [smem:$0x3FAB]  }
0x2c: {  	s7 =	sld [smem:$0x3FAC]  }
0x2d: {  	s3 =	simm.s32 $0x108;
	s8 =	sld [smem:$0x3FAD]  }
0x2e: {  	s3 =	simm.s32 @!p0 $0x1082;
	s9 =	sld [smem:$0x3FAE]  }
0x2f: {  	lr =	sadd.s32 s0, s3;
	s0 =	sld [smem:$0x3FA5]  }
0x30: {  	s3 =	sld [smem:$0x3FA8]  }
0x31: {  	[smem:$0x3FB1] =	sst s10  }
0x32: {  	s10 =	sld [smem:$0x3FAF];
	_ =	sdelay $0x3  }
0x33: {  	p0 =	seq.s32 s10, $0x1;
	s10 =	sld [smem:$0x3FB1];
	_ =	sdelay $0x3  }
0x34: {  	[smem:$0x3FB1] =	sst s10  }
0x35: {  	s10 =	sld [smem:$0x3FB0];
	_ =	sdelay $0x3  }
0x36: {  	p1 =	seq.s32 s10, $0x1;
	s10 =	sld [smem:$0x3FB1];
	_ =	sdelay $0x3  }
0x37: {  	[smem:$0x3FB1] =	sst s10  }
0x38: {  	s10 =	sld [smem:$0x3FB2]  }
0x39: {  	_ = 	snop;
	(pc) =	sbr.ind lr, $3  }
0x3a: {  	_ = 	snop  }
0x3b: {  	_ = 	snop  }
0x3c: {  	p2 =	seq.s32 s10, $0x1;
	s10 =	sld [smem:$0x3FB1]  }
0x3d: {  	_ =	shalt  }
0x3e: {  	_ =	shalt  }
0x3f: {  	_ =	shalt  }
0x40: {  	_ =	shalt  }
0x41: {  	_ =	shalt  }
0x42: {  	_ =	shalt  }
0x43: {  	_ =	shalt  }
0x44: {  	_ =	shalt  }
0x45: {  	_ =	shalt  }
0x46: {  	_ =	shalt  }
0x47: {  	_ =	shalt  }
0x48: {  	_ =	shalt  }
0x49: {  	_ =	shalt  }
0x4a: {  	_ =	shalt  }
0x4b: {  	_ =	shalt  }
0x4c: {  	_ =	shalt  }
0x4d: {  	_ =	shalt  }
0x4e: {  	_ =	shalt  }
0x4f: {  	_ =	shalt  }
0x50: {  	_ =	shalt  }
0x51: {  	_ =	shalt  }
0x52: {  	_ =	shalt  }
0x53: {  	_ =	shalt  }
0x54: {  	_ =	shalt  }
0x55: {  	_ =	shalt  }
0x56: {  	_ =	shalt  }
0x57: {  	_ =	shalt  }
0x58: {  	_ =	shalt  }
0x59: {  	_ =	shalt  }
0x5a: {  	_ =	shalt  }
0x5b: {  	_ =	shalt  }
0x5c: {  	_ =	shalt  }
0x5d: {  	_ =	shalt  }
0x5e: {  	_ =	shalt  }
0x5f: {  	_ =	shalt  }
0x60: {  	_ =	shalt  }
0x61: {  	_ =	shalt  }
0x62: {  	_ =	shalt  }
0x63: {  	_ =	shalt  }
0x64: {  	_ =	shalt  }
0x65: {  	_ =	shalt  }
0x66: {  	_ =	shalt  }
0x67: {  	_ =	shalt  }
0x68: {  	_ =	shalt  }
0x69: {  	_ =	shalt  }
0x6a: {  	_ =	shalt  }
0x6b: {  	_ =	shalt  }
0x6c: {  	_ =	shalt  }
0x6d: {  	_ =	shalt  }
0x6e: {  	_ =	shalt  }
0x6f: {  	_ =	shalt  }
0x70: {  	_ =	shalt  }
0x71: {  	_ =	shalt  }
0x72: {  	_ =	shalt  }
0x73: {  	_ =	shalt  }
0x74: {  	_ =	shalt  }
0x75: {  	_ =	shalt  }
0x76: {  	_ =	shalt  }
0x77: {  	_ =	shalt  }
0x78: {  	_ =	shalt  }
0x79: {  	_ =	shalt  }
0x7a: {  	_ =	shalt  }
0x7b: {  	_ =	shalt  }
0x7c: {  	_ =	shalt  }
0x7d: {  	_ =	shalt  }
0x7e: {  	_ =	shalt  }
0x7f: {  	_ =	shalt  }
0x80: {  	_ =	shalt  }
0x81: {  	_ =	shalt  }
0x82: {  	_ =	shalt  }
0x83: {  	_ =	shalt  }
0x84: {  	_ =	shalt  }
0x85: {  	_ =	shalt  }
0x86: {  	_ =	shalt  }
0x87: {  	_ =	shalt  }
.Lfunc_end0:
.L_simem_size_0:
called_computation.1_lowered:
.L_overlay_start_0:
0x88: {  	s2 =	sld [smem:$0x3FD9]  }
0x89: {  	s3 =	sld [smem:$0x3FFE];
	_ =	sdelay $0x1  }
0x8a: {  	s1 =	srdreg.scid  }
0x8b: {  	s0 =	sand.u32 $0x1, s1  }
0x8c: {  	s17 =	sshll.u32 s0, $0xA;
	s2 =	sadd.s32 s3, s2  }
0x8d: {  	s2 =	sadd.s32 s2, s17  }
0x8e: {  	[smem:$0x3FBD] =	sst s2  }
0x8f: {  	_ = 	snop  }
0x90: {  	s2 =	sld [smem:$0x3FD0];
	(tm) =	ssettm $0x1  }
0x91: {  	s18 =	sld [smem:$0x3FFB];
	_ =	sdelay $0x3  }
0x92: {  	_ =	strace s18  }
0x93: {  	s3 =	sld [smem:$0x3FFC];
	_ =	sdelay $0x3  }
0x94: {  	_ =	strace s3  }
0x95: {  	s3 =	sld [smem:$0x3FFD];
	_ =	sdelay $0x3  }
0x96: {  	_ =	strace s3  }
0x97: {  	_ =	strace $0x8FFFFFFF  }
0x98: {  	s19 =	sld [smem:$0x3FDB];
	_ =	sdelay $0x1  }
0x99: {  	s4 =	simm.s32 $_scs_section_size  }
0x9a: {  	s5 =	simm.s32 $_size__tile_overlayer_lowered;
	s6 =	simm.s32 $_tile_overlayer_lowered  }
0x9b: {  	s22 =	simm.s32 $0x1BFF;
	s21 =	sshll.u32 s6, $0x1;
	s3 =	sadd.s32 s4, s19  }
0x9c: {  	s7 =	simm.s32 $0x0;
	s20 =	sshll.u32 s5, $0x1;
	s5 =	sadd.s32 s21, s3  }
0x9d: {  	[timem:s7], [sflag:s22] =	dma.local [hbm:s5], s20  }
0x9e: {  	_ =	swait.ge [sflag:s22], s20  }
0x9f: {  	s4 =	ssub.s32 $0x0, s20;
	[sflag:s22] =	ssyncset.done $0x0  }
0xa0: {  	[sflag:s22] =	ssyncadd.s32 s4;
	_ =	sdelay $0x1  }
0xa1: {  	s23 =	simm.s32 $0x1B8B  }
0xa2: {  	_ =	swait.ge [sflag:s23], $0x1  }
0xa3: {  	[sflag:s23] =	ssyncset.done $0x0  }
0xa4: {  	s25 =	simm.s32 $0x1B8E;
	s24 =	sld [smem:$0x3FFE];
	[sflag:s23] =	ssyncadd.s32 $0xFFFFFFFF  }
0xa5: {  	s26 =	simm.s32 $execute0_lowered;
	[smem:$0x3FD2] =	sst s25  }
0xa6: {  	s5 =	sshll.u32 s26, $0x1;
	_ =	strace $0x80000049;
	[dreg:$0x1] =	wrdreg $0xFFFFFFFF  }
0xa7: {  	s28 =	simm.s32 $_size_execute0_lowered;
	s3 =	sadd.s32 s3, s5;
	[dreg:$0x0] =	wrdreg $0x0  }
0xa8: {  	s5 =	sshll.u32 s28, $0x1;
	[dreg:$0x2] =	wrdreg s3  }
0xa9: {  	[dreg:$0x3] =	wrdreg s5  }
0xaa: {  	[dreg:$0x4] =	wrdreg $0xC0  }
0xab: {  	_ =	task [dreg:s7], $0x5FFFF  }
0xac: {  	[dreg:$0x1] =	wrdreg $0xFFFFFFFF  }
0xad: {  	[dreg:$0x0] =	wrdreg $0x60  }
0xae: {  	[dreg:$0x2] =	wrdreg s24  }
0xaf: {  	[dreg:$0x3] =	wrdreg s2  }
0xb0: {  	[dreg:$0x4] =	wrdreg $0x0  }
0xb1: {  	[dreg:$0x5] =	wrdreg $0xC3800  }
0xb2: {  	[dreg:$0x6] =	wrdreg $0x9  }
0xb3: {  	_ =	task.clear_ibuf [dreg:s7], $0x7FFFF;
	_ =	strace $0x90000049  }
0xb4: {  	s29 =	simm.s32 $0x9;
	_ =	strace $0x8000004B  }
0xb5: {  	_ =	swait.ge [sflag:s29], $0x1  }
0xb6: {  	[sflag:s29] =	ssyncadd.s32 $0xFFFFFFFF  }
0xb7: {  	_ =	strace $0x9000004B  }
0xb8: {  	_ =	sfence  }
0xb9: {  	s30 =	sld [smem:$0x0];
	_ =	sdelay $0x2  }
0xba: {  	s31 =	sshll.u32 s1, $0xD;
	s1 =	sshrl.u32 s1, $0x2  }
0xbb: {  	s3 =	sand.u32 $0x4000, s31;
	s1 =	sadd.s32 s1, s30  }
0xbc: {  	s0 =	sor.u32 s3, s0;
	s1 =	sshll.u32 s1, $0x11  }
0xbd: {  	s0 =	sor.u32 s1, s0  }
0xbe: {  	s0 =	sadd.s32 $0x8F2B, s0  }
0xbf: {  	[sflag:s0] =	ssyncadd.remote.s32 $0x1  }
0xc0: {  	_ =	sfence.sel $0xFFFF  }
0xc1: {  	[dreg:$0x0] =	wrdreg $0xFFFFFFFF;
	(pc) =	sbr.abs _section_cstart, $3  }
0xc2: {  	[dreg:$0x1] =	wrdreg $0xFFFFFFFF  }
0xc3: {  	_ =	task.clear_ibuf [dreg:s7], $0x2FFFF;
	_ =	strace $0x9FFFFFFF  }
0xc4: {  	(tm) =	ssettm $0x7FFFFFFF  }
0xc5: {  	_ =	shalt  }
tec
execute0_lowered:
.L_overlay_start_1:
0x0: {  	(tag) =	ssettag $0x1  }
0x1: {  	s0 =	rddreg [dreg:$0x0]  }
0x2: {  	s2 =	rddreg [dreg:$0x1]  }
0x3: {  	s1 =	rddreg [dreg:$0x2]  }
0x4: {  	s3 =	rddreg [dreg:$0x3];
	s19 =	simm.s32 $0x0  }
0x5: {  	s4 =	srdreg.scid;
	s14 =	stileid.u32;
	s28 =	simm.s32 $0x101B8  }
0x6: {  	s29 =	simm.s32 $0xA00;
	[smem:$0x7FF] =	sst s19;
	s4 =	sand.u32 $0x1, s4  }
0x7: {  	s8 =	smul.u32 $0xC380, s14;
	s5 =	sadd.s32 $0x4E200, s0;
	s6 =	sadd.s32 $0x55200, s0  }
0x8: {  	s7 =	sadd.s32 $0x3200, s0;
	s10 =	sadd.s32 $0x54400, s0;
	s13 =	smul.u32 $0x30E00, s14  }
0x9: {  	s15 =	sadd.s32 $0x86000, s0;
	s20 =	smul.u32 $0xC38, s14;
	s22 =	sshll.u32 s14, $0x6  }
0xa: {  	_ =	strace $0x8000004A;
	s9 =	smul.u32 $0xC3800, s4;
	[dreg:$0x6] =	wrdreg s10  }
0xb: {  	[dreg:$0x7] =	wrdreg s15;
	s16 =	ssub.s32 $0x2, s4;
	s11 =	sshll.u32 s4, $0x4  }
0xc: {  	s4 =	smul.u32 $0xC380, s4;
	s12 =	sshrl.u32 s16, $0x1;
	s11 =	sor.u32 s14, s11  }
0xd: {  	s21 =	sshrl.u32 s13, $0x2;
	s14 =	sor.u32 $0x1C09, s22;
	s15 =	sadd.s32 s20, s3  }
0xe: {  	s22 =	simm.s32 $0x500;
	s9 =	sadd.s32 s8, s9;
	s17 =	ssub.s32 s16, s12  }
0xf: {  	s18 =	smul.u32 $0x6400, s11;
	s8 =	sadd.s32 s8, s1;
	s12 =	sadd.s32 s21, s1  }
0x10: {  	s4 =	sadd.s32 s20, s4;
	s30 =	sshrl.u32 s15, $0x3;
	s15 =	simm.s32 $0x174B8  }
0x11: {  	s16 =	simm.s32 $0x2;
	s20 =	simm.s32 $0xEDB8;
	s11 =	simm.s32 $0xFCB8  }
0x12: {  	s21 =	simm.s32 $0x16FB8;
	[dreg:$0x8] =	wrdreg s14;
	s9 =	sshrl.u32 s9, $0x3  }
0x13: {  	s12 =	sadd.s32 $0x61C0, s12;
	s4 =	sshrl.u32 s4, $0x3;
	s26 =	smax.u32 s17, $0x1  }
0x14: {  	s17 =	simm.s32 $0x3;
	[dreg:$0x11] =	wrdreg s30;
	s0 =	sadd.s32 s9, s0  }
0x15: {  	s23 =	sshrl.u32 s18, $0x3;
	s10 =	sadd.s32 $0xF00, s18;
	s25 =	sadd.s32 s2, s4  }
0x16: {  	[dreg:$0xe] =	wrdreg s26;
	s26 =	simm.s32 $0x9;
	s31 =	sshrl.u32 s12, $0x3  }
0x17: {  	s2 =	simm.s32 $0x5;
	s9 =	simm.s32 $0x183B8;
	[dreg:$0xb] =	wrdreg s10  }
0x18: {  	s12 =	simm.s32 $0x160B8;
	s4 =	simm.s32 $0x4;
	[dreg:$0xd] =	wrdreg s25  }
0x19: {  	s13 =	sadd.s32 s7, s23;
	s0 =	sadd.s32 $0x86200, s0;
	[dreg:$0x10] =	wrdreg s31  }
0x1a: {  	s23 =	sshrl.u32 s8, $0x3;
	s25 =	simm.s32 $0x1;
	[dreg:$0x9] =	wrdreg s13  }
0x1b: {  	s8 =	simm.s32 $0x6;
	s10 =	simm.s32 $0x17EB8;
	[dreg:$0xc] =	wrdreg s0  }
0x1c: {  	s24 =	sadd.s32 $0xA0, s13;
	s13 =	sadd.s32 $0xA00, s18;
	[dreg:$0xf] =	wrdreg s23  }
0x1d: {  	s18 =	simm.s32 $0x7;
	[dreg:$0xa] =	wrdreg s24;
	s24 =	simm.s32 $0x16AB8  }
.LBB2_1:
0x1e: {  	[dreg:$0x5] =	wrdreg s19  }
0x1f: {  	s0 =	rddreg [dreg:$0x6]  }
0x20: {  	[spmem:s23], [sflag:s14] =	dma.local [hbm:s0], $0xC38  }
0x21: {  	_ =	swait.ge [sflag:s26], $0xC38  }
0x22: {  	[sflag:s26] =	ssyncset.done $0x0  }
0x23: {  	s31 =	rddreg [dreg:$0x10];
	[sflag:s26] =	ssyncadd.s32 $0xFFFFF3C8  }
0x24: {  	[spmem:s31], [sflag:s14] =	dma.local [hbm:s0], $0xC38  }
0x25: {  	_ =	swait.ge [sflag:s26], $0xC38  }
0x26: {  	[sflag:s26] =	ssyncset.done $0x0  }
0x27: {  	s23 =	rddreg [dreg:$0x7];
	[sflag:s26] =	ssyncadd.s32 $0xFFFFF3C8  }
0x28: {  	[spmem:s30], [sflag:s14] =	dma.local [hbm:s23], $0x187  }
0x29: {  	_ =	swait.ge [sflag:s26], $0x187  }
0x2a: {  	[sflag:s26] =	ssyncset.done $0x0  }
0x2b: {  	[sflag:s26] =	ssyncadd.s32 $0xFFFFFE79  }
0x2c: {  	[bflag:$0x0] =	sbarrier.arrive $0xFFFF  }
0x2d: {  	s31 =	simm.s32 $0xCFB8;
	s30 =	simm.s32 $0xC8000;
	s26 =	rddreg [dreg:$0x9]  }
0x2e: {  	[tilespmem:s31], [sflag:$0x1] =	stream.strided.gather [hbm4b:s26+s22], $0xF00, s30, s22, $0x38;
	[tilespmem:$0x1D3B8] =	vst v63  }
0x2f: {  	_ =	swait.ge [sflag:s25], $0xF00  }
0x30: {  	[sflag:s25] =	ssyncset.done $0x0  }
0x31: {  	s0 =	simm.s32 $0x0;
	[sflag:s25] =	ssyncadd.s32 $0xFFFFF100  }
0x32: {  	v1 =	vld [tilespmem:s0+$0xD4B8]  }
0x33: {  	v3 =	vld [tilespmem:s0+$0xD9B8]  }
0x34: {  	v2 =	vld [tilespmem:s0+$0xCFB8];
	_ =	sdelay $0x2  }
0x35: {  	s19 =	simm.s32 $0x10;
	v4 =	vshll.u32 v1, $0x1  }
0x36: {  	v0 =	vld [tilespmem:s19+$0xD4B8];
	[tilespmem:s0+$0xEDB8] =	vst v1;
	v4 =	vadd.s32 v3, v4  }
0x37: {  	v5 =	vshll.u32 v2, $0x1;
	v1 =	vld [tilespmem:s19+$0xD9B8];
	vm0 =	vlt.s32 v4, $0x1869F  }
0x38: {  	v2 =	vld [tilespmem:s19+$0xCFB8];
	v3 =	vadd.s32 v5, v3;
	v4 =	vnsel vm0, $0x1869F, v4  }
0x39: {  	[tilespmem:s0+$0xDEB8] =	vst v4;
	v4 =	vadd.s32 $0x186A0, v3  }
0x3a: {  	s23 =	simm.s32 $0x80;
	[tilespmem:s0+$0xE3B8] =	vst v4  }
.LBB2_2:
0x3b: {  	s26 =	sshra.s32 s23, $0x2;
	p0 =	sne.s32 s23, $0x13C0;
	s23 =	sadd.s32 $0x40, s23;
	v4 =	vshll.u32 v0, $0x1;
	[tilespmem:s0+$0xE8B8] =	vst v3  }
.Ltmp0:
0x3c: {  	s0 =	smov.u32 s19;
	v4 =	vadd.s32 v1, v4;
	[tilespmem:s19+$0xEDB8] =	vst v0;
	v0 =	vld [tilespmem:s26+$0xD4B8];
	v3 =	vmov v1;
	s19 =	smov.u32 s26;
	(pc) =	sbr.rel @p0 .LBB2_2-.Ltmp0, $4  }
0x3d: {  	v1 =	vld [tilespmem:s19+$0xD9B8];
	v5 =	vshll.u32 v2, $0x1;
	vm0 =	vlt.s32 v4, $0x1869F  }
0x3e: {  	v2 =	vld [tilespmem:s19+$0xCFB8];
	v3 =	vadd.s32 v5, v3;
	v4 =	vnsel vm0, $0x1869F, v4  }
0x3f: {  	[tilespmem:s0+$0xDEB8] =	vst v4;
	v4 =	vadd.s32 $0x186A0, v3  }
0x40: {  	[tilespmem:s0+$0xE3B8] =	vst v4  }
0x41: {  	v4 =	vshll.u32 v0, $0x1  }
0x42: {  	v4 =	vadd.s32 v1, v4  }
0x43: {  	[tilespmem:s0+$0xE8B8] =	vst v3;
	vm0 =	vlt.s32 v4, $0x1869F  }
0x44: {  	[tilespmem:s19+$0xEDB8] =	vst v0;
	v2 =	vshll.u32 v2, $0x1;
	v62 =	vnsel vm0, $0x1869F, v4  }
0x45: {  	v61 =	vadd.s32 v2, v1;
	[tilespmem:s19+$0xDEB8] =	vst v62  }
0x46: {  	v63 =	vadd.s32 $0x186A0, v61;
	[tilespmem:s19+$0xE8B8] =	vst v61  }
0x47: {  	[tilespmem:s19+$0xE3B8] =	vst v63;
	s19 =	simm.s32 $0xE8B8  }
0x48: {  	[tilespmem:s28], [sflag:$0x3] =	stream.indirect.gather [hbm4b:s6+s22], $0x10, s19, s22, $0xb8;
	[tilespmem:$0x1D3B8] =	vst v63  }
0x49: {  	s23 =	simm.s32 $0xDEB8;
	s14 =	simm.s32 $0xF2B8;
	s26 =	rddreg [dreg:$0xa]  }
0x4a: {  	[tilespmem:s14], [sflag:$0x2] =	stream.indirect.gather [hbm4b:s5+s29], $0x1, s23, s29, $0xb8;
	[tilespmem:$0x1D3B8] =	vst v63  }
0x4b: {  	s30 =	simm.s32 $0xC8000;
	s31 =	simm.s32 $0x151B8;
	s19 =	simm.s32 $0x0  }
0x4c: {  	[tilespmem:s31], [sflag:$0x5] =	stream.strided.gather [hbm4b:s26+s22], $0xF00, s30, s22, $0x38;
	[tilespmem:$0x1D3B8] =	vst v63  }
.LBB2_4:
0x4d: {  	_ =	swait.ge [sflag:s2], $0xF00  }
0x4e: {  	p0 =	seq.s32 s19, $0x0;
	[sflag:s2] =	ssyncset.done $0x0  }
0x4f: {  	s0 =	simm.s32 @!p0 $0x8;
	[sflag:s2] =	ssyncadd.s32 $0xFFFFF100  }
0x50: {  	_ =	swait.ge @!p0 [sflag:s0], $0x5000  }
0x51: {  	[sflag:s0] =	ssyncset.done @!p0 $0x0  }
0x52: {  	[sflag:s0] =	ssyncadd.s32 @!p0 $0xFFFFB000  }
0x53: {  	_ =	swait.ge @!p0 [sflag:s0], $0x500  }
0x54: {  	[sflag:s0] =	ssyncset.done @!p0 $0x0  }
0x55: {  	[sflag:s0] =	ssyncadd.s32 @!p0 $0xFFFFFB00;
	s0 =	simm.s32 $0x0  }
0x56: {  	v1 =	vld [tilespmem:s0+$0x156B8]  }
0x57: {  	v3 =	vld [tilespmem:s0+$0x15BB8]  }
0x58: {  	v2 =	vld [tilespmem:s0+$0x151B8];
	_ =	sdelay $0x2  }
0x59: {  	s26 =	simm.s32 $0x10;
	v4 =	vshll.u32 v1, $0x1  }
0x5a: {  	v0 =	vld [tilespmem:s26+$0x156B8];
	[tilespmem:s0+$0x16FB8] =	vst v1;
	v4 =	vadd.s32 v3, v4  }
0x5b: {  	v5 =	vshll.u32 v2, $0x1;
	v1 =	vld [tilespmem:s26+$0x15BB8];
	vm0 =	vlt.s32 v4, $0x1869F  }
0x5c: {  	v2 =	vld [tilespmem:s26+$0x151B8];
	v3 =	vadd.s32 v5, v3;
	v4 =	vnsel vm0, $0x1869F, v4  }
0x5d: {  	[tilespmem:s0+$0x160B8] =	vst v4;
	v4 =	vadd.s32 $0x186A0, v3  }
0x5e: {  	s23 =	simm.s32 $0x80;
	[tilespmem:s0+$0x165B8] =	vst v4  }
.LBB2_5:
0x5f: {  	s30 =	sshra.s32 s23, $0x2;
	p0 =	sne.s32 s23, $0x13C0;
	s23 =	sadd.s32 $0x40, s23;
	v4 =	vshll.u32 v0, $0x1;
	[tilespmem:s0+$0x16AB8] =	vst v3  }
.Ltmp1:
0x60: {  	s0 =	smov.u32 s26;
	v4 =	vadd.s32 v1, v4;
	[tilespmem:s26+$0x16FB8] =	vst v0;
	v0 =	vld [tilespmem:s30+$0x156B8];
	v3 =	vmov v1;
	s26 =	smov.u32 s30;
	(pc) =	sbr.rel @p0 .LBB2_5-.Ltmp1, $4  }
0x61: {  	v1 =	vld [tilespmem:s26+$0x15BB8];
	v5 =	vshll.u32 v2, $0x1;
	vm0 =	vlt.s32 v4, $0x1869F  }
0x62: {  	v2 =	vld [tilespmem:s26+$0x151B8];
	v3 =	vadd.s32 v5, v3;
	v4 =	vnsel vm0, $0x1869F, v4  }
0x63: {  	[tilespmem:s0+$0x160B8] =	vst v4;
	v4 =	vadd.s32 $0x186A0, v3  }
0x64: {  	[tilespmem:s0+$0x165B8] =	vst v4  }
0x65: {  	v4 =	vshll.u32 v0, $0x1  }
0x66: {  	v4 =	vadd.s32 v1, v4  }
0x67: {  	[tilespmem:s0+$0x16AB8] =	vst v3;
	v2 =	vshll.u32 v2, $0x1;
	vm0 =	vlt.s32 v4, $0x1869F  }
0x68: {  	p0 =	seq.s32 s19, $0x9;
	[tilespmem:s26+$0x16FB8] =	vst v0;
	v0 =	vadd.s32 v2, v1;
	v1 =	vnsel vm0, $0x1869F, v4  }
0x69: {  	s0 =	smul.u32 @!p0 $0xA00, s19;
	[tilespmem:s26+$0x160B8] =	vst v1  }
0x6a: {  	v1 =	vadd.s32 $0x186A0, v0;
	[tilespmem:s26+$0x16AB8] =	vst v0  }
0x6b: {  	s0 =	sadd.s32 @!p0 s0, s13;
	[tilespmem:s26+$0x165B8] =	vst v1  }
0x6c: {  	[tilespmem:s9], [sflag:$0x7] =	stream.indirect.gather [hbm4b:s6+s22], $0x10, s24, s22, $0xb8;
	[tilespmem:$0x1D3B8] =	vst v63  }
0x6d: {  	s23 =	simm.s32 @!p0 $0x500;
	s0 =	sshrl.u32 @!p0 s0, $0x3  }
0x6e: {  	[tilespmem:s15], [sflag:$0x6] =	stream.indirect.gather [hbm4b:s5+s29], $0x1, s12, s29, $0xb8;
	[tilespmem:$0x1D3B8] =	vst v63  }
0x6f: {  	s30 =	simm.s32 @!p0 $0xCFB8;
	s0 =	sadd.s32 @!p0 s7, s0;
	s26 =	simm.s32 @!p0 $0xC8000  }
0x70: {  	[tilespmem:s30], [sflag:$0x1] =	stream.strided.gather @!p0 [hbm4b:s0+s23], $0xF00, s26, s23, $0x38;
	[tilespmem:$0x1D3B8] =	vst v63  }
0x71: {  	_ =	swait.ge [sflag:s16], $0xA00  }
0x72: {  	[sflag:s16] =	ssyncset.done $0x0  }
0x73: {  	s26 =	simm.s32 $0x0;
	[sflag:s16] =	ssyncadd.s32 $0xFFFFF600  }
0x74: {  	v0 =	vld [tilespmem:s26+$0xF2B8]  }
0x75: {  	v1 =	vld [tilespmem:s26+$0xF7B8];
	_ =	sdelay $0x4  }
0x76: {  	s30 =	simm.s32 $0x10;
	v0 =	vadd.f32 v1, v0  }
0x77: {  	v2 =	vld [tilespmem:s30+$0xF2B8]  }
0x78: {  	v3 =	vld [tilespmem:s30+$0xF7B8];
	v1 =	vmul.f32 $2.000000030e-01, v0  }
0x79: {  	s31 =	simm.s32 $0x20;
	vm13 =	vge.f32 v0, $0.0e+00  }
0x7a: {  	v4 =	vld [tilespmem:s31+$0xF7B8];
	v0 =	vsel vm13, v0, v1  }
0x7b: {  	v1 =	vld [tilespmem:s31+$0xF2B8];
	v0 =	vmul.f32 $1.442695020e+00, v0;
	_ =	sdelay $0x1  }
0x7c: {  	(erf) = vpow2.f32 v0;
	v0 =	vadd.f32 v3, v2;
	_ =	sdelay $0x1  }
0x7d: {  	v2 =	vmul.f32 $2.000000030e-01, v0  }
0x7e: {  	vm14 =	vge.f32 v0, $0.0e+00;
	v3 =	vadd.f32 v4, v1  }
0x7f: {  	v0 =	vsel vm14, v0, v2  }
0x80: {  	s0 =	simm.s32 $0x30;
	v2 =	vmul.f32 $2.000000030e-01, v3;
	v1 =	vmul.f32 $1.442695020e+00, v0  }
0x81: {  	v0 =	vld [tilespmem:s0+$0xF2B8]  }
0x82: {  	(erf) = vpow2.f32 v1;
	v1 =	vld [tilespmem:s0+$0xF7B8]  }
0x83: {  	vm15 =	vge.f32 v3, $0.0e+00  }
0x84: {  	s23 =	simm.s32 $0x100;
	v3 =	vsel vm15, v3, v2;
	v2 =	vpop (erf)  }
.LBB2_7:
0x85: {  	s14 =	sshra.s32 s23, $0x2  }
0x86: {  	v3 =	vmul.f32 $1.442695020e+00, v3;
	[tilespmem:s26+$0xFCB8] =	vst v2;
	s26 =	smov.u32 s30;
	s30 =	smov.u32 s31;
	p1 =	sne.s32 s23, $0x13C0  }
.Ltmp2:
0x87: {  	s23 =	sadd.s32 $0x40, s23;
	v2 =	vadd.f32 v1, v0;
	v0 =	vld [tilespmem:s14+$0xF2B8];
	(pc) =	sbr.rel @p1 .LBB2_7-.Ltmp2, $4  }
0x88: {  	s31 =	smov.u32 s0;
	s0 =	smov.u32 s14;
	v1 =	vld [tilespmem:s14+$0xF7B8];
	(erf) = vpow2.f32 v3  }
0x89: {  	v3 =	vmul.f32 $2.000000030e-01, v2  }
0x8a: {  	vm0 =	vge.f32 v2, $0.0e+00  }
0x8b: {  	v3 =	vsel vm0, v2, v3;
	v2 =	vpop (erf)  }
0x8c: {  	_ = 	snop  }
0x8d: {  	v0 =	vadd.f32 v1, v0;
	_ =	sdelay $0x1  }
0x8e: {  	v1 =	vmul.f32 $2.000000030e-01, v0  }
0x8f: {  	vm0 =	vge.f32 v0, $0.0e+00  }
0x90: {  	v0 =	vsel vm0, v0, v1;
	v1 =	vmul.f32 $1.442695020e+00, v3  }
0x91: {  	v0 =	vmul.f32 $1.442695020e+00, v0  }
0x92: {  	(erf) = vpow2.f32 v1  }
0x93: {  	(erf) = vpow2.f32 v0;
	_ =	sdelay $0x6  }
0x94: {  	[tilespmem:s26+$0xFCB8] =	vst v2;
	v0 =	vpop (erf)  }
0x95: {  	[tilespmem:s30+$0xFCB8] =	vst v0;
	v0 =	vpop (erf)  }
0x96: {  	[tilespmem:s31+$0xFCB8] =	vst v0;
	v0 =	vpop (erf)  }
0x97: {  	[tilespmem:s0+$0xFCB8] =	vst v0  }
0x98: {  	_ =	swait.ge [sflag:s17], $0x5000  }
0x99: {  	[sflag:s17] =	ssyncset.done $0x0  }
0x9a: {  	s26 =	simm.s32 $0x10238;
	[sflag:s17] =	ssyncadd.s32 $0xFFFFB000  }
0x9b: {  	s30 =	simm.s32 $0x10238;
	s31 =	simm.s32 $0x40;
	s0 =	simm.s32 $0x0;
	v0 =	vld [tilespmem:s26+$0xFFFFFFB0]  }
.LBB2_9:
0x9c: {  	p1 =	sne.s32 s31, $0x13C0;
	v1 =	vld [tilespmem:s0+$0xFCB8]  }
0x9d: {  	v2 =	vld [tilespmem:s26+$0xFFFFFF90]  }
0x9e: {  	v3 =	vld [tilespmem:s26+$0xFFFFFF80]  }
0x9f: {  	v4 =	vld [tilespmem:s26+$0xFFFFFFA0]  }
0xa0: {  	v5 =	vld [tilespmem:s26+$0xFFFFFFF0]  }
0xa1: {  	v6 =	vbroadcast v1, $0x0;
	v7 =	vbroadcast v1, $0x1;
	v8 =	vld [tilespmem:s26+$0xFFFFFFD0]  }
0xa2: {  	v9 =	vbroadcast v1, $0x2;
	v10 =	vbroadcast v1, $0x3;
	v11 =	vld [tilespmem:s26+$0xFFFFFFC0]  }
0xa3: {  	v3 =	vmul.f32 v6, v3;
	v2 =	vmul.f32 v2, v7;
	v6 =	vld [tilespmem:s26+$0xFFFFFFE0]  }
0xa4: {  	v0 =	vmul.f32 v0, v10;
	v4 =	vmul.f32 v4, v9;
	v7 =	vld [tilespmem:s26+$0x30]  }
0xa5: {  	v9 =	vbroadcast v1, $0x5;
	[tilespmem:s26+$0xFFFFFF80] =	vst v3;
	v3 =	vbroadcast v1, $0x4;
	v10 =	vld [tilespmem:s26+$0x10]  }
0xa6: {  	v12 =	vbroadcast v1, $0x7;
	[tilespmem:s26+$0xFFFFFF90] =	vst v2;
	v2 =	vbroadcast v1, $0x6;
	v13 =	vld [tilespmem:s26+$0x0]  }
0xa7: {  	[tilespmem:s26+$0xFFFFFFA0] =	vst v4;
	v3 =	vmul.f32 v11, v3;
	v4 =	vmul.f32 v8, v9;
	v8 =	vld [tilespmem:s26+$0x20]  }
0xa8: {  	[tilespmem:s26+$0xFFFFFFB0] =	vst v0;
	v0 =	vmul.f32 v6, v2;
	v2 =	vmul.f32 v5, v12;
	v5 =	vld [tilespmem:s26+$0x70]  }
0xa9: {  	v6 =	vbroadcast v1, $0x9;
	[tilespmem:s26+$0xFFFFFFC0] =	vst v3;
	v3 =	vbroadcast v1, $0x8;
	v9 =	vld [tilespmem:s26+$0x50]  }
0xaa: {  	v11 =	vbroadcast v1, $0xB;
	[tilespmem:s26+$0xFFFFFFD0] =	vst v4;
	v4 =	vbroadcast v1, $0xA;
	v12 =	vld [tilespmem:s26+$0x40]  }
0xab: {  	[tilespmem:s26+$0xFFFFFFE0] =	vst v0;
	v0 =	vmul.f32 v13, v3;
	v3 =	vmul.f32 v10, v6;
	v6 =	vld [tilespmem:s26+$0x60]  }
0xac: {  	[tilespmem:s26+$0xFFFFFFF0] =	vst v2;
	v2 =	vmul.f32 v8, v4;
	v4 =	vmul.f32 v7, v11  }
0xad: {  	v7 =	vbroadcast v1, $0xD;
	[tilespmem:s26+$0x0] =	vst v0;
	v0 =	vbroadcast v1, $0xC  }
0xae: {  	[tilespmem:s26+$0x10] =	vst v3;
	v3 =	vbroadcast v1, $0xE;
	v1 =	vbroadcast v1, $0xF  }
0xaf: {  	[tilespmem:s26+$0x20] =	vst v2;
	v0 =	vmul.f32 v12, v0;
	v2 =	vmul.f32 v9, v7  }
.Ltmp3:
0xb0: {  	[tilespmem:s26+$0x30] =	vst v4;
	v3 =	vmul.f32 v6, v3;
	v1 =	vmul.f32 v5, v1;
	(pc) =	sbr.rel @p1 .LBB2_9-.Ltmp3, $4  }
0xb1: {  	[tilespmem:s26+$0x40] =	vst v0  }
0xb2: {  	[tilespmem:s26+$0x50] =	vst v2  }
0xb3: {  	s26 =	sadd.s32 $0x100, s26;
	[tilespmem:s30+$0x60] =	vst v3  }
0xb4: {  	s0 =	sshra.s32 s31, $0x2;
	s31 =	sadd.s32 $0x40, s31;
	v0 =	vld [tilespmem:s26+$0xFFFFFFB0];
	[tilespmem:s30+$0x70] =	vst v1;
	s30 =	smov.u32 s26  }
0xb5: {  	v1 =	vld [tilespmem:s0+$0xFCB8];
	_ =	sdelay $0x1  }
0xb6: {  	v2 =	vld [tilespmem:s26+$0xFFFFFF80]  }
0xb7: {  	v3 =	vld [tilespmem:s26+$0xFFFFFF90]  }
0xb8: {  	v4 =	vld [tilespmem:s26+$0xFFFFFFA0]  }
0xb9: {  	v5 =	vbroadcast v1, $0x0  }
0xba: {  	v8 =	vld [tilespmem:s26+$0xFFFFFFD0];
	v6 =	vbroadcast v1, $0x1  }
0xbb: {  	v43 =	vld [tilespmem:s26+$0xFFFFFFE0];
	v9 =	vbroadcast v1, $0x2;
	v2 =	vmul.f32 v5, v2  }
0xbc: {  	v47 =	vld [tilespmem:s26+$0x10];
	v42 =	vbroadcast v1, $0x3;
	v3 =	vmul.f32 v3, v6  }
0xbd: {  	v7 =	vld [tilespmem:s26+$0xFFFFFFC0];
	v45 =	vbroadcast v1, $0x5;
	v4 =	vmul.f32 v4, v9;
	[tilespmem:s26+$0xFFFFFF80] =	vst v2  }
0xbe: {  	v10 =	vld [tilespmem:s26+$0xFFFFFFF0];
	v11 =	vbroadcast v1, $0x6;
	v0 =	vmul.f32 v0, v42;
	[tilespmem:s26+$0xFFFFFF90] =	vst v3  }
0xbf: {  	v49 =	vld [tilespmem:s26+$0x20];
	v52 =	vbroadcast v1, $0x9;
	v5 =	vmul.f32 v8, v45;
	[tilespmem:s26+$0xFFFFFFA0] =	vst v4  }
0xc0: {  	v50 =	vld [tilespmem:s26+$0x30];
	v44 =	vbroadcast v1, $0x4;
	v6 =	vmul.f32 v43, v11;
	[tilespmem:s26+$0xFFFFFFB0] =	vst v0  }
0xc1: {  	v46 =	vld [tilespmem:s26+$0x0];
	v48 =	vbroadcast v1, $0x7;
	v57 =	vmul.f32 v47, v52;
	[tilespmem:s26+$0xFFFFFFD0] =	vst v5  }
0xc2: {  	v54 =	vld [tilespmem:s26+$0x50];
	v55 =	vbroadcast v1, $0xA;
	v2 =	vmul.f32 v7, v44;
	[tilespmem:s26+$0xFFFFFFE0] =	vst v6  }
0xc3: {  	v53 =	vld [tilespmem:s26+$0x40];
	v56 =	vbroadcast v1, $0xB;
	v4 =	vmul.f32 v10, v48;
	[tilespmem:s26+$0x10] =	vst v57  }
0xc4: {  	v58 =	vld [tilespmem:s26+$0x60];
	v51 =	vbroadcast v1, $0x8;
	v7 =	vmul.f32 v49, v55;
	[tilespmem:s26+$0xFFFFFFC0] =	vst v2  }
0xc5: {  	v59 =	vld [tilespmem:s26+$0x70];
	v61 =	vbroadcast v1, $0xD;
	v0 =	vmul.f32 v50, v56;
	[tilespmem:s26+$0xFFFFFFF0] =	vst v4  }
0xc6: {  	v60 =	vbroadcast v1, $0xC;
	v2 =	vmul.f32 v46, v51;
	[tilespmem:s26+$0x20] =	vst v7  }
0xc7: {  	v62 =	vbroadcast v1, $0xE;
	v3 =	vmul.f32 v54, v61;
	[tilespmem:s26+$0x30] =	vst v0  }
0xc8: {  	v1 =	vbroadcast v1, $0xF;
	[tilespmem:s26+$0x0] =	vst v2;
	v2 =	vmul.f32 v53, v60  }
0xc9: {  	v63 =	vmul.f32 v58, v62;
	[tilespmem:s26+$0x50] =	vst v3  }
0xca: {  	v1 =	vmul.f32 v59, v1;
	[tilespmem:s26+$0x40] =	vst v2  }
.Ltmp4:
0xcb: {  	[tilespmem:s30+$0x60] =	vst v63;
	(pc) =	sbr.rel @p0 .LBB2_14-.Ltmp4, $4  }
0xcc: {  	[tilespmem:s30+$0x70] =	vst v1  }
0xcd: {  	[spmem:s1] =	stream.indirect.scatter.add.f32 [tilespmem:s28], [sflag:$0x4], $0x10, s20, s22, $0xb8;
	[tilespmem:$0x1D3B8] =	vst v63  }
0xce: {  	_ = 	snop  }
0xcf: {  	[spmem:s3] =	stream.indirect.scatter.add.f32 [tilespmem:s11], [sflag:$0x4], $0x1, s20, s22, $0xb8;
	[tilespmem:$0x1D3B8] =	vst v63  }
0xd0: {  	_ =	swait.ge [sflag:s25], $0xF00  }
0xd1: {  	[sflag:s25] =	ssyncset.done $0x0  }
0xd2: {  	[sflag:s25] =	ssyncadd.s32 $0xFFFFF100  }
0xd3: {  	_ =	swait.ge [sflag:s4], $0x5000  }
0xd4: {  	[sflag:s4] =	ssyncset.done $0x0  }
0xd5: {  	[sflag:s4] =	ssyncadd.s32 $0xFFFFB000  }
0xd6: {  	_ =	swait.ge [sflag:s4], $0x500  }
0xd7: {  	[sflag:s4] =	ssyncset.done $0x0  }
0xd8: {  	s0 =	simm.s32 $0x0;
	[sflag:s4] =	ssyncadd.s32 $0xFFFFFB00  }
0xd9: {  	v1 =	vld [tilespmem:s0+$0xD4B8]  }
0xda: {  	v3 =	vld [tilespmem:s0+$0xD9B8]  }
0xdb: {  	v2 =	vld [tilespmem:s0+$0xCFB8];
	_ =	sdelay $0x2  }
0xdc: {  	s26 =	simm.s32 $0x10;
	v4 =	vshll.u32 v1, $0x1  }
0xdd: {  	v0 =	vld [tilespmem:s26+$0xD4B8];
	[tilespmem:s0+$0xEDB8] =	vst v1;
	v4 =	vadd.s32 v3, v4  }
0xde: {  	v5 =	vshll.u32 v2, $0x1;
	v1 =	vld [tilespmem:s26+$0xD9B8];
	vm0 =	vlt.s32 v4, $0x1869F  }
0xdf: {  	v2 =	vld [tilespmem:s26+$0xCFB8];
	v3 =	vadd.s32 v5, v3;
	v4 =	vnsel vm0, $0x1869F, v4  }
0xe0: {  	[tilespmem:s0+$0xDEB8] =	vst v4;
	v4 =	vadd.s32 $0x186A0, v3  }
0xe1: {  	s23 =	simm.s32 $0x80;
	[tilespmem:s0+$0xE3B8] =	vst v4  }
.LBB2_12:
0xe2: {  	s14 =	sshra.s32 s23, $0x2;
	p0 =	sne.s32 s23, $0x13C0;
	s23 =	sadd.s32 $0x40, s23;
	v4 =	vshll.u32 v0, $0x1;
	[tilespmem:s0+$0xE8B8] =	vst v3  }
.Ltmp5:
0xe3: {  	s0 =	smov.u32 s26;
	v4 =	vadd.s32 v1, v4;
	[tilespmem:s26+$0xEDB8] =	vst v0;
	v0 =	vld [tilespmem:s14+$0xD4B8];
	v3 =	vmov v1;
	s26 =	smov.u32 s14;
	(pc) =	sbr.rel @p0 .LBB2_12-.Ltmp5, $4  }
0xe4: {  	v1 =	vld [tilespmem:s26+$0xD9B8];
	v5 =	vshll.u32 v2, $0x1;
	vm0 =	vlt.s32 v4, $0x1869F  }
0xe5: {  	v2 =	vld [tilespmem:s26+$0xCFB8];
	v3 =	vadd.s32 v5, v3;
	v4 =	vnsel vm0, $0x1869F, v4  }
0xe6: {  	[tilespmem:s0+$0xDEB8] =	vst v4;
	v4 =	vadd.s32 $0x186A0, v3  }
0xe7: {  	[tilespmem:s0+$0xE3B8] =	vst v4  }
0xe8: {  	v4 =	vshll.u32 v0, $0x1  }
0xe9: {  	v4 =	vadd.s32 v1, v4  }
0xea: {  	[tilespmem:s0+$0xE8B8] =	vst v3;
	vm0 =	vlt.s32 v4, $0x1869F  }
0xeb: {  	[tilespmem:s26+$0xEDB8] =	vst v0;
	v2 =	vshll.u32 v2, $0x1;
	v62 =	vnsel vm0, $0x1869F, v4  }
0xec: {  	v61 =	vadd.s32 v2, v1;
	[tilespmem:s26+$0xDEB8] =	vst v62  }
0xed: {  	v63 =	vadd.s32 $0x186A0, v61;
	[tilespmem:s26+$0xE8B8] =	vst v61  }
0xee: {  	s30 =	simm.s32 $0xE8B8;
	s31 =	smul.u32 $0xA00, s19;
	[tilespmem:s26+$0xE3B8] =	vst v63;
	s26 =	rddreg [dreg:$0xb]  }
0xef: {  	[tilespmem:s28], [sflag:$0x3] =	stream.indirect.gather [hbm4b:s6+s22], $0x10, s30, s22, $0xb8;
	[tilespmem:$0x1D3B8] =	vst v63  }
0xf0: {  	s0 =	sadd.s32 s31, s26  }
0xf1: {  	s14 =	simm.s32 $0xDEB8;
	s23 =	simm.s32 $0xF2B8;
	s0 =	sshrl.u32 s0, $0x3  }
0xf2: {  	[tilespmem:s23], [sflag:$0x2] =	stream.indirect.gather [hbm4b:s5+s29], $0x1, s14, s29, $0xb8;
	[tilespmem:$0x1D3B8] =	vst v63  }
0xf3: {  	s30 =	simm.s32 $0xC8000;
	s31 =	simm.s32 $0x151B8;
	s0 =	sadd.s32 s7, s0  }
0xf4: {  	[tilespmem:s31], [sflag:$0x5] =	stream.strided.gather [hbm4b:s0+s22], $0xF00, s30, s22, $0x38;
	[tilespmem:$0x1D3B8] =	vst v63  }
.LBB2_14:
0xf5: {  	_ =	swait.ge [sflag:s8], $0xA00  }
0xf6: {  	[sflag:s8] =	ssyncset.done $0x0  }
0xf7: {  	s26 =	simm.s32 $0x0;
	[sflag:s8] =	ssyncadd.s32 $0xFFFFF600  }
0xf8: {  	v0 =	vld [tilespmem:s26+$0x174B8]  }
0xf9: {  	v1 =	vld [tilespmem:s26+$0x179B8];
	_ =	sdelay $0x4  }
0xfa: {  	v0 =	vadd.f32 v1, v0;
	_ =	sdelay $0x1  }
0xfb: {  	s30 =	simm.s32 $0x10;
	v1 =	vmul.f32 $2.000000030e-01, v0  }
0xfc: {  	v2 =	vld [tilespmem:s30+$0x174B8];
	vm0 =	vge.f32 v0, $0.0e+00  }
0xfd: {  	v3 =	vld [tilespmem:s30+$0x179B8];
	v0 =	vsel vm0, v0, v1  }
0xfe: {  	s0 =	simm.s32 $0x20;
	v0 =	vmul.f32 $1.442695020e+00, v0  }
0xff: {  	v1 =	vld [tilespmem:s0+$0x174B8]  }
0x100: {  	(erf) = vpow2.f32 v0;
	v0 =	vld [tilespmem:s0+$0x179B8];
	_ =	sdelay $0x1  }
0x101: {  	v2 =	vadd.f32 v3, v2;
	_ =	sdelay $0x1  }
0x102: {  	v3 =	vmul.f32 $2.000000030e-01, v2  }
0x103: {  	vm14 =	vge.f32 v2, $0.0e+00;
	v4 =	vadd.f32 v0, v1  }
0x104: {  	v0 =	vsel vm14, v2, v3  }
0x105: {  	s31 =	simm.s32 $0x30;
	v1 =	vmul.f32 $1.442695020e+00, v0;
	v2 =	vmul.f32 $2.000000030e-01, v4  }
0x106: {  	v0 =	vld [tilespmem:s31+$0x174B8]  }
0x107: {  	(erf) = vpow2.f32 v1;
	v1 =	vld [tilespmem:s31+$0x179B8]  }
0x108: {  	vm15 =	vge.f32 v4, $0.0e+00  }
0x109: {  	s23 =	simm.s32 $0x100;
	v3 =	vsel vm15, v4, v2;
	v2 =	vpop (erf)  }
.LBB2_15:
0x10a: {  	s14 =	sshra.s32 s23, $0x2  }
0x10b: {  	v3 =	vmul.f32 $1.442695020e+00, v3;
	[tilespmem:s26+$0x17EB8] =	vst v2;
	s26 =	smov.u32 s30;
	s30 =	smov.u32 s0;
	p0 =	sne.s32 s23, $0x13C0  }
.Ltmp6:
0x10c: {  	s23 =	sadd.s32 $0x40, s23;
	v2 =	vadd.f32 v1, v0;
	v0 =	vld [tilespmem:s14+$0x174B8];
	(pc) =	sbr.rel @p0 .LBB2_15-.Ltmp6, $4  }
0x10d: {  	s0 =	smov.u32 s31;
	s31 =	smov.u32 s14;
	v1 =	vld [tilespmem:s14+$0x179B8];
	(erf) = vpow2.f32 v3  }
0x10e: {  	v3 =	vmul.f32 $2.000000030e-01, v2  }
0x10f: {  	vm0 =	vge.f32 v2, $0.0e+00  }
0x110: {  	v3 =	vsel vm0, v2, v3;
	v2 =	vpop (erf)  }
0x111: {  	_ = 	snop  }
0x112: {  	v0 =	vadd.f32 v1, v0;
	_ =	sdelay $0x1  }
0x113: {  	v1 =	vmul.f32 $2.000000030e-01, v0  }
0x114: {  	vm0 =	vge.f32 v0, $0.0e+00  }
0x115: {  	v0 =	vsel vm0, v0, v1;
	v1 =	vmul.f32 $1.442695020e+00, v3  }
0x116: {  	v0 =	vmul.f32 $1.442695020e+00, v0  }
0x117: {  	(erf) = vpow2.f32 v1  }
0x118: {  	(erf) = vpow2.f32 v0;
	_ =	sdelay $0x6  }
0x119: {  	[tilespmem:s26+$0x17EB8] =	vst v2;
	v0 =	vpop (erf)  }
0x11a: {  	[tilespmem:s30+$0x17EB8] =	vst v0;
	v0 =	vpop (erf)  }
0x11b: {  	[tilespmem:s0+$0x17EB8] =	vst v0;
	v0 =	vpop (erf)  }
0x11c: {  	[tilespmem:s31+$0x17EB8] =	vst v0  }
0x11d: {  	_ =	swait.ge [sflag:s18], $0x5000  }
0x11e: {  	[sflag:s18] =	ssyncset.done $0x0  }
0x11f: {  	s26 =	simm.s32 $0x18438;
	[sflag:s18] =	ssyncadd.s32 $0xFFFFB000  }
0x120: {  	s30 =	simm.s32 $0x18438;
	s0 =	simm.s32 $0x0;
	s31 =	simm.s32 $0x40;
	v0 =	vld [tilespmem:s26+$0xFFFFFFB0]  }
.LBB2_17:
0x121: {  	p0 =	sne.s32 s31, $0x13C0;
	v1 =	vld [tilespmem:s0+$0x17EB8]  }
0x122: {  	v2 =	vld [tilespmem:s26+$0xFFFFFF90]  }
0x123: {  	v3 =	vld [tilespmem:s26+$0xFFFFFF80]  }
0x124: {  	v4 =	vld [tilespmem:s26+$0xFFFFFFA0]  }
0x125: {  	v5 =	vld [tilespmem:s26+$0xFFFFFFF0]  }
0x126: {  	v6 =	vbroadcast v1, $0x0;
	v7 =	vbroadcast v1, $0x1;
	v8 =	vld [tilespmem:s26+$0xFFFFFFD0]  }
0x127: {  	v9 =	vbroadcast v1, $0x2;
	v10 =	vbroadcast v1, $0x3;
	v11 =	vld [tilespmem:s26+$0xFFFFFFC0]  }
0x128: {  	v3 =	vmul.f32 v6, v3;
	v2 =	vmul.f32 v2, v7;
	v6 =	vld [tilespmem:s26+$0xFFFFFFE0]  }
0x129: {  	v0 =	vmul.f32 v0, v10;
	v4 =	vmul.f32 v4, v9;
	v7 =	vld [tilespmem:s26+$0x30]  }
0x12a: {  	v9 =	vbroadcast v1, $0x5;
	[tilespmem:s26+$0xFFFFFF80] =	vst v3;
	v3 =	vbroadcast v1, $0x4;
	v10 =	vld [tilespmem:s26+$0x10]  }
0x12b: {  	v12 =	vbroadcast v1, $0x7;
	[tilespmem:s26+$0xFFFFFF90] =	vst v2;
	v2 =	vbroadcast v1, $0x6;
	v13 =	vld [tilespmem:s26+$0x0]  }
0x12c: {  	[tilespmem:s26+$0xFFFFFFA0] =	vst v4;
	v3 =	vmul.f32 v11, v3;
	v4 =	vmul.f32 v8, v9;
	v8 =	vld [tilespmem:s26+$0x20]  }
0x12d: {  	[tilespmem:s26+$0xFFFFFFB0] =	vst v0;
	v0 =	vmul.f32 v6, v2;
	v2 =	vmul.f32 v5, v12;
	v5 =	vld [tilespmem:s26+$0x70]  }
0x12e: {  	v6 =	vbroadcast v1, $0x9;
	[tilespmem:s26+$0xFFFFFFC0] =	vst v3;
	v3 =	vbroadcast v1, $0x8;
	v9 =	vld [tilespmem:s26+$0x50]  }
0x12f: {  	v11 =	vbroadcast v1, $0xB;
	[tilespmem:s26+$0xFFFFFFD0] =	vst v4;
	v4 =	vbroadcast v1, $0xA;
	v12 =	vld [tilespmem:s26+$0x40]  }
0x130: {  	[tilespmem:s26+$0xFFFFFFE0] =	vst v0;
	v0 =	vmul.f32 v13, v3;
	v3 =	vmul.f32 v10, v6;
	v6 =	vld [tilespmem:s26+$0x60]  }
0x131: {  	[tilespmem:s26+$0xFFFFFFF0] =	vst v2;
	v2 =	vmul.f32 v8, v4;
	v4 =	vmul.f32 v7, v11  }
0x132: {  	v7 =	vbroadcast v1, $0xD;
	[tilespmem:s26+$0x0] =	vst v0;
	v0 =	vbroadcast v1, $0xC  }
0x133: {  	[tilespmem:s26+$0x10] =	vst v3;
	v3 =	vbroadcast v1, $0xE;
	v1 =	vbroadcast v1, $0xF  }
0x134: {  	[tilespmem:s26+$0x20] =	vst v2;
	v0 =	vmul.f32 v12, v0;
	v2 =	vmul.f32 v9, v7  }
.Ltmp7:
0x135: {  	[tilespmem:s26+$0x30] =	vst v4;
	v3 =	vmul.f32 v6, v3;
	v1 =	vmul.f32 v5, v1;
	(pc) =	sbr.rel @p0 .LBB2_17-.Ltmp7, $4  }
0x136: {  	[tilespmem:s26+$0x40] =	vst v0  }
0x137: {  	[tilespmem:s26+$0x50] =	vst v2  }
0x138: {  	s26 =	sadd.s32 $0x100, s26;
	[tilespmem:s30+$0x60] =	vst v3  }
0x139: {  	s0 =	sshra.s32 s31, $0x2;
	s31 =	sadd.s32 $0x40, s31;
	v0 =	vld [tilespmem:s26+$0xFFFFFFB0];
	[tilespmem:s30+$0x70] =	vst v1;
	s30 =	smov.u32 s26  }
0x13a: {  	v1 =	vld [tilespmem:s0+$0x17EB8];
	_ =	sdelay $0x1  }
0x13b: {  	v2 =	vld [tilespmem:s26+$0xFFFFFF80]  }
0x13c: {  	v3 =	vld [tilespmem:s26+$0xFFFFFF90]  }
0x13d: {  	v4 =	vld [tilespmem:s26+$0xFFFFFFA0]  }
0x13e: {  	v5 =	vbroadcast v1, $0x0  }
0x13f: {  	v8 =	vld [tilespmem:s26+$0xFFFFFFD0];
	v6 =	vbroadcast v1, $0x1  }
0x140: {  	v43 =	vld [tilespmem:s26+$0xFFFFFFE0];
	v9 =	vbroadcast v1, $0x2;
	v2 =	vmul.f32 v5, v2  }
0x141: {  	v47 =	vld [tilespmem:s26+$0x10];
	v42 =	vbroadcast v1, $0x3;
	v3 =	vmul.f32 v3, v6  }
0x142: {  	v7 =	vld [tilespmem:s26+$0xFFFFFFC0];
	v45 =	vbroadcast v1, $0x5;
	v4 =	vmul.f32 v4, v9;
	[tilespmem:s26+$0xFFFFFF80] =	vst v2  }
0x143: {  	v10 =	vld [tilespmem:s26+$0xFFFFFFF0];
	v11 =	vbroadcast v1, $0x6;
	v0 =	vmul.f32 v0, v42;
	[tilespmem:s26+$0xFFFFFF90] =	vst v3  }
0x144: {  	v49 =	vld [tilespmem:s26+$0x20];
	v52 =	vbroadcast v1, $0x9;
	v5 =	vmul.f32 v8, v45;
	[tilespmem:s26+$0xFFFFFFA0] =	vst v4  }
0x145: {  	v50 =	vld [tilespmem:s26+$0x30];
	v44 =	vbroadcast v1, $0x4;
	v6 =	vmul.f32 v43, v11;
	[tilespmem:s26+$0xFFFFFFB0] =	vst v0  }
0x146: {  	v46 =	vld [tilespmem:s26+$0x0];
	v48 =	vbroadcast v1, $0x7;
	v57 =	vmul.f32 v47, v52;
	[tilespmem:s26+$0xFFFFFFD0] =	vst v5  }
0x147: {  	v54 =	vld [tilespmem:s26+$0x50];
	v55 =	vbroadcast v1, $0xA;
	v2 =	vmul.f32 v7, v44;
	[tilespmem:s26+$0xFFFFFFE0] =	vst v6  }
0x148: {  	v53 =	vld [tilespmem:s26+$0x40];
	v56 =	vbroadcast v1, $0xB;
	v4 =	vmul.f32 v10, v48;
	[tilespmem:s26+$0x10] =	vst v57  }
0x149: {  	v58 =	vld [tilespmem:s26+$0x60];
	v51 =	vbroadcast v1, $0x8;
	v7 =	vmul.f32 v49, v55;
	[tilespmem:s26+$0xFFFFFFC0] =	vst v2  }
0x14a: {  	v59 =	vld [tilespmem:s26+$0x70];
	v61 =	vbroadcast v1, $0xD;
	v0 =	vmul.f32 v50, v56;
	[tilespmem:s26+$0xFFFFFFF0] =	vst v4  }
0x14b: {  	v60 =	vbroadcast v1, $0xC;
	v2 =	vmul.f32 v46, v51;
	[tilespmem:s26+$0x20] =	vst v7  }
0x14c: {  	v62 =	vbroadcast v1, $0xE;
	v3 =	vmul.f32 v54, v61;
	[tilespmem:s26+$0x30] =	vst v0  }
0x14d: {  	v1 =	vbroadcast v1, $0xF;
	[tilespmem:s26+$0x0] =	vst v2;
	v2 =	vmul.f32 v53, v60  }
0x14e: {  	s19 =	sadd.s32 $0x1, s19;
	v63 =	vmul.f32 v58, v62;
	[tilespmem:s26+$0x50] =	vst v3  }
0x14f: {  	p0 =	sne.s32 s19, $0xA;
	v1 =	vmul.f32 v59, v1;
	[tilespmem:s26+$0x40] =	vst v2  }
.Ltmp8:
0x150: {  	[tilespmem:s30+$0x60] =	vst v63;
	(pc) =	sbr.rel @p0 .LBB2_4-.Ltmp8, $4  }
0x151: {  	[tilespmem:s30+$0x70] =	vst v1  }
0x152: {  	[spmem:s1] =	stream.indirect.scatter.add.f32 [tilespmem:s9], [sflag:$0x8], $0x10, s21, s22, $0xb8;
	[tilespmem:$0x1D3B8] =	vst v63  }
0x153: {  	_ = 	snop  }
0x154: {  	[spmem:s3] =	stream.indirect.scatter.add.f32 [tilespmem:s10], [sflag:$0x8], $0x1, s21, s22, $0xb8;
	[tilespmem:$0x1D3B8] =	vst v63  }
0x155: {  	_ =	swait.ge [sflag:s4], $0x5000  }
0x156: {  	[sflag:s4] =	ssyncset.done $0x0  }
0x157: {  	[sflag:s4] =	ssyncadd.s32 $0xFFFFB000  }
0x158: {  	_ =	swait.ge [sflag:s4], $0x500  }
0x159: {  	[sflag:s4] =	ssyncset.done $0x0  }
0x15a: {  	s0 =	simm.s32 $0x8;
	[sflag:s4] =	ssyncadd.s32 $0xFFFFFB00  }
0x15b: {  	_ =	swait.ge [sflag:s0], $0x5000  }
0x15c: {  	[sflag:s0] =	ssyncset.done $0x0  }
0x15d: {  	[sflag:s0] =	ssyncadd.s32 $0xFFFFB000  }
0x15e: {  	_ =	swait.ge [sflag:s0], $0x500  }
0x15f: {  	[sflag:s0] =	ssyncset.done $0x0  }
0x160: {  	[sflag:s0] =	ssyncadd.s32 $0xFFFFFB00  }
0x161: {  	[bflag:$0x0] =	sbarrier.arrive $0xFFFF  }
0x162: {  	s14 =	rddreg [dreg:$0x8]  }
0x163: {  	s31 =	rddreg [dreg:$0xc]  }
0x164: {  	s26 =	simm.s32 $0x9;
	s23 =	rddreg [dreg:$0xf]  }
0x165: {  	[hbm:s31], [sflag:s14] =	dma.local [spmem:s23], $0x1870  }
0x166: {  	_ =	swait.ge [sflag:s26], $0x1870  }
0x167: {  	[sflag:s26] =	ssyncset.done $0x0;
	s19 =	rddreg [dreg:$0xd]  }
0x168: {  	s30 =	rddreg [dreg:$0x11];
	[sflag:s26] =	ssyncadd.s32 $0xFFFFE790  }
0x169: {  	[hbm:s19], [sflag:s14] =	dma.local [spmem:s30], $0x187  }
0x16a: {  	_ =	swait.ge [sflag:s26], $0x187  }
0x16b: {  	s19 =	rddreg [dreg:$0x5]  }
0x16c: {  	s31 =	rddreg [dreg:$0xe];
	s19 =	sadd.s32 $0x1, s19  }
0x16d: {  	p0 =	sne.s32 s19, s31  }
.Ltmp9:
0x16e: {  	_ = 	snop;
	(pc) =	sbr.rel @p0 .LBB2_1-.Ltmp9, $3  }
0x16f: {  	_ =	sdelay $0x1  }
0x170: {  	[sflag:s26] =	ssyncset.done $0x0  }
0x171: {  	[sflag:s26] =	ssyncadd.s32 $0xFFFFFE79  }
0x172: {  	_ =	sfence.sel $0x180000  }
0x173: {  	[bflag:$0x0] =	sbarrier.arrive $0xFFFF  }
0x174: {  	_ =	strace $0x9000004A  }
0x175: {  	s0 =	stileid.u32;
	[bflag:$0x2] =	sbarrier.arrive $0xFFFF  }
0x176: {  	p0 =	sne.s32 s0, $0x0;
	s0 =	rddreg [dreg:$0x4]  }
0x177: {  	s0 =	sadd.s32 @!p0 $0x100000, s0  }
0x178: {  	[sflag:s0] =	ssyncadd.tile.s32 @!p0 $0x1;
	_ =	shalt  }
.Lfunc_end2:
_tile_overlayer_lowered:
.L_overlay_start_2:
0x179: {  	(tag) =	ssettag $0x2  }
0x17a: {  	s0 =	rddreg [dreg:$0x0];
	s2 =	stileid.u32  }
0x17b: {  	s1 =	rddreg [dreg:$0x1];
	p0 =	sne.s32 s2, $0x0  }
0x17c: {  	s3 =	rddreg [dreg:$0x2];
	[bflag:$0x3] =	sbarrier.arrive $0xFFFF;
	s2 =	simm.s32 @!p0 $0x1C09  }
0x17d: {  	[timem:s3], [sflag:s2] =	dma.local @!p0 [hbm:s0], s1  }
0x17e: {  	s0 =	simm.s32 @!p0 $0x9  }
0x17f: {  	_ =	swait.ge @!p0 [sflag:s0], s1  }
0x180: {  	s1 =	ssub.s32 @!p0 $0x0, s1;
	[sflag:s0] =	ssyncset.done @!p0 $0x0  }
0x181: {  	[sflag:s0] =	ssyncadd.s32 @!p0 s1  }
0x182: {  	[bflag:$0x3] =	sbarrier.arrive $0xFFFF  }
0x183: {  	_ =	shalt  }

// kernel: kernel.7.cloned.1.call-start
scs
__scs_entry_jumppad:
0x0: {  	(pc) =	sbr.rel $0x88, $3  }
0x1: {  	(tag) =	ssettag $0x0;
	lr =	simm.s32 $0x1  }
0x2: {  	[smem:$0x3F96] =	sst lr;
	_ =	strace $0xD0000000  }
0x3: {  	_ = 	snop  }
0x4: {  	_ = 	snop  }
0x5: {  	_ = 	snop  }
0x6: {  	_ = 	snop  }
0x7: {  	_ = 	snop  }
__scs_overlays_trampoline_lowered:
0x8: {  	[smem:$0x3FA5] =	sst s0  }
0x9: {  	[smem:$0x3FA6] =	sst s1  }
0xa: {  	[smem:$0x3FA7] =	sst s2  }
0xb: {  	[smem:$0x3FA8] =	sst s3  }
0xc: {  	[smem:$0x3FA9] =	sst s4  }
0xd: {  	[smem:$0x3FAA] =	sst s5  }
0xe: {  	[smem:$0x3FAB] =	sst s6  }
0xf: {  	[smem:$0x3FAC] =	sst s7  }
0x10: {  	[smem:$0x3FAD] =	sst s8  }
0x11: {  	[smem:$0x3FAE] =	sst s9;
	s0 =	simm.s32 @!p0 $0x0  }
0x12: {  	s1 =	sld [smem:$0x3F94];
	s0 =	simm.s32 @p0 $0x1  }
0x13: {  	[smem:$0x3FAF] =	sst s0;
	s0 =	simm.s32 @!p1 $0x0  }
0x14: {  	s2 =	sld [smem:$0x3F93];
	s0 =	simm.s32 @p1 $0x1  }
0x15: {  	[smem:$0x3FB0] =	sst s0;
	s0 =	simm.s32 @!p2 $0x0  }
0x16: {  	s3 =	sld [smem:$0x3FDB];
	s0 =	simm.s32 @p2 $0x1  }
0x17: {  	s4 =	simm.s32 $0x1BF5;
	[smem:$0x3FB2] =	sst s0  }
0x18: {  	s0 =	sld [smem:$0x3F95];
	_ =	swait.ge [sflag:s4], $0x0  }
0x19: {  	s7 =	sld [smem:$0x3F96]  }
0x1a: {  	s8 =	sadd.s32 $0xFFFFE003, lr  }
0x1b: {  	s9 =	sadd.s32 $0xFFFFFEF7, lr;
	s5 =	simm.s32 $0xFFFFFFFF;
	p2 =	slt.u32 s8, $0xFFFFF086  }
0x1c: {  	p1 =	slt.u32 s9, $0xF7A;
	s5 =	simm.s32 @!p2 $0x0  }
0x1d: {  	s5 =	simm.s32 @p1 $0x1;
	p0 =	seq.s32 s7, s2  }
0x1e: {  	s7 =	smul.u32 @!p0 $0xF7A, s2;
	p2 =	seq.s32 @!p0 s5, $0x0  }
0x1f: {  	s9 =	smul.u32 $0xF7A, s1;
	s8 =	simm.s32 @!p0 $0x1BF5;
	p2 =	por !p2, p0  }
0x20: {  	[sflag:s8] =	ssyncset.s32 @!p0 $0xFFFFF086;
	s6 =	sadd.s32 @!p0 s3, s7;
	s7 =	simm.s32 @!p0 $0x108  }
0x21: {  	s3 =	sadd.s32 s3, s9;
	s6 =	sadd.s32 @!p0 $0x88, s6;
	s7 =	simm.s32 @p2 $0x1082  }
0x22: {  	[simem:s7], [sflag:s8] =	dma.local @!p0 [hbm:s6], $0xF7A  }
0x23: {  	s9 =	sor.u32 $0xD0000000, s2;
	s6 =	simm.s32 $0x108;
	_ =	swait.ge @!p0 [sflag:s8], $0x0  }
0x24: {  	s3 =	sadd.s32 $0x88, s3;
	s6 =	simm.s32 @!p1 $0x1082;
	[sflag:s4] =	ssyncset.s32 $0xFFFFF086  }
0x25: {  	[simem:s6], [sflag:s4] =	dma.local [hbm:s3], $0xF7A  }
0x26: {  	[smem:$0x3F96] =	sst s1;
	(tag) =	ssettag s2;
	_ =	strace s9  }
0x27: {  	s1 =	sld [smem:$0x3FA6]  }
0x28: {  	s2 =	sld [smem:$0x3FA7]  }
0x29: {  	s4 =	sld [smem:$0x3FA9]  }
0x2a: {  	p0 =	seq.s32 s5, $0x0;
	s5 =	sld [smem:$0x3FAA]  }
0x2b: {  	s6 =	sld [smem:$0x3FAB]  }
0x2c: {  	s7 =	sld [smem:$0x3FAC]  }
0x2d: {  	s3 =	simm.s32 $0x108;
	s8 =	sld [smem:$0x3FAD]  }
0x2e: {  	s3 =	simm.s32 @!p0 $0x1082;
	s9 =	sld [smem:$0x3FAE]  }
0x2f: {  	lr =	sadd.s32 s0, s3;
	s0 =	sld [smem:$0x3FA5]  }
0x30: {  	s3 =	sld [smem:$0x3FA8]  }
0x31: {  	[smem:$0x3FB1] =	sst s10  }
0x32: {  	s10 =	sld [smem:$0x3FAF];
	_ =	sdelay $0x3  }
0x33: {  	p0 =	seq.s32 s10, $0x1;
	s10 =	sld [smem:$0x3FB1];
	_ =	sdelay $0x3  }
0x34: {  	[smem:$0x3FB1] =	sst s10  }
0x35: {  	s10 =	sld [smem:$0x3FB0];
	_ =	sdelay $0x3  }
0x36: {  	p1 =	seq.s32 s10, $0x1;
	s10 =	sld [smem:$0x3FB1];
	_ =	sdelay $0x3  }
0x37: {  	[smem:$0x3FB1] =	sst s10  }
0x38: {  	s10 =	sld [smem:$0x3FB2]  }
0x39: {  	_ = 	snop;
	(pc) =	sbr.ind lr, $3  }
0x3a: {  	_ = 	snop  }
0x3b: {  	_ = 	snop  }
0x3c: {  	p2 =	seq.s32 s10, $0x1;
	s10 =	sld [smem:$0x3FB1]  }
0x3d: {  	_ =	shalt  }
0x3e: {  	_ =	shalt  }
0x3f: {  	_ =	shalt  }
0x40: {  	_ =	shalt  }
0x41: {  	_ =	shalt  }
0x42: {  	_ =	shalt  }
0x43: {  	_ =	shalt  }
0x44: {  	_ =	shalt  }
0x45: {  	_ =	shalt  }
0x46: {  	_ =	shalt  }
0x47: {  	_ =	shalt  }
0x48: {  	_ =	shalt  }
0x49: {  	_ =	shalt  }
0x4a: {  	_ =	shalt  }
0x4b: {  	_ =	shalt  }
0x4c: {  	_ =	shalt  }
0x4d: {  	_ =	shalt  }
0x4e: {  	_ =	shalt  }
0x4f: {  	_ =	shalt  }
0x50: {  	_ =	shalt  }
0x51: {  	_ =	shalt  }
0x52: {  	_ =	shalt  }
0x53: {  	_ =	shalt  }
0x54: {  	_ =	shalt  }
0x55: {  	_ =	shalt  }
0x56: {  	_ =	shalt  }
0x57: {  	_ =	shalt  }
0x58: {  	_ =	shalt  }
0x59: {  	_ =	shalt  }
0x5a: {  	_ =	shalt  }
0x5b: {  	_ =	shalt  }
0x5c: {  	_ =	shalt  }
0x5d: {  	_ =	shalt  }
0x5e: {  	_ =	shalt  }
0x5f: {  	_ =	shalt  }
0x60: {  	_ =	shalt  }
0x61: {  	_ =	shalt  }
0x62: {  	_ =	shalt  }
0x63: {  	_ =	shalt  }
0x64: {  	_ =	shalt  }
0x65: {  	_ =	shalt  }
0x66: {  	_ =	shalt  }
0x67: {  	_ =	shalt  }
0x68: {  	_ =	shalt  }
0x69: {  	_ =	shalt  }
0x6a: {  	_ =	shalt  }
0x6b: {  	_ =	shalt  }
0x6c: {  	_ =	shalt  }
0x6d: {  	_ =	shalt  }
0x6e: {  	_ =	shalt  }
0x6f: {  	_ =	shalt  }
0x70: {  	_ =	shalt  }
0x71: {  	_ =	shalt  }
0x72: {  	_ =	shalt  }
0x73: {  	_ =	shalt  }
0x74: {  	_ =	shalt  }
0x75: {  	_ =	shalt  }
0x76: {  	_ =	shalt  }
0x77: {  	_ =	shalt  }
0x78: {  	_ =	shalt  }
0x79: {  	_ =	shalt  }
0x7a: {  	_ =	shalt  }
0x7b: {  	_ =	shalt  }
0x7c: {  	_ =	shalt  }
0x7d: {  	_ =	shalt  }
0x7e: {  	_ =	shalt  }
0x7f: {  	_ =	shalt  }
0x80: {  	_ =	shalt  }
0x81: {  	_ =	shalt  }
0x82: {  	_ =	shalt  }
0x83: {  	_ =	shalt  }
0x84: {  	_ =	shalt  }
0x85: {  	_ =	shalt  }
0x86: {  	_ =	shalt  }
0x87: {  	_ =	shalt  }
.Lfunc_end0:
.L_simem_size_0:
called_computation_lowered:
.L_overlay_start_0:
0x88: {  	s2 =	sld [smem:$0x3FD9]  }
0x89: {  	s3 =	sld [smem:$0x3FFE];
	_ =	sdelay $0x1  }
0x8a: {  	s1 =	srdreg.scid  }
0x8b: {  	s0 =	sand.u32 $0x1, s1  }
0x8c: {  	s17 =	sshll.u32 s0, $0xA;
	s2 =	sadd.s32 s3, s2  }
0x8d: {  	s2 =	sadd.s32 s2, s17  }
0x8e: {  	[smem:$0x3FBD] =	sst s2  }
0x8f: {  	_ = 	snop  }
0x90: {  	s2 =	sld [smem:$0x3FD0];
	(tm) =	ssettm $0x1  }
0x91: {  	s18 =	sld [smem:$0x3FFB];
	_ =	sdelay $0x3  }
0x92: {  	_ =	strace s18  }
0x93: {  	s3 =	sld [smem:$0x3FFC];
	_ =	sdelay $0x3  }
0x94: {  	_ =	strace s3  }
0x95: {  	s3 =	sld [smem:$0x3FFD];
	_ =	sdelay $0x3  }
0x96: {  	_ =	strace s3  }
0x97: {  	_ =	strace $0x8FFFFFFF  }
0x98: {  	s19 =	sld [smem:$0x3FDB];
	_ =	sdelay $0x1  }
0x99: {  	s4 =	simm.s32 $_scs_section_size  }
0x9a: {  	s5 =	simm.s32 $_size__tile_overlayer_lowered;
	s6 =	simm.s32 $_tile_overlayer_lowered  }
0x9b: {  	s22 =	simm.s32 $0x1BFF;
	s21 =	sshll.u32 s6, $0x1;
	s3 =	sadd.s32 s4, s19  }
0x9c: {  	s7 =	simm.s32 $0x0;
	s20 =	sshll.u32 s5, $0x1;
	s5 =	sadd.s32 s21, s3  }
0x9d: {  	[timem:s7], [sflag:s22] =	dma.local [hbm:s5], s20  }
0x9e: {  	_ =	swait.ge [sflag:s22], s20  }
0x9f: {  	s4 =	ssub.s32 $0x0, s20;
	[sflag:s22] =	ssyncset.done $0x0  }
0xa0: {  	[sflag:s22] =	ssyncadd.s32 s4;
	_ =	sdelay $0x1  }
0xa1: {  	s23 =	simm.s32 $0x1B8B  }
0xa2: {  	_ =	swait.ge [sflag:s23], $0x1  }
0xa3: {  	[sflag:s23] =	ssyncset.done $0x0  }
0xa4: {  	s25 =	simm.s32 $0x1B8E;
	s24 =	sld [smem:$0x3FFE];
	[sflag:s23] =	ssyncadd.s32 $0xFFFFFFFF  }
0xa5: {  	s26 =	simm.s32 $execute0_lowered;
	[smem:$0x3FD2] =	sst s25  }
0xa6: {  	s5 =	sshll.u32 s26, $0x1;
	_ =	strace $0x80000046;
	[dreg:$0x1] =	wrdreg $0xFFFFFFFF  }
0xa7: {  	s28 =	simm.s32 $_size_execute0_lowered;
	s3 =	sadd.s32 s3, s5;
	[dreg:$0x0] =	wrdreg $0x0  }
0xa8: {  	s5 =	sshll.u32 s28, $0x1;
	[dreg:$0x2] =	wrdreg s3  }
0xa9: {  	[dreg:$0x3] =	wrdreg s5  }
0xaa: {  	[dreg:$0x4] =	wrdreg $0xC0  }
0xab: {  	_ =	task [dreg:s7], $0x5FFFF  }
0xac: {  	[dreg:$0x1] =	wrdreg $0xFFFFFFFF  }
0xad: {  	[dreg:$0x0] =	wrdreg $0x60  }
0xae: {  	[dreg:$0x2] =	wrdreg s24  }
0xaf: {  	[dreg:$0x3] =	wrdreg s2  }
0xb0: {  	[dreg:$0x4] =	wrdreg $0x0  }
0xb1: {  	[dreg:$0x5] =	wrdreg $0x187000  }
0xb2: {  	[dreg:$0x6] =	wrdreg $0x9  }
0xb3: {  	_ =	task.clear_ibuf [dreg:s7], $0x7FFFF;
	_ =	strace $0x90000046  }
0xb4: {  	s29 =	simm.s32 $0x9;
	_ =	strace $0x80000048  }
0xb5: {  	_ =	swait.ge [sflag:s29], $0x1  }
0xb6: {  	[sflag:s29] =	ssyncadd.s32 $0xFFFFFFFF  }
0xb7: {  	_ =	strace $0x90000048  }
0xb8: {  	_ =	sfence  }
0xb9: {  	s30 =	sld [smem:$0x0];
	_ =	sdelay $0x2  }
0xba: {  	s31 =	sshll.u32 s1, $0xD;
	s1 =	sshrl.u32 s1, $0x2  }
0xbb: {  	s3 =	sand.u32 $0x4000, s31;
	s1 =	sadd.s32 s1, s30  }
0xbc: {  	s0 =	sor.u32 s3, s0;
	s1 =	sshll.u32 s1, $0x11  }
0xbd: {  	s0 =	sor.u32 s1, s0  }
0xbe: {  	s0 =	sadd.s32 $0x8F2B, s0  }
0xbf: {  	[sflag:s0] =	ssyncadd.remote.s32 $0x1  }
0xc0: {  	_ =	sfence.sel $0xFFFF  }
0xc1: {  	[dreg:$0x0] =	wrdreg $0xFFFFFFFF;
	(pc) =	sbr.abs _section_cstart, $3  }
0xc2: {  	[dreg:$0x1] =	wrdreg $0xFFFFFFFF  }
0xc3: {  	_ =	task.clear_ibuf [dreg:s7], $0x2FFFF;
	_ =	strace $0x9FFFFFFF  }
0xc4: {  	(tm) =	ssettm $0x7FFFFFFF  }
0xc5: {  	_ =	shalt  }
tec
execute0_lowered:
.L_overlay_start_1:
0x0: {  	(tag) =	ssettag $0x1  }
0x1: {  	s0 =	rddreg [dreg:$0x0]  }
0x2: {  	s3 =	rddreg [dreg:$0x2];
	s1 =	srdreg.scid  }
0x3: {  	s14 =	stileid.u32;
	s4 =	rddreg [dreg:$0x3]  }
0x4: {  	s15 =	simm.s32 $0x0;
	s28 =	simm.s32 $0x1;
	s30 =	simm.s32 $0x1AF10  }
0x5: {  	s31 =	simm.s32 $0x320;
	s1 =	sand.u32 $0x1, s1;
	s2 =	smul.u32 $0x18700, s14  }
0x6: {  	[smem:$0x7FF] =	sst s15;
	s9 =	smul.u32 $0x1870, s14;
	s6 =	sadd.s32 $0x4E200, s0  }
0x7: {  	s7 =	sadd.s32 $0xC6800, s0;
	s8 =	sadd.s32 $0x3200, s0;
	s13 =	smul.u32 $0x61C00, s14  }
0x8: {  	s11 =	sadd.s32 $0x54400, s0;
	s16 =	sshll.u32 s14, $0x6;
	s5 =	smul.u32 $0x187000, s1  }
0x9: {  	_ =	strace $0x80000047;
	s10 =	smul.u32 $0x18700, s1;
	[dreg:$0x6] =	wrdreg s11  }
0xa: {  	s26 =	ssub.s32 $0x2, s1;
	s1 =	sshll.u32 s1, $0x4;
	s20 =	sor.u32 $0x1C09, s16  }
0xb: {  	s16 =	simm.s32 $0x1CCC0;
	s12 =	sshrl.u32 s26, $0x1;
	s1 =	sor.u32 s14, s1  }
0xc: {  	s17 =	sshrl.u32 s13, $0x2;
	s13 =	simm.s32 $0x1D7B0;
	[dreg:$0x7] =	wrdreg s20  }
0xd: {  	s5 =	sadd.s32 s2, s5;
	s10 =	sadd.s32 s9, s10;
	s29 =	ssub.s32 s26, s12  }
0xe: {  	s1 =	smul.u32 $0x6400, s1;
	s2 =	sadd.s32 s2, s3;
	s18 =	sadd.s32 s17, s3  }
0xf: {  	s9 =	sadd.s32 s9, s4;
	s17 =	simm.s32 $0x1D300;
	s5 =	sshrl.u32 s5, $0x3  }
0x10: {  	s10 =	sshrl.u32 s10, $0x3;
	s12 =	sadd.s32 $0x61C0, s18;
	s19 =	sadd.s32 $0xC380, s18  }
0x11: {  	s11 =	sadd.s32 $0x12540, s18;
	[dreg:$0x8] =	wrdreg s9;
	s24 =	smax.u32 s29, $0x1  }
0x12: {  	s18 =	simm.s32 $0x2;
	s5 =	sadd.s32 s5, s0;
	s0 =	sadd.s32 s10, s0  }
0x13: {  	s21 =	sshrl.u32 s1, $0x3;
	s14 =	sor.u32 $0x320, s1;
	s1 =	sadd.s32 $0x4B0, s1  }
0x14: {  	[dreg:$0xe] =	wrdreg s24;
	s25 =	sshrl.u32 s12, $0x3;
	s26 =	sshrl.u32 s19, $0x3  }
0x15: {  	s29 =	sshrl.u32 s11, $0x3;
	s24 =	simm.s32 $0x190;
	[dreg:$0xb] =	wrdreg s1  }
0x16: {  	s11 =	simm.s32 $0x1CFE0;
	s12 =	simm.s32 $0x6;
	[dreg:$0x10] =	wrdreg s25  }
0x17: {  	s19 =	simm.s32 $0x7;
	s10 =	simm.s32 $0x4;
	[dreg:$0x11] =	wrdreg s26  }
0x18: {  	s22 =	sadd.s32 s8, s21;
	s23 =	sadd.s32 $0x55200, s5;
	[dreg:$0x12] =	wrdreg s29  }
0x19: {  	s0 =	sadd.s32 $0xB6E00, s0;
	s1 =	sshrl.u32 s2, $0x3;
	[dreg:$0x9] =	wrdreg s22  }
0x1a: {  	s2 =	simm.s32 $0x9;
	s26 =	simm.s32 $0x5;
	[dreg:$0xc] =	wrdreg s23  }
0x1b: {  	s21 =	simm.s32 $0x3;
	s5 =	simm.s32 $0x1D620;
	[dreg:$0xd] =	wrdreg s0  }
0x1c: {  	s9 =	sadd.s32 $0x32, s22;
	s22 =	simm.s32 $0x1A8D0;
	[dreg:$0xf] =	wrdreg s1  }
0x1d: {  	s23 =	simm.s32 $0x1AD80;
	[dreg:$0xa] =	wrdreg s9;
	s9 =	simm.s32 $0x1D170  }
.LBB2_1:
0x1e: {  	[dreg:$0x5] =	wrdreg s15  }
0x1f: {  	s0 =	rddreg [dreg:$0x6]  }
0x20: {  	[spmem:s1], [sflag:s20] =	dma.local [hbm:s0], $0xC38  }
0x21: {  	_ =	swait.ge [sflag:s2], $0xC38  }
0x22: {  	[sflag:s2] =	ssyncset.done $0x0  }
0x23: {  	s29 =	rddreg [dreg:$0x10];
	[sflag:s2] =	ssyncadd.s32 $0xFFFFF3C8  }
0x24: {  	[spmem:s29], [sflag:s20] =	dma.local [hbm:s0], $0xC38  }
0x25: {  	_ =	swait.ge [sflag:s2], $0xC38  }
0x26: {  	[sflag:s2] =	ssyncset.done $0x0  }
0x27: {  	s15 =	rddreg [dreg:$0x11];
	[sflag:s2] =	ssyncadd.s32 $0xFFFFF3C8  }
0x28: {  	[spmem:s15], [sflag:s20] =	dma.local [hbm:s0], $0xC38  }
0x29: {  	_ =	swait.ge [sflag:s2], $0xC38  }
0x2a: {  	[sflag:s2] =	ssyncset.done $0x0  }
0x2b: {  	s25 =	rddreg [dreg:$0x12];
	[sflag:s2] =	ssyncadd.s32 $0xFFFFF3C8  }
0x2c: {  	[spmem:s25], [sflag:s20] =	dma.local [hbm:s0], $0xC38  }
0x2d: {  	_ =	swait.ge [sflag:s2], $0xC38  }
0x2e: {  	[sflag:s2] =	ssyncset.done $0x0  }
0x2f: {  	s29 =	rddreg [dreg:$0x8];
	[sflag:s2] =	ssyncadd.s32 $0xFFFFF3C8  }
0x30: {  	s0 =	sshrl.u32 s29, $0x3;
	s15 =	rddreg [dreg:$0x1]  }
0x31: {  	[dreg:$0x13] =	wrdreg s0  }
0x32: {  	[spmem:s0], [sflag:s20] =	dma.local [hbm:s15], $0x30E  }
0x33: {  	_ =	swait.ge [sflag:s2], $0x30E  }
0x34: {  	[sflag:s2] =	ssyncset.done $0x0  }
0x35: {  	[sflag:s2] =	ssyncadd.s32 $0xFFFFFCF2  }
0x36: {  	[bflag:$0x0] =	sbarrier.arrive $0xFFFF  }
0x37: {  	s25 =	simm.s32 $0xC8000;
	s29 =	simm.s32 $0x19F70;
	s20 =	rddreg [dreg:$0x9]  }
0x38: {  	[tilespmem:s29], [sflag:$0x1] =	stream.strided.gather [hbm4b:s20+s24], $0x4B0, s25, s24, $0x38;
	[tilespmem:$0x1F0B0] =	vst v63  }
0x39: {  	_ =	swait.ge [sflag:s28], $0x4B0  }
0x3a: {  	[sflag:s28] =	ssyncset.done $0x0  }
0x3b: {  	s0 =	simm.s32 $0x0;
	[sflag:s28] =	ssyncadd.s32 $0xFFFFFB50  }
0x3c: {  	v2 =	vld [tilespmem:s0+$0x1A100]  }
0x3d: {  	v0 =	vld [tilespmem:s0+$0x1A290]  }
0x3e: {  	v1 =	vld [tilespmem:s0+$0x19F70];
	_ =	sdelay $0x1  }
0x3f: {  	s1 =	simm.s32 $0x40  }
.LBB2_2:
0x40: {  	s2 =	sshra.s32 s1, $0x2;
	p0 =	sne.s32 s1, $0x600;
	s1 =	sadd.s32 $0x40, s1;
	v3 =	vshll.u32 v2, $0x1  }
.Ltmp0:
0x41: {  	v2 =	vld [tilespmem:s2+$0x1A100];
	v3 =	vadd.s32 v0, v3;
	v4 =	vmov v0;
	(pc) =	sbr.rel @p0 .LBB2_2-.Ltmp0, $4  }
0x42: {  	v0 =	vld [tilespmem:s2+$0x1A290];
	v5 =	vshll.u32 v1, $0x1;
	vm0 =	vlt.s32 v3, $0x1869F;
	[tilespmem:s0+$0x1A8D0] =	vst v3  }
0x43: {  	v3 =	vnsel vm0, $0x1869F, v3;
	v4 =	vadd.s32 v4, v5;
	[tilespmem:s0+$0x1A740] =	vst v1;
	v1 =	vld [tilespmem:s2+$0x19F70]  }
0x44: {  	[tilespmem:s0+$0x1A420] =	vst v3;
	v3 =	vadd.s32 $0x186A0, v4  }
0x45: {  	[tilespmem:s0+$0x1A5B0] =	vst v3;
	s0 =	smov.u32 s2  }
0x46: {  	v2 =	vshll.u32 v2, $0x1  }
0x47: {  	v2 =	vadd.s32 v0, v2  }
0x48: {  	v3 =	vshll.u32 v1, $0x1;
	vm0 =	vlt.s32 v2, $0x1869F;
	[tilespmem:s0+$0x1A8D0] =	vst v2  }
0x49: {  	[tilespmem:s0+$0x1A740] =	vst v1;
	v2 =	vnsel vm0, $0x1869F, v2;
	v63 =	vadd.s32 v0, v3  }
0x4a: {  	[tilespmem:s0+$0x1A420] =	vst v2;
	v0 =	vadd.s32 $0x186A0, v63  }
0x4b: {  	s2 =	simm.s32 $0x1A740;
	[tilespmem:s0+$0x1A5B0] =	vst v0  }
0x4c: {  	[tilespmem:s30], [sflag:$0x3] =	stream.indirect.gather [hbm4b:s7+s24], $0x10, s2, s24, $0xb8;
	[tilespmem:$0x1F0B0] =	vst v63  }
0x4d: {  	s15 =	simm.s32 $0x1A420;
	s1 =	simm.s32 $0x1AA60;
	s20 =	rddreg [dreg:$0xa]  }
0x4e: {  	[tilespmem:s1], [sflag:$0x2] =	stream.indirect.gather [hbm4b:s6+s31], $0x1, s15, s31, $0xb8;
	[tilespmem:$0x1F0B0] =	vst v63  }
0x4f: {  	s25 =	simm.s32 $0xC8000;
	s29 =	simm.s32 $0x0;
	s2 =	simm.s32 $0x1C810  }
0x50: {  	[tilespmem:s2], [sflag:$0x5] =	stream.strided.gather [hbm4b:s20+s24], $0x4B0, s25, s24, $0x38;
	[tilespmem:$0x1F0B0] =	vst v63  }
.LBB2_4:
0x51: {  	_ =	swait.ge [sflag:s26], $0x4B0  }
0x52: {  	p0 =	seq.s32 s29, $0x0;
	[sflag:s26] =	ssyncset.done $0x0  }
0x53: {  	s0 =	simm.s32 @!p0 $0x8;
	[sflag:s26] =	ssyncadd.s32 $0xFFFFFB50  }
0x54: {  	_ =	swait.ge @!p0 [sflag:s0], $0x1900  }
0x55: {  	[sflag:s0] =	ssyncset.done @!p0 $0x0  }
0x56: {  	[sflag:s0] =	ssyncadd.s32 @!p0 $0xFFFFE700  }
0x57: {  	_ =	swait.ge @!p0 [sflag:s0], $0x190  }
0x58: {  	[sflag:s0] =	ssyncset.done @!p0 $0x0  }
0x59: {  	[sflag:s0] =	ssyncadd.s32 @!p0 $0xFFFFFE70;
	s0 =	simm.s32 $0x0  }
0x5a: {  	v2 =	vld [tilespmem:s0+$0x1C9A0]  }
0x5b: {  	v0 =	vld [tilespmem:s0+$0x1CB30]  }
0x5c: {  	v1 =	vld [tilespmem:s0+$0x1C810];
	_ =	sdelay $0x1  }
0x5d: {  	s1 =	simm.s32 $0x40  }
.LBB2_5:
0x5e: {  	s2 =	sshra.s32 s1, $0x2;
	p0 =	sne.s32 s1, $0x600;
	s1 =	sadd.s32 $0x40, s1;
	v3 =	vshll.u32 v2, $0x1  }
.Ltmp1:
0x5f: {  	v2 =	vld [tilespmem:s2+$0x1C9A0];
	v3 =	vadd.s32 v0, v3;
	v4 =	vmov v0;
	(pc) =	sbr.rel @p0 .LBB2_5-.Ltmp1, $4  }
0x60: {  	v0 =	vld [tilespmem:s2+$0x1CB30];
	v5 =	vshll.u32 v1, $0x1;
	vm0 =	vlt.s32 v3, $0x1869F;
	[tilespmem:s0+$0x1D170] =	vst v3  }
0x61: {  	v3 =	vnsel vm0, $0x1869F, v3;
	v4 =	vadd.s32 v4, v5;
	[tilespmem:s0+$0x1CFE0] =	vst v1;
	v1 =	vld [tilespmem:s2+$0x1C810]  }
0x62: {  	[tilespmem:s0+$0x1CCC0] =	vst v3;
	v3 =	vadd.s32 $0x186A0, v4  }
0x63: {  	[tilespmem:s0+$0x1CE50] =	vst v3;
	s0 =	smov.u32 s2  }
0x64: {  	v2 =	vshll.u32 v2, $0x1  }
0x65: {  	v2 =	vadd.s32 v0, v2  }
0x66: {  	v3 =	vshll.u32 v1, $0x1;
	vm0 =	vlt.s32 v2, $0x1869F;
	[tilespmem:s0+$0x1D170] =	vst v2  }
0x67: {  	[tilespmem:s0+$0x1CFE0] =	vst v1;
	v2 =	vnsel vm0, $0x1869F, v2;
	v0 =	vadd.s32 v0, v3  }
0x68: {  	p0 =	seq.s32 s29, $0x1F;
	[tilespmem:s0+$0x1CCC0] =	vst v2;
	v0 =	vadd.s32 $0x186A0, v0  }
0x69: {  	[tilespmem:s0+$0x1CE50] =	vst v0;
	s0 =	smul.u32 @!p0 $0x320, s29  }
0x6a: {  	[tilespmem:s13], [sflag:$0x7] =	stream.indirect.gather [hbm4b:s7+s24], $0x10, s11, s24, $0xb8;
	[tilespmem:$0x1F0B0] =	vst v63  }
0x6b: {  	s0 =	sadd.s32 @!p0 s0, s14  }
0x6c: {  	[tilespmem:s17], [sflag:$0x6] =	stream.indirect.gather [hbm4b:s6+s31], $0x1, s16, s31, $0xb8;
	[tilespmem:$0x1F0B0] =	vst v63  }
0x6d: {  	s1 =	simm.s32 @!p0 $0x190;
	s0 =	sshrl.u32 @!p0 s0, $0x3  }
0x6e: {  	s2 =	simm.s32 @!p0 $0xC8000;
	s20 =	simm.s32 @!p0 $0x19F70;
	s0 =	sadd.s32 @!p0 s8, s0  }
0x6f: {  	[tilespmem:s20], [sflag:$0x1] =	stream.strided.gather @!p0 [hbm4b:s0+s1], $0x4B0, s2, s1, $0x38;
	[tilespmem:$0x1F0B0] =	vst v63  }
0x70: {  	_ =	swait.ge [sflag:s18], $0x320  }
0x71: {  	[sflag:s18] =	ssyncset.done $0x0  }
0x72: {  	s0 =	simm.s32 $0x0;
	[sflag:s18] =	ssyncadd.s32 $0xFFFFFCE0  }
0x73: {  	v0 =	vld [tilespmem:s0+$0x1AA60]  }
0x74: {  	v1 =	vld [tilespmem:s0+$0x1ABF0];
	_ =	sdelay $0x4  }
0x75: {  	v0 =	vadd.f32 v1, v0;
	_ =	sdelay $0x1  }
0x76: {  	s1 =	simm.s32 $0x10;
	v1 =	vmul.f32 $2.000000030e-01, v0  }
0x77: {  	v2 =	vld [tilespmem:s1+$0x1AA60];
	vm13 =	vge.f32 v0, $0.0e+00  }
0x78: {  	v3 =	vld [tilespmem:s1+$0x1ABF0];
	v0 =	vsel vm13, v0, v1  }
0x79: {  	s2 =	simm.s32 $0x20;
	v0 =	vmul.f32 $1.442695020e+00, v0  }
0x7a: {  	v1 =	vld [tilespmem:s2+$0x1AA60]  }
0x7b: {  	(erf) = vpow2.f32 v0;
	v0 =	vld [tilespmem:s2+$0x1ABF0];
	_ =	sdelay $0x1  }
0x7c: {  	v2 =	vadd.f32 v3, v2;
	_ =	sdelay $0x1  }
0x7d: {  	v3 =	vmul.f32 $2.000000030e-01, v2  }
0x7e: {  	vm14 =	vge.f32 v2, $0.0e+00;
	v4 =	vadd.f32 v0, v1  }
0x7f: {  	v0 =	vsel vm14, v2, v3  }
0x80: {  	s25 =	simm.s32 $0x30;
	v1 =	vmul.f32 $1.442695020e+00, v0;
	v2 =	vmul.f32 $2.000000030e-01, v4  }
0x81: {  	v0 =	vld [tilespmem:s25+$0x1AA60]  }
0x82: {  	(erf) = vpow2.f32 v1;
	v1 =	vld [tilespmem:s25+$0x1ABF0]  }
0x83: {  	vm15 =	vge.f32 v4, $0.0e+00  }
0x84: {  	s20 =	simm.s32 $0x100;
	v3 =	vsel vm15, v4, v2;
	v2 =	vpop (erf)  }
.LBB2_7:
0x85: {  	s15 =	sshra.s32 s20, $0x2  }
0x86: {  	v3 =	vmul.f32 $1.442695020e+00, v3;
	[tilespmem:s0+$0x1AD80] =	vst v2;
	s0 =	smov.u32 s1;
	s1 =	smov.u32 s2;
	p1 =	sne.s32 s20, $0x600  }
.Ltmp2:
0x87: {  	s20 =	sadd.s32 $0x40, s20;
	v2 =	vadd.f32 v1, v0;
	v0 =	vld [tilespmem:s15+$0x1AA60];
	(pc) =	sbr.rel @p1 .LBB2_7-.Ltmp2, $4  }
0x88: {  	s2 =	smov.u32 s25;
	s25 =	smov.u32 s15;
	v1 =	vld [tilespmem:s15+$0x1ABF0];
	(erf) = vpow2.f32 v3  }
0x89: {  	v3 =	vmul.f32 $2.000000030e-01, v2  }
0x8a: {  	vm0 =	vge.f32 v2, $0.0e+00  }
0x8b: {  	v3 =	vsel vm0, v2, v3;
	v2 =	vpop (erf)  }
0x8c: {  	_ = 	snop  }
0x8d: {  	v0 =	vadd.f32 v1, v0;
	_ =	sdelay $0x1  }
0x8e: {  	v1 =	vmul.f32 $2.000000030e-01, v0  }
0x8f: {  	vm0 =	vge.f32 v0, $0.0e+00  }
0x90: {  	v0 =	vsel vm0, v0, v1;
	v1 =	vmul.f32 $1.442695020e+00, v3  }
0x91: {  	v0 =	vmul.f32 $1.442695020e+00, v0  }
0x92: {  	(erf) = vpow2.f32 v1  }
0x93: {  	(erf) = vpow2.f32 v0;
	_ =	sdelay $0x6  }
0x94: {  	[tilespmem:s0+$0x1AD80] =	vst v2;
	v0 =	vpop (erf)  }
0x95: {  	[tilespmem:s1+$0x1AD80] =	vst v0;
	v0 =	vpop (erf)  }
0x96: {  	[tilespmem:s2+$0x1AD80] =	vst v0;
	v0 =	vpop (erf)  }
0x97: {  	[tilespmem:s25+$0x1AD80] =	vst v0  }
0x98: {  	_ =	swait.ge [sflag:s21], $0x1900  }
0x99: {  	[sflag:s21] =	ssyncset.done $0x0  }
0x9a: {  	s2 =	simm.s32 $0x1AF90;
	[sflag:s21] =	ssyncadd.s32 $0xFFFFE700  }
0x9b: {  	s20 =	simm.s32 $0x0;
	s0 =	simm.s32 $0x1AF90;
	s1 =	simm.s32 $0x40;
	v0 =	vld [tilespmem:s2+$0xFFFFFFB0]  }
.LBB2_9:
0x9c: {  	p1 =	sne.s32 s1, $0x600;
	v1 =	vld [tilespmem:s20+$0x1AD80]  }
0x9d: {  	v2 =	vld [tilespmem:s2+$0xFFFFFF90]  }
0x9e: {  	v3 =	vld [tilespmem:s2+$0xFFFFFF80]  }
0x9f: {  	v4 =	vld [tilespmem:s2+$0xFFFFFFA0]  }
0xa0: {  	v5 =	vld [tilespmem:s2+$0xFFFFFFF0]  }
0xa1: {  	v6 =	vbroadcast v1, $0x0;
	v7 =	vbroadcast v1, $0x1;
	v8 =	vld [tilespmem:s2+$0xFFFFFFD0]  }
0xa2: {  	v9 =	vbroadcast v1, $0x2;
	v10 =	vbroadcast v1, $0x3;
	v11 =	vld [tilespmem:s2+$0xFFFFFFC0]  }
0xa3: {  	v3 =	vmul.f32 v6, v3;
	v2 =	vmul.f32 v2, v7;
	v6 =	vld [tilespmem:s2+$0xFFFFFFE0]  }
0xa4: {  	v0 =	vmul.f32 v0, v10;
	v4 =	vmul.f32 v4, v9;
	v7 =	vld [tilespmem:s2+$0x30]  }
0xa5: {  	v9 =	vbroadcast v1, $0x5;
	[tilespmem:s2+$0xFFFFFF80] =	vst v3;
	v3 =	vbroadcast v1, $0x4;
	v10 =	vld [tilespmem:s2+$0x10]  }
0xa6: {  	v12 =	vbroadcast v1, $0x7;
	[tilespmem:s2+$0xFFFFFF90] =	vst v2;
	v2 =	vbroadcast v1, $0x6;
	v13 =	vld [tilespmem:s2+$0x0]  }
0xa7: {  	[tilespmem:s2+$0xFFFFFFA0] =	vst v4;
	v3 =	vmul.f32 v11, v3;
	v4 =	vmul.f32 v8, v9;
	v8 =	vld [tilespmem:s2+$0x20]  }
0xa8: {  	[tilespmem:s2+$0xFFFFFFB0] =	vst v0;
	v0 =	vmul.f32 v6, v2;
	v2 =	vmul.f32 v5, v12;
	v5 =	vld [tilespmem:s2+$0x70]  }
0xa9: {  	v6 =	vbroadcast v1, $0x9;
	[tilespmem:s2+$0xFFFFFFC0] =	vst v3;
	v3 =	vbroadcast v1, $0x8;
	v9 =	vld [tilespmem:s2+$0x50]  }
0xaa: {  	v11 =	vbroadcast v1, $0xB;
	[tilespmem:s2+$0xFFFFFFD0] =	vst v4;
	v4 =	vbroadcast v1, $0xA;
	v12 =	vld [tilespmem:s2+$0x40]  }
0xab: {  	[tilespmem:s2+$0xFFFFFFE0] =	vst v0;
	v0 =	vmul.f32 v13, v3;
	v3 =	vmul.f32 v10, v6;
	v6 =	vld [tilespmem:s2+$0x60]  }
0xac: {  	[tilespmem:s2+$0xFFFFFFF0] =	vst v2;
	v2 =	vmul.f32 v8, v4;
	v4 =	vmul.f32 v7, v11  }
0xad: {  	v7 =	vbroadcast v1, $0xD;
	[tilespmem:s2+$0x0] =	vst v0;
	v0 =	vbroadcast v1, $0xC  }
0xae: {  	[tilespmem:s2+$0x10] =	vst v3;
	v3 =	vbroadcast v1, $0xE;
	v1 =	vbroadcast v1, $0xF  }
0xaf: {  	[tilespmem:s2+$0x20] =	vst v2;
	v0 =	vmul.f32 v12, v0;
	v2 =	vmul.f32 v9, v7  }
.Ltmp3:
0xb0: {  	[tilespmem:s2+$0x30] =	vst v4;
	v3 =	vmul.f32 v6, v3;
	v1 =	vmul.f32 v5, v1;
	(pc) =	sbr.rel @p1 .LBB2_9-.Ltmp3, $4  }
0xb1: {  	[tilespmem:s2+$0x40] =	vst v0  }
0xb2: {  	[tilespmem:s2+$0x50] =	vst v2  }
0xb3: {  	s2 =	sadd.s32 $0x100, s2;
	[tilespmem:s0+$0x60] =	vst v3  }
0xb4: {  	s20 =	sshra.s32 s1, $0x2;
	s1 =	sadd.s32 $0x40, s1;
	v0 =	vld [tilespmem:s2+$0xFFFFFFB0];
	[tilespmem:s0+$0x70] =	vst v1;
	s0 =	smov.u32 s2  }
0xb5: {  	v1 =	vld [tilespmem:s20+$0x1AD80];
	_ =	sdelay $0x1  }
0xb6: {  	v2 =	vld [tilespmem:s2+$0xFFFFFF80]  }
0xb7: {  	v3 =	vld [tilespmem:s2+$0xFFFFFF90]  }
0xb8: {  	v4 =	vld [tilespmem:s2+$0xFFFFFFA0]  }
0xb9: {  	v5 =	vbroadcast v1, $0x0  }
0xba: {  	v8 =	vld [tilespmem:s2+$0xFFFFFFD0];
	v6 =	vbroadcast v1, $0x1  }
0xbb: {  	v43 =	vld [tilespmem:s2+$0xFFFFFFE0];
	v9 =	vbroadcast v1, $0x2;
	v2 =	vmul.f32 v5, v2  }
0xbc: {  	v47 =	vld [tilespmem:s2+$0x10];
	v42 =	vbroadcast v1, $0x3;
	v3 =	vmul.f32 v3, v6  }
0xbd: {  	v7 =	vld [tilespmem:s2+$0xFFFFFFC0];
	v45 =	vbroadcast v1, $0x5;
	v4 =	vmul.f32 v4, v9;
	[tilespmem:s2+$0xFFFFFF80] =	vst v2  }
0xbe: {  	v10 =	vld [tilespmem:s2+$0xFFFFFFF0];
	v11 =	vbroadcast v1, $0x6;
	v0 =	vmul.f32 v0, v42;
	[tilespmem:s2+$0xFFFFFF90] =	vst v3  }
0xbf: {  	v49 =	vld [tilespmem:s2+$0x20];
	v52 =	vbroadcast v1, $0x9;
	v5 =	vmul.f32 v8, v45;
	[tilespmem:s2+$0xFFFFFFA0] =	vst v4  }
0xc0: {  	v50 =	vld [tilespmem:s2+$0x30];
	v44 =	vbroadcast v1, $0x4;
	v6 =	vmul.f32 v43, v11;
	[tilespmem:s2+$0xFFFFFFB0] =	vst v0  }
0xc1: {  	v46 =	vld [tilespmem:s2+$0x0];
	v48 =	vbroadcast v1, $0x7;
	v57 =	vmul.f32 v47, v52;
	[tilespmem:s2+$0xFFFFFFD0] =	vst v5  }
0xc2: {  	v54 =	vld [tilespmem:s2+$0x50];
	v55 =	vbroadcast v1, $0xA;
	v2 =	vmul.f32 v7, v44;
	[tilespmem:s2+$0xFFFFFFE0] =	vst v6  }
0xc3: {  	v53 =	vld [tilespmem:s2+$0x40];
	v56 =	vbroadcast v1, $0xB;
	v4 =	vmul.f32 v10, v48;
	[tilespmem:s2+$0x10] =	vst v57  }
0xc4: {  	v58 =	vld [tilespmem:s2+$0x60];
	v51 =	vbroadcast v1, $0x8;
	v7 =	vmul.f32 v49, v55;
	[tilespmem:s2+$0xFFFFFFC0] =	vst v2  }
0xc5: {  	v59 =	vld [tilespmem:s2+$0x70];
	v61 =	vbroadcast v1, $0xD;
	v0 =	vmul.f32 v50, v56;
	[tilespmem:s2+$0xFFFFFFF0] =	vst v4  }
0xc6: {  	v60 =	vbroadcast v1, $0xC;
	v2 =	vmul.f32 v46, v51;
	[tilespmem:s2+$0x20] =	vst v7  }
0xc7: {  	v62 =	vbroadcast v1, $0xE;
	v3 =	vmul.f32 v54, v61;
	[tilespmem:s2+$0x30] =	vst v0  }
0xc8: {  	v1 =	vbroadcast v1, $0xF;
	[tilespmem:s2+$0x0] =	vst v2;
	v2 =	vmul.f32 v53, v60  }
0xc9: {  	v63 =	vmul.f32 v58, v62;
	[tilespmem:s2+$0x50] =	vst v3  }
0xca: {  	v1 =	vmul.f32 v59, v1;
	[tilespmem:s2+$0x40] =	vst v2  }
.Ltmp4:
0xcb: {  	[tilespmem:s0+$0x60] =	vst v63;
	(pc) =	sbr.rel @p0 .LBB2_14-.Ltmp4, $4  }
0xcc: {  	[tilespmem:s0+$0x70] =	vst v1  }
0xcd: {  	[spmem:s3] =	stream.indirect.scatter.add.f32 [tilespmem:s30], [sflag:$0x4], $0x10, s22, s24, $0xb8;
	[tilespmem:$0x1F0B0] =	vst v63  }
0xce: {  	_ = 	snop  }
0xcf: {  	[spmem:s4] =	stream.indirect.scatter.add.f32 [tilespmem:s23], [sflag:$0x4], $0x1, s22, s24, $0xb8;
	[tilespmem:$0x1F0B0] =	vst v63  }
0xd0: {  	_ =	swait.ge [sflag:s28], $0x4B0  }
0xd1: {  	[sflag:s28] =	ssyncset.done $0x0  }
0xd2: {  	[sflag:s28] =	ssyncadd.s32 $0xFFFFFB50  }
0xd3: {  	_ =	swait.ge [sflag:s10], $0x1900  }
0xd4: {  	[sflag:s10] =	ssyncset.done $0x0  }
0xd5: {  	[sflag:s10] =	ssyncadd.s32 $0xFFFFE700  }
0xd6: {  	_ =	swait.ge [sflag:s10], $0x190  }
0xd7: {  	[sflag:s10] =	ssyncset.done $0x0  }
0xd8: {  	s0 =	simm.s32 $0x0;
	[sflag:s10] =	ssyncadd.s32 $0xFFFFFE70  }
0xd9: {  	v2 =	vld [tilespmem:s0+$0x1A100]  }
0xda: {  	v0 =	vld [tilespmem:s0+$0x1A290]  }
0xdb: {  	v1 =	vld [tilespmem:s0+$0x19F70];
	_ =	sdelay $0x1  }
0xdc: {  	s1 =	simm.s32 $0x40  }
.LBB2_12:
0xdd: {  	s2 =	sshra.s32 s1, $0x2;
	p0 =	sne.s32 s1, $0x600;
	s1 =	sadd.s32 $0x40, s1;
	v3 =	vshll.u32 v2, $0x1  }
.Ltmp5:
0xde: {  	v2 =	vld [tilespmem:s2+$0x1A100];
	v3 =	vadd.s32 v0, v3;
	v4 =	vmov v0;
	(pc) =	sbr.rel @p0 .LBB2_12-.Ltmp5, $4  }
0xdf: {  	v0 =	vld [tilespmem:s2+$0x1A290];
	v5 =	vshll.u32 v1, $0x1;
	vm0 =	vlt.s32 v3, $0x1869F;
	[tilespmem:s0+$0x1A8D0] =	vst v3  }
0xe0: {  	v3 =	vnsel vm0, $0x1869F, v3;
	v4 =	vadd.s32 v4, v5;
	[tilespmem:s0+$0x1A740] =	vst v1;
	v1 =	vld [tilespmem:s2+$0x19F70]  }
0xe1: {  	[tilespmem:s0+$0x1A420] =	vst v3;
	v3 =	vadd.s32 $0x186A0, v4  }
0xe2: {  	[tilespmem:s0+$0x1A5B0] =	vst v3;
	s0 =	smov.u32 s2  }
0xe3: {  	v2 =	vshll.u32 v2, $0x1  }
0xe4: {  	v2 =	vadd.s32 v0, v2  }
0xe5: {  	v3 =	vshll.u32 v1, $0x1;
	vm0 =	vlt.s32 v2, $0x1869F;
	[tilespmem:s0+$0x1A8D0] =	vst v2  }
0xe6: {  	s25 =	smul.u32 $0x320, s29;
	[tilespmem:s0+$0x1A740] =	vst v1;
	v2 =	vnsel vm0, $0x1869F, v2;
	v63 =	vadd.s32 v0, v3  }
0xe7: {  	s15 =	rddreg [dreg:$0xb];
	[tilespmem:s0+$0x1A420] =	vst v2;
	v0 =	vadd.s32 $0x186A0, v63  }
0xe8: {  	s20 =	simm.s32 $0x1A740;
	[tilespmem:s0+$0x1A5B0] =	vst v0;
	s0 =	sadd.s32 s25, s15  }
0xe9: {  	[tilespmem:s30], [sflag:$0x3] =	stream.indirect.gather [hbm4b:s7+s24], $0x10, s20, s24, $0xb8;
	[tilespmem:$0x1F0B0] =	vst v63  }
0xea: {  	s1 =	simm.s32 $0x1A420;
	s2 =	simm.s32 $0x1AA60;
	s0 =	sshrl.u32 s0, $0x3  }
0xeb: {  	[tilespmem:s2], [sflag:$0x2] =	stream.indirect.gather [hbm4b:s6+s31], $0x1, s1, s31, $0xb8;
	[tilespmem:$0x1F0B0] =	vst v63  }
0xec: {  	s25 =	simm.s32 $0x1C810;
	s20 =	simm.s32 $0xC8000;
	s0 =	sadd.s32 s8, s0  }
0xed: {  	[tilespmem:s25], [sflag:$0x5] =	stream.strided.gather [hbm4b:s0+s24], $0x4B0, s20, s24, $0x38;
	[tilespmem:$0x1F0B0] =	vst v63  }
.LBB2_14:
0xee: {  	_ =	swait.ge [sflag:s12], $0x320  }
0xef: {  	[sflag:s12] =	ssyncset.done $0x0  }
0xf0: {  	s0 =	simm.s32 $0x0;
	[sflag:s12] =	ssyncadd.s32 $0xFFFFFCE0  }
0xf1: {  	v0 =	vld [tilespmem:s0+$0x1D300]  }
0xf2: {  	v1 =	vld [tilespmem:s0+$0x1D490];
	_ =	sdelay $0x4  }
0xf3: {  	v0 =	vadd.f32 v1, v0;
	_ =	sdelay $0x1  }
0xf4: {  	s1 =	simm.s32 $0x10;
	v1 =	vmul.f32 $2.000000030e-01, v0  }
0xf5: {  	v2 =	vld [tilespmem:s1+$0x1D300];
	vm0 =	vge.f32 v0, $0.0e+00  }
0xf6: {  	v3 =	vld [tilespmem:s1+$0x1D490];
	v0 =	vsel vm0, v0, v1  }
0xf7: {  	s2 =	simm.s32 $0x20;
	v0 =	vmul.f32 $1.442695020e+00, v0  }
0xf8: {  	v1 =	vld [tilespmem:s2+$0x1D300]  }
0xf9: {  	(erf) = vpow2.f32 v0;
	v0 =	vld [tilespmem:s2+$0x1D490];
	_ =	sdelay $0x1  }
0xfa: {  	v2 =	vadd.f32 v3, v2;
	_ =	sdelay $0x1  }
0xfb: {  	v3 =	vmul.f32 $2.000000030e-01, v2  }
0xfc: {  	vm14 =	vge.f32 v2, $0.0e+00;
	v4 =	vadd.f32 v0, v1  }
0xfd: {  	v0 =	vsel vm14, v2, v3  }
0xfe: {  	s25 =	simm.s32 $0x30;
	v1 =	vmul.f32 $1.442695020e+00, v0;
	v2 =	vmul.f32 $2.000000030e-01, v4  }
0xff: {  	v0 =	vld [tilespmem:s25+$0x1D300]  }
0x100: {  	(erf) = vpow2.f32 v1;
	v1 =	vld [tilespmem:s25+$0x1D490]  }
0x101: {  	vm15 =	vge.f32 v4, $0.0e+00  }
0x102: {  	s20 =	simm.s32 $0x100;
	v3 =	vsel vm15, v4, v2;
	v2 =	vpop (erf)  }
.LBB2_15:
0x103: {  	s15 =	sshra.s32 s20, $0x2  }
0x104: {  	v3 =	vmul.f32 $1.442695020e+00, v3;
	[tilespmem:s0+$0x1D620] =	vst v2;
	s0 =	smov.u32 s1;
	s1 =	smov.u32 s2;
	p0 =	sne.s32 s20, $0x600  }
.Ltmp6:
0x105: {  	s20 =	sadd.s32 $0x40, s20;
	v2 =	vadd.f32 v1, v0;
	v0 =	vld [tilespmem:s15+$0x1D300];
	(pc) =	sbr.rel @p0 .LBB2_15-.Ltmp6, $4  }
0x106: {  	s2 =	smov.u32 s25;
	s25 =	smov.u32 s15;
	v1 =	vld [tilespmem:s15+$0x1D490];
	(erf) = vpow2.f32 v3  }
0x107: {  	v3 =	vmul.f32 $2.000000030e-01, v2  }
0x108: {  	vm0 =	vge.f32 v2, $0.0e+00  }
0x109: {  	v3 =	vsel vm0, v2, v3;
	v2 =	vpop (erf)  }
0x10a: {  	_ = 	snop  }
0x10b: {  	v0 =	vadd.f32 v1, v0;
	_ =	sdelay $0x1  }
0x10c: {  	v1 =	vmul.f32 $2.000000030e-01, v0  }
0x10d: {  	vm0 =	vge.f32 v0, $0.0e+00  }
0x10e: {  	v0 =	vsel vm0, v0, v1;
	v1 =	vmul.f32 $1.442695020e+00, v3  }
0x10f: {  	v0 =	vmul.f32 $1.442695020e+00, v0  }
0x110: {  	(erf) = vpow2.f32 v1  }
0x111: {  	(erf) = vpow2.f32 v0;
	_ =	sdelay $0x6  }
0x112: {  	[tilespmem:s0+$0x1D620] =	vst v2;
	v0 =	vpop (erf)  }
0x113: {  	[tilespmem:s1+$0x1D620] =	vst v0;
	v0 =	vpop (erf)  }
0x114: {  	[tilespmem:s2+$0x1D620] =	vst v0;
	v0 =	vpop (erf)  }
0x115: {  	[tilespmem:s25+$0x1D620] =	vst v0  }
0x116: {  	_ =	swait.ge [sflag:s19], $0x1900  }
0x117: {  	[sflag:s19] =	ssyncset.done $0x0  }
0x118: {  	s2 =	simm.s32 $0x1D830;
	[sflag:s19] =	ssyncadd.s32 $0xFFFFE700  }
0x119: {  	s20 =	simm.s32 $0x0;
	s0 =	simm.s32 $0x1D830;
	s1 =	simm.s32 $0x40;
	v0 =	vld [tilespmem:s2+$0xFFFFFFB0]  }
.LBB2_17:
0x11a: {  	p0 =	sne.s32 s1, $0x600;
	v1 =	vld [tilespmem:s20+$0x1D620]  }
0x11b: {  	v2 =	vld [tilespmem:s2+$0xFFFFFF90]  }
0x11c: {  	v3 =	vld [tilespmem:s2+$0xFFFFFF80]  }
0x11d: {  	v4 =	vld [tilespmem:s2+$0xFFFFFFA0]  }
0x11e: {  	v5 =	vld [tilespmem:s2+$0xFFFFFFF0]  }
0x11f: {  	v6 =	vbroadcast v1, $0x0;
	v7 =	vbroadcast v1, $0x1;
	v8 =	vld [tilespmem:s2+$0xFFFFFFD0]  }
0x120: {  	v9 =	vbroadcast v1, $0x2;
	v10 =	vbroadcast v1, $0x3;
	v11 =	vld [tilespmem:s2+$0xFFFFFFC0]  }
0x121: {  	v3 =	vmul.f32 v6, v3;
	v2 =	vmul.f32 v2, v7;
	v6 =	vld [tilespmem:s2+$0xFFFFFFE0]  }
0x122: {  	v0 =	vmul.f32 v0, v10;
	v4 =	vmul.f32 v4, v9;
	v7 =	vld [tilespmem:s2+$0x30]  }
0x123: {  	v9 =	vbroadcast v1, $0x5;
	[tilespmem:s2+$0xFFFFFF80] =	vst v3;
	v3 =	vbroadcast v1, $0x4;
	v10 =	vld [tilespmem:s2+$0x10]  }
0x124: {  	v12 =	vbroadcast v1, $0x7;
	[tilespmem:s2+$0xFFFFFF90] =	vst v2;
	v2 =	vbroadcast v1, $0x6;
	v13 =	vld [tilespmem:s2+$0x0]  }
0x125: {  	[tilespmem:s2+$0xFFFFFFA0] =	vst v4;
	v3 =	vmul.f32 v11, v3;
	v4 =	vmul.f32 v8, v9;
	v8 =	vld [tilespmem:s2+$0x20]  }
0x126: {  	[tilespmem:s2+$0xFFFFFFB0] =	vst v0;
	v0 =	vmul.f32 v6, v2;
	v2 =	vmul.f32 v5, v12;
	v5 =	vld [tilespmem:s2+$0x70]  }
0x127: {  	v6 =	vbroadcast v1, $0x9;
	[tilespmem:s2+$0xFFFFFFC0] =	vst v3;
	v3 =	vbroadcast v1, $0x8;
	v9 =	vld [tilespmem:s2+$0x50]  }
0x128: {  	v11 =	vbroadcast v1, $0xB;
	[tilespmem:s2+$0xFFFFFFD0] =	vst v4;
	v4 =	vbroadcast v1, $0xA;
	v12 =	vld [tilespmem:s2+$0x40]  }
0x129: {  	[tilespmem:s2+$0xFFFFFFE0] =	vst v0;
	v0 =	vmul.f32 v13, v3;
	v3 =	vmul.f32 v10, v6;
	v6 =	vld [tilespmem:s2+$0x60]  }
0x12a: {  	[tilespmem:s2+$0xFFFFFFF0] =	vst v2;
	v2 =	vmul.f32 v8, v4;
	v4 =	vmul.f32 v7, v11  }
0x12b: {  	v7 =	vbroadcast v1, $0xD;
	[tilespmem:s2+$0x0] =	vst v0;
	v0 =	vbroadcast v1, $0xC  }
0x12c: {  	[tilespmem:s2+$0x10] =	vst v3;
	v3 =	vbroadcast v1, $0xE;
	v1 =	vbroadcast v1, $0xF  }
0x12d: {  	[tilespmem:s2+$0x20] =	vst v2;
	v0 =	vmul.f32 v12, v0;
	v2 =	vmul.f32 v9, v7  }
.Ltmp7:
0x12e: {  	[tilespmem:s2+$0x30] =	vst v4;
	v3 =	vmul.f32 v6, v3;
	v1 =	vmul.f32 v5, v1;
	(pc) =	sbr.rel @p0 .LBB2_17-.Ltmp7, $4  }
0x12f: {  	[tilespmem:s2+$0x40] =	vst v0  }
0x130: {  	[tilespmem:s2+$0x50] =	vst v2  }
0x131: {  	s2 =	sadd.s32 $0x100, s2;
	[tilespmem:s0+$0x60] =	vst v3  }
0x132: {  	s20 =	sshra.s32 s1, $0x2;
	s1 =	sadd.s32 $0x40, s1;
	v0 =	vld [tilespmem:s2+$0xFFFFFFB0];
	[tilespmem:s0+$0x70] =	vst v1;
	s0 =	smov.u32 s2  }
0x133: {  	v1 =	vld [tilespmem:s20+$0x1D620];
	_ =	sdelay $0x1  }
0x134: {  	v2 =	vld [tilespmem:s2+$0xFFFFFF80]  }
0x135: {  	v3 =	vld [tilespmem:s2+$0xFFFFFF90]  }
0x136: {  	v4 =	vld [tilespmem:s2+$0xFFFFFFA0]  }
0x137: {  	v5 =	vbroadcast v1, $0x0  }
0x138: {  	v8 =	vld [tilespmem:s2+$0xFFFFFFD0];
	v6 =	vbroadcast v1, $0x1  }
0x139: {  	v43 =	vld [tilespmem:s2+$0xFFFFFFE0];
	v9 =	vbroadcast v1, $0x2;
	v2 =	vmul.f32 v5, v2  }
0x13a: {  	v47 =	vld [tilespmem:s2+$0x10];
	v42 =	vbroadcast v1, $0x3;
	v3 =	vmul.f32 v3, v6  }
0x13b: {  	v7 =	vld [tilespmem:s2+$0xFFFFFFC0];
	v45 =	vbroadcast v1, $0x5;
	v4 =	vmul.f32 v4, v9;
	[tilespmem:s2+$0xFFFFFF80] =	vst v2  }
0x13c: {  	v10 =	vld [tilespmem:s2+$0xFFFFFFF0];
	v11 =	vbroadcast v1, $0x6;
	v0 =	vmul.f32 v0, v42;
	[tilespmem:s2+$0xFFFFFF90] =	vst v3  }
0x13d: {  	v49 =	vld [tilespmem:s2+$0x20];
	v52 =	vbroadcast v1, $0x9;
	v5 =	vmul.f32 v8, v45;
	[tilespmem:s2+$0xFFFFFFA0] =	vst v4  }
0x13e: {  	v50 =	vld [tilespmem:s2+$0x30];
	v44 =	vbroadcast v1, $0x4;
	v6 =	vmul.f32 v43, v11;
	[tilespmem:s2+$0xFFFFFFB0] =	vst v0  }
0x13f: {  	v46 =	vld [tilespmem:s2+$0x0];
	v48 =	vbroadcast v1, $0x7;
	v57 =	vmul.f32 v47, v52;
	[tilespmem:s2+$0xFFFFFFD0] =	vst v5  }
0x140: {  	v54 =	vld [tilespmem:s2+$0x50];
	v55 =	vbroadcast v1, $0xA;
	v2 =	vmul.f32 v7, v44;
	[tilespmem:s2+$0xFFFFFFE0] =	vst v6  }
0x141: {  	v53 =	vld [tilespmem:s2+$0x40];
	v56 =	vbroadcast v1, $0xB;
	v4 =	vmul.f32 v10, v48;
	[tilespmem:s2+$0x10] =	vst v57  }
0x142: {  	v58 =	vld [tilespmem:s2+$0x60];
	v51 =	vbroadcast v1, $0x8;
	v7 =	vmul.f32 v49, v55;
	[tilespmem:s2+$0xFFFFFFC0] =	vst v2  }
0x143: {  	v59 =	vld [tilespmem:s2+$0x70];
	v61 =	vbroadcast v1, $0xD;
	v0 =	vmul.f32 v50, v56;
	[tilespmem:s2+$0xFFFFFFF0] =	vst v4  }
0x144: {  	v60 =	vbroadcast v1, $0xC;
	v2 =	vmul.f32 v46, v51;
	[tilespmem:s2+$0x20] =	vst v7  }
0x145: {  	v62 =	vbroadcast v1, $0xE;
	v3 =	vmul.f32 v54, v61;
	[tilespmem:s2+$0x30] =	vst v0  }
0x146: {  	v1 =	vbroadcast v1, $0xF;
	[tilespmem:s2+$0x0] =	vst v2;
	v2 =	vmul.f32 v53, v60  }
0x147: {  	s29 =	sadd.s32 $0x1, s29;
	v63 =	vmul.f32 v58, v62;
	[tilespmem:s2+$0x50] =	vst v3  }
0x148: {  	p0 =	sne.s32 s29, $0x20;
	v1 =	vmul.f32 v59, v1;
	[tilespmem:s2+$0x40] =	vst v2  }
.Ltmp8:
0x149: {  	[tilespmem:s0+$0x60] =	vst v63;
	(pc) =	sbr.rel @p0 .LBB2_4-.Ltmp8, $4  }
0x14a: {  	[tilespmem:s0+$0x70] =	vst v1  }
0x14b: {  	[spmem:s3] =	stream.indirect.scatter.add.f32 [tilespmem:s13], [sflag:$0x8], $0x10, s9, s24, $0xb8;
	[tilespmem:$0x1F0B0] =	vst v63  }
0x14c: {  	_ = 	snop  }
0x14d: {  	[spmem:s4] =	stream.indirect.scatter.add.f32 [tilespmem:s5], [sflag:$0x8], $0x1, s9, s24, $0xb8;
	[tilespmem:$0x1F0B0] =	vst v63  }
0x14e: {  	_ =	swait.ge [sflag:s10], $0x1900  }
0x14f: {  	[sflag:s10] =	ssyncset.done $0x0  }
0x150: {  	[sflag:s10] =	ssyncadd.s32 $0xFFFFE700  }
0x151: {  	_ =	swait.ge [sflag:s10], $0x190  }
0x152: {  	[sflag:s10] =	ssyncset.done $0x0  }
0x153: {  	s0 =	simm.s32 $0x8;
	[sflag:s10] =	ssyncadd.s32 $0xFFFFFE70  }
0x154: {  	_ =	swait.ge [sflag:s0], $0x1900  }
0x155: {  	[sflag:s0] =	ssyncset.done $0x0  }
0x156: {  	[sflag:s0] =	ssyncadd.s32 $0xFFFFE700  }
0x157: {  	_ =	swait.ge [sflag:s0], $0x190  }
0x158: {  	[sflag:s0] =	ssyncset.done $0x0  }
0x159: {  	[sflag:s0] =	ssyncadd.s32 $0xFFFFFE70  }
0x15a: {  	[bflag:$0x0] =	sbarrier.arrive $0xFFFF  }
0x15b: {  	s20 =	rddreg [dreg:$0x7]  }
0x15c: {  	s25 =	rddreg [dreg:$0xc]  }
0x15d: {  	s2 =	simm.s32 $0x9;
	s1 =	rddreg [dreg:$0xf]  }
0x15e: {  	[hbm:s25], [sflag:s20] =	dma.local [spmem:s1], $0x30E0  }
0x15f: {  	_ =	swait.ge [sflag:s2], $0x30E0  }
0x160: {  	[sflag:s2] =	ssyncset.done $0x0;
	s29 =	rddreg [dreg:$0xd]  }
0x161: {  	s15 =	rddreg [dreg:$0x13];
	[sflag:s2] =	ssyncadd.s32 $0xFFFFCF20  }
0x162: {  	[hbm:s29], [sflag:s20] =	dma.local [spmem:s15], $0x30E  }
0x163: {  	_ =	swait.ge [sflag:s2], $0x30E  }
0x164: {  	s25 =	rddreg [dreg:$0x5]  }
0x165: {  	s29 =	rddreg [dreg:$0xe];
	s15 =	sadd.s32 $0x1, s25  }
0x166: {  	p0 =	sne.s32 s15, s29  }
.Ltmp9:
0x167: {  	_ = 	snop;
	(pc) =	sbr.rel @p0 .LBB2_1-.Ltmp9, $3  }
0x168: {  	_ =	sdelay $0x1  }
0x169: {  	[sflag:s2] =	ssyncset.done $0x0  }
0x16a: {  	[sflag:s2] =	ssyncadd.s32 $0xFFFFFCF2  }
0x16b: {  	_ =	sfence.sel $0x180000  }
0x16c: {  	[bflag:$0x0] =	sbarrier.arrive $0xFFFF  }
0x16d: {  	_ =	strace $0x90000047  }
0x16e: {  	s0 =	stileid.u32;
	[bflag:$0x2] =	sbarrier.arrive $0xFFFF  }
0x16f: {  	p0 =	sne.s32 s0, $0x0;
	s0 =	rddreg [dreg:$0x4]  }
0x170: {  	s0 =	sadd.s32 @!p0 $0x100000, s0  }
0x171: {  	[sflag:s0] =	ssyncadd.tile.s32 @!p0 $0x1;
	_ =	shalt  }
.Lfunc_end2:
_tile_overlayer_lowered:
.L_overlay_start_2:
0x172: {  	(tag) =	ssettag $0x2  }
0x173: {  	s0 =	rddreg [dreg:$0x0];
	s2 =	stileid.u32  }
0x174: {  	s1 =	rddreg [dreg:$0x1];
	p0 =	sne.s32 s2, $0x0  }
0x175: {  	s3 =	rddreg [dreg:$0x2];
	[bflag:$0x3] =	sbarrier.arrive $0xFFFF;
	s2 =	simm.s32 @!p0 $0x1C09  }
0x176: {  	[timem:s3], [sflag:s2] =	dma.local @!p0 [hbm:s0], s1  }
0x177: {  	s0 =	simm.s32 @!p0 $0x9  }
0x178: {  	_ =	swait.ge @!p0 [sflag:s0], s1  }
0x179: {  	s1 =	ssub.s32 @!p0 $0x0, s1;
	[sflag:s0] =	ssyncset.done @!p0 $0x0  }
0x17a: {  	[sflag:s0] =	ssyncadd.s32 @!p0 s1  }
0x17b: {  	[bflag:$0x3] =	sbarrier.arrive $0xFFFF  }
0x17c: {  	_ =	shalt  }

</sc_bundles>
